<compile_context>
chip_gen: v7x
topology: tpu7x:2x2x1
jax: 0.10.2.dev20260603
libtpu: 0.0.44.dev20260713+nightly
codegen_flags: <defaults>
</compile_context>

<pallas_src>
import functools

import jax
import jax.numpy as jnp
from jax import lax
from jax.experimental import pallas as pl
from jax.experimental.pallas import tpu as pltpu
from jax.experimental.pallas import tpu_sc as plsc

NUM_EMB = 1_000_000
D_IN = 16
D_OUT = 32
BATCH = 16384
FIELDS = 26
B = BATCH * FIELDS

NC = 2
NS = 16
NW = NC * NS

GROUP = 128
G_PER_W = B // (NW * GROUP)
CHUNK_G = 8
N_CHUNKS = G_PER_W // CHUNK_G
IDX_ROWS = B // GROUP

PACK = 128 // D_IN
TP_ROWS = NUM_EMB // PACK
TAIL0 = (NUM_EMB // 128) * 128

_sc_mesh = plsc.VectorSubcoreMesh(core_axis_name="c", subcore_axis_name="s")


TT_CW = 768
TT_OR = TT_CW // PACK
TT_CHUNKS = (NUM_EMB // 128) // (TT_CW // 128)
TT_BASE = TT_CHUNKS // NW
TT_EXTRA = TT_CHUNKS - TT_BASE * NW


@functools.partial(
    pl.kernel,
    out_type=jax.ShapeDtypeStruct((TP_ROWS, 128), jnp.float32),
    mesh=_sc_mesh,
    scratch_types=[
        pltpu.VMEM((2, D_IN, TT_CW + 1), jnp.float32),
        pltpu.VMEM((2, TT_OR, 128), jnp.float32),
        pltpu.SemaphoreType.DMA((2,)),
        pltpu.SemaphoreType.DMA((2,)),
    ],
    compiler_params=pltpu.CompilerParams(
        use_tc_tiling_on_sc=True, needs_layout_passes=False
    ),
)
def _sc_transpose(emb_t_hbm, tail_hbm, out_hbm, in_v, out_v, isem, osem):
    wid = lax.axis_index("s") * NC + lax.axis_index("c")
    nchunks = TT_BASE + jnp.where(wid < TT_EXTRA, 1, 0)
    c0 = TT_BASE * wid + jnp.minimum(wid, TT_EXTRA)
    row_iota = lax.iota(jnp.int32, 16)

    def start_in(c, slot):
        pltpu.async_copy(
            emb_t_hbm.at[:, pl.ds((c0 + c) * TT_CW, TT_CW)],
            in_v.at[slot, :, pl.ds(0, TT_CW)],
            isem.at[slot],
        )

    def wait_in(slot):
        pltpu.make_async_copy(
            emb_t_hbm.at[:, pl.ds(0, TT_CW)],
            in_v.at[slot, :, pl.ds(0, TT_CW)],
            isem.at[slot],
        ).wait()

    def start_out(c, slot):
        pltpu.async_copy(
            out_v.at[slot],
            out_hbm.at[pl.ds((c0 + c) * TT_OR, TT_OR)],
            osem.at[slot],
        )

    def wait_out(slot):
        pltpu.make_async_copy(
            out_v.at[slot], out_hbm.at[pl.ds(0, TT_OR)], osem.at[slot]
        ).wait()

    start_in(0, 0)

    def chunk(c, carry):
        slot = c % 2

        @pl.when(c + 1 < nchunks)
        def _():
            start_in(c + 1, (c + 1) % 2)

        wait_in(slot)

        @pl.when(c >= 2)
        def _():
            wait_out(slot)

        slot_full = jnp.full((16,), slot, jnp.int32)
        lane_s = [row_iota + s * D_IN for s in range(PACK)]
        one = jnp.full((16,), 1, jnp.int32)

        def cols(j0, cvec):
            for jj in range(0, 128, 16):
                cv, loads = cvec, []
                for t in range(16):
                    loads.append(
                        (plsc.load_gather(in_v, [slot_full, row_iota, cv]),
                         cv)
                    )
                    cv = cv + one
                for t, (col, cvt) in enumerate(loads):
                    plsc.store_scatter(
                        out_v,
                        [slot_full, cvt >> 3, lane_s[(jj + t) % PACK]],
                        col,
                    )
                cvec = cv
            return cvec

        zero16 = jnp.full((16,), 0, jnp.int32)
        lax.fori_loop(0, TT_CW // 128, cols, zero16)
        start_out(c, slot)
        return carry

    lax.fori_loop(0, nchunks, chunk, 0)
    wait_out(nchunks % 2)
    wait_out((nchunks + 1) % 2)

    @pl.when(wid == NW - 1)
    def _():
        pltpu.sync_copy(tail_hbm, out_v.at[0, pl.ds(0, PACK)])
        pltpu.sync_copy(out_v.at[0, pl.ds(0, PACK)],
                        out_hbm.at[pl.ds(TP_ROWS - PACK, PACK)])


@functools.partial(
    pl.kernel,
    out_type=jax.ShapeDtypeStruct((B, D_IN), jnp.float32),
    mesh=_sc_mesh,
    scratch_types=[
        pltpu.VMEM((G_PER_W, GROUP), jnp.int32),
        pltpu.VMEM((CHUNK_G * GROUP, D_IN), jnp.float32),
        pltpu.SemaphoreType.DMA,
    ],
    compiler_params=pltpu.CompilerParams(use_tc_tiling_on_sc=False),
)
def _sc_gather(idx_hbm, table_hbm, x_hbm, idx_v, rows_v, sem):
    wid = lax.axis_index("s") * NC + lax.axis_index("c")
    g0 = wid * G_PER_W
    pltpu.sync_copy(idx_hbm.at[pl.ds(g0, G_PER_W)], idx_v)

    def chunk(i, carry):
        base_g = i * CHUNK_G
        cps = [
            pltpu.async_copy(
                table_hbm.at[idx_v.at[base_g + j]],
                rows_v.at[pl.ds(j * GROUP, GROUP)],
                sem,
            )
            for j in range(CHUNK_G)
        ]
        for cp in cps:
            cp.wait()
        row0 = (g0 + base_g) * GROUP
        pltpu.sync_copy(rows_v, x_hbm.at[pl.ds(row0, CHUNK_G * GROUP)])
        return carry

    lax.fori_loop(0, N_CHUNKS, chunk, 0)


PBF = BATCH // PACK


def _tc_matmul(x_ref, f_ref, o_ref):
    for s in range(PACK):
        y = lax.dot_general(
            f_ref[s], x_ref[...],
            (((1,), (1,)), ((), ())),
            preferred_element_type=jnp.float32,
        )
        o_ref[0, :, pl.ds(s * PBF, PBF)] = y


def kernel(inputs, embedding, factor_tensor):
    tail8 = embedding[TAIL0:, :].reshape(PACK, 128)
    tpack = _sc_transpose(embedding.T, tail8)
    table_rows = tpack.reshape(NUM_EMB, D_IN)

    idx2d = (inputs.T.reshape(FIELDS, PACK, BATCH // PACK)
             .transpose(0, 2, 1).reshape(IDX_ROWS, GROUP))
    x = _sc_gather(idx2d, table_rows)
    x2 = x.reshape(B // PACK, PACK * D_IN)

    f_exp = jnp.zeros((PACK, D_OUT, PACK * D_IN), jnp.float32)
    for s in range(PACK):
        f_exp = f_exp.at[s, :, s * D_IN:(s + 1) * D_IN].set(factor_tensor.T)

    out = pl.pallas_call(
        _tc_matmul,
        grid=(FIELDS,),
        in_specs=[
            pl.BlockSpec((PBF, PACK * D_IN), lambda i: (i, 0)),
            pl.BlockSpec((PACK, D_OUT, PACK * D_IN), lambda i: (0, 0, 0)),
        ],
        out_specs=pl.BlockSpec((1, D_OUT, BATCH), lambda i: (i, 0, 0)),
        out_shape=jax.ShapeDtypeStruct((FIELDS, D_OUT, BATCH), jnp.float32),
    )(x2, f_exp)
    return out.transpose(2, 0, 1)

# --- scband reference (transcript-rebuilt; emitter-appended) ---
"""Pipeline reference for scband-factorized-embedding-3401614098498 (READ-ONLY COPY).

The authoritative reference and input builder live on the scoring server;
editing this copy changes nothing except your own understanding.
"""

import jax, jax.numpy as jnp
import numpy as np

NUM_EMBEDDINGS = 1000000
FEATURES = 32
FACTORIZED_FEATURES = 16
BATCH = 16384
FIELDS = 26

def setup_inputs(seed: int = 0) -> dict:
    key = jax.random.key(seed)
    k_idx, k_emb, k_fac = jax.random.split(key, 3)
    inputs = jax.random.randint(k_idx, (BATCH, FIELDS), 0, NUM_EMBEDDINGS, dtype=jnp.int64 if jax.config.jax_enable_x64 else jnp.int32)
    embedding = jax.random.normal(k_emb, (NUM_EMBEDDINGS, FACTORIZED_FEATURES), dtype=jnp.float32) * 0.1
    factor_tensor = jax.random.normal(k_fac, (FACTORIZED_FEATURES, FEATURES), dtype=jnp.float32) * 0.1
    return {"inputs": inputs, "embedding": embedding, "factor_tensor": factor_tensor}

def reference(inputs, embedding, factor_tensor):
    # FactorizedEmbedding.__call__: materialize factorized table, then gather.
    final_embedding = jnp.dot(embedding, factor_tensor)
    return jnp.take(final_embedding, inputs, axis=0)

if __name__ == "__main__":
    import jax
    _d = setup_inputs()
    print(jax.jit(kernel)(*tuple(_d.values())))

</pallas_src>

<mosaic_0001>
#map = affine_map<(d0, d1) -> (0, 0)>
module attributes {stable_mosaic.version = 14 : i64} {
  func.func @_sc_gather(%arg0: i32, %arg1: i32, %arg2: memref<3328x128xi32, #tpu.memory_space<hbm>>, %arg3: memref<1000000x16xf32, #tpu.memory_space<hbm>>, %arg4: memref<425984x16xf32, #tpu.memory_space<hbm>>, %arg5: memref<104x128xi32, #tpu.memory_space<vmem>>, %arg6: memref<1024x16xf32, #tpu.memory_space<vmem>>, %arg7: memref<!tpu.dma_semaphore, #tpu.memory_space<semaphore_mem>>) attributes {dimension_semantics = [#tpu.dimension_semantics<core_parallel>, #tpu.dimension_semantics<subcore_parallel>], iteration_bounds = array<i64: 2, 16>, scalar_prefetch = 0 : i64, scratch_operands = 3 : i64, tpu.core_type = #tpu.core_type<sc_vector_subcore>, window_params = [{transform_indices = #map}, {transform_indices = #map}, {transform_indices = #map}]} {
    %mul3A = arith.constant 2 : i32
    %mul3A_0 = arith.muli %arg1, %mul3A : i32
    %add3A = arith.addi %mul3A_0, %arg0 : i32
    %mul3A_1 = arith.constant 104 : i32
    %mul3A_2 = arith.muli %add3A, %mul3A_1 : i32
    "tpu.region"() ({
      %run_scoped3A = tpu.sem_alloc : memref<!tpu.dma_semaphore, #tpu.memory_space<semaphore_mem>>
      %dma_start3A = arith.constant 0 : i32
      %dma_start3A_8 = tpu.memref_slice %arg2[%mul3A_2, %dma_start3A] : memref<3328x128xi32, #tpu.memory_space<hbm>> -> memref<104x128xi32, #tpu.memory_space<hbm>>
      %dma_start3A_9 = arith.constant 0 : i32
      %dma_start3A_10 = tpu.memref_slice %arg2[%mul3A_2, %dma_start3A_9] : memref<3328x128xi32, #tpu.memory_space<hbm>> -> memref<104x128xi32, #tpu.memory_space<hbm>>
      tpu.enqueue_dma source(%dma_start3A_10 : memref<104x128xi32, #tpu.memory_space<hbm>>) target(%arg5 : memref<104x128xi32, #tpu.memory_space<vmem>>) target_semaphore(%run_scoped3A : memref<!tpu.dma_semaphore, #tpu.memory_space<semaphore_mem>>)
      %dma_wait3A = arith.constant 0 : i32
      %dma_wait3A_11 = tpu.memref_slice %arg2[%mul3A_2, %dma_wait3A] : memref<3328x128xi32, #tpu.memory_space<hbm>> -> memref<104x128xi32, #tpu.memory_space<hbm>>
      %dma_wait3A_12 = arith.constant 0 : i32
      %dma_wait3A_13 = tpu.memref_slice %arg2[%mul3A_2, %dma_wait3A_12] : memref<3328x128xi32, #tpu.memory_space<hbm>> -> memref<104x128xi32, #tpu.memory_space<hbm>>
      tpu.wait_dma2 semaphore(%run_scoped3A : memref<!tpu.dma_semaphore, #tpu.memory_space<semaphore_mem>>) src(%dma_wait3A_13 : memref<104x128xi32, #tpu.memory_space<hbm>>) dst(%arg5 : memref<104x128xi32, #tpu.memory_space<vmem>>)
      tpu.yield
    }) : () -> ()
    %scan3A = arith.constant 0 : i32
    %scan3A_3 = arith.constant 0 : i32
    %scan3A_4 = arith.constant 13 : i32
    %scan3A_5 = arith.addi %scan3A_3, %scan3A_4 : i32
    %scan3A_6 = arith.constant 1 : i32
    scf.for %scan3A_8 = %scan3A_3 to %scan3A_5 step %scan3A_6  : i32 {
      %mul3A_9 = arith.constant 8 : i32
      %mul3A_10 = arith.muli %scan3A_8, %mul3A_9 : i32
      %add3A_11 = arith.constant 0 : i32
      %add3A_12 = arith.addi %mul3A_10, %add3A_11 : i32
      %dma_start3A = arith.constant 0 : i32
      %dma_start3A_13 = arith.constant 0 : i32
      %dma_start3A_14 = tpu.memref_slice %arg6[%dma_start3A, %dma_start3A_13] : memref<1024x16xf32, #tpu.memory_space<vmem>> -> memref<128x16xf32, #tpu.memory_space<vmem>>
      %dma_start3A_15 = arith.constant 0 : i32
      %dma_start3A_16 = tpu.memref_slice %arg5[%add3A_12, %dma_start3A_15] : memref<104x128xi32, #tpu.memory_space<vmem>> -> memref<1x128xi32, #tpu.memory_space<vmem>>
      %dma_start3A_17 = tpu.memref_squeeze %dma_start3A_16 : memref<1x128xi32, #tpu.memory_space<vmem>> -> memref<128xi32, #tpu.memory_space<vmem>>
      %dma_start3A_18 = arith.constant 0 : i32
      %dma_start3A_19 = arith.constant 0 : i32
      %dma_start3A_20 = tpu.memref_slice %arg3[%dma_start3A_18, %dma_start3A_19] : memref<1000000x16xf32, #tpu.memory_space<hbm>> -> memref<1000000x16xf32, #tpu.memory_space<hbm>>
      tpu.enqueue_indirect_dma source(%dma_start3A_20 : memref<1000000x16xf32, #tpu.memory_space<hbm>>) target(%dma_start3A_14 : memref<128x16xf32, #tpu.memory_space<vmem>>) offsets(%dma_start3A_17 : memref<128xi32, #tpu.memory_space<vmem>>) semaphore(%arg7 : memref<!tpu.dma_semaphore, #tpu.memory_space<semaphore_mem>>)
      %add3A_21 = arith.constant 1 : i32
      %add3A_22 = arith.addi %mul3A_10, %add3A_21 : i32
      %dma_start3A_23 = arith.constant 128 : i32
      %dma_start3A_24 = arith.constant 0 : i32
      %dma_start3A_25 = tpu.memref_slice %arg6[%dma_start3A_23, %dma_start3A_24] : memref<1024x16xf32, #tpu.memory_space<vmem>> -> memref<128x16xf32, #tpu.memory_space<vmem>>
      %dma_start3A_26 = arith.constant 0 : i32
      %dma_start3A_27 = tpu.memref_slice %arg5[%add3A_22, %dma_start3A_26] : memref<104x128xi32, #tpu.memory_space<vmem>> -> memref<1x128xi32, #tpu.memory_space<vmem>>
      %dma_start3A_28 = tpu.memref_squeeze %dma_start3A_27 : memref<1x128xi32, #tpu.memory_space<vmem>> -> memref<128xi32, #tpu.memory_space<vmem>>
      %dma_start3A_29 = arith.constant 0 : i32
      %dma_start3A_30 = arith.constant 0 : i32
      %dma_start3A_31 = tpu.memref_slice %arg3[%dma_start3A_29, %dma_start3A_30] : memref<1000000x16xf32, #tpu.memory_space<hbm>> -> memref<1000000x16xf32, #tpu.memory_space<hbm>>
      tpu.enqueue_indirect_dma source(%dma_start3A_31 : memref<1000000x16xf32, #tpu.memory_space<hbm>>) target(%dma_start3A_25 : memref<128x16xf32, #tpu.memory_space<vmem>>) offsets(%dma_start3A_28 : memref<128xi32, #tpu.memory_space<vmem>>) semaphore(%arg7 : memref<!tpu.dma_semaphore, #tpu.memory_space<semaphore_mem>>)
      %add3A_32 = arith.constant 2 : i32
      %add3A_33 = arith.addi %mul3A_10, %add3A_32 : i32
      %dma_start3A_34 = arith.constant 256 : i32
      %dma_start3A_35 = arith.constant 0 : i32
      %dma_start3A_36 = tpu.memref_slice %arg6[%dma_start3A_34, %dma_start3A_35] : memref<1024x16xf32, #tpu.memory_space<vmem>> -> memref<128x16xf32, #tpu.memory_space<vmem>>
      %dma_start3A_37 = arith.constant 0 : i32
      %dma_start3A_38 = tpu.memref_slice %arg5[%add3A_33, %dma_start3A_37] : memref<104x128xi32, #tpu.memory_space<vmem>> -> memref<1x128xi32, #tpu.memory_space<vmem>>
      %dma_start3A_39 = tpu.memref_squeeze %dma_start3A_38 : memref<1x128xi32, #tpu.memory_space<vmem>> -> memref<128xi32, #tpu.memory_space<vmem>>
      %dma_start3A_40 = arith.constant 0 : i32
      %dma_start3A_41 = arith.constant 0 : i32
      %dma_start3A_42 = tpu.memref_slice %arg3[%dma_start3A_40, %dma_start3A_41] : memref<1000000x16xf32, #tpu.memory_space<hbm>> -> memref<1000000x16xf32, #tpu.memory_space<hbm>>
      tpu.enqueue_indirect_dma source(%dma_start3A_42 : memref<1000000x16xf32, #tpu.memory_space<hbm>>) target(%dma_start3A_36 : memref<128x16xf32, #tpu.memory_space<vmem>>) offsets(%dma_start3A_39 : memref<128xi32, #tpu.memory_space<vmem>>) semaphore(%arg7 : memref<!tpu.dma_semaphore, #tpu.memory_space<semaphore_mem>>)
      %add3A_43 = arith.constant 3 : i32
      %add3A_44 = arith.addi %mul3A_10, %add3A_43 : i32
      %dma_start3A_45 = arith.constant 384 : i32
      %dma_start3A_46 = arith.constant 0 : i32
      %dma_start3A_47 = tpu.memref_slice %arg6[%dma_start3A_45, %dma_start3A_46] : memref<1024x16xf32, #tpu.memory_space<vmem>> -> memref<128x16xf32, #tpu.memory_space<vmem>>
      %dma_start3A_48 = arith.constant 0 : i32
      %dma_start3A_49 = tpu.memref_slice %arg5[%add3A_44, %dma_start3A_48] : memref<104x128xi32, #tpu.memory_space<vmem>> -> memref<1x128xi32, #tpu.memory_space<vmem>>
      %dma_start3A_50 = tpu.memref_squeeze %dma_start3A_49 : memref<1x128xi32, #tpu.memory_space<vmem>> -> memref<128xi32, #tpu.memory_space<vmem>>
      %dma_start3A_51 = arith.constant 0 : i32
      %dma_start3A_52 = arith.constant 0 : i32
      %dma_start3A_53 = tpu.memref_slice %arg3[%dma_start3A_51, %dma_start3A_52] : memref<1000000x16xf32, #tpu.memory_space<hbm>> -> memref<1000000x16xf32, #tpu.memory_space<hbm>>
      tpu.enqueue_indirect_dma source(%dma_start3A_53 : memref<1000000x16xf32, #tpu.memory_space<hbm>>) target(%dma_start3A_47 : memref<128x16xf32, #tpu.memory_space<vmem>>) offsets(%dma_start3A_50 : memref<128xi32, #tpu.memory_space<vmem>>) semaphore(%arg7 : memref<!tpu.dma_semaphore, #tpu.memory_space<semaphore_mem>>)
      %add3A_54 = arith.constant 4 : i32
      %add3A_55 = arith.addi %mul3A_10, %add3A_54 : i32
      %dma_start3A_56 = arith.constant 512 : i32
      %dma_start3A_57 = arith.constant 0 : i32
      %dma_start3A_58 = tpu.memref_slice %arg6[%dma_start3A_56, %dma_start3A_57] : memref<1024x16xf32, #tpu.memory_space<vmem>> -> memref<128x16xf32, #tpu.memory_space<vmem>>
      %dma_start3A_59 = arith.constant 0 : i32
      %dma_start3A_60 = tpu.memref_slice %arg5[%add3A_55, %dma_start3A_59] : memref<104x128xi32, #tpu.memory_space<vmem>> -> memref<1x128xi32, #tpu.memory_space<vmem>>
      %dma_start3A_61 = tpu.memref_squeeze %dma_start3A_60 : memref<1x128xi32, #tpu.memory_space<vmem>> -> memref<128xi32, #tpu.memory_space<vmem>>
      %dma_start3A_62 = arith.constant 0 : i32
      %dma_start3A_63 = arith.constant 0 : i32
      %dma_start3A_64 = tpu.memref_slice %arg3[%dma_start3A_62, %dma_start3A_63] : memref<1000000x16xf32, #tpu.memory_space<hbm>> -> memref<1000000x16xf32, #tpu.memory_space<hbm>>
      tpu.enqueue_indirect_dma source(%dma_start3A_64 : memref<1000000x16xf32, #tpu.memory_space<hbm>>) target(%dma_start3A_58 : memref<128x16xf32, #tpu.memory_space<vmem>>) offsets(%dma_start3A_61 : memref<128xi32, #tpu.memory_space<vmem>>) semaphore(%arg7 : memref<!tpu.dma_semaphore, #tpu.memory_space<semaphore_mem>>)
      %add3A_65 = arith.constant 5 : i32
      %add3A_66 = arith.addi %mul3A_10, %add3A_65 : i32
      %dma_start3A_67 = arith.constant 640 : i32
      %dma_start3A_68 = arith.constant 0 : i32
      %dma_start3A_69 = tpu.memref_slice %arg6[%dma_start3A_67, %dma_start3A_68] : memref<1024x16xf32, #tpu.memory_space<vmem>> -> memref<128x16xf32, #tpu.memory_space<vmem>>
      %dma_start3A_70 = arith.constant 0 : i32
      %dma_start3A_71 = tpu.memref_slice %arg5[%add3A_66, %dma_start3A_70] : memref<104x128xi32, #tpu.memory_space<vmem>> -> memref<1x128xi32, #tpu.memory_space<vmem>>
      %dma_start3A_72 = tpu.memref_squeeze %dma_start3A_71 : memref<1x128xi32, #tpu.memory_space<vmem>> -> memref<128xi32, #tpu.memory_space<vmem>>
      %dma_start3A_73 = arith.constant 0 : i32
      %dma_start3A_74 = arith.constant 0 : i32
      %dma_start3A_75 = tpu.memref_slice %arg3[%dma_start3A_73, %dma_start3A_74] : memref<1000000x16xf32, #tpu.memory_space<hbm>> -> memref<1000000x16xf32, #tpu.memory_space<hbm>>
      tpu.enqueue_indirect_dma source(%dma_start3A_75 : memref<1000000x16xf32, #tpu.memory_space<hbm>>) target(%dma_start3A_69 : memref<128x16xf32, #tpu.memory_space<vmem>>) offsets(%dma_start3A_72 : memref<128xi32, #tpu.memory_space<vmem>>) semaphore(%arg7 : memref<!tpu.dma_semaphore, #tpu.memory_space<semaphore_mem>>)
      %add3A_76 = arith.constant 6 : i32
      %add3A_77 = arith.addi %mul3A_10, %add3A_76 : i32
      %dma_start3A_78 = arith.constant 768 : i32
      %dma_start3A_79 = arith.constant 0 : i32
      %dma_start3A_80 = tpu.memref_slice %arg6[%dma_start3A_78, %dma_start3A_79] : memref<1024x16xf32, #tpu.memory_space<vmem>> -> memref<128x16xf32, #tpu.memory_space<vmem>>
      %dma_start3A_81 = arith.constant 0 : i32
      %dma_start3A_82 = tpu.memref_slice %arg5[%add3A_77, %dma_start3A_81] : memref<104x128xi32, #tpu.memory_space<vmem>> -> memref<1x128xi32, #tpu.memory_space<vmem>>
      %dma_start3A_83 = tpu.memref_squeeze %dma_start3A_82 : memref<1x128xi32, #tpu.memory_space<vmem>> -> memref<128xi32, #tpu.memory_space<vmem>>
      %dma_start3A_84 = arith.constant 0 : i32
      %dma_start3A_85 = arith.constant 0 : i32
      %dma_start3A_86 = tpu.memref_slice %arg3[%dma_start3A_84, %dma_start3A_85] : memref<1000000x16xf32, #tpu.memory_space<hbm>> -> memref<1000000x16xf32, #tpu.memory_space<hbm>>
      tpu.enqueue_indirect_dma source(%dma_start3A_86 : memref<1000000x16xf32, #tpu.memory_space<hbm>>) target(%dma_start3A_80 : memref<128x16xf32, #tpu.memory_space<vmem>>) offsets(%dma_start3A_83 : memref<128xi32, #tpu.memory_space<vmem>>) semaphore(%arg7 : memref<!tpu.dma_semaphore, #tpu.memory_space<semaphore_mem>>)
      %add3A_87 = arith.constant 7 : i32
      %add3A_88 = arith.addi %mul3A_10, %add3A_87 : i32
      %dma_start3A_89 = arith.constant 896 : i32
      %dma_start3A_90 = arith.constant 0 : i32
      %dma_start3A_91 = tpu.memref_slice %arg6[%dma_start3A_89, %dma_start3A_90] : memref<1024x16xf32, #tpu.memory_space<vmem>> -> memref<128x16xf32, #tpu.memory_space<vmem>>
      %dma_start3A_92 = arith.constant 0 : i32
      %dma_start3A_93 = tpu.memref_slice %arg5[%add3A_88, %dma_start3A_92] : memref<104x128xi32, #tpu.memory_space<vmem>> -> memref<1x128xi32, #tpu.memory_space<vmem>>
      %dma_start3A_94 = tpu.memref_squeeze %dma_start3A_93 : memref<1x128xi32, #tpu.memory_space<vmem>> -> memref<128xi32, #tpu.memory_space<vmem>>
      %dma_start3A_95 = arith.constant 0 : i32
      %dma_start3A_96 = arith.constant 0 : i32
      %dma_start3A_97 = tpu.memref_slice %arg3[%dma_start3A_95, %dma_start3A_96] : memref<1000000x16xf32, #tpu.memory_space<hbm>> -> memref<1000000x16xf32, #tpu.memory_space<hbm>>
      tpu.enqueue_indirect_dma source(%dma_start3A_97 : memref<1000000x16xf32, #tpu.memory_space<hbm>>) target(%dma_start3A_91 : memref<128x16xf32, #tpu.memory_space<vmem>>) offsets(%dma_start3A_94 : memref<128xi32, #tpu.memory_space<vmem>>) semaphore(%arg7 : memref<!tpu.dma_semaphore, #tpu.memory_space<semaphore_mem>>)
      %dma_wait3A = arith.constant 0 : i32
      %dma_wait3A_98 = arith.constant 0 : i32
      %dma_wait3A_99 = tpu.memref_slice %arg6[%dma_wait3A, %dma_wait3A_98] : memref<1024x16xf32, #tpu.memory_space<vmem>> -> memref<128x16xf32, #tpu.memory_space<vmem>>
      %dma_wait3A_100 = arith.constant 0 : i32
      %dma_wait3A_101 = tpu.memref_slice %arg5[%add3A_12, %dma_wait3A_100] : memref<104x128xi32, #tpu.memory_space<vmem>> -> memref<1x128xi32, #tpu.memory_space<vmem>>
      %dma_wait3A_102 = tpu.memref_squeeze %dma_wait3A_101 : memref<1x128xi32, #tpu.memory_space<vmem>> -> memref<128xi32, #tpu.memory_space<vmem>>
      %dma_wait3A_103 = arith.constant 0 : i32
      %dma_wait3A_104 = arith.constant 0 : i32
      %dma_wait3A_105 = tpu.memref_slice %arg3[%dma_wait3A_103, %dma_wait3A_104] : memref<1000000x16xf32, #tpu.memory_space<hbm>> -> memref<1000000x16xf32, #tpu.memory_space<hbm>>
      tpu.wait_indirect_dma semaphore(%arg7 : memref<!tpu.dma_semaphore, #tpu.memory_space<semaphore_mem>>) src(%dma_wait3A_105 : memref<1000000x16xf32, #tpu.memory_space<hbm>>) dst(%dma_wait3A_99 : memref<128x16xf32, #tpu.memory_space<vmem>>)
      %dma_wait3A_106 = arith.constant 128 : i32
      %dma_wait3A_107 = arith.constant 0 : i32
      %dma_wait3A_108 = tpu.memref_slice %arg6[%dma_wait3A_106, %dma_wait3A_107] : memref<1024x16xf32, #tpu.memory_space<vmem>> -> memref<128x16xf32, #tpu.memory_space<vmem>>
      %dma_wait3A_109 = arith.constant 0 : i32
      %dma_wait3A_110 = tpu.memref_slice %arg5[%add3A_22, %dma_wait3A_109] : memref<104x128xi32, #tpu.memory_space<vmem>> -> memref<1x128xi32, #tpu.memory_space<vmem>>
      %dma_wait3A_111 = tpu.memref_squeeze %dma_wait3A_110 : memref<1x128xi32, #tpu.memory_space<vmem>> -> memref<128xi32, #tpu.memory_space<vmem>>
      %dma_wait3A_112 = arith.constant 0 : i32
      %dma_wait3A_113 = arith.constant 0 : i32
      %dma_wait3A_114 = tpu.memref_slice %arg3[%dma_wait3A_112, %dma_wait3A_113] : memref<1000000x16xf32, #tpu.memory_space<hbm>> -> memref<1000000x16xf32, #tpu.memory_space<hbm>>
      tpu.wait_indirect_dma semaphore(%arg7 : memref<!tpu.dma_semaphore, #tpu.memory_space<semaphore_mem>>) src(%dma_wait3A_114 : memref<1000000x16xf32, #tpu.memory_space<hbm>>) dst(%dma_wait3A_108 : memref<128x16xf32, #tpu.memory_space<vmem>>)
      %dma_wait3A_115 = arith.constant 256 : i32
      %dma_wait3A_116 = arith.constant 0 : i32
      %dma_wait3A_117 = tpu.memref_slice %arg6[%dma_wait3A_115, %dma_wait3A_116] : memref<1024x16xf32, #tpu.memory_space<vmem>> -> memref<128x16xf32, #tpu.memory_space<vmem>>
      %dma_wait3A_118 = arith.constant 0 : i32
      %dma_wait3A_119 = tpu.memref_slice %arg5[%add3A_33, %dma_wait3A_118] : memref<104x128xi32, #tpu.memory_space<vmem>> -> memref<1x128xi32, #tpu.memory_space<vmem>>
      %dma_wait3A_120 = tpu.memref_squeeze %dma_wait3A_119 : memref<1x128xi32, #tpu.memory_space<vmem>> -> memref<128xi32, #tpu.memory_space<vmem>>
      %dma_wait3A_121 = arith.constant 0 : i32
      %dma_wait3A_122 = arith.constant 0 : i32
      %dma_wait3A_123 = tpu.memref_slice %arg3[%dma_wait3A_121, %dma_wait3A_122] : memref<1000000x16xf32, #tpu.memory_space<hbm>> -> memref<1000000x16xf32, #tpu.memory_space<hbm>>
      tpu.wait_indirect_dma semaphore(%arg7 : memref<!tpu.dma_semaphore, #tpu.memory_space<semaphore_mem>>) src(%dma_wait3A_123 : memref<1000000x16xf32, #tpu.memory_space<hbm>>) dst(%dma_wait3A_117 : memref<128x16xf32, #tpu.memory_space<vmem>>)
      %dma_wait3A_124 = arith.constant 384 : i32
      %dma_wait3A_125 = arith.constant 0 : i32
      %dma_wait3A_126 = tpu.memref_slice %arg6[%dma_wait3A_124, %dma_wait3A_125] : memref<1024x16xf32, #tpu.memory_space<vmem>> -> memref<128x16xf32, #tpu.memory_space<vmem>>
      %dma_wait3A_127 = arith.constant 0 : i32
      %dma_wait3A_128 = tpu.memref_slice %arg5[%add3A_44, %dma_wait3A_127] : memref<104x128xi32, #tpu.memory_space<vmem>> -> memref<1x128xi32, #tpu.memory_space<vmem>>
      %dma_wait3A_129 = tpu.memref_squeeze %dma_wait3A_128 : memref<1x128xi32, #tpu.memory_space<vmem>> -> memref<128xi32, #tpu.memory_space<vmem>>
      %dma_wait3A_130 = arith.constant 0 : i32
      %dma_wait3A_131 = arith.constant 0 : i32
      %dma_wait3A_132 = tpu.memref_slice %arg3[%dma_wait3A_130, %dma_wait3A_131] : memref<1000000x16xf32, #tpu.memory_space<hbm>> -> memref<1000000x16xf32, #tpu.memory_space<hbm>>
      tpu.wait_indirect_dma semaphore(%arg7 : memref<!tpu.dma_semaphore, #tpu.memory_space<semaphore_mem>>) src(%dma_wait3A_132 : memref<1000000x16xf32, #tpu.memory_space<hbm>>) dst(%dma_wait3A_126 : memref<128x16xf32, #tpu.memory_space<vmem>>)
      %dma_wait3A_133 = arith.constant 512 : i32
      %dma_wait3A_134 = arith.constant 0 : i32
      %dma_wait3A_135 = tpu.memref_slice %arg6[%dma_wait3A_133, %dma_wait3A_134] : memref<1024x16xf32, #tpu.memory_space<vmem>> -> memref<128x16xf32, #tpu.memory_space<vmem>>
      %dma_wait3A_136 = arith.constant 0 : i32
      %dma_wait3A_137 = tpu.memref_slice %arg5[%add3A_55, %dma_wait3A_136] : memref<104x128xi32, #tpu.memory_space<vmem>> -> memref<1x128xi32, #tpu.memory_space<vmem>>
      %dma_wait3A_138 = tpu.memref_squeeze %dma_wait3A_137 : memref<1x128xi32, #tpu.memory_space<vmem>> -> memref<128xi32, #tpu.memory_space<vmem>>
      %dma_wait3A_139 = arith.constant 0 : i32
      %dma_wait3A_140 = arith.constant 0 : i32
      %dma_wait3A_141 = tpu.memref_slice %arg3[%dma_wait3A_139, %dma_wait3A_140] : memref<1000000x16xf32, #tpu.memory_space<hbm>> -> memref<1000000x16xf32, #tpu.memory_space<hbm>>
      tpu.wait_indirect_dma semaphore(%arg7 : memref<!tpu.dma_semaphore, #tpu.memory_space<semaphore_mem>>) src(%dma_wait3A_141 : memref<1000000x16xf32, #tpu.memory_space<hbm>>) dst(%dma_wait3A_135 : memref<128x16xf32, #tpu.memory_space<vmem>>)
      %dma_wait3A_142 = arith.constant 640 : i32
      %dma_wait3A_143 = arith.constant 0 : i32
      %dma_wait3A_144 = tpu.memref_slice %arg6[%dma_wait3A_142, %dma_wait3A_143] : memref<1024x16xf32, #tpu.memory_space<vmem>> -> memref<128x16xf32, #tpu.memory_space<vmem>>
      %dma_wait3A_145 = arith.constant 0 : i32
      %dma_wait3A_146 = tpu.memref_slice %arg5[%add3A_66, %dma_wait3A_145] : memref<104x128xi32, #tpu.memory_space<vmem>> -> memref<1x128xi32, #tpu.memory_space<vmem>>
      %dma_wait3A_147 = tpu.memref_squeeze %dma_wait3A_146 : memref<1x128xi32, #tpu.memory_space<vmem>> -> memref<128xi32, #tpu.memory_space<vmem>>
      %dma_wait3A_148 = arith.constant 0 : i32
      %dma_wait3A_149 = arith.constant 0 : i32
      %dma_wait3A_150 = tpu.memref_slice %arg3[%dma_wait3A_148, %dma_wait3A_149] : memref<1000000x16xf32, #tpu.memory_space<hbm>> -> memref<1000000x16xf32, #tpu.memory_space<hbm>>
      tpu.wait_indirect_dma semaphore(%arg7 : memref<!tpu.dma_semaphore, #tpu.memory_space<semaphore_mem>>) src(%dma_wait3A_150 : memref<1000000x16xf32, #tpu.memory_space<hbm>>) dst(%dma_wait3A_144 : memref<128x16xf32, #tpu.memory_space<vmem>>)
      %dma_wait3A_151 = arith.constant 768 : i32
      %dma_wait3A_152 = arith.constant 0 : i32
      %dma_wait3A_153 = tpu.memref_slice %arg6[%dma_wait3A_151, %dma_wait3A_152] : memref<1024x16xf32, #tpu.memory_space<vmem>> -> memref<128x16xf32, #tpu.memory_space<vmem>>
      %dma_wait3A_154 = arith.constant 0 : i32
      %dma_wait3A_155 = tpu.memref_slice %arg5[%add3A_77, %dma_wait3A_154] : memref<104x128xi32, #tpu.memory_space<vmem>> -> memref<1x128xi32, #tpu.memory_space<vmem>>
      %dma_wait3A_156 = tpu.memref_squeeze %dma_wait3A_155 : memref<1x128xi32, #tpu.memory_space<vmem>> -> memref<128xi32, #tpu.memory_space<vmem>>
      %dma_wait3A_157 = arith.constant 0 : i32
      %dma_wait3A_158 = arith.constant 0 : i32
      %dma_wait3A_159 = tpu.memref_slice %arg3[%dma_wait3A_157, %dma_wait3A_158] : memref<1000000x16xf32, #tpu.memory_space<hbm>> -> memref<1000000x16xf32, #tpu.memory_space<hbm>>
      tpu.wait_indirect_dma semaphore(%arg7 : memref<!tpu.dma_semaphore, #tpu.memory_space<semaphore_mem>>) src(%dma_wait3A_159 : memref<1000000x16xf32, #tpu.memory_space<hbm>>) dst(%dma_wait3A_153 : memref<128x16xf32, #tpu.memory_space<vmem>>)
      %dma_wait3A_160 = arith.constant 896 : i32
      %dma_wait3A_161 = arith.constant 0 : i32
      %dma_wait3A_162 = tpu.memref_slice %arg6[%dma_wait3A_160, %dma_wait3A_161] : memref<1024x16xf32, #tpu.memory_space<vmem>> -> memref<128x16xf32, #tpu.memory_space<vmem>>
      %dma_wait3A_163 = arith.constant 0 : i32
      %dma_wait3A_164 = tpu.memref_slice %arg5[%add3A_88, %dma_wait3A_163] : memref<104x128xi32, #tpu.memory_space<vmem>> -> memref<1x128xi32, #tpu.memory_space<vmem>>
      %dma_wait3A_165 = tpu.memref_squeeze %dma_wait3A_164 : memref<1x128xi32, #tpu.memory_space<vmem>> -> memref<128xi32, #tpu.memory_space<vmem>>
      %dma_wait3A_166 = arith.constant 0 : i32
      %dma_wait3A_167 = arith.constant 0 : i32
      %dma_wait3A_168 = tpu.memref_slice %arg3[%dma_wait3A_166, %dma_wait3A_167] : memref<1000000x16xf32, #tpu.memory_space<hbm>> -> memref<1000000x16xf32, #tpu.memory_space<hbm>>
      tpu.wait_indirect_dma semaphore(%arg7 : memref<!tpu.dma_semaphore, #tpu.memory_space<semaphore_mem>>) src(%dma_wait3A_168 : memref<1000000x16xf32, #tpu.memory_space<hbm>>) dst(%dma_wait3A_162 : memref<128x16xf32, #tpu.memory_space<vmem>>)
      %add3A_169 = arith.addi %mul3A_2, %mul3A_10 : i32
      %mul3A_170 = arith.constant 128 : i32
      %mul3A_171 = arith.muli %add3A_169, %mul3A_170 : i32
      "tpu.region"() ({
        %run_scoped3A = tpu.sem_alloc : memref<!tpu.dma_semaphore, #tpu.memory_space<semaphore_mem>>
        %dma_start3A_172 = arith.constant 0 : i32
        %dma_start3A_173 = tpu.memref_slice %arg4[%mul3A_171, %dma_start3A_172] : memref<425984x16xf32, #tpu.memory_space<hbm>> -> memref<1024x16xf32, #tpu.memory_space<hbm>>
        %dma_start3A_174 = arith.constant 0 : i32
        %dma_start3A_175 = tpu.memref_slice %arg4[%mul3A_171, %dma_start3A_174] : memref<425984x16xf32, #tpu.memory_space<hbm>> -> memref<1024x16xf32, #tpu.memory_space<hbm>>
        tpu.enqueue_dma source(%arg6 : memref<1024x16xf32, #tpu.memory_space<vmem>>) target(%dma_start3A_175 : memref<1024x16xf32, #tpu.memory_space<hbm>>) target_semaphore(%run_scoped3A : memref<!tpu.dma_semaphore, #tpu.memory_space<semaphore_mem>>)
        %dma_wait3A_176 = arith.constant 0 : i32
        %dma_wait3A_177 = tpu.memref_slice %arg4[%mul3A_171, %dma_wait3A_176] : memref<425984x16xf32, #tpu.memory_space<hbm>> -> memref<1024x16xf32, #tpu.memory_space<hbm>>
        %dma_wait3A_178 = arith.constant 0 : i32
        %dma_wait3A_179 = tpu.memref_slice %arg4[%mul3A_171, %dma_wait3A_178] : memref<425984x16xf32, #tpu.memory_space<hbm>> -> memref<1024x16xf32, #tpu.memory_space<hbm>>
        tpu.wait_dma2 semaphore(%run_scoped3A : memref<!tpu.dma_semaphore, #tpu.memory_space<semaphore_mem>>) src(%arg6 : memref<1024x16xf32, #tpu.memory_space<vmem>>) dst(%dma_wait3A_179 : memref<1024x16xf32, #tpu.memory_space<hbm>>)
        tpu.yield
      }) : () -> ()
    }
    %scan3A_7 = arith.constant 13 : i32
    return
  }
}

#map = affine_map<(d0, d1) -> (0, 0)>
module attributes {stable_mosaic.version = 14 : i64} {
  func.func @_sc_transpose(%arg0: i32, %arg1: i32, %arg2: memref<16x1000000xf32, #tpu.memory_space<hbm>>, %arg3: memref<8x128xf32, #tpu.memory_space<hbm>>, %arg4: memref<125000x128xf32, #tpu.memory_space<hbm>>, %arg5: memref<2x16x769xf32, #tpu.memory_space<vmem>>, %arg6: memref<2x96x128xf32, #tpu.memory_space<vmem>>, %arg7: memref<2x!tpu.dma_semaphore, #tpu.memory_space<semaphore_mem>>, %arg8: memref<2x!tpu.dma_semaphore, #tpu.memory_space<semaphore_mem>>) attributes {dimension_semantics = [#tpu.dimension_semantics<core_parallel>, #tpu.dimension_semantics<subcore_parallel>], iteration_bounds = array<i64: 2, 16>, scalar_prefetch = 0 : i64, scratch_operands = 4 : i64, tpu.core_type = #tpu.core_type<sc_vector_subcore>, window_params = [{transform_indices = #map}, {transform_indices = #map}, {transform_indices = #map}]} {
    %mul3A = arith.constant 2 : i32
    %mul3A_0 = arith.muli %arg1, %mul3A : i32
    %add3A = arith.addi %mul3A_0, %arg0 : i32
    %lt3A = arith.constant 22 : i32
    %lt3A_1 = arith.cmpi slt, %add3A, %lt3A : i32
    %jit3A = arith.constant 1 : i32
    %jit3A_2 = arith.constant 0 : i32
    %select_n3A = arith.select %lt3A_1, %jit3A, %jit3A_2 : i32
    %add3A_3 = arith.constant 40 : i32
    %add3A_4 = arith.addi %add3A_3, %select_n3A : i32
    %mul3A_5 = arith.constant 40 : i32
    %mul3A_6 = arith.muli %mul3A_5, %add3A : i32
    %min3A = arith.constant 22 : i32
    %min3A_7 = arith.minsi %add3A, %min3A : i32
    %add3A_8 = arith.addi %mul3A_6, %min3A_7 : i32
    %iota3A = tpu.iota {dimensions = array<i32: 0>} : vector<16xi32>
    %add3A_9 = arith.constant 0 : i32
    %add3A_10 = arith.addi %add3A_8, %add3A_9 : i32
    %mul3A_11 = arith.constant 768 : i32
    %mul3A_12 = arith.muli %add3A_10, %mul3A_11 : i32
    %dma_start3A = arith.constant 0 : i32
    %dma_start3A_13 = arith.constant 0 : i32
    %dma_start3A_14 = arith.constant 0 : i32
    %dma_start3A_15 = arith.constant 0 : i32
    %dma_start3A_16 = tpu.memref_slice %arg5[%dma_start3A, %dma_start3A_14, %dma_start3A_15] : memref<2x16x769xf32, #tpu.memory_space<vmem>> -> memref<1x16x768xf32, #tpu.memory_space<vmem>>
    %dma_start3A_17 = tpu.memref_squeeze %dma_start3A_16 : memref<1x16x768xf32, #tpu.memory_space<vmem>> -> memref<16x768xf32, #tpu.memory_space<vmem>>
    %dma_start3A_18 = arith.constant 0 : i32
    %dma_start3A_19 = tpu.memref_slice %arg2[%dma_start3A_18, %mul3A_12] : memref<16x1000000xf32, #tpu.memory_space<hbm>> -> memref<16x768xf32, #tpu.memory_space<hbm>>
    %dma_start3A_20 = tpu.memref_slice %arg7[%dma_start3A_13] : memref<2x!tpu.dma_semaphore, #tpu.memory_space<semaphore_mem>> -> memref<1x!tpu.dma_semaphore, #tpu.memory_space<semaphore_mem>>
    %dma_start3A_21 = tpu.memref_squeeze %dma_start3A_20 : memref<1x!tpu.dma_semaphore, #tpu.memory_space<semaphore_mem>> -> memref<!tpu.dma_semaphore, #tpu.memory_space<semaphore_mem>>
    %dma_start3A_22 = arith.constant 0 : i32
    %dma_start3A_23 = arith.constant 0 : i32
    %dma_start3A_24 = tpu.memref_slice %arg5[%dma_start3A, %dma_start3A_22, %dma_start3A_23] : memref<2x16x769xf32, #tpu.memory_space<vmem>> -> memref<1x16x768xf32, #tpu.memory_space<vmem>>
    %dma_start3A_25 = tpu.memref_squeeze %dma_start3A_24 : memref<1x16x768xf32, #tpu.memory_space<vmem>> -> memref<16x768xf32, #tpu.memory_space<vmem>>
    %dma_start3A_26 = arith.constant 0 : i32
    %dma_start3A_27 = tpu.memref_slice %arg2[%dma_start3A_26, %mul3A_12] : memref<16x1000000xf32, #tpu.memory_space<hbm>> -> memref<16x768xf32, #tpu.memory_space<hbm>>
    tpu.enqueue_dma source(%dma_start3A_27 : memref<16x768xf32, #tpu.memory_space<hbm>>) target(%dma_start3A_25 : memref<16x768xf32, #tpu.memory_space<vmem>>) target_semaphore(%dma_start3A_21 : memref<!tpu.dma_semaphore, #tpu.memory_space<semaphore_mem>>)
    %while3A = arith.constant 0 : i32
    %while3A_28 = arith.constant 0 : i32
    %while3A_29 = arith.subi %add3A_4, %while3A_28 : i32
    %while3A_30 = arith.addi %while3A_28, %while3A_29 : i32
    %while3A_31 = arith.constant 1 : i32
    %while3A_32 = arith.divsi %while3A_29, %while3A_31 : i32
    %while3A_33 = arith.muli %while3A_32, %while3A_31 : i32
    %while3A_34 = arith.addi %while3A_28, %while3A_33 : i32
    %while3A_35 = arith.constant 1 : i32
    scf.for %while3A_101 = %while3A_28 to %while3A_34 step %while3A_35  : i32 {
      %jit3A_102 = arith.constant 2 : i32
      %eq3A_103 = arith.constant 0 : i32
      %eq3A_104 = arith.cmpi eq, %jit3A_102, %eq3A_103 : i32
      %jit3A_105 = arith.constant 1 : i32
      %select_n3A_106 = arith.select %eq3A_104, %jit3A_105, %jit3A_102 : i32
      %rem3A_107 = arith.remsi %while3A_101, %select_n3A_106 : i32
      %ne3A_108 = arith.constant 0 : i32
      %ne3A_109 = arith.cmpi ne, %rem3A_107, %ne3A_108 : i32
      %lt3A_110 = arith.constant 0 : i32
      %lt3A_111 = arith.cmpi slt, %rem3A_107, %lt3A_110 : i32
      %lt3A_112 = arith.constant 0 : i32
      %lt3A_113 = arith.cmpi slt, %select_n3A_106, %lt3A_112 : i32
      %ne3A_114 = arith.xori %lt3A_111, %lt3A_113 : i1
      %and3A_115 = arith.andi %ne3A_114, %ne3A_109 : i1
      %add3A_116 = arith.addi %rem3A_107, %select_n3A_106 : i32
      %select_n3A_117 = arith.select %and3A_115, %add3A_116, %rem3A_107 : i32
      %add3A_118 = arith.constant 1 : i32
      %add3A_119 = arith.addi %while3A_101, %add3A_118 : i32
      %lt3A_120 = arith.cmpi slt, %add3A_119, %add3A_4 : i32
      %convert_element_type3A_121 = arith.extui %lt3A_120 : i1 to i32
      %cond3A_122 = arith.constant 0 : i32
      %cond3A_123 = arith.cmpi ne, %convert_element_type3A_121, %cond3A_122 : i32
      scf.if %cond3A_123 {
        %add3A_194 = arith.constant 1 : i32
        %add3A_195 = arith.addi %while3A_101, %add3A_194 : i32
        %add3A_196 = arith.constant 1 : i32
        %add3A_197 = arith.addi %while3A_101, %add3A_196 : i32
        %jit3A_198 = arith.constant 2 : i32
        %eq3A_199 = arith.constant 0 : i32
        %eq3A_200 = arith.cmpi eq, %jit3A_198, %eq3A_199 : i32
        %jit3A_201 = arith.constant 1 : i32
        %select_n3A_202 = arith.select %eq3A_200, %jit3A_201, %jit3A_198 : i32
        %rem3A_203 = arith.remsi %add3A_197, %select_n3A_202 : i32
        %ne3A_204 = arith.constant 0 : i32
        %ne3A_205 = arith.cmpi ne, %rem3A_203, %ne3A_204 : i32
        %lt3A_206 = arith.constant 0 : i32
        %lt3A_207 = arith.cmpi slt, %rem3A_203, %lt3A_206 : i32
        %lt3A_208 = arith.constant 0 : i32
        %lt3A_209 = arith.cmpi slt, %select_n3A_202, %lt3A_208 : i32
        %ne3A_210 = arith.xori %lt3A_207, %lt3A_209 : i1
        %and3A_211 = arith.andi %ne3A_210, %ne3A_205 : i1
        %add3A_212 = arith.addi %rem3A_203, %select_n3A_202 : i32
        %select_n3A_213 = arith.select %and3A_211, %add3A_212, %rem3A_203 : i32
        %add3A_214 = arith.addi %add3A_8, %add3A_195 : i32
        %mul3A_215 = arith.constant 768 : i32
        %mul3A_216 = arith.muli %add3A_214, %mul3A_215 : i32
        %dma_start3A_217 = arith.constant 0 : i32
        %dma_start3A_218 = arith.constant 0 : i32
        %dma_start3A_219 = tpu.memref_slice %arg5[%select_n3A_213, %dma_start3A_217, %dma_start3A_218] : memref<2x16x769xf32, #tpu.memory_space<vmem>> -> memref<1x16x768xf32, #tpu.memory_space<vmem>>
        %dma_start3A_220 = tpu.memref_squeeze %dma_start3A_219 : memref<1x16x768xf32, #tpu.memory_space<vmem>> -> memref<16x768xf32, #tpu.memory_space<vmem>>
        %dma_start3A_221 = arith.constant 0 : i32
        %dma_start3A_222 = tpu.memref_slice %arg2[%dma_start3A_221, %mul3A_216] : memref<16x1000000xf32, #tpu.memory_space<hbm>> -> memref<16x768xf32, #tpu.memory_space<hbm>>
        %dma_start3A_223 = tpu.memref_slice %arg7[%select_n3A_213] : memref<2x!tpu.dma_semaphore, #tpu.memory_space<semaphore_mem>> -> memref<1x!tpu.dma_semaphore, #tpu.memory_space<semaphore_mem>>
        %dma_start3A_224 = tpu.memref_squeeze %dma_start3A_223 : memref<1x!tpu.dma_semaphore, #tpu.memory_space<semaphore_mem>> -> memref<!tpu.dma_semaphore, #tpu.memory_space<semaphore_mem>>
        %dma_start3A_225 = arith.constant 0 : i32
        %dma_start3A_226 = arith.constant 0 : i32
        %dma_start3A_227 = tpu.memref_slice %arg5[%select_n3A_213, %dma_start3A_225, %dma_start3A_226] : memref<2x16x769xf32, #tpu.memory_space<vmem>> -> memref<1x16x768xf32, #tpu.memory_space<vmem>>
        %dma_start3A_228 = tpu.memref_squeeze %dma_start3A_227 : memref<1x16x768xf32, #tpu.memory_space<vmem>> -> memref<16x768xf32, #tpu.memory_space<vmem>>
        %dma_start3A_229 = arith.constant 0 : i32
        %dma_start3A_230 = tpu.memref_slice %arg2[%dma_start3A_229, %mul3A_216] : memref<16x1000000xf32, #tpu.memory_space<hbm>> -> memref<16x768xf32, #tpu.memory_space<hbm>>
        tpu.enqueue_dma source(%dma_start3A_230 : memref<16x768xf32, #tpu.memory_space<hbm>>) target(%dma_start3A_228 : memref<16x768xf32, #tpu.memory_space<vmem>>) target_semaphore(%dma_start3A_224 : memref<!tpu.dma_semaphore, #tpu.memory_space<semaphore_mem>>)
      } else {
      }
      %dma_wait3A_124 = arith.constant 0 : i32
      %dma_wait3A_125 = arith.constant 0 : i32
      %dma_wait3A_126 = tpu.memref_slice %arg5[%select_n3A_117, %dma_wait3A_124, %dma_wait3A_125] : memref<2x16x769xf32, #tpu.memory_space<vmem>> -> memref<1x16x768xf32, #tpu.memory_space<vmem>>
      %dma_wait3A_127 = tpu.memref_squeeze %dma_wait3A_126 : memref<1x16x768xf32, #tpu.memory_space<vmem>> -> memref<16x768xf32, #tpu.memory_space<vmem>>
      %dma_wait3A_128 = arith.constant 0 : i32
      %dma_wait3A_129 = arith.constant 0 : i32
      %dma_wait3A_130 = tpu.memref_slice %arg2[%dma_wait3A_128, %dma_wait3A_129] : memref<16x1000000xf32, #tpu.memory_space<hbm>> -> memref<16x768xf32, #tpu.memory_space<hbm>>
      %dma_wait3A_131 = tpu.memref_slice %arg7[%select_n3A_117] : memref<2x!tpu.dma_semaphore, #tpu.memory_space<semaphore_mem>> -> memref<1x!tpu.dma_semaphore, #tpu.memory_space<semaphore_mem>>
      %dma_wait3A_132 = tpu.memref_squeeze %dma_wait3A_131 : memref<1x!tpu.dma_semaphore, #tpu.memory_space<semaphore_mem>> -> memref<!tpu.dma_semaphore, #tpu.memory_space<semaphore_mem>>
      %dma_wait3A_133 = arith.constant 0 : i32
      %dma_wait3A_134 = arith.constant 0 : i32
      %dma_wait3A_135 = tpu.memref_slice %arg5[%select_n3A_117, %dma_wait3A_133, %dma_wait3A_134] : memref<2x16x769xf32, #tpu.memory_space<vmem>> -> memref<1x16x768xf32, #tpu.memory_space<vmem>>
      %dma_wait3A_136 = tpu.memref_squeeze %dma_wait3A_135 : memref<1x16x768xf32, #tpu.memory_space<vmem>> -> memref<16x768xf32, #tpu.memory_space<vmem>>
      %dma_wait3A_137 = arith.constant 0 : i32
      %dma_wait3A_138 = arith.constant 0 : i32
      %dma_wait3A_139 = tpu.memref_slice %arg2[%dma_wait3A_137, %dma_wait3A_138] : memref<16x1000000xf32, #tpu.memory_space<hbm>> -> memref<16x768xf32, #tpu.memory_space<hbm>>
      tpu.wait_dma2 semaphore(%dma_wait3A_132 : memref<!tpu.dma_semaphore, #tpu.memory_space<semaphore_mem>>) src(%dma_wait3A_139 : memref<16x768xf32, #tpu.memory_space<hbm>>) dst(%dma_wait3A_136 : memref<16x768xf32, #tpu.memory_space<vmem>>)
      %ge3A = arith.constant 2 : i32
      %ge3A_140 = arith.cmpi sge, %while3A_101, %ge3A : i32
      %convert_element_type3A_141 = arith.extui %ge3A_140 : i1 to i32
      %cond3A_142 = arith.constant 0 : i32
      %cond3A_143 = arith.cmpi ne, %convert_element_type3A_141, %cond3A_142 : i32
      scf.if %cond3A_143 {
        %dma_wait3A_194 = arith.constant 0 : i32
        %dma_wait3A_195 = arith.constant 0 : i32
        %dma_wait3A_196 = tpu.memref_slice %arg6[%select_n3A_117, %dma_wait3A_194, %dma_wait3A_195] : memref<2x96x128xf32, #tpu.memory_space<vmem>> -> memref<1x96x128xf32, #tpu.memory_space<vmem>>
        %dma_wait3A_197 = tpu.memref_squeeze %dma_wait3A_196 : memref<1x96x128xf32, #tpu.memory_space<vmem>> -> memref<96x128xf32, #tpu.memory_space<vmem>>
        %dma_wait3A_198 = arith.constant 0 : i32
        %dma_wait3A_199 = arith.constant 0 : i32
        %dma_wait3A_200 = tpu.memref_slice %arg4[%dma_wait3A_198, %dma_wait3A_199] : memref<125000x128xf32, #tpu.memory_space<hbm>> -> memref<96x128xf32, #tpu.memory_space<hbm>>
        %dma_wait3A_201 = tpu.memref_slice %arg8[%select_n3A_117] : memref<2x!tpu.dma_semaphore, #tpu.memory_space<semaphore_mem>> -> memref<1x!tpu.dma_semaphore, #tpu.memory_space<semaphore_mem>>
        %dma_wait3A_202 = tpu.memref_squeeze %dma_wait3A_201 : memref<1x!tpu.dma_semaphore, #tpu.memory_space<semaphore_mem>> -> memref<!tpu.dma_semaphore, #tpu.memory_space<semaphore_mem>>
        %dma_wait3A_203 = arith.constant 0 : i32
        %dma_wait3A_204 = arith.constant 0 : i32
        %dma_wait3A_205 = tpu.memref_slice %arg4[%dma_wait3A_203, %dma_wait3A_204] : memref<125000x128xf32, #tpu.memory_space<hbm>> -> memref<96x128xf32, #tpu.memory_space<hbm>>
        %dma_wait3A_206 = arith.constant 0 : i32
        %dma_wait3A_207 = arith.constant 0 : i32
        %dma_wait3A_208 = tpu.memref_slice %arg6[%select_n3A_117, %dma_wait3A_206, %dma_wait3A_207] : memref<2x96x128xf32, #tpu.memory_space<vmem>> -> memref<1x96x128xf32, #tpu.memory_space<vmem>>
        %dma_wait3A_209 = tpu.memref_squeeze %dma_wait3A_208 : memref<1x96x128xf32, #tpu.memory_space<vmem>> -> memref<96x128xf32, #tpu.memory_space<vmem>>
        tpu.wait_dma2 semaphore(%dma_wait3A_202 : memref<!tpu.dma_semaphore, #tpu.memory_space<semaphore_mem>>) src(%dma_wait3A_209 : memref<96x128xf32, #tpu.memory_space<vmem>>) dst(%dma_wait3A_205 : memref<96x128xf32, #tpu.memory_space<hbm>>)
      } else {
      }
      %broadcast_in_dim3A = vector.broadcast %select_n3A_117 : i32 to vector<16xi32>
      %add3A_144 = arith.constant 0 : i32
      %add3A_145 = vector.broadcast %add3A_144 : i32 to vector<16xi32>
      %add3A_146 = arith.addi %iota3A, %add3A_145 : vector<16xi32>
      %add3A_147 = arith.constant 16 : i32
      %add3A_148 = vector.broadcast %add3A_147 : i32 to vector<16xi32>
      %add3A_149 = arith.addi %iota3A, %add3A_148 : vector<16xi32>
      %add3A_150 = arith.constant 32 : i32
      %add3A_151 = vector.broadcast %add3A_150 : i32 to vector<16xi32>
      %add3A_152 = arith.addi %iota3A, %add3A_151 : vector<16xi32>
      %add3A_153 = arith.constant 48 : i32
      %add3A_154 = vector.broadcast %add3A_153 : i32 to vector<16xi32>
      %add3A_155 = arith.addi %iota3A, %add3A_154 : vector<16xi32>
      %add3A_156 = arith.constant 64 : i32
      %add3A_157 = vector.broadcast %add3A_156 : i32 to vector<16xi32>
      %add3A_158 = arith.addi %iota3A, %add3A_157 : vector<16xi32>
      %add3A_159 = arith.constant 80 : i32
      %add3A_160 = vector.broadcast %add3A_159 : i32 to vector<16xi32>
      %add3A_161 = arith.addi %iota3A, %add3A_160 : vector<16xi32>
      %add3A_162 = arith.constant 96 : i32
      %add3A_163 = vector.broadcast %add3A_162 : i32 to vector<16xi32>
      %add3A_164 = arith.addi %iota3A, %add3A_163 : vector<16xi32>
      %add3A_165 = arith.constant 112 : i32
      %add3A_166 = vector.broadcast %add3A_165 : i32 to vector<16xi32>
      %add3A_167 = arith.addi %iota3A, %add3A_166 : vector<16xi32>
      %broadcast_in_dim3A_168 = arith.constant 1 : i32
      %broadcast_in_dim3A_169 = vector.broadcast %broadcast_in_dim3A_168 : i32 to vector<16xi32>
      %broadcast_in_dim3A_170 = arith.constant 0 : i32
      %broadcast_in_dim3A_171 = vector.broadcast %broadcast_in_dim3A_170 : i32 to vector<16xi32>
      %scan3A = arith.constant 0 : i32
      %scan3A_172 = arith.constant 6 : i32
      %scan3A_173 = arith.addi %scan3A, %scan3A_172 : i32
      %scan3A_174 = arith.constant 1 : i32
      %scan3A_175 = scf.for %scan3A_194 = %scan3A to %scan3A_173 step %scan3A_174 iter_args(%scan3A_195 = %broadcast_in_dim3A_171) -> (vector<16xi32>)  : i32 {
        %gather3A = tpu.vector_load_idx %arg5[%broadcast_in_dim3A, %iota3A, %scan3A_195] : memref<2x16x769xf32, #tpu.memory_space<vmem>>[vector<16xi32>, vector<16xi32>, vector<16xi32>], vector<16xf32>,
        %add3A_196 = arith.addi %scan3A_195, %broadcast_in_dim3A_169 : vector<16xi32>
        %gather3A_197 = tpu.vector_load_idx %arg5[%broadcast_in_dim3A, %iota3A, %add3A_196] : memref<2x16x769xf32, #tpu.memory_space<vmem>>[vector<16xi32>, vector<16xi32>, vector<16xi32>], vector<16xf32>,
        %add3A_198 = arith.addi %add3A_196, %broadcast_in_dim3A_169 : vector<16xi32>
        %gather3A_199 = tpu.vector_load_idx %arg5[%broadcast_in_dim3A, %iota3A, %add3A_198] : memref<2x16x769xf32, #tpu.memory_space<vmem>>[vector<16xi32>, vector<16xi32>, vector<16xi32>], vector<16xf32>,
        %add3A_200 = arith.addi %add3A_198, %broadcast_in_dim3A_169 : vector<16xi32>
        %gather3A_201 = tpu.vector_load_idx %arg5[%broadcast_in_dim3A, %iota3A, %add3A_200] : memref<2x16x769xf32, #tpu.memory_space<vmem>>[vector<16xi32>, vector<16xi32>, vector<16xi32>], vector<16xf32>,
        %add3A_202 = arith.addi %add3A_200, %broadcast_in_dim3A_169 : vector<16xi32>
        %gather3A_203 = tpu.vector_load_idx %arg5[%broadcast_in_dim3A, %iota3A, %add3A_202] : memref<2x16x769xf32, #tpu.memory_space<vmem>>[vector<16xi32>, vector<16xi32>, vector<16xi32>], vector<16xf32>,
        %add3A_204 = arith.addi %add3A_202, %broadcast_in_dim3A_169 : vector<16xi32>
        %gather3A_205 = tpu.vector_load_idx %arg5[%broadcast_in_dim3A, %iota3A, %add3A_204] : memref<2x16x769xf32, #tpu.memory_space<vmem>>[vector<16xi32>, vector<16xi32>, vector<16xi32>], vector<16xf32>,
        %add3A_206 = arith.addi %add3A_204, %broadcast_in_dim3A_169 : vector<16xi32>
        %gather3A_207 = tpu.vector_load_idx %arg5[%broadcast_in_dim3A, %iota3A, %add3A_206] : memref<2x16x769xf32, #tpu.memory_space<vmem>>[vector<16xi32>, vector<16xi32>, vector<16xi32>], vector<16xf32>,
        %add3A_208 = arith.addi %add3A_206, %broadcast_in_dim3A_169 : vector<16xi32>
        %gather3A_209 = tpu.vector_load_idx %arg5[%broadcast_in_dim3A, %iota3A, %add3A_208] : memref<2x16x769xf32, #tpu.memory_space<vmem>>[vector<16xi32>, vector<16xi32>, vector<16xi32>], vector<16xf32>,
        %add3A_210 = arith.addi %add3A_208, %broadcast_in_dim3A_169 : vector<16xi32>
        %gather3A_211 = tpu.vector_load_idx %arg5[%broadcast_in_dim3A, %iota3A, %add3A_210] : memref<2x16x769xf32, #tpu.memory_space<vmem>>[vector<16xi32>, vector<16xi32>, vector<16xi32>], vector<16xf32>,
        %add3A_212 = arith.addi %add3A_210, %broadcast_in_dim3A_169 : vector<16xi32>
        %gather3A_213 = tpu.vector_load_idx %arg5[%broadcast_in_dim3A, %iota3A, %add3A_212] : memref<2x16x769xf32, #tpu.memory_space<vmem>>[vector<16xi32>, vector<16xi32>, vector<16xi32>], vector<16xf32>,
        %add3A_214 = arith.addi %add3A_212, %broadcast_in_dim3A_169 : vector<16xi32>
        %gather3A_215 = tpu.vector_load_idx %arg5[%broadcast_in_dim3A, %iota3A, %add3A_214] : memref<2x16x769xf32, #tpu.memory_space<vmem>>[vector<16xi32>, vector<16xi32>, vector<16xi32>], vector<16xf32>,
        %add3A_216 = arith.addi %add3A_214, %broadcast_in_dim3A_169 : vector<16xi32>
        %gather3A_217 = tpu.vector_load_idx %arg5[%broadcast_in_dim3A, %iota3A, %add3A_216] : memref<2x16x769xf32, #tpu.memory_space<vmem>>[vector<16xi32>, vector<16xi32>, vector<16xi32>], vector<16xf32>,
        %add3A_218 = arith.addi %add3A_216, %broadcast_in_dim3A_169 : vector<16xi32>
        %gather3A_219 = tpu.vector_load_idx %arg5[%broadcast_in_dim3A, %iota3A, %add3A_218] : memref<2x16x769xf32, #tpu.memory_space<vmem>>[vector<16xi32>, vector<16xi32>, vector<16xi32>], vector<16xf32>,
        %add3A_220 = arith.addi %add3A_218, %broadcast_in_dim3A_169 : vector<16xi32>
        %gather3A_221 = tpu.vector_load_idx %arg5[%broadcast_in_dim3A, %iota3A, %add3A_220] : memref<2x16x769xf32, #tpu.memory_space<vmem>>[vector<16xi32>, vector<16xi32>, vector<16xi32>], vector<16xf32>,
        %add3A_222 = arith.addi %add3A_220, %broadcast_in_dim3A_169 : vector<16xi32>
        %gather3A_223 = tpu.vector_load_idx %arg5[%broadcast_in_dim3A, %iota3A, %add3A_222] : memref<2x16x769xf32, #tpu.memory_space<vmem>>[vector<16xi32>, vector<16xi32>, vector<16xi32>], vector<16xf32>,
        %add3A_224 = arith.addi %add3A_222, %broadcast_in_dim3A_169 : vector<16xi32>
        %gather3A_225 = tpu.vector_load_idx %arg5[%broadcast_in_dim3A, %iota3A, %add3A_224] : memref<2x16x769xf32, #tpu.memory_space<vmem>>[vector<16xi32>, vector<16xi32>, vector<16xi32>], vector<16xf32>,
        %add3A_226 = arith.addi %add3A_224, %broadcast_in_dim3A_169 : vector<16xi32>
        %shift_right_arithmetic3A = arith.constant 3 : i32
        %shift_right_arithmetic3A_227 = vector.broadcast %shift_right_arithmetic3A : i32 to vector<16xi32>
        %shift_right_arithmetic3A_228 = arith.shrsi %scan3A_195, %shift_right_arithmetic3A_227 : vector<16xi32>
        tpu.vector_store_idx %arg6[%broadcast_in_dim3A, %shift_right_arithmetic3A_228, %add3A_146], %gather3A : memref<2x96x128xf32, #tpu.memory_space<vmem>>[vector<16xi32>, vector<16xi32>, vector<16xi32>], vector<16xf32>,
        %shift_right_arithmetic3A_229 = arith.constant 3 : i32
        %shift_right_arithmetic3A_230 = vector.broadcast %shift_right_arithmetic3A_229 : i32 to vector<16xi32>
        %shift_right_arithmetic3A_231 = arith.shrsi %add3A_196, %shift_right_arithmetic3A_230 : vector<16xi32>
        tpu.vector_store_idx %arg6[%broadcast_in_dim3A, %shift_right_arithmetic3A_231, %add3A_149], %gather3A_197 : memref<2x96x128xf32, #tpu.memory_space<vmem>>[vector<16xi32>, vector<16xi32>, vector<16xi32>], vector<16xf32>,
        %shift_right_arithmetic3A_232 = arith.constant 3 : i32
        %shift_right_arithmetic3A_233 = vector.broadcast %shift_right_arithmetic3A_232 : i32 to vector<16xi32>
        %shift_right_arithmetic3A_234 = arith.shrsi %add3A_198, %shift_right_arithmetic3A_233 : vector<16xi32>
        tpu.vector_store_idx %arg6[%broadcast_in_dim3A, %shift_right_arithmetic3A_234, %add3A_152], %gather3A_199 : memref<2x96x128xf32, #tpu.memory_space<vmem>>[vector<16xi32>, vector<16xi32>, vector<16xi32>], vector<16xf32>,
        %shift_right_arithmetic3A_235 = arith.constant 3 : i32
        %shift_right_arithmetic3A_236 = vector.broadcast %shift_right_arithmetic3A_235 : i32 to vector<16xi32>
        %shift_right_arithmetic3A_237 = arith.shrsi %add3A_200, %shift_right_arithmetic3A_236 : vector<16xi32>
        tpu.vector_store_idx %arg6[%broadcast_in_dim3A, %shift_right_arithmetic3A_237, %add3A_155], %gather3A_201 : memref<2x96x128xf32, #tpu.memory_space<vmem>>[vector<16xi32>, vector<16xi32>, vector<16xi32>], vector<16xf32>,
        %shift_right_arithmetic3A_238 = arith.constant 3 : i32
        %shift_right_arithmetic3A_239 = vector.broadcast %shift_right_arithmetic3A_238 : i32 to vector<16xi32>
        %shift_right_arithmetic3A_240 = arith.shrsi %add3A_202, %shift_right_arithmetic3A_239 : vector<16xi32>
        tpu.vector_store_idx %arg6[%broadcast_in_dim3A, %shift_right_arithmetic3A_240, %add3A_158], %gather3A_203 : memref<2x96x128xf32, #tpu.memory_space<vmem>>[vector<16xi32>, vector<16xi32>, vector<16xi32>], vector<16xf32>,
        %shift_right_arithmetic3A_241 = arith.constant 3 : i32
        %shift_right_arithmetic3A_242 = vector.broadcast %shift_right_arithmetic3A_241 : i32 to vector<16xi32>
        %shift_right_arithmetic3A_243 = arith.shrsi %add3A_204, %shift_right_arithmetic3A_242 : vector<16xi32>
        tpu.vector_store_idx %arg6[%broadcast_in_dim3A, %shift_right_arithmetic3A_243, %add3A_161], %gather3A_205 : memref<2x96x128xf32, #tpu.memory_space<vmem>>[vector<16xi32>, vector<16xi32>, vector<16xi32>], vector<16xf32>,
        %shift_right_arithmetic3A_244 = arith.constant 3 : i32
        %shift_right_arithmetic3A_245 = vector.broadcast %shift_right_arithmetic3A_244 : i32 to vector<16xi32>
        %shift_right_arithmetic3A_246 = arith.shrsi %add3A_206, %shift_right_arithmetic3A_245 : vector<16xi32>
        tpu.vector_store_idx %arg6[%broadcast_in_dim3A, %shift_right_arithmetic3A_246, %add3A_164], %gather3A_207 : memref<2x96x128xf32, #tpu.memory_space<vmem>>[vector<16xi32>, vector<16xi32>, vector<16xi32>], vector<16xf32>,
        %shift_right_arithmetic3A_247 = arith.constant 3 : i32
        %shift_right_arithmetic3A_248 = vector.broadcast %shift_right_arithmetic3A_247 : i32 to vector<16xi32>
        %shift_right_arithmetic3A_249 = arith.shrsi %add3A_208, %shift_right_arithmetic3A_248 : vector<16xi32>
        tpu.vector_store_idx %arg6[%broadcast_in_dim3A, %shift_right_arithmetic3A_249, %add3A_167], %gather3A_209 : memref<2x96x128xf32, #tpu.memory_space<vmem>>[vector<16xi32>, vector<16xi32>, vector<16xi32>], vector<16xf32>,
        %shift_right_arithmetic3A_250 = arith.constant 3 : i32
        %shift_right_arithmetic3A_251 = vector.broadcast %shift_right_arithmetic3A_250 : i32 to vector<16xi32>
        %shift_right_arithmetic3A_252 = arith.shrsi %add3A_210, %shift_right_arithmetic3A_251 : vector<16xi32>
        tpu.vector_store_idx %arg6[%broadcast_in_dim3A, %shift_right_arithmetic3A_252, %add3A_146], %gather3A_211 : memref<2x96x128xf32, #tpu.memory_space<vmem>>[vector<16xi32>, vector<16xi32>, vector<16xi32>], vector<16xf32>,
        %shift_right_arithmetic3A_253 = arith.constant 3 : i32
        %shift_right_arithmetic3A_254 = vector.broadcast %shift_right_arithmetic3A_253 : i32 to vector<16xi32>
        %shift_right_arithmetic3A_255 = arith.shrsi %add3A_212, %shift_right_arithmetic3A_254 : vector<16xi32>
        tpu.vector_store_idx %arg6[%broadcast_in_dim3A, %shift_right_arithmetic3A_255, %add3A_149], %gather3A_213 : memref<2x96x128xf32, #tpu.memory_space<vmem>>[vector<16xi32>, vector<16xi32>, vector<16xi32>], vector<16xf32>,
        %shift_right_arithmetic3A_256 = arith.constant 3 : i32
        %shift_right_arithmetic3A_257 = vector.broadcast %shift_right_arithmetic3A_256 : i32 to vector<16xi32>
        %shift_right_arithmetic3A_258 = arith.shrsi %add3A_214, %shift_right_arithmetic3A_257 : vector<16xi32>
        tpu.vector_store_idx %arg6[%broadcast_in_dim3A, %shift_right_arithmetic3A_258, %add3A_152], %gather3A_215 : memref<2x96x128xf32, #tpu.memory_space<vmem>>[vector<16xi32>, vector<16xi32>, vector<16xi32>], vector<16xf32>,
        %shift_right_arithmetic3A_259 = arith.constant 3 : i32
        %shift_right_arithmetic3A_260 = vector.broadcast %shift_right_arithmetic3A_259 : i32 to vector<16xi32>
        %shift_right_arithmetic3A_261 = arith.shrsi %add3A_216, %shift_right_arithmetic3A_260 : vector<16xi32>
        tpu.vector_store_idx %arg6[%broadcast_in_dim3A, %shift_right_arithmetic3A_261, %add3A_155], %gather3A_217 : memref<2x96x128xf32, #tpu.memory_space<vmem>>[vector<16xi32>, vector<16xi32>, vector<16xi32>], vector<16xf32>,
        %shift_right_arithmetic3A_262 = arith.constant 3 : i32
        %shift_right_arithmetic3A_263 = vector.broadcast %shift_right_arithmetic3A_262 : i32 to vector<16xi32>
        %shift_right_arithmetic3A_264 = arith.shrsi %add3A_218, %shift_right_arithmetic3A_263 : vector<16xi32>
        tpu.vector_store_idx %arg6[%broadcast_in_dim3A, %shift_right_arithmetic3A_264, %add3A_158], %gather3A_219 : memref<2x96x128xf32, #tpu.memory_space<vmem>>[vector<16xi32>, vector<16xi32>, vector<16xi32>], vector<16xf32>,
        %shift_right_arithmetic3A_265 = arith.constant 3 : i32
        %shift_right_arithmetic3A_266 = vector.broadcast %shift_right_arithmetic3A_265 : i32 to vector<16xi32>
        %shift_right_arithmetic3A_267 = arith.shrsi %add3A_220, %shift_right_arithmetic3A_266 : vector<16xi32>
        tpu.vector_store_idx %arg6[%broadcast_in_dim3A, %shift_right_arithmetic3A_267, %add3A_161], %gather3A_221 : memref<2x96x128xf32, #tpu.memory_space<vmem>>[vector<16xi32>, vector<16xi32>, vector<16xi32>], vector<16xf32>,
        %shift_right_arithmetic3A_268 = arith.constant 3 : i32
        %shift_right_arithmetic3A_269 = vector.broadcast %shift_right_arithmetic3A_268 : i32 to vector<16xi32>
        %shift_right_arithmetic3A_270 = arith.shrsi %add3A_222, %shift_right_arithmetic3A_269 : vector<16xi32>
        tpu.vector_store_idx %arg6[%broadcast_in_dim3A, %shift_right_arithmetic3A_270, %add3A_164], %gather3A_223 : memref<2x96x128xf32, #tpu.memory_space<vmem>>[vector<16xi32>, vector<16xi32>, vector<16xi32>], vector<16xf32>,
        %shift_right_arithmetic3A_271 = arith.constant 3 : i32
        %shift_right_arithmetic3A_272 = vector.broadcast %shift_right_arithmetic3A_271 : i32 to vector<16xi32>
        %shift_right_arithmetic3A_273 = arith.shrsi %add3A_224, %shift_right_arithmetic3A_272 : vector<16xi32>
        tpu.vector_store_idx %arg6[%broadcast_in_dim3A, %shift_right_arithmetic3A_273, %add3A_167], %gather3A_225 : memref<2x96x128xf32, #tpu.memory_space<vmem>>[vector<16xi32>, vector<16xi32>, vector<16xi32>], vector<16xf32>,
        %gather3A_274 = tpu.vector_load_idx %arg5[%broadcast_in_dim3A, %iota3A, %add3A_226] : memref<2x16x769xf32, #tpu.memory_space<vmem>>[vector<16xi32>, vector<16xi32>, vector<16xi32>], vector<16xf32>,
        %add3A_275 = arith.addi %add3A_226, %broadcast_in_dim3A_169 : vector<16xi32>
        %gather3A_276 = tpu.vector_load_idx %arg5[%broadcast_in_dim3A, %iota3A, %add3A_275] : memref<2x16x769xf32, #tpu.memory_space<vmem>>[vector<16xi32>, vector<16xi32>, vector<16xi32>], vector<16xf32>,
        %add3A_277 = arith.addi %add3A_275, %broadcast_in_dim3A_169 : vector<16xi32>
        %gather3A_278 = tpu.vector_load_idx %arg5[%broadcast_in_dim3A, %iota3A, %add3A_277] : memref<2x16x769xf32, #tpu.memory_space<vmem>>[vector<16xi32>, vector<16xi32>, vector<16xi32>], vector<16xf32>,
        %add3A_279 = arith.addi %add3A_277, %broadcast_in_dim3A_169 : vector<16xi32>
        %gather3A_280 = tpu.vector_load_idx %arg5[%broadcast_in_dim3A, %iota3A, %add3A_279] : memref<2x16x769xf32, #tpu.memory_space<vmem>>[vector<16xi32>, vector<16xi32>, vector<16xi32>], vector<16xf32>,
        %add3A_281 = arith.addi %add3A_279, %broadcast_in_dim3A_169 : vector<16xi32>
        %gather3A_282 = tpu.vector_load_idx %arg5[%broadcast_in_dim3A, %iota3A, %add3A_281] : memref<2x16x769xf32, #tpu.memory_space<vmem>>[vector<16xi32>, vector<16xi32>, vector<16xi32>], vector<16xf32>,
        %add3A_283 = arith.addi %add3A_281, %broadcast_in_dim3A_169 : vector<16xi32>
        %gather3A_284 = tpu.vector_load_idx %arg5[%broadcast_in_dim3A, %iota3A, %add3A_283] : memref<2x16x769xf32, #tpu.memory_space<vmem>>[vector<16xi32>, vector<16xi32>, vector<16xi32>], vector<16xf32>,
        %add3A_285 = arith.addi %add3A_283, %broadcast_in_dim3A_169 : vector<16xi32>
        %gather3A_286 = tpu.vector_load_idx %arg5[%broadcast_in_dim3A, %iota3A, %add3A_285] : memref<2x16x769xf32, #tpu.memory_space<vmem>>[vector<16xi32>, vector<16xi32>, vector<16xi32>], vector<16xf32>,
        %add3A_287 = arith.addi %add3A_285, %broadcast_in_dim3A_169 : vector<16xi32>
        %gather3A_288 = tpu.vector_load_idx %arg5[%broadcast_in_dim3A, %iota3A, %add3A_287] : memref<2x16x769xf32, #tpu.memory_space<vmem>>[vector<16xi32>, vector<16xi32>, vector<16xi32>], vector<16xf32>,
        %add3A_289 = arith.addi %add3A_287, %broadcast_in_dim3A_169 : vector<16xi32>
        %gather3A_290 = tpu.vector_load_idx %arg5[%broadcast_in_dim3A, %iota3A, %add3A_289] : memref<2x16x769xf32, #tpu.memory_space<vmem>>[vector<16xi32>, vector<16xi32>, vector<16xi32>], vector<16xf32>,
        %add3A_291 = arith.addi %add3A_289, %broadcast_in_dim3A_169 : vector<16xi32>
        %gather3A_292 = tpu.vector_load_idx %arg5[%broadcast_in_dim3A, %iota3A, %add3A_291] : memref<2x16x769xf32, #tpu.memory_space<vmem>>[vector<16xi32>, vector<16xi32>, vector<16xi32>], vector<16xf32>,
        %add3A_293 = arith.addi %add3A_291, %broadcast_in_dim3A_169 : vector<16xi32>
        %gather3A_294 = tpu.vector_load_idx %arg5[%broadcast_in_dim3A, %iota3A, %add3A_293] : memref<2x16x769xf32, #tpu.memory_space<vmem>>[vector<16xi32>, vector<16xi32>, vector<16xi32>], vector<16xf32>,
        %add3A_295 = arith.addi %add3A_293, %broadcast_in_dim3A_169 : vector<16xi32>
        %gather3A_296 = tpu.vector_load_idx %arg5[%broadcast_in_dim3A, %iota3A, %add3A_295] : memref<2x16x769xf32, #tpu.memory_space<vmem>>[vector<16xi32>, vector<16xi32>, vector<16xi32>], vector<16xf32>,
        %add3A_297 = arith.addi %add3A_295, %broadcast_in_dim3A_169 : vector<16xi32>
        %gather3A_298 = tpu.vector_load_idx %arg5[%broadcast_in_dim3A, %iota3A, %add3A_297] : memref<2x16x769xf32, #tpu.memory_space<vmem>>[vector<16xi32>, vector<16xi32>, vector<16xi32>], vector<16xf32>,
        %add3A_299 = arith.addi %add3A_297, %broadcast_in_dim3A_169 : vector<16xi32>
        %gather3A_300 = tpu.vector_load_idx %arg5[%broadcast_in_dim3A, %iota3A, %add3A_299] : memref<2x16x769xf32, #tpu.memory_space<vmem>>[vector<16xi32>, vector<16xi32>, vector<16xi32>], vector<16xf32>,
        %add3A_301 = arith.addi %add3A_299, %broadcast_in_dim3A_169 : vector<16xi32>
        %gather3A_302 = tpu.vector_load_idx %arg5[%broadcast_in_dim3A, %iota3A, %add3A_301] : memref<2x16x769xf32, #tpu.memory_space<vmem>>[vector<16xi32>, vector<16xi32>, vector<16xi32>], vector<16xf32>,
        %add3A_303 = arith.addi %add3A_301, %broadcast_in_dim3A_169 : vector<16xi32>
        %gather3A_304 = tpu.vector_load_idx %arg5[%broadcast_in_dim3A, %iota3A, %add3A_303] : memref<2x16x769xf32, #tpu.memory_space<vmem>>[vector<16xi32>, vector<16xi32>, vector<16xi32>], vector<16xf32>,
        %add3A_305 = arith.addi %add3A_303, %broadcast_in_dim3A_169 : vector<16xi32>
        %shift_right_arithmetic3A_306 = arith.constant 3 : i32
        %shift_right_arithmetic3A_307 = vector.broadcast %shift_right_arithmetic3A_306 : i32 to vector<16xi32>
        %shift_right_arithmetic3A_308 = arith.shrsi %add3A_226, %shift_right_arithmetic3A_307 : vector<16xi32>
        tpu.vector_store_idx %arg6[%broadcast_in_dim3A, %shift_right_arithmetic3A_308, %add3A_146], %gather3A_274 : memref<2x96x128xf32, #tpu.memory_space<vmem>>[vector<16xi32>, vector<16xi32>, vector<16xi32>], vector<16xf32>,
        %shift_right_arithmetic3A_309 = arith.constant 3 : i32
        %shift_right_arithmetic3A_310 = vector.broadcast %shift_right_arithmetic3A_309 : i32 to vector<16xi32>
        %shift_right_arithmetic3A_311 = arith.shrsi %add3A_275, %shift_right_arithmetic3A_310 : vector<16xi32>
        tpu.vector_store_idx %arg6[%broadcast_in_dim3A, %shift_right_arithmetic3A_311, %add3A_149], %gather3A_276 : memref<2x96x128xf32, #tpu.memory_space<vmem>>[vector<16xi32>, vector<16xi32>, vector<16xi32>], vector<16xf32>,
        %shift_right_arithmetic3A_312 = arith.constant 3 : i32
        %shift_right_arithmetic3A_313 = vector.broadcast %shift_right_arithmetic3A_312 : i32 to vector<16xi32>
        %shift_right_arithmetic3A_314 = arith.shrsi %add3A_277, %shift_right_arithmetic3A_313 : vector<16xi32>
        tpu.vector_store_idx %arg6[%broadcast_in_dim3A, %shift_right_arithmetic3A_314, %add3A_152], %gather3A_278 : memref<2x96x128xf32, #tpu.memory_space<vmem>>[vector<16xi32>, vector<16xi32>, vector<16xi32>], vector<16xf32>,
        %shift_right_arithmetic3A_315 = arith.constant 3 : i32
        %shift_right_arithmetic3A_316 = vector.broadcast %shift_right_arithmetic3A_315 : i32 to vector<16xi32>
        %shift_right_arithmetic3A_317 = arith.shrsi %add3A_279, %shift_right_arithmetic3A_316 : vector<16xi32>
        tpu.vector_store_idx %arg6[%broadcast_in_dim3A, %shift_right_arithmetic3A_317, %add3A_155], %gather3A_280 : memref<2x96x128xf32, #tpu.memory_space<vmem>>[vector<16xi32>, vector<16xi32>, vector<16xi32>], vector<16xf32>,
        %shift_right_arithmetic3A_318 = arith.constant 3 : i32
        %shift_right_arithmetic3A_319 = vector.broadcast %shift_right_arithmetic3A_318 : i32 to vector<16xi32>
        %shift_right_arithmetic3A_320 = arith.shrsi %add3A_281, %shift_right_arithmetic3A_319 : vector<16xi32>
        tpu.vector_store_idx %arg6[%broadcast_in_dim3A, %shift_right_arithmetic3A_320, %add3A_158], %gather3A_282 : memref<2x96x128xf32, #tpu.memory_space<vmem>>[vector<16xi32>, vector<16xi32>, vector<16xi32>], vector<16xf32>,
        %shift_right_arithmetic3A_321 = arith.constant 3 : i32
        %shift_right_arithmetic3A_322 = vector.broadcast %shift_right_arithmetic3A_321 : i32 to vector<16xi32>
        %shift_right_arithmetic3A_323 = arith.shrsi %add3A_283, %shift_right_arithmetic3A_322 : vector<16xi32>
        tpu.vector_store_idx %arg6[%broadcast_in_dim3A, %shift_right_arithmetic3A_323, %add3A_161], %gather3A_284 : memref<2x96x128xf32, #tpu.memory_space<vmem>>[vector<16xi32>, vector<16xi32>, vector<16xi32>], vector<16xf32>,
        %shift_right_arithmetic3A_324 = arith.constant 3 : i32
        %shift_right_arithmetic3A_325 = vector.broadcast %shift_right_arithmetic3A_324 : i32 to vector<16xi32>
        %shift_right_arithmetic3A_326 = arith.shrsi %add3A_285, %shift_right_arithmetic3A_325 : vector<16xi32>
        tpu.vector_store_idx %arg6[%broadcast_in_dim3A, %shift_right_arithmetic3A_326, %add3A_164], %gather3A_286 : memref<2x96x128xf32, #tpu.memory_space<vmem>>[vector<16xi32>, vector<16xi32>, vector<16xi32>], vector<16xf32>,
        %shift_right_arithmetic3A_327 = arith.constant 3 : i32
        %shift_right_arithmetic3A_328 = vector.broadcast %shift_right_arithmetic3A_327 : i32 to vector<16xi32>
        %shift_right_arithmetic3A_329 = arith.shrsi %add3A_287, %shift_right_arithmetic3A_328 : vector<16xi32>
        tpu.vector_store_idx %arg6[%broadcast_in_dim3A, %shift_right_arithmetic3A_329, %add3A_167], %gather3A_288 : memref<2x96x128xf32, #tpu.memory_space<vmem>>[vector<16xi32>, vector<16xi32>, vector<16xi32>], vector<16xf32>,
        %shift_right_arithmetic3A_330 = arith.constant 3 : i32
        %shift_right_arithmetic3A_331 = vector.broadcast %shift_right_arithmetic3A_330 : i32 to vector<16xi32>
        %shift_right_arithmetic3A_332 = arith.shrsi %add3A_289, %shift_right_arithmetic3A_331 : vector<16xi32>
        tpu.vector_store_idx %arg6[%broadcast_in_dim3A, %shift_right_arithmetic3A_332, %add3A_146], %gather3A_290 : memref<2x96x128xf32, #tpu.memory_space<vmem>>[vector<16xi32>, vector<16xi32>, vector<16xi32>], vector<16xf32>,
        %shift_right_arithmetic3A_333 = arith.constant 3 : i32
        %shift_right_arithmetic3A_334 = vector.broadcast %shift_right_arithmetic3A_333 : i32 to vector<16xi32>
        %shift_right_arithmetic3A_335 = arith.shrsi %add3A_291, %shift_right_arithmetic3A_334 : vector<16xi32>
        tpu.vector_store_idx %arg6[%broadcast_in_dim3A, %shift_right_arithmetic3A_335, %add3A_149], %gather3A_292 : memref<2x96x128xf32, #tpu.memory_space<vmem>>[vector<16xi32>, vector<16xi32>, vector<16xi32>], vector<16xf32>,
        %shift_right_arithmetic3A_336 = arith.constant 3 : i32
        %shift_right_arithmetic3A_337 = vector.broadcast %shift_right_arithmetic3A_336 : i32 to vector<16xi32>
        %shift_right_arithmetic3A_338 = arith.shrsi %add3A_293, %shift_right_arithmetic3A_337 : vector<16xi32>
        tpu.vector_store_idx %arg6[%broadcast_in_dim3A, %shift_right_arithmetic3A_338, %add3A_152], %gather3A_294 : memref<2x96x128xf32, #tpu.memory_space<vmem>>[vector<16xi32>, vector<16xi32>, vector<16xi32>], vector<16xf32>,
        %shift_right_arithmetic3A_339 = arith.constant 3 : i32
        %shift_right_arithmetic3A_340 = vector.broadcast %shift_right_arithmetic3A_339 : i32 to vector<16xi32>
        %shift_right_arithmetic3A_341 = arith.shrsi %add3A_295, %shift_right_arithmetic3A_340 : vector<16xi32>
        tpu.vector_store_idx %arg6[%broadcast_in_dim3A, %shift_right_arithmetic3A_341, %add3A_155], %gather3A_296 : memref<2x96x128xf32, #tpu.memory_space<vmem>>[vector<16xi32>, vector<16xi32>, vector<16xi32>], vector<16xf32>,
        %shift_right_arithmetic3A_342 = arith.constant 3 : i32
        %shift_right_arithmetic3A_343 = vector.broadcast %shift_right_arithmetic3A_342 : i32 to vector<16xi32>
        %shift_right_arithmetic3A_344 = arith.shrsi %add3A_297, %shift_right_arithmetic3A_343 : vector<16xi32>
        tpu.vector_store_idx %arg6[%broadcast_in_dim3A, %shift_right_arithmetic3A_344, %add3A_158], %gather3A_298 : memref<2x96x128xf32, #tpu.memory_space<vmem>>[vector<16xi32>, vector<16xi32>, vector<16xi32>], vector<16xf32>,
        %shift_right_arithmetic3A_345 = arith.constant 3 : i32
        %shift_right_arithmetic3A_346 = vector.broadcast %shift_right_arithmetic3A_345 : i32 to vector<16xi32>
        %shift_right_arithmetic3A_347 = arith.shrsi %add3A_299, %shift_right_arithmetic3A_346 : vector<16xi32>
        tpu.vector_store_idx %arg6[%broadcast_in_dim3A, %shift_right_arithmetic3A_347, %add3A_161], %gather3A_300 : memref<2x96x128xf32, #tpu.memory_space<vmem>>[vector<16xi32>, vector<16xi32>, vector<16xi32>], vector<16xf32>,
        %shift_right_arithmetic3A_348 = arith.constant 3 : i32
        %shift_right_arithmetic3A_349 = vector.broadcast %shift_right_arithmetic3A_348 : i32 to vector<16xi32>
        %shift_right_arithmetic3A_350 = arith.shrsi %add3A_301, %shift_right_arithmetic3A_349 : vector<16xi32>
        tpu.vector_store_idx %arg6[%broadcast_in_dim3A, %shift_right_arithmetic3A_350, %add3A_164], %gather3A_302 : memref<2x96x128xf32, #tpu.memory_space<vmem>>[vector<16xi32>, vector<16xi32>, vector<16xi32>], vector<16xf32>,
        %shift_right_arithmetic3A_351 = arith.constant 3 : i32
        %shift_right_arithmetic3A_352 = vector.broadcast %shift_right_arithmetic3A_351 : i32 to vector<16xi32>
        %shift_right_arithmetic3A_353 = arith.shrsi %add3A_303, %shift_right_arithmetic3A_352 : vector<16xi32>
        tpu.vector_store_idx %arg6[%broadcast_in_dim3A, %shift_right_arithmetic3A_353, %add3A_167], %gather3A_304 : memref<2x96x128xf32, #tpu.memory_space<vmem>>[vector<16xi32>, vector<16xi32>, vector<16xi32>], vector<16xf32>,
        %gather3A_354 = tpu.vector_load_idx %arg5[%broadcast_in_dim3A, %iota3A, %add3A_305] : memref<2x16x769xf32, #tpu.memory_space<vmem>>[vector<16xi32>, vector<16xi32>, vector<16xi32>], vector<16xf32>,
        %add3A_355 = arith.addi %add3A_305, %broadcast_in_dim3A_169 : vector<16xi32>
        %gather3A_356 = tpu.vector_load_idx %arg5[%broadcast_in_dim3A, %iota3A, %add3A_355] : memref<2x16x769xf32, #tpu.memory_space<vmem>>[vector<16xi32>, vector<16xi32>, vector<16xi32>], vector<16xf32>,
        %add3A_357 = arith.addi %add3A_355, %broadcast_in_dim3A_169 : vector<16xi32>
        %gather3A_358 = tpu.vector_load_idx %arg5[%broadcast_in_dim3A, %iota3A, %add3A_357] : memref<2x16x769xf32, #tpu.memory_space<vmem>>[vector<16xi32>, vector<16xi32>, vector<16xi32>], vector<16xf32>,
        %add3A_359 = arith.addi %add3A_357, %broadcast_in_dim3A_169 : vector<16xi32>
        %gather3A_360 = tpu.vector_load_idx %arg5[%broadcast_in_dim3A, %iota3A, %add3A_359] : memref<2x16x769xf32, #tpu.memory_space<vmem>>[vector<16xi32>, vector<16xi32>, vector<16xi32>], vector<16xf32>,
        %add3A_361 = arith.addi %add3A_359, %broadcast_in_dim3A_169 : vector<16xi32>
        %gather3A_362 = tpu.vector_load_idx %arg5[%broadcast_in_dim3A, %iota3A, %add3A_361] : memref<2x16x769xf32, #tpu.memory_space<vmem>>[vector<16xi32>, vector<16xi32>, vector<16xi32>], vector<16xf32>,
        %add3A_363 = arith.addi %add3A_361, %broadcast_in_dim3A_169 : vector<16xi32>
        %gather3A_364 = tpu.vector_load_idx %arg5[%broadcast_in_dim3A, %iota3A, %add3A_363] : memref<2x16x769xf32, #tpu.memory_space<vmem>>[vector<16xi32>, vector<16xi32>, vector<16xi32>], vector<16xf32>,
        %add3A_365 = arith.addi %add3A_363, %broadcast_in_dim3A_169 : vector<16xi32>
        %gather3A_366 = tpu.vector_load_idx %arg5[%broadcast_in_dim3A, %iota3A, %add3A_365] : memref<2x16x769xf32, #tpu.memory_space<vmem>>[vector<16xi32>, vector<16xi32>, vector<16xi32>], vector<16xf32>,
        %add3A_367 = arith.addi %add3A_365, %broadcast_in_dim3A_169 : vector<16xi32>
        %gather3A_368 = tpu.vector_load_idx %arg5[%broadcast_in_dim3A, %iota3A, %add3A_367] : memref<2x16x769xf32, #tpu.memory_space<vmem>>[vector<16xi32>, vector<16xi32>, vector<16xi32>], vector<16xf32>,
        %add3A_369 = arith.addi %add3A_367, %broadcast_in_dim3A_169 : vector<16xi32>
        %gather3A_370 = tpu.vector_load_idx %arg5[%broadcast_in_dim3A, %iota3A, %add3A_369] : memref<2x16x769xf32, #tpu.memory_space<vmem>>[vector<16xi32>, vector<16xi32>, vector<16xi32>], vector<16xf32>,
        %add3A_371 = arith.addi %add3A_369, %broadcast_in_dim3A_169 : vector<16xi32>
        %gather3A_372 = tpu.vector_load_idx %arg5[%broadcast_in_dim3A, %iota3A, %add3A_371] : memref<2x16x769xf32, #tpu.memory_space<vmem>>[vector<16xi32>, vector<16xi32>, vector<16xi32>], vector<16xf32>,
        %add3A_373 = arith.addi %add3A_371, %broadcast_in_dim3A_169 : vector<16xi32>
        %gather3A_374 = tpu.vector_load_idx %arg5[%broadcast_in_dim3A, %iota3A, %add3A_373] : memref<2x16x769xf32, #tpu.memory_space<vmem>>[vector<16xi32>, vector<16xi32>, vector<16xi32>], vector<16xf32>,
        %add3A_375 = arith.addi %add3A_373, %broadcast_in_dim3A_169 : vector<16xi32>
        %gather3A_376 = tpu.vector_load_idx %arg5[%broadcast_in_dim3A, %iota3A, %add3A_375] : memref<2x16x769xf32, #tpu.memory_space<vmem>>[vector<16xi32>, vector<16xi32>, vector<16xi32>], vector<16xf32>,
        %add3A_377 = arith.addi %add3A_375, %broadcast_in_dim3A_169 : vector<16xi32>
        %gather3A_378 = tpu.vector_load_idx %arg5[%broadcast_in_dim3A, %iota3A, %add3A_377] : memref<2x16x769xf32, #tpu.memory_space<vmem>>[vector<16xi32>, vector<16xi32>, vector<16xi32>], vector<16xf32>,
        %add3A_379 = arith.addi %add3A_377, %broadcast_in_dim3A_169 : vector<16xi32>
        %gather3A_380 = tpu.vector_load_idx %arg5[%broadcast_in_dim3A, %iota3A, %add3A_379] : memref<2x16x769xf32, #tpu.memory_space<vmem>>[vector<16xi32>, vector<16xi32>, vector<16xi32>], vector<16xf32>,
        %add3A_381 = arith.addi %add3A_379, %broadcast_in_dim3A_169 : vector<16xi32>
        %gather3A_382 = tpu.vector_load_idx %arg5[%broadcast_in_dim3A, %iota3A, %add3A_381] : memref<2x16x769xf32, #tpu.memory_space<vmem>>[vector<16xi32>, vector<16xi32>, vector<16xi32>], vector<16xf32>,
        %add3A_383 = arith.addi %add3A_381, %broadcast_in_dim3A_169 : vector<16xi32>
        %gather3A_384 = tpu.vector_load_idx %arg5[%broadcast_in_dim3A, %iota3A, %add3A_383] : memref<2x16x769xf32, #tpu.memory_space<vmem>>[vector<16xi32>, vector<16xi32>, vector<16xi32>], vector<16xf32>,
        %add3A_385 = arith.addi %add3A_383, %broadcast_in_dim3A_169 : vector<16xi32>
        %shift_right_arithmetic3A_386 = arith.constant 3 : i32
        %shift_right_arithmetic3A_387 = vector.broadcast %shift_right_arithmetic3A_386 : i32 to vector<16xi32>
        %shift_right_arithmetic3A_388 = arith.shrsi %add3A_305, %shift_right_arithmetic3A_387 : vector<16xi32>
        tpu.vector_store_idx %arg6[%broadcast_in_dim3A, %shift_right_arithmetic3A_388, %add3A_146], %gather3A_354 : memref<2x96x128xf32, #tpu.memory_space<vmem>>[vector<16xi32>, vector<16xi32>, vector<16xi32>], vector<16xf32>,
        %shift_right_arithmetic3A_389 = arith.constant 3 : i32
        %shift_right_arithmetic3A_390 = vector.broadcast %shift_right_arithmetic3A_389 : i32 to vector<16xi32>
        %shift_right_arithmetic3A_391 = arith.shrsi %add3A_355, %shift_right_arithmetic3A_390 : vector<16xi32>
        tpu.vector_store_idx %arg6[%broadcast_in_dim3A, %shift_right_arithmetic3A_391, %add3A_149], %gather3A_356 : memref<2x96x128xf32, #tpu.memory_space<vmem>>[vector<16xi32>, vector<16xi32>, vector<16xi32>], vector<16xf32>,
        %shift_right_arithmetic3A_392 = arith.constant 3 : i32
        %shift_right_arithmetic3A_393 = vector.broadcast %shift_right_arithmetic3A_392 : i32 to vector<16xi32>
        %shift_right_arithmetic3A_394 = arith.shrsi %add3A_357, %shift_right_arithmetic3A_393 : vector<16xi32>
        tpu.vector_store_idx %arg6[%broadcast_in_dim3A, %shift_right_arithmetic3A_394, %add3A_152], %gather3A_358 : memref<2x96x128xf32, #tpu.memory_space<vmem>>[vector<16xi32>, vector<16xi32>, vector<16xi32>], vector<16xf32>,
        %shift_right_arithmetic3A_395 = arith.constant 3 : i32
        %shift_right_arithmetic3A_396 = vector.broadcast %shift_right_arithmetic3A_395 : i32 to vector<16xi32>
        %shift_right_arithmetic3A_397 = arith.shrsi %add3A_359, %shift_right_arithmetic3A_396 : vector<16xi32>
        tpu.vector_store_idx %arg6[%broadcast_in_dim3A, %shift_right_arithmetic3A_397, %add3A_155], %gather3A_360 : memref<2x96x128xf32, #tpu.memory_space<vmem>>[vector<16xi32>, vector<16xi32>, vector<16xi32>], vector<16xf32>,
        %shift_right_arithmetic3A_398 = arith.constant 3 : i32
        %shift_right_arithmetic3A_399 = vector.broadcast %shift_right_arithmetic3A_398 : i32 to vector<16xi32>
        %shift_right_arithmetic3A_400 = arith.shrsi %add3A_361, %shift_right_arithmetic3A_399 : vector<16xi32>
        tpu.vector_store_idx %arg6[%broadcast_in_dim3A, %shift_right_arithmetic3A_400, %add3A_158], %gather3A_362 : memref<2x96x128xf32, #tpu.memory_space<vmem>>[vector<16xi32>, vector<16xi32>, vector<16xi32>], vector<16xf32>,
        %shift_right_arithmetic3A_401 = arith.constant 3 : i32
        %shift_right_arithmetic3A_402 = vector.broadcast %shift_right_arithmetic3A_401 : i32 to vector<16xi32>
        %shift_right_arithmetic3A_403 = arith.shrsi %add3A_363, %shift_right_arithmetic3A_402 : vector<16xi32>
        tpu.vector_store_idx %arg6[%broadcast_in_dim3A, %shift_right_arithmetic3A_403, %add3A_161], %gather3A_364 : memref<2x96x128xf32, #tpu.memory_space<vmem>>[vector<16xi32>, vector<16xi32>, vector<16xi32>], vector<16xf32>,
        %shift_right_arithmetic3A_404 = arith.constant 3 : i32
        %shift_right_arithmetic3A_405 = vector.broadcast %shift_right_arithmetic3A_404 : i32 to vector<16xi32>
        %shift_right_arithmetic3A_406 = arith.shrsi %add3A_365, %shift_right_arithmetic3A_405 : vector<16xi32>
        tpu.vector_store_idx %arg6[%broadcast_in_dim3A, %shift_right_arithmetic3A_406, %add3A_164], %gather3A_366 : memref<2x96x128xf32, #tpu.memory_space<vmem>>[vector<16xi32>, vector<16xi32>, vector<16xi32>], vector<16xf32>,
        %shift_right_arithmetic3A_407 = arith.constant 3 : i32
        %shift_right_arithmetic3A_408 = vector.broadcast %shift_right_arithmetic3A_407 : i32 to vector<16xi32>
        %shift_right_arithmetic3A_409 = arith.shrsi %add3A_367, %shift_right_arithmetic3A_408 : vector<16xi32>
        tpu.vector_store_idx %arg6[%broadcast_in_dim3A, %shift_right_arithmetic3A_409, %add3A_167], %gather3A_368 : memref<2x96x128xf32, #tpu.memory_space<vmem>>[vector<16xi32>, vector<16xi32>, vector<16xi32>], vector<16xf32>,
        %shift_right_arithmetic3A_410 = arith.constant 3 : i32
        %shift_right_arithmetic3A_411 = vector.broadcast %shift_right_arithmetic3A_410 : i32 to vector<16xi32>
        %shift_right_arithmetic3A_412 = arith.shrsi %add3A_369, %shift_right_arithmetic3A_411 : vector<16xi32>
        tpu.vector_store_idx %arg6[%broadcast_in_dim3A, %shift_right_arithmetic3A_412, %add3A_146], %gather3A_370 : memref<2x96x128xf32, #tpu.memory_space<vmem>>[vector<16xi32>, vector<16xi32>, vector<16xi32>], vector<16xf32>,
        %shift_right_arithmetic3A_413 = arith.constant 3 : i32
        %shift_right_arithmetic3A_414 = vector.broadcast %shift_right_arithmetic3A_413 : i32 to vector<16xi32>
        %shift_right_arithmetic3A_415 = arith.shrsi %add3A_371, %shift_right_arithmetic3A_414 : vector<16xi32>
        tpu.vector_store_idx %arg6[%broadcast_in_dim3A, %shift_right_arithmetic3A_415, %add3A_149], %gather3A_372 : memref<2x96x128xf32, #tpu.memory_space<vmem>>[vector<16xi32>, vector<16xi32>, vector<16xi32>], vector<16xf32>,
        %shift_right_arithmetic3A_416 = arith.constant 3 : i32
        %shift_right_arithmetic3A_417 = vector.broadcast %shift_right_arithmetic3A_416 : i32 to vector<16xi32>
        %shift_right_arithmetic3A_418 = arith.shrsi %add3A_373, %shift_right_arithmetic3A_417 : vector<16xi32>
        tpu.vector_store_idx %arg6[%broadcast_in_dim3A, %shift_right_arithmetic3A_418, %add3A_152], %gather3A_374 : memref<2x96x128xf32, #tpu.memory_space<vmem>>[vector<16xi32>, vector<16xi32>, vector<16xi32>], vector<16xf32>,
        %shift_right_arithmetic3A_419 = arith.constant 3 : i32
        %shift_right_arithmetic3A_420 = vector.broadcast %shift_right_arithmetic3A_419 : i32 to vector<16xi32>
        %shift_right_arithmetic3A_421 = arith.shrsi %add3A_375, %shift_right_arithmetic3A_420 : vector<16xi32>
        tpu.vector_store_idx %arg6[%broadcast_in_dim3A, %shift_right_arithmetic3A_421, %add3A_155], %gather3A_376 : memref<2x96x128xf32, #tpu.memory_space<vmem>>[vector<16xi32>, vector<16xi32>, vector<16xi32>], vector<16xf32>,
        %shift_right_arithmetic3A_422 = arith.constant 3 : i32
        %shift_right_arithmetic3A_423 = vector.broadcast %shift_right_arithmetic3A_422 : i32 to vector<16xi32>
        %shift_right_arithmetic3A_424 = arith.shrsi %add3A_377, %shift_right_arithmetic3A_423 : vector<16xi32>
        tpu.vector_store_idx %arg6[%broadcast_in_dim3A, %shift_right_arithmetic3A_424, %add3A_158], %gather3A_378 : memref<2x96x128xf32, #tpu.memory_space<vmem>>[vector<16xi32>, vector<16xi32>, vector<16xi32>], vector<16xf32>,
        %shift_right_arithmetic3A_425 = arith.constant 3 : i32
        %shift_right_arithmetic3A_426 = vector.broadcast %shift_right_arithmetic3A_425 : i32 to vector<16xi32>
        %shift_right_arithmetic3A_427 = arith.shrsi %add3A_379, %shift_right_arithmetic3A_426 : vector<16xi32>
        tpu.vector_store_idx %arg6[%broadcast_in_dim3A, %shift_right_arithmetic3A_427, %add3A_161], %gather3A_380 : memref<2x96x128xf32, #tpu.memory_space<vmem>>[vector<16xi32>, vector<16xi32>, vector<16xi32>], vector<16xf32>,
        %shift_right_arithmetic3A_428 = arith.constant 3 : i32
        %shift_right_arithmetic3A_429 = vector.broadcast %shift_right_arithmetic3A_428 : i32 to vector<16xi32>
        %shift_right_arithmetic3A_430 = arith.shrsi %add3A_381, %shift_right_arithmetic3A_429 : vector<16xi32>
        tpu.vector_store_idx %arg6[%broadcast_in_dim3A, %shift_right_arithmetic3A_430, %add3A_164], %gather3A_382 : memref<2x96x128xf32, #tpu.memory_space<vmem>>[vector<16xi32>, vector<16xi32>, vector<16xi32>], vector<16xf32>,
        %shift_right_arithmetic3A_431 = arith.constant 3 : i32
        %shift_right_arithmetic3A_432 = vector.broadcast %shift_right_arithmetic3A_431 : i32 to vector<16xi32>
        %shift_right_arithmetic3A_433 = arith.shrsi %add3A_383, %shift_right_arithmetic3A_432 : vector<16xi32>
        tpu.vector_store_idx %arg6[%broadcast_in_dim3A, %shift_right_arithmetic3A_433, %add3A_167], %gather3A_384 : memref<2x96x128xf32, #tpu.memory_space<vmem>>[vector<16xi32>, vector<16xi32>, vector<16xi32>], vector<16xf32>,
        %gather3A_434 = tpu.vector_load_idx %arg5[%broadcast_in_dim3A, %iota3A, %add3A_385] : memref<2x16x769xf32, #tpu.memory_space<vmem>>[vector<16xi32>, vector<16xi32>, vector<16xi32>], vector<16xf32>,
        %add3A_435 = arith.addi %add3A_385, %broadcast_in_dim3A_169 : vector<16xi32>
        %gather3A_436 = tpu.vector_load_idx %arg5[%broadcast_in_dim3A, %iota3A, %add3A_435] : memref<2x16x769xf32, #tpu.memory_space<vmem>>[vector<16xi32>, vector<16xi32>, vector<16xi32>], vector<16xf32>,
        %add3A_437 = arith.addi %add3A_435, %broadcast_in_dim3A_169 : vector<16xi32>
        %gather3A_438 = tpu.vector_load_idx %arg5[%broadcast_in_dim3A, %iota3A, %add3A_437] : memref<2x16x769xf32, #tpu.memory_space<vmem>>[vector<16xi32>, vector<16xi32>, vector<16xi32>], vector<16xf32>,
        %add3A_439 = arith.addi %add3A_437, %broadcast_in_dim3A_169 : vector<16xi32>
        %gather3A_440 = tpu.vector_load_idx %arg5[%broadcast_in_dim3A, %iota3A, %add3A_439] : memref<2x16x769xf32, #tpu.memory_space<vmem>>[vector<16xi32>, vector<16xi32>, vector<16xi32>], vector<16xf32>,
        %add3A_441 = arith.addi %add3A_439, %broadcast_in_dim3A_169 : vector<16xi32>
        %gather3A_442 = tpu.vector_load_idx %arg5[%broadcast_in_dim3A, %iota3A, %add3A_441] : memref<2x16x769xf32, #tpu.memory_space<vmem>>[vector<16xi32>, vector<16xi32>, vector<16xi32>], vector<16xf32>,
        %add3A_443 = arith.addi %add3A_441, %broadcast_in_dim3A_169 : vector<16xi32>
        %gather3A_444 = tpu.vector_load_idx %arg5[%broadcast_in_dim3A, %iota3A, %add3A_443] : memref<2x16x769xf32, #tpu.memory_space<vmem>>[vector<16xi32>, vector<16xi32>, vector<16xi32>], vector<16xf32>,
        %add3A_445 = arith.addi %add3A_443, %broadcast_in_dim3A_169 : vector<16xi32>
        %gather3A_446 = tpu.vector_load_idx %arg5[%broadcast_in_dim3A, %iota3A, %add3A_445] : memref<2x16x769xf32, #tpu.memory_space<vmem>>[vector<16xi32>, vector<16xi32>, vector<16xi32>], vector<16xf32>,
        %add3A_447 = arith.addi %add3A_445, %broadcast_in_dim3A_169 : vector<16xi32>
        %gather3A_448 = tpu.vector_load_idx %arg5[%broadcast_in_dim3A, %iota3A, %add3A_447] : memref<2x16x769xf32, #tpu.memory_space<vmem>>[vector<16xi32>, vector<16xi32>, vector<16xi32>], vector<16xf32>,
        %add3A_449 = arith.addi %add3A_447, %broadcast_in_dim3A_169 : vector<16xi32>
        %gather3A_450 = tpu.vector_load_idx %arg5[%broadcast_in_dim3A, %iota3A, %add3A_449] : memref<2x16x769xf32, #tpu.memory_space<vmem>>[vector<16xi32>, vector<16xi32>, vector<16xi32>], vector<16xf32>,
        %add3A_451 = arith.addi %add3A_449, %broadcast_in_dim3A_169 : vector<16xi32>
        %gather3A_452 = tpu.vector_load_idx %arg5[%broadcast_in_dim3A, %iota3A, %add3A_451] : memref<2x16x769xf32, #tpu.memory_space<vmem>>[vector<16xi32>, vector<16xi32>, vector<16xi32>], vector<16xf32>,
        %add3A_453 = arith.addi %add3A_451, %broadcast_in_dim3A_169 : vector<16xi32>
        %gather3A_454 = tpu.vector_load_idx %arg5[%broadcast_in_dim3A, %iota3A, %add3A_453] : memref<2x16x769xf32, #tpu.memory_space<vmem>>[vector<16xi32>, vector<16xi32>, vector<16xi32>], vector<16xf32>,
        %add3A_455 = arith.addi %add3A_453, %broadcast_in_dim3A_169 : vector<16xi32>
        %gather3A_456 = tpu.vector_load_idx %arg5[%broadcast_in_dim3A, %iota3A, %add3A_455] : memref<2x16x769xf32, #tpu.memory_space<vmem>>[vector<16xi32>, vector<16xi32>, vector<16xi32>], vector<16xf32>,
        %add3A_457 = arith.addi %add3A_455, %broadcast_in_dim3A_169 : vector<16xi32>
        %gather3A_458 = tpu.vector_load_idx %arg5[%broadcast_in_dim3A, %iota3A, %add3A_457] : memref<2x16x769xf32, #tpu.memory_space<vmem>>[vector<16xi32>, vector<16xi32>, vector<16xi32>], vector<16xf32>,
        %add3A_459 = arith.addi %add3A_457, %broadcast_in_dim3A_169 : vector<16xi32>
        %gather3A_460 = tpu.vector_load_idx %arg5[%broadcast_in_dim3A, %iota3A, %add3A_459] : memref<2x16x769xf32, #tpu.memory_space<vmem>>[vector<16xi32>, vector<16xi32>, vector<16xi32>], vector<16xf32>,
        %add3A_461 = arith.addi %add3A_459, %broadcast_in_dim3A_169 : vector<16xi32>
        %gather3A_462 = tpu.vector_load_idx %arg5[%broadcast_in_dim3A, %iota3A, %add3A_461] : memref<2x16x769xf32, #tpu.memory_space<vmem>>[vector<16xi32>, vector<16xi32>, vector<16xi32>], vector<16xf32>,
        %add3A_463 = arith.addi %add3A_461, %broadcast_in_dim3A_169 : vector<16xi32>
        %gather3A_464 = tpu.vector_load_idx %arg5[%broadcast_in_dim3A, %iota3A, %add3A_463] : memref<2x16x769xf32, #tpu.memory_space<vmem>>[vector<16xi32>, vector<16xi32>, vector<16xi32>], vector<16xf32>,
        %add3A_465 = arith.addi %add3A_463, %broadcast_in_dim3A_169 : vector<16xi32>
        %shift_right_arithmetic3A_466 = arith.constant 3 : i32
        %shift_right_arithmetic3A_467 = vector.broadcast %shift_right_arithmetic3A_466 : i32 to vector<16xi32>
        %shift_right_arithmetic3A_468 = arith.shrsi %add3A_385, %shift_right_arithmetic3A_467 : vector<16xi32>
        tpu.vector_store_idx %arg6[%broadcast_in_dim3A, %shift_right_arithmetic3A_468, %add3A_146], %gather3A_434 : memref<2x96x128xf32, #tpu.memory_space<vmem>>[vector<16xi32>, vector<16xi32>, vector<16xi32>], vector<16xf32>,
        %shift_right_arithmetic3A_469 = arith.constant 3 : i32
        %shift_right_arithmetic3A_470 = vector.broadcast %shift_right_arithmetic3A_469 : i32 to vector<16xi32>
        %shift_right_arithmetic3A_471 = arith.shrsi %add3A_435, %shift_right_arithmetic3A_470 : vector<16xi32>
        tpu.vector_store_idx %arg6[%broadcast_in_dim3A, %shift_right_arithmetic3A_471, %add3A_149], %gather3A_436 : memref<2x96x128xf32, #tpu.memory_space<vmem>>[vector<16xi32>, vector<16xi32>, vector<16xi32>], vector<16xf32>,
        %shift_right_arithmetic3A_472 = arith.constant 3 : i32
        %shift_right_arithmetic3A_473 = vector.broadcast %shift_right_arithmetic3A_472 : i32 to vector<16xi32>
        %shift_right_arithmetic3A_474 = arith.shrsi %add3A_437, %shift_right_arithmetic3A_473 : vector<16xi32>
        tpu.vector_store_idx %arg6[%broadcast_in_dim3A, %shift_right_arithmetic3A_474, %add3A_152], %gather3A_438 : memref<2x96x128xf32, #tpu.memory_space<vmem>>[vector<16xi32>, vector<16xi32>, vector<16xi32>], vector<16xf32>,
        %shift_right_arithmetic3A_475 = arith.constant 3 : i32
        %shift_right_arithmetic3A_476 = vector.broadcast %shift_right_arithmetic3A_475 : i32 to vector<16xi32>
        %shift_right_arithmetic3A_477 = arith.shrsi %add3A_439, %shift_right_arithmetic3A_476 : vector<16xi32>
        tpu.vector_store_idx %arg6[%broadcast_in_dim3A, %shift_right_arithmetic3A_477, %add3A_155], %gather3A_440 : memref<2x96x128xf32, #tpu.memory_space<vmem>>[vector<16xi32>, vector<16xi32>, vector<16xi32>], vector<16xf32>,
        %shift_right_arithmetic3A_478 = arith.constant 3 : i32
        %shift_right_arithmetic3A_479 = vector.broadcast %shift_right_arithmetic3A_478 : i32 to vector<16xi32>
        %shift_right_arithmetic3A_480 = arith.shrsi %add3A_441, %shift_right_arithmetic3A_479 : vector<16xi32>
        tpu.vector_store_idx %arg6[%broadcast_in_dim3A, %shift_right_arithmetic3A_480, %add3A_158], %gather3A_442 : memref<2x96x128xf32, #tpu.memory_space<vmem>>[vector<16xi32>, vector<16xi32>, vector<16xi32>], vector<16xf32>,
        %shift_right_arithmetic3A_481 = arith.constant 3 : i32
        %shift_right_arithmetic3A_482 = vector.broadcast %shift_right_arithmetic3A_481 : i32 to vector<16xi32>
        %shift_right_arithmetic3A_483 = arith.shrsi %add3A_443, %shift_right_arithmetic3A_482 : vector<16xi32>
        tpu.vector_store_idx %arg6[%broadcast_in_dim3A, %shift_right_arithmetic3A_483, %add3A_161], %gather3A_444 : memref<2x96x128xf32, #tpu.memory_space<vmem>>[vector<16xi32>, vector<16xi32>, vector<16xi32>], vector<16xf32>,
        %shift_right_arithmetic3A_484 = arith.constant 3 : i32
        %shift_right_arithmetic3A_485 = vector.broadcast %shift_right_arithmetic3A_484 : i32 to vector<16xi32>
        %shift_right_arithmetic3A_486 = arith.shrsi %add3A_445, %shift_right_arithmetic3A_485 : vector<16xi32>
        tpu.vector_store_idx %arg6[%broadcast_in_dim3A, %shift_right_arithmetic3A_486, %add3A_164], %gather3A_446 : memref<2x96x128xf32, #tpu.memory_space<vmem>>[vector<16xi32>, vector<16xi32>, vector<16xi32>], vector<16xf32>,
        %shift_right_arithmetic3A_487 = arith.constant 3 : i32
        %shift_right_arithmetic3A_488 = vector.broadcast %shift_right_arithmetic3A_487 : i32 to vector<16xi32>
        %shift_right_arithmetic3A_489 = arith.shrsi %add3A_447, %shift_right_arithmetic3A_488 : vector<16xi32>
        tpu.vector_store_idx %arg6[%broadcast_in_dim3A, %shift_right_arithmetic3A_489, %add3A_167], %gather3A_448 : memref<2x96x128xf32, #tpu.memory_space<vmem>>[vector<16xi32>, vector<16xi32>, vector<16xi32>], vector<16xf32>,
        %shift_right_arithmetic3A_490 = arith.constant 3 : i32
        %shift_right_arithmetic3A_491 = vector.broadcast %shift_right_arithmetic3A_490 : i32 to vector<16xi32>
        %shift_right_arithmetic3A_492 = arith.shrsi %add3A_449, %shift_right_arithmetic3A_491 : vector<16xi32>
        tpu.vector_store_idx %arg6[%broadcast_in_dim3A, %shift_right_arithmetic3A_492, %add3A_146], %gather3A_450 : memref<2x96x128xf32, #tpu.memory_space<vmem>>[vector<16xi32>, vector<16xi32>, vector<16xi32>], vector<16xf32>,
        %shift_right_arithmetic3A_493 = arith.constant 3 : i32
        %shift_right_arithmetic3A_494 = vector.broadcast %shift_right_arithmetic3A_493 : i32 to vector<16xi32>
        %shift_right_arithmetic3A_495 = arith.shrsi %add3A_451, %shift_right_arithmetic3A_494 : vector<16xi32>
        tpu.vector_store_idx %arg6[%broadcast_in_dim3A, %shift_right_arithmetic3A_495, %add3A_149], %gather3A_452 : memref<2x96x128xf32, #tpu.memory_space<vmem>>[vector<16xi32>, vector<16xi32>, vector<16xi32>], vector<16xf32>,
        %shift_right_arithmetic3A_496 = arith.constant 3 : i32
        %shift_right_arithmetic3A_497 = vector.broadcast %shift_right_arithmetic3A_496 : i32 to vector<16xi32>
        %shift_right_arithmetic3A_498 = arith.shrsi %add3A_453, %shift_right_arithmetic3A_497 : vector<16xi32>
        tpu.vector_store_idx %arg6[%broadcast_in_dim3A, %shift_right_arithmetic3A_498, %add3A_152], %gather3A_454 : memref<2x96x128xf32, #tpu.memory_space<vmem>>[vector<16xi32>, vector<16xi32>, vector<16xi32>], vector<16xf32>,
        %shift_right_arithmetic3A_499 = arith.constant 3 : i32
        %shift_right_arithmetic3A_500 = vector.broadcast %shift_right_arithmetic3A_499 : i32 to vector<16xi32>
        %shift_right_arithmetic3A_501 = arith.shrsi %add3A_455, %shift_right_arithmetic3A_500 : vector<16xi32>
        tpu.vector_store_idx %arg6[%broadcast_in_dim3A, %shift_right_arithmetic3A_501, %add3A_155], %gather3A_456 : memref<2x96x128xf32, #tpu.memory_space<vmem>>[vector<16xi32>, vector<16xi32>, vector<16xi32>], vector<16xf32>,
        %shift_right_arithmetic3A_502 = arith.constant 3 : i32
        %shift_right_arithmetic3A_503 = vector.broadcast %shift_right_arithmetic3A_502 : i32 to vector<16xi32>
        %shift_right_arithmetic3A_504 = arith.shrsi %add3A_457, %shift_right_arithmetic3A_503 : vector<16xi32>
        tpu.vector_store_idx %arg6[%broadcast_in_dim3A, %shift_right_arithmetic3A_504, %add3A_158], %gather3A_458 : memref<2x96x128xf32, #tpu.memory_space<vmem>>[vector<16xi32>, vector<16xi32>, vector<16xi32>], vector<16xf32>,
        %shift_right_arithmetic3A_505 = arith.constant 3 : i32
        %shift_right_arithmetic3A_506 = vector.broadcast %shift_right_arithmetic3A_505 : i32 to vector<16xi32>
        %shift_right_arithmetic3A_507 = arith.shrsi %add3A_459, %shift_right_arithmetic3A_506 : vector<16xi32>
        tpu.vector_store_idx %arg6[%broadcast_in_dim3A, %shift_right_arithmetic3A_507, %add3A_161], %gather3A_460 : memref<2x96x128xf32, #tpu.memory_space<vmem>>[vector<16xi32>, vector<16xi32>, vector<16xi32>], vector<16xf32>,
        %shift_right_arithmetic3A_508 = arith.constant 3 : i32
        %shift_right_arithmetic3A_509 = vector.broadcast %shift_right_arithmetic3A_508 : i32 to vector<16xi32>
        %shift_right_arithmetic3A_510 = arith.shrsi %add3A_461, %shift_right_arithmetic3A_509 : vector<16xi32>
        tpu.vector_store_idx %arg6[%broadcast_in_dim3A, %shift_right_arithmetic3A_510, %add3A_164], %gather3A_462 : memref<2x96x128xf32, #tpu.memory_space<vmem>>[vector<16xi32>, vector<16xi32>, vector<16xi32>], vector<16xf32>,
        %shift_right_arithmetic3A_511 = arith.constant 3 : i32
        %shift_right_arithmetic3A_512 = vector.broadcast %shift_right_arithmetic3A_511 : i32 to vector<16xi32>
        %shift_right_arithmetic3A_513 = arith.shrsi %add3A_463, %shift_right_arithmetic3A_512 : vector<16xi32>
        tpu.vector_store_idx %arg6[%broadcast_in_dim3A, %shift_right_arithmetic3A_513, %add3A_167], %gather3A_464 : memref<2x96x128xf32, #tpu.memory_space<vmem>>[vector<16xi32>, vector<16xi32>, vector<16xi32>], vector<16xf32>,
        %gather3A_514 = tpu.vector_load_idx %arg5[%broadcast_in_dim3A, %iota3A, %add3A_465] : memref<2x16x769xf32, #tpu.memory_space<vmem>>[vector<16xi32>, vector<16xi32>, vector<16xi32>], vector<16xf32>,
        %add3A_515 = arith.addi %add3A_465, %broadcast_in_dim3A_169 : vector<16xi32>
        %gather3A_516 = tpu.vector_load_idx %arg5[%broadcast_in_dim3A, %iota3A, %add3A_515] : memref<2x16x769xf32, #tpu.memory_space<vmem>>[vector<16xi32>, vector<16xi32>, vector<16xi32>], vector<16xf32>,
        %add3A_517 = arith.addi %add3A_515, %broadcast_in_dim3A_169 : vector<16xi32>
        %gather3A_518 = tpu.vector_load_idx %arg5[%broadcast_in_dim3A, %iota3A, %add3A_517] : memref<2x16x769xf32, #tpu.memory_space<vmem>>[vector<16xi32>, vector<16xi32>, vector<16xi32>], vector<16xf32>,
        %add3A_519 = arith.addi %add3A_517, %broadcast_in_dim3A_169 : vector<16xi32>
        %gather3A_520 = tpu.vector_load_idx %arg5[%broadcast_in_dim3A, %iota3A, %add3A_519] : memref<2x16x769xf32, #tpu.memory_space<vmem>>[vector<16xi32>, vector<16xi32>, vector<16xi32>], vector<16xf32>,
        %add3A_521 = arith.addi %add3A_519, %broadcast_in_dim3A_169 : vector<16xi32>
        %gather3A_522 = tpu.vector_load_idx %arg5[%broadcast_in_dim3A, %iota3A, %add3A_521] : memref<2x16x769xf32, #tpu.memory_space<vmem>>[vector<16xi32>, vector<16xi32>, vector<16xi32>], vector<16xf32>,
        %add3A_523 = arith.addi %add3A_521, %broadcast_in_dim3A_169 : vector<16xi32>
        %gather3A_524 = tpu.vector_load_idx %arg5[%broadcast_in_dim3A, %iota3A, %add3A_523] : memref<2x16x769xf32, #tpu.memory_space<vmem>>[vector<16xi32>, vector<16xi32>, vector<16xi32>], vector<16xf32>,
        %add3A_525 = arith.addi %add3A_523, %broadcast_in_dim3A_169 : vector<16xi32>
        %gather3A_526 = tpu.vector_load_idx %arg5[%broadcast_in_dim3A, %iota3A, %add3A_525] : memref<2x16x769xf32, #tpu.memory_space<vmem>>[vector<16xi32>, vector<16xi32>, vector<16xi32>], vector<16xf32>,
        %add3A_527 = arith.addi %add3A_525, %broadcast_in_dim3A_169 : vector<16xi32>
        %gather3A_528 = tpu.vector_load_idx %arg5[%broadcast_in_dim3A, %iota3A, %add3A_527] : memref<2x16x769xf32, #tpu.memory_space<vmem>>[vector<16xi32>, vector<16xi32>, vector<16xi32>], vector<16xf32>,
        %add3A_529 = arith.addi %add3A_527, %broadcast_in_dim3A_169 : vector<16xi32>
        %gather3A_530 = tpu.vector_load_idx %arg5[%broadcast_in_dim3A, %iota3A, %add3A_529] : memref<2x16x769xf32, #tpu.memory_space<vmem>>[vector<16xi32>, vector<16xi32>, vector<16xi32>], vector<16xf32>,
        %add3A_531 = arith.addi %add3A_529, %broadcast_in_dim3A_169 : vector<16xi32>
        %gather3A_532 = tpu.vector_load_idx %arg5[%broadcast_in_dim3A, %iota3A, %add3A_531] : memref<2x16x769xf32, #tpu.memory_space<vmem>>[vector<16xi32>, vector<16xi32>, vector<16xi32>], vector<16xf32>,
        %add3A_533 = arith.addi %add3A_531, %broadcast_in_dim3A_169 : vector<16xi32>
        %gather3A_534 = tpu.vector_load_idx %arg5[%broadcast_in_dim3A, %iota3A, %add3A_533] : memref<2x16x769xf32, #tpu.memory_space<vmem>>[vector<16xi32>, vector<16xi32>, vector<16xi32>], vector<16xf32>,
        %add3A_535 = arith.addi %add3A_533, %broadcast_in_dim3A_169 : vector<16xi32>
        %gather3A_536 = tpu.vector_load_idx %arg5[%broadcast_in_dim3A, %iota3A, %add3A_535] : memref<2x16x769xf32, #tpu.memory_space<vmem>>[vector<16xi32>, vector<16xi32>, vector<16xi32>], vector<16xf32>,
        %add3A_537 = arith.addi %add3A_535, %broadcast_in_dim3A_169 : vector<16xi32>
        %gather3A_538 = tpu.vector_load_idx %arg5[%broadcast_in_dim3A, %iota3A, %add3A_537] : memref<2x16x769xf32, #tpu.memory_space<vmem>>[vector<16xi32>, vector<16xi32>, vector<16xi32>], vector<16xf32>,
        %add3A_539 = arith.addi %add3A_537, %broadcast_in_dim3A_169 : vector<16xi32>
        %gather3A_540 = tpu.vector_load_idx %arg5[%broadcast_in_dim3A, %iota3A, %add3A_539] : memref<2x16x769xf32, #tpu.memory_space<vmem>>[vector<16xi32>, vector<16xi32>, vector<16xi32>], vector<16xf32>,
        %add3A_541 = arith.addi %add3A_539, %broadcast_in_dim3A_169 : vector<16xi32>
        %gather3A_542 = tpu.vector_load_idx %arg5[%broadcast_in_dim3A, %iota3A, %add3A_541] : memref<2x16x769xf32, #tpu.memory_space<vmem>>[vector<16xi32>, vector<16xi32>, vector<16xi32>], vector<16xf32>,
        %add3A_543 = arith.addi %add3A_541, %broadcast_in_dim3A_169 : vector<16xi32>
        %gather3A_544 = tpu.vector_load_idx %arg5[%broadcast_in_dim3A, %iota3A, %add3A_543] : memref<2x16x769xf32, #tpu.memory_space<vmem>>[vector<16xi32>, vector<16xi32>, vector<16xi32>], vector<16xf32>,
        %add3A_545 = arith.addi %add3A_543, %broadcast_in_dim3A_169 : vector<16xi32>
        %shift_right_arithmetic3A_546 = arith.constant 3 : i32
        %shift_right_arithmetic3A_547 = vector.broadcast %shift_right_arithmetic3A_546 : i32 to vector<16xi32>
        %shift_right_arithmetic3A_548 = arith.shrsi %add3A_465, %shift_right_arithmetic3A_547 : vector<16xi32>
        tpu.vector_store_idx %arg6[%broadcast_in_dim3A, %shift_right_arithmetic3A_548, %add3A_146], %gather3A_514 : memref<2x96x128xf32, #tpu.memory_space<vmem>>[vector<16xi32>, vector<16xi32>, vector<16xi32>], vector<16xf32>,
        %shift_right_arithmetic3A_549 = arith.constant 3 : i32
        %shift_right_arithmetic3A_550 = vector.broadcast %shift_right_arithmetic3A_549 : i32 to vector<16xi32>
        %shift_right_arithmetic3A_551 = arith.shrsi %add3A_515, %shift_right_arithmetic3A_550 : vector<16xi32>
        tpu.vector_store_idx %arg6[%broadcast_in_dim3A, %shift_right_arithmetic3A_551, %add3A_149], %gather3A_516 : memref<2x96x128xf32, #tpu.memory_space<vmem>>[vector<16xi32>, vector<16xi32>, vector<16xi32>], vector<16xf32>,
        %shift_right_arithmetic3A_552 = arith.constant 3 : i32
        %shift_right_arithmetic3A_553 = vector.broadcast %shift_right_arithmetic3A_552 : i32 to vector<16xi32>
        %shift_right_arithmetic3A_554 = arith.shrsi %add3A_517, %shift_right_arithmetic3A_553 : vector<16xi32>
        tpu.vector_store_idx %arg6[%broadcast_in_dim3A, %shift_right_arithmetic3A_554, %add3A_152], %gather3A_518 : memref<2x96x128xf32, #tpu.memory_space<vmem>>[vector<16xi32>, vector<16xi32>, vector<16xi32>], vector<16xf32>,
        %shift_right_arithmetic3A_555 = arith.constant 3 : i32
        %shift_right_arithmetic3A_556 = vector.broadcast %shift_right_arithmetic3A_555 : i32 to vector<16xi32>
        %shift_right_arithmetic3A_557 = arith.shrsi %add3A_519, %shift_right_arithmetic3A_556 : vector<16xi32>
        tpu.vector_store_idx %arg6[%broadcast_in_dim3A, %shift_right_arithmetic3A_557, %add3A_155], %gather3A_520 : memref<2x96x128xf32, #tpu.memory_space<vmem>>[vector<16xi32>, vector<16xi32>, vector<16xi32>], vector<16xf32>,
        %shift_right_arithmetic3A_558 = arith.constant 3 : i32
        %shift_right_arithmetic3A_559 = vector.broadcast %shift_right_arithmetic3A_558 : i32 to vector<16xi32>
        %shift_right_arithmetic3A_560 = arith.shrsi %add3A_521, %shift_right_arithmetic3A_559 : vector<16xi32>
        tpu.vector_store_idx %arg6[%broadcast_in_dim3A, %shift_right_arithmetic3A_560, %add3A_158], %gather3A_522 : memref<2x96x128xf32, #tpu.memory_space<vmem>>[vector<16xi32>, vector<16xi32>, vector<16xi32>], vector<16xf32>,
        %shift_right_arithmetic3A_561 = arith.constant 3 : i32
        %shift_right_arithmetic3A_562 = vector.broadcast %shift_right_arithmetic3A_561 : i32 to vector<16xi32>
        %shift_right_arithmetic3A_563 = arith.shrsi %add3A_523, %shift_right_arithmetic3A_562 : vector<16xi32>
        tpu.vector_store_idx %arg6[%broadcast_in_dim3A, %shift_right_arithmetic3A_563, %add3A_161], %gather3A_524 : memref<2x96x128xf32, #tpu.memory_space<vmem>>[vector<16xi32>, vector<16xi32>, vector<16xi32>], vector<16xf32>,
        %shift_right_arithmetic3A_564 = arith.constant 3 : i32
        %shift_right_arithmetic3A_565 = vector.broadcast %shift_right_arithmetic3A_564 : i32 to vector<16xi32>
        %shift_right_arithmetic3A_566 = arith.shrsi %add3A_525, %shift_right_arithmetic3A_565 : vector<16xi32>
        tpu.vector_store_idx %arg6[%broadcast_in_dim3A, %shift_right_arithmetic3A_566, %add3A_164], %gather3A_526 : memref<2x96x128xf32, #tpu.memory_space<vmem>>[vector<16xi32>, vector<16xi32>, vector<16xi32>], vector<16xf32>,
        %shift_right_arithmetic3A_567 = arith.constant 3 : i32
        %shift_right_arithmetic3A_568 = vector.broadcast %shift_right_arithmetic3A_567 : i32 to vector<16xi32>
        %shift_right_arithmetic3A_569 = arith.shrsi %add3A_527, %shift_right_arithmetic3A_568 : vector<16xi32>
        tpu.vector_store_idx %arg6[%broadcast_in_dim3A, %shift_right_arithmetic3A_569, %add3A_167], %gather3A_528 : memref<2x96x128xf32, #tpu.memory_space<vmem>>[vector<16xi32>, vector<16xi32>, vector<16xi32>], vector<16xf32>,
        %shift_right_arithmetic3A_570 = arith.constant 3 : i32
        %shift_right_arithmetic3A_571 = vector.broadcast %shift_right_arithmetic3A_570 : i32 to vector<16xi32>
        %shift_right_arithmetic3A_572 = arith.shrsi %add3A_529, %shift_right_arithmetic3A_571 : vector<16xi32>
        tpu.vector_store_idx %arg6[%broadcast_in_dim3A, %shift_right_arithmetic3A_572, %add3A_146], %gather3A_530 : memref<2x96x128xf32, #tpu.memory_space<vmem>>[vector<16xi32>, vector<16xi32>, vector<16xi32>], vector<16xf32>,
        %shift_right_arithmetic3A_573 = arith.constant 3 : i32
        %shift_right_arithmetic3A_574 = vector.broadcast %shift_right_arithmetic3A_573 : i32 to vector<16xi32>
        %shift_right_arithmetic3A_575 = arith.shrsi %add3A_531, %shift_right_arithmetic3A_574 : vector<16xi32>
        tpu.vector_store_idx %arg6[%broadcast_in_dim3A, %shift_right_arithmetic3A_575, %add3A_149], %gather3A_532 : memref<2x96x128xf32, #tpu.memory_space<vmem>>[vector<16xi32>, vector<16xi32>, vector<16xi32>], vector<16xf32>,
        %shift_right_arithmetic3A_576 = arith.constant 3 : i32
        %shift_right_arithmetic3A_577 = vector.broadcast %shift_right_arithmetic3A_576 : i32 to vector<16xi32>
        %shift_right_arithmetic3A_578 = arith.shrsi %add3A_533, %shift_right_arithmetic3A_577 : vector<16xi32>
        tpu.vector_store_idx %arg6[%broadcast_in_dim3A, %shift_right_arithmetic3A_578, %add3A_152], %gather3A_534 : memref<2x96x128xf32, #tpu.memory_space<vmem>>[vector<16xi32>, vector<16xi32>, vector<16xi32>], vector<16xf32>,
        %shift_right_arithmetic3A_579 = arith.constant 3 : i32
        %shift_right_arithmetic3A_580 = vector.broadcast %shift_right_arithmetic3A_579 : i32 to vector<16xi32>
        %shift_right_arithmetic3A_581 = arith.shrsi %add3A_535, %shift_right_arithmetic3A_580 : vector<16xi32>
        tpu.vector_store_idx %arg6[%broadcast_in_dim3A, %shift_right_arithmetic3A_581, %add3A_155], %gather3A_536 : memref<2x96x128xf32, #tpu.memory_space<vmem>>[vector<16xi32>, vector<16xi32>, vector<16xi32>], vector<16xf32>,
        %shift_right_arithmetic3A_582 = arith.constant 3 : i32
        %shift_right_arithmetic3A_583 = vector.broadcast %shift_right_arithmetic3A_582 : i32 to vector<16xi32>
        %shift_right_arithmetic3A_584 = arith.shrsi %add3A_537, %shift_right_arithmetic3A_583 : vector<16xi32>
        tpu.vector_store_idx %arg6[%broadcast_in_dim3A, %shift_right_arithmetic3A_584, %add3A_158], %gather3A_538 : memref<2x96x128xf32, #tpu.memory_space<vmem>>[vector<16xi32>, vector<16xi32>, vector<16xi32>], vector<16xf32>,
        %shift_right_arithmetic3A_585 = arith.constant 3 : i32
        %shift_right_arithmetic3A_586 = vector.broadcast %shift_right_arithmetic3A_585 : i32 to vector<16xi32>
        %shift_right_arithmetic3A_587 = arith.shrsi %add3A_539, %shift_right_arithmetic3A_586 : vector<16xi32>
        tpu.vector_store_idx %arg6[%broadcast_in_dim3A, %shift_right_arithmetic3A_587, %add3A_161], %gather3A_540 : memref<2x96x128xf32, #tpu.memory_space<vmem>>[vector<16xi32>, vector<16xi32>, vector<16xi32>], vector<16xf32>,
        %shift_right_arithmetic3A_588 = arith.constant 3 : i32
        %shift_right_arithmetic3A_589 = vector.broadcast %shift_right_arithmetic3A_588 : i32 to vector<16xi32>
        %shift_right_arithmetic3A_590 = arith.shrsi %add3A_541, %shift_right_arithmetic3A_589 : vector<16xi32>
        tpu.vector_store_idx %arg6[%broadcast_in_dim3A, %shift_right_arithmetic3A_590, %add3A_164], %gather3A_542 : memref<2x96x128xf32, #tpu.memory_space<vmem>>[vector<16xi32>, vector<16xi32>, vector<16xi32>], vector<16xf32>,
        %shift_right_arithmetic3A_591 = arith.constant 3 : i32
        %shift_right_arithmetic3A_592 = vector.broadcast %shift_right_arithmetic3A_591 : i32 to vector<16xi32>
        %shift_right_arithmetic3A_593 = arith.shrsi %add3A_543, %shift_right_arithmetic3A_592 : vector<16xi32>
        tpu.vector_store_idx %arg6[%broadcast_in_dim3A, %shift_right_arithmetic3A_593, %add3A_167], %gather3A_544 : memref<2x96x128xf32, #tpu.memory_space<vmem>>[vector<16xi32>, vector<16xi32>, vector<16xi32>], vector<16xf32>,
        %gather3A_594 = tpu.vector_load_idx %arg5[%broadcast_in_dim3A, %iota3A, %add3A_545] : memref<2x16x769xf32, #tpu.memory_space<vmem>>[vector<16xi32>, vector<16xi32>, vector<16xi32>], vector<16xf32>,
        %add3A_595 = arith.addi %add3A_545, %broadcast_in_dim3A_169 : vector<16xi32>
        %gather3A_596 = tpu.vector_load_idx %arg5[%broadcast_in_dim3A, %iota3A, %add3A_595] : memref<2x16x769xf32, #tpu.memory_space<vmem>>[vector<16xi32>, vector<16xi32>, vector<16xi32>], vector<16xf32>,
        %add3A_597 = arith.addi %add3A_595, %broadcast_in_dim3A_169 : vector<16xi32>
        %gather3A_598 = tpu.vector_load_idx %arg5[%broadcast_in_dim3A, %iota3A, %add3A_597] : memref<2x16x769xf32, #tpu.memory_space<vmem>>[vector<16xi32>, vector<16xi32>, vector<16xi32>], vector<16xf32>,
        %add3A_599 = arith.addi %add3A_597, %broadcast_in_dim3A_169 : vector<16xi32>
        %gather3A_600 = tpu.vector_load_idx %arg5[%broadcast_in_dim3A, %iota3A, %add3A_599] : memref<2x16x769xf32, #tpu.memory_space<vmem>>[vector<16xi32>, vector<16xi32>, vector<16xi32>], vector<16xf32>,
        %add3A_601 = arith.addi %add3A_599, %broadcast_in_dim3A_169 : vector<16xi32>
        %gather3A_602 = tpu.vector_load_idx %arg5[%broadcast_in_dim3A, %iota3A, %add3A_601] : memref<2x16x769xf32, #tpu.memory_space<vmem>>[vector<16xi32>, vector<16xi32>, vector<16xi32>], vector<16xf32>,
        %add3A_603 = arith.addi %add3A_601, %broadcast_in_dim3A_169 : vector<16xi32>
        %gather3A_604 = tpu.vector_load_idx %arg5[%broadcast_in_dim3A, %iota3A, %add3A_603] : memref<2x16x769xf32, #tpu.memory_space<vmem>>[vector<16xi32>, vector<16xi32>, vector<16xi32>], vector<16xf32>,
        %add3A_605 = arith.addi %add3A_603, %broadcast_in_dim3A_169 : vector<16xi32>
        %gather3A_606 = tpu.vector_load_idx %arg5[%broadcast_in_dim3A, %iota3A, %add3A_605] : memref<2x16x769xf32, #tpu.memory_space<vmem>>[vector<16xi32>, vector<16xi32>, vector<16xi32>], vector<16xf32>,
        %add3A_607 = arith.addi %add3A_605, %broadcast_in_dim3A_169 : vector<16xi32>
        %gather3A_608 = tpu.vector_load_idx %arg5[%broadcast_in_dim3A, %iota3A, %add3A_607] : memref<2x16x769xf32, #tpu.memory_space<vmem>>[vector<16xi32>, vector<16xi32>, vector<16xi32>], vector<16xf32>,
        %add3A_609 = arith.addi %add3A_607, %broadcast_in_dim3A_169 : vector<16xi32>
        %gather3A_610 = tpu.vector_load_idx %arg5[%broadcast_in_dim3A, %iota3A, %add3A_609] : memref<2x16x769xf32, #tpu.memory_space<vmem>>[vector<16xi32>, vector<16xi32>, vector<16xi32>], vector<16xf32>,
        %add3A_611 = arith.addi %add3A_609, %broadcast_in_dim3A_169 : vector<16xi32>
        %gather3A_612 = tpu.vector_load_idx %arg5[%broadcast_in_dim3A, %iota3A, %add3A_611] : memref<2x16x769xf32, #tpu.memory_space<vmem>>[vector<16xi32>, vector<16xi32>, vector<16xi32>], vector<16xf32>,
        %add3A_613 = arith.addi %add3A_611, %broadcast_in_dim3A_169 : vector<16xi32>
        %gather3A_614 = tpu.vector_load_idx %arg5[%broadcast_in_dim3A, %iota3A, %add3A_613] : memref<2x16x769xf32, #tpu.memory_space<vmem>>[vector<16xi32>, vector<16xi32>, vector<16xi32>], vector<16xf32>,
        %add3A_615 = arith.addi %add3A_613, %broadcast_in_dim3A_169 : vector<16xi32>
        %gather3A_616 = tpu.vector_load_idx %arg5[%broadcast_in_dim3A, %iota3A, %add3A_615] : memref<2x16x769xf32, #tpu.memory_space<vmem>>[vector<16xi32>, vector<16xi32>, vector<16xi32>], vector<16xf32>,
        %add3A_617 = arith.addi %add3A_615, %broadcast_in_dim3A_169 : vector<16xi32>
        %gather3A_618 = tpu.vector_load_idx %arg5[%broadcast_in_dim3A, %iota3A, %add3A_617] : memref<2x16x769xf32, #tpu.memory_space<vmem>>[vector<16xi32>, vector<16xi32>, vector<16xi32>], vector<16xf32>,
        %add3A_619 = arith.addi %add3A_617, %broadcast_in_dim3A_169 : vector<16xi32>
        %gather3A_620 = tpu.vector_load_idx %arg5[%broadcast_in_dim3A, %iota3A, %add3A_619] : memref<2x16x769xf32, #tpu.memory_space<vmem>>[vector<16xi32>, vector<16xi32>, vector<16xi32>], vector<16xf32>,
        %add3A_621 = arith.addi %add3A_619, %broadcast_in_dim3A_169 : vector<16xi32>
        %gather3A_622 = tpu.vector_load_idx %arg5[%broadcast_in_dim3A, %iota3A, %add3A_621] : memref<2x16x769xf32, #tpu.memory_space<vmem>>[vector<16xi32>, vector<16xi32>, vector<16xi32>], vector<16xf32>,
        %add3A_623 = arith.addi %add3A_621, %broadcast_in_dim3A_169 : vector<16xi32>
        %gather3A_624 = tpu.vector_load_idx %arg5[%broadcast_in_dim3A, %iota3A, %add3A_623] : memref<2x16x769xf32, #tpu.memory_space<vmem>>[vector<16xi32>, vector<16xi32>, vector<16xi32>], vector<16xf32>,
        %add3A_625 = arith.addi %add3A_623, %broadcast_in_dim3A_169 : vector<16xi32>
        %shift_right_arithmetic3A_626 = arith.constant 3 : i32
        %shift_right_arithmetic3A_627 = vector.broadcast %shift_right_arithmetic3A_626 : i32 to vector<16xi32>
        %shift_right_arithmetic3A_628 = arith.shrsi %add3A_545, %shift_right_arithmetic3A_627 : vector<16xi32>
        tpu.vector_store_idx %arg6[%broadcast_in_dim3A, %shift_right_arithmetic3A_628, %add3A_146], %gather3A_594 : memref<2x96x128xf32, #tpu.memory_space<vmem>>[vector<16xi32>, vector<16xi32>, vector<16xi32>], vector<16xf32>,
        %shift_right_arithmetic3A_629 = arith.constant 3 : i32
        %shift_right_arithmetic3A_630 = vector.broadcast %shift_right_arithmetic3A_629 : i32 to vector<16xi32>
        %shift_right_arithmetic3A_631 = arith.shrsi %add3A_595, %shift_right_arithmetic3A_630 : vector<16xi32>
        tpu.vector_store_idx %arg6[%broadcast_in_dim3A, %shift_right_arithmetic3A_631, %add3A_149], %gather3A_596 : memref<2x96x128xf32, #tpu.memory_space<vmem>>[vector<16xi32>, vector<16xi32>, vector<16xi32>], vector<16xf32>,
        %shift_right_arithmetic3A_632 = arith.constant 3 : i32
        %shift_right_arithmetic3A_633 = vector.broadcast %shift_right_arithmetic3A_632 : i32 to vector<16xi32>
        %shift_right_arithmetic3A_634 = arith.shrsi %add3A_597, %shift_right_arithmetic3A_633 : vector<16xi32>
        tpu.vector_store_idx %arg6[%broadcast_in_dim3A, %shift_right_arithmetic3A_634, %add3A_152], %gather3A_598 : memref<2x96x128xf32, #tpu.memory_space<vmem>>[vector<16xi32>, vector<16xi32>, vector<16xi32>], vector<16xf32>,
        %shift_right_arithmetic3A_635 = arith.constant 3 : i32
        %shift_right_arithmetic3A_636 = vector.broadcast %shift_right_arithmetic3A_635 : i32 to vector<16xi32>
        %shift_right_arithmetic3A_637 = arith.shrsi %add3A_599, %shift_right_arithmetic3A_636 : vector<16xi32>
        tpu.vector_store_idx %arg6[%broadcast_in_dim3A, %shift_right_arithmetic3A_637, %add3A_155], %gather3A_600 : memref<2x96x128xf32, #tpu.memory_space<vmem>>[vector<16xi32>, vector<16xi32>, vector<16xi32>], vector<16xf32>,
        %shift_right_arithmetic3A_638 = arith.constant 3 : i32
        %shift_right_arithmetic3A_639 = vector.broadcast %shift_right_arithmetic3A_638 : i32 to vector<16xi32>
        %shift_right_arithmetic3A_640 = arith.shrsi %add3A_601, %shift_right_arithmetic3A_639 : vector<16xi32>
        tpu.vector_store_idx %arg6[%broadcast_in_dim3A, %shift_right_arithmetic3A_640, %add3A_158], %gather3A_602 : memref<2x96x128xf32, #tpu.memory_space<vmem>>[vector<16xi32>, vector<16xi32>, vector<16xi32>], vector<16xf32>,
        %shift_right_arithmetic3A_641 = arith.constant 3 : i32
        %shift_right_arithmetic3A_642 = vector.broadcast %shift_right_arithmetic3A_641 : i32 to vector<16xi32>
        %shift_right_arithmetic3A_643 = arith.shrsi %add3A_603, %shift_right_arithmetic3A_642 : vector<16xi32>
        tpu.vector_store_idx %arg6[%broadcast_in_dim3A, %shift_right_arithmetic3A_643, %add3A_161], %gather3A_604 : memref<2x96x128xf32, #tpu.memory_space<vmem>>[vector<16xi32>, vector<16xi32>, vector<16xi32>], vector<16xf32>,
        %shift_right_arithmetic3A_644 = arith.constant 3 : i32
        %shift_right_arithmetic3A_645 = vector.broadcast %shift_right_arithmetic3A_644 : i32 to vector<16xi32>
        %shift_right_arithmetic3A_646 = arith.shrsi %add3A_605, %shift_right_arithmetic3A_645 : vector<16xi32>
        tpu.vector_store_idx %arg6[%broadcast_in_dim3A, %shift_right_arithmetic3A_646, %add3A_164], %gather3A_606 : memref<2x96x128xf32, #tpu.memory_space<vmem>>[vector<16xi32>, vector<16xi32>, vector<16xi32>], vector<16xf32>,
        %shift_right_arithmetic3A_647 = arith.constant 3 : i32
        %shift_right_arithmetic3A_648 = vector.broadcast %shift_right_arithmetic3A_647 : i32 to vector<16xi32>
        %shift_right_arithmetic3A_649 = arith.shrsi %add3A_607, %shift_right_arithmetic3A_648 : vector<16xi32>
        tpu.vector_store_idx %arg6[%broadcast_in_dim3A, %shift_right_arithmetic3A_649, %add3A_167], %gather3A_608 : memref<2x96x128xf32, #tpu.memory_space<vmem>>[vector<16xi32>, vector<16xi32>, vector<16xi32>], vector<16xf32>,
        %shift_right_arithmetic3A_650 = arith.constant 3 : i32
        %shift_right_arithmetic3A_651 = vector.broadcast %shift_right_arithmetic3A_650 : i32 to vector<16xi32>
        %shift_right_arithmetic3A_652 = arith.shrsi %add3A_609, %shift_right_arithmetic3A_651 : vector<16xi32>
        tpu.vector_store_idx %arg6[%broadcast_in_dim3A, %shift_right_arithmetic3A_652, %add3A_146], %gather3A_610 : memref<2x96x128xf32, #tpu.memory_space<vmem>>[vector<16xi32>, vector<16xi32>, vector<16xi32>], vector<16xf32>,
        %shift_right_arithmetic3A_653 = arith.constant 3 : i32
        %shift_right_arithmetic3A_654 = vector.broadcast %shift_right_arithmetic3A_653 : i32 to vector<16xi32>
        %shift_right_arithmetic3A_655 = arith.shrsi %add3A_611, %shift_right_arithmetic3A_654 : vector<16xi32>
        tpu.vector_store_idx %arg6[%broadcast_in_dim3A, %shift_right_arithmetic3A_655, %add3A_149], %gather3A_612 : memref<2x96x128xf32, #tpu.memory_space<vmem>>[vector<16xi32>, vector<16xi32>, vector<16xi32>], vector<16xf32>,
        %shift_right_arithmetic3A_656 = arith.constant 3 : i32
        %shift_right_arithmetic3A_657 = vector.broadcast %shift_right_arithmetic3A_656 : i32 to vector<16xi32>
        %shift_right_arithmetic3A_658 = arith.shrsi %add3A_613, %shift_right_arithmetic3A_657 : vector<16xi32>
        tpu.vector_store_idx %arg6[%broadcast_in_dim3A, %shift_right_arithmetic3A_658, %add3A_152], %gather3A_614 : memref<2x96x128xf32, #tpu.memory_space<vmem>>[vector<16xi32>, vector<16xi32>, vector<16xi32>], vector<16xf32>,
        %shift_right_arithmetic3A_659 = arith.constant 3 : i32
        %shift_right_arithmetic3A_660 = vector.broadcast %shift_right_arithmetic3A_659 : i32 to vector<16xi32>
        %shift_right_arithmetic3A_661 = arith.shrsi %add3A_615, %shift_right_arithmetic3A_660 : vector<16xi32>
        tpu.vector_store_idx %arg6[%broadcast_in_dim3A, %shift_right_arithmetic3A_661, %add3A_155], %gather3A_616 : memref<2x96x128xf32, #tpu.memory_space<vmem>>[vector<16xi32>, vector<16xi32>, vector<16xi32>], vector<16xf32>,
        %shift_right_arithmetic3A_662 = arith.constant 3 : i32
        %shift_right_arithmetic3A_663 = vector.broadcast %shift_right_arithmetic3A_662 : i32 to vector<16xi32>
        %shift_right_arithmetic3A_664 = arith.shrsi %add3A_617, %shift_right_arithmetic3A_663 : vector<16xi32>
        tpu.vector_store_idx %arg6[%broadcast_in_dim3A, %shift_right_arithmetic3A_664, %add3A_158], %gather3A_618 : memref<2x96x128xf32, #tpu.memory_space<vmem>>[vector<16xi32>, vector<16xi32>, vector<16xi32>], vector<16xf32>,
        %shift_right_arithmetic3A_665 = arith.constant 3 : i32
        %shift_right_arithmetic3A_666 = vector.broadcast %shift_right_arithmetic3A_665 : i32 to vector<16xi32>
        %shift_right_arithmetic3A_667 = arith.shrsi %add3A_619, %shift_right_arithmetic3A_666 : vector<16xi32>
        tpu.vector_store_idx %arg6[%broadcast_in_dim3A, %shift_right_arithmetic3A_667, %add3A_161], %gather3A_620 : memref<2x96x128xf32, #tpu.memory_space<vmem>>[vector<16xi32>, vector<16xi32>, vector<16xi32>], vector<16xf32>,
        %shift_right_arithmetic3A_668 = arith.constant 3 : i32
        %shift_right_arithmetic3A_669 = vector.broadcast %shift_right_arithmetic3A_668 : i32 to vector<16xi32>
        %shift_right_arithmetic3A_670 = arith.shrsi %add3A_621, %shift_right_arithmetic3A_669 : vector<16xi32>
        tpu.vector_store_idx %arg6[%broadcast_in_dim3A, %shift_right_arithmetic3A_670, %add3A_164], %gather3A_622 : memref<2x96x128xf32, #tpu.memory_space<vmem>>[vector<16xi32>, vector<16xi32>, vector<16xi32>], vector<16xf32>,
        %shift_right_arithmetic3A_671 = arith.constant 3 : i32
        %shift_right_arithmetic3A_672 = vector.broadcast %shift_right_arithmetic3A_671 : i32 to vector<16xi32>
        %shift_right_arithmetic3A_673 = arith.shrsi %add3A_623, %shift_right_arithmetic3A_672 : vector<16xi32>
        tpu.vector_store_idx %arg6[%broadcast_in_dim3A, %shift_right_arithmetic3A_673, %add3A_167], %gather3A_624 : memref<2x96x128xf32, #tpu.memory_space<vmem>>[vector<16xi32>, vector<16xi32>, vector<16xi32>], vector<16xf32>,
        %gather3A_674 = tpu.vector_load_idx %arg5[%broadcast_in_dim3A, %iota3A, %add3A_625] : memref<2x16x769xf32, #tpu.memory_space<vmem>>[vector<16xi32>, vector<16xi32>, vector<16xi32>], vector<16xf32>,
        %add3A_675 = arith.addi %add3A_625, %broadcast_in_dim3A_169 : vector<16xi32>
        %gather3A_676 = tpu.vector_load_idx %arg5[%broadcast_in_dim3A, %iota3A, %add3A_675] : memref<2x16x769xf32, #tpu.memory_space<vmem>>[vector<16xi32>, vector<16xi32>, vector<16xi32>], vector<16xf32>,
        %add3A_677 = arith.addi %add3A_675, %broadcast_in_dim3A_169 : vector<16xi32>
        %gather3A_678 = tpu.vector_load_idx %arg5[%broadcast_in_dim3A, %iota3A, %add3A_677] : memref<2x16x769xf32, #tpu.memory_space<vmem>>[vector<16xi32>, vector<16xi32>, vector<16xi32>], vector<16xf32>,
        %add3A_679 = arith.addi %add3A_677, %broadcast_in_dim3A_169 : vector<16xi32>
        %gather3A_680 = tpu.vector_load_idx %arg5[%broadcast_in_dim3A, %iota3A, %add3A_679] : memref<2x16x769xf32, #tpu.memory_space<vmem>>[vector<16xi32>, vector<16xi32>, vector<16xi32>], vector<16xf32>,
        %add3A_681 = arith.addi %add3A_679, %broadcast_in_dim3A_169 : vector<16xi32>
        %gather3A_682 = tpu.vector_load_idx %arg5[%broadcast_in_dim3A, %iota3A, %add3A_681] : memref<2x16x769xf32, #tpu.memory_space<vmem>>[vector<16xi32>, vector<16xi32>, vector<16xi32>], vector<16xf32>,
        %add3A_683 = arith.addi %add3A_681, %broadcast_in_dim3A_169 : vector<16xi32>
        %gather3A_684 = tpu.vector_load_idx %arg5[%broadcast_in_dim3A, %iota3A, %add3A_683] : memref<2x16x769xf32, #tpu.memory_space<vmem>>[vector<16xi32>, vector<16xi32>, vector<16xi32>], vector<16xf32>,
        %add3A_685 = arith.addi %add3A_683, %broadcast_in_dim3A_169 : vector<16xi32>
        %gather3A_686 = tpu.vector_load_idx %arg5[%broadcast_in_dim3A, %iota3A, %add3A_685] : memref<2x16x769xf32, #tpu.memory_space<vmem>>[vector<16xi32>, vector<16xi32>, vector<16xi32>], vector<16xf32>,
        %add3A_687 = arith.addi %add3A_685, %broadcast_in_dim3A_169 : vector<16xi32>
        %gather3A_688 = tpu.vector_load_idx %arg5[%broadcast_in_dim3A, %iota3A, %add3A_687] : memref<2x16x769xf32, #tpu.memory_space<vmem>>[vector<16xi32>, vector<16xi32>, vector<16xi32>], vector<16xf32>,
        %add3A_689 = arith.addi %add3A_687, %broadcast_in_dim3A_169 : vector<16xi32>
        %gather3A_690 = tpu.vector_load_idx %arg5[%broadcast_in_dim3A, %iota3A, %add3A_689] : memref<2x16x769xf32, #tpu.memory_space<vmem>>[vector<16xi32>, vector<16xi32>, vector<16xi32>], vector<16xf32>,
        %add3A_691 = arith.addi %add3A_689, %broadcast_in_dim3A_169 : vector<16xi32>
        %gather3A_692 = tpu.vector_load_idx %arg5[%broadcast_in_dim3A, %iota3A, %add3A_691] : memref<2x16x769xf32, #tpu.memory_space<vmem>>[vector<16xi32>, vector<16xi32>, vector<16xi32>], vector<16xf32>,
        %add3A_693 = arith.addi %add3A_691, %broadcast_in_dim3A_169 : vector<16xi32>
        %gather3A_694 = tpu.vector_load_idx %arg5[%broadcast_in_dim3A, %iota3A, %add3A_693] : memref<2x16x769xf32, #tpu.memory_space<vmem>>[vector<16xi32>, vector<16xi32>, vector<16xi32>], vector<16xf32>,
        %add3A_695 = arith.addi %add3A_693, %broadcast_in_dim3A_169 : vector<16xi32>
        %gather3A_696 = tpu.vector_load_idx %arg5[%broadcast_in_dim3A, %iota3A, %add3A_695] : memref<2x16x769xf32, #tpu.memory_space<vmem>>[vector<16xi32>, vector<16xi32>, vector<16xi32>], vector<16xf32>,
        %add3A_697 = arith.addi %add3A_695, %broadcast_in_dim3A_169 : vector<16xi32>
        %gather3A_698 = tpu.vector_load_idx %arg5[%broadcast_in_dim3A, %iota3A, %add3A_697] : memref<2x16x769xf32, #tpu.memory_space<vmem>>[vector<16xi32>, vector<16xi32>, vector<16xi32>], vector<16xf32>,
        %add3A_699 = arith.addi %add3A_697, %broadcast_in_dim3A_169 : vector<16xi32>
        %gather3A_700 = tpu.vector_load_idx %arg5[%broadcast_in_dim3A, %iota3A, %add3A_699] : memref<2x16x769xf32, #tpu.memory_space<vmem>>[vector<16xi32>, vector<16xi32>, vector<16xi32>], vector<16xf32>,
        %add3A_701 = arith.addi %add3A_699, %broadcast_in_dim3A_169 : vector<16xi32>
        %gather3A_702 = tpu.vector_load_idx %arg5[%broadcast_in_dim3A, %iota3A, %add3A_701] : memref<2x16x769xf32, #tpu.memory_space<vmem>>[vector<16xi32>, vector<16xi32>, vector<16xi32>], vector<16xf32>,
        %add3A_703 = arith.addi %add3A_701, %broadcast_in_dim3A_169 : vector<16xi32>
        %gather3A_704 = tpu.vector_load_idx %arg5[%broadcast_in_dim3A, %iota3A, %add3A_703] : memref<2x16x769xf32, #tpu.memory_space<vmem>>[vector<16xi32>, vector<16xi32>, vector<16xi32>], vector<16xf32>,
        %add3A_705 = arith.addi %add3A_703, %broadcast_in_dim3A_169 : vector<16xi32>
        %shift_right_arithmetic3A_706 = arith.constant 3 : i32
        %shift_right_arithmetic3A_707 = vector.broadcast %shift_right_arithmetic3A_706 : i32 to vector<16xi32>
        %shift_right_arithmetic3A_708 = arith.shrsi %add3A_625, %shift_right_arithmetic3A_707 : vector<16xi32>
        tpu.vector_store_idx %arg6[%broadcast_in_dim3A, %shift_right_arithmetic3A_708, %add3A_146], %gather3A_674 : memref<2x96x128xf32, #tpu.memory_space<vmem>>[vector<16xi32>, vector<16xi32>, vector<16xi32>], vector<16xf32>,
        %shift_right_arithmetic3A_709 = arith.constant 3 : i32
        %shift_right_arithmetic3A_710 = vector.broadcast %shift_right_arithmetic3A_709 : i32 to vector<16xi32>
        %shift_right_arithmetic3A_711 = arith.shrsi %add3A_675, %shift_right_arithmetic3A_710 : vector<16xi32>
        tpu.vector_store_idx %arg6[%broadcast_in_dim3A, %shift_right_arithmetic3A_711, %add3A_149], %gather3A_676 : memref<2x96x128xf32, #tpu.memory_space<vmem>>[vector<16xi32>, vector<16xi32>, vector<16xi32>], vector<16xf32>,
        %shift_right_arithmetic3A_712 = arith.constant 3 : i32
        %shift_right_arithmetic3A_713 = vector.broadcast %shift_right_arithmetic3A_712 : i32 to vector<16xi32>
        %shift_right_arithmetic3A_714 = arith.shrsi %add3A_677, %shift_right_arithmetic3A_713 : vector<16xi32>
        tpu.vector_store_idx %arg6[%broadcast_in_dim3A, %shift_right_arithmetic3A_714, %add3A_152], %gather3A_678 : memref<2x96x128xf32, #tpu.memory_space<vmem>>[vector<16xi32>, vector<16xi32>, vector<16xi32>], vector<16xf32>,
        %shift_right_arithmetic3A_715 = arith.constant 3 : i32
        %shift_right_arithmetic3A_716 = vector.broadcast %shift_right_arithmetic3A_715 : i32 to vector<16xi32>
        %shift_right_arithmetic3A_717 = arith.shrsi %add3A_679, %shift_right_arithmetic3A_716 : vector<16xi32>
        tpu.vector_store_idx %arg6[%broadcast_in_dim3A, %shift_right_arithmetic3A_717, %add3A_155], %gather3A_680 : memref<2x96x128xf32, #tpu.memory_space<vmem>>[vector<16xi32>, vector<16xi32>, vector<16xi32>], vector<16xf32>,
        %shift_right_arithmetic3A_718 = arith.constant 3 : i32
        %shift_right_arithmetic3A_719 = vector.broadcast %shift_right_arithmetic3A_718 : i32 to vector<16xi32>
        %shift_right_arithmetic3A_720 = arith.shrsi %add3A_681, %shift_right_arithmetic3A_719 : vector<16xi32>
        tpu.vector_store_idx %arg6[%broadcast_in_dim3A, %shift_right_arithmetic3A_720, %add3A_158], %gather3A_682 : memref<2x96x128xf32, #tpu.memory_space<vmem>>[vector<16xi32>, vector<16xi32>, vector<16xi32>], vector<16xf32>,
        %shift_right_arithmetic3A_721 = arith.constant 3 : i32
        %shift_right_arithmetic3A_722 = vector.broadcast %shift_right_arithmetic3A_721 : i32 to vector<16xi32>
        %shift_right_arithmetic3A_723 = arith.shrsi %add3A_683, %shift_right_arithmetic3A_722 : vector<16xi32>
        tpu.vector_store_idx %arg6[%broadcast_in_dim3A, %shift_right_arithmetic3A_723, %add3A_161], %gather3A_684 : memref<2x96x128xf32, #tpu.memory_space<vmem>>[vector<16xi32>, vector<16xi32>, vector<16xi32>], vector<16xf32>,
        %shift_right_arithmetic3A_724 = arith.constant 3 : i32
        %shift_right_arithmetic3A_725 = vector.broadcast %shift_right_arithmetic3A_724 : i32 to vector<16xi32>
        %shift_right_arithmetic3A_726 = arith.shrsi %add3A_685, %shift_right_arithmetic3A_725 : vector<16xi32>
        tpu.vector_store_idx %arg6[%broadcast_in_dim3A, %shift_right_arithmetic3A_726, %add3A_164], %gather3A_686 : memref<2x96x128xf32, #tpu.memory_space<vmem>>[vector<16xi32>, vector<16xi32>, vector<16xi32>], vector<16xf32>,
        %shift_right_arithmetic3A_727 = arith.constant 3 : i32
        %shift_right_arithmetic3A_728 = vector.broadcast %shift_right_arithmetic3A_727 : i32 to vector<16xi32>
        %shift_right_arithmetic3A_729 = arith.shrsi %add3A_687, %shift_right_arithmetic3A_728 : vector<16xi32>
        tpu.vector_store_idx %arg6[%broadcast_in_dim3A, %shift_right_arithmetic3A_729, %add3A_167], %gather3A_688 : memref<2x96x128xf32, #tpu.memory_space<vmem>>[vector<16xi32>, vector<16xi32>, vector<16xi32>], vector<16xf32>,
        %shift_right_arithmetic3A_730 = arith.constant 3 : i32
        %shift_right_arithmetic3A_731 = vector.broadcast %shift_right_arithmetic3A_730 : i32 to vector<16xi32>
        %shift_right_arithmetic3A_732 = arith.shrsi %add3A_689, %shift_right_arithmetic3A_731 : vector<16xi32>
        tpu.vector_store_idx %arg6[%broadcast_in_dim3A, %shift_right_arithmetic3A_732, %add3A_146], %gather3A_690 : memref<2x96x128xf32, #tpu.memory_space<vmem>>[vector<16xi32>, vector<16xi32>, vector<16xi32>], vector<16xf32>,
        %shift_right_arithmetic3A_733 = arith.constant 3 : i32
        %shift_right_arithmetic3A_734 = vector.broadcast %shift_right_arithmetic3A_733 : i32 to vector<16xi32>
        %shift_right_arithmetic3A_735 = arith.shrsi %add3A_691, %shift_right_arithmetic3A_734 : vector<16xi32>
        tpu.vector_store_idx %arg6[%broadcast_in_dim3A, %shift_right_arithmetic3A_735, %add3A_149], %gather3A_692 : memref<2x96x128xf32, #tpu.memory_space<vmem>>[vector<16xi32>, vector<16xi32>, vector<16xi32>], vector<16xf32>,
        %shift_right_arithmetic3A_736 = arith.constant 3 : i32
        %shift_right_arithmetic3A_737 = vector.broadcast %shift_right_arithmetic3A_736 : i32 to vector<16xi32>
        %shift_right_arithmetic3A_738 = arith.shrsi %add3A_693, %shift_right_arithmetic3A_737 : vector<16xi32>
        tpu.vector_store_idx %arg6[%broadcast_in_dim3A, %shift_right_arithmetic3A_738, %add3A_152], %gather3A_694 : memref<2x96x128xf32, #tpu.memory_space<vmem>>[vector<16xi32>, vector<16xi32>, vector<16xi32>], vector<16xf32>,
        %shift_right_arithmetic3A_739 = arith.constant 3 : i32
        %shift_right_arithmetic3A_740 = vector.broadcast %shift_right_arithmetic3A_739 : i32 to vector<16xi32>
        %shift_right_arithmetic3A_741 = arith.shrsi %add3A_695, %shift_right_arithmetic3A_740 : vector<16xi32>
        tpu.vector_store_idx %arg6[%broadcast_in_dim3A, %shift_right_arithmetic3A_741, %add3A_155], %gather3A_696 : memref<2x96x128xf32, #tpu.memory_space<vmem>>[vector<16xi32>, vector<16xi32>, vector<16xi32>], vector<16xf32>,
        %shift_right_arithmetic3A_742 = arith.constant 3 : i32
        %shift_right_arithmetic3A_743 = vector.broadcast %shift_right_arithmetic3A_742 : i32 to vector<16xi32>
        %shift_right_arithmetic3A_744 = arith.shrsi %add3A_697, %shift_right_arithmetic3A_743 : vector<16xi32>
        tpu.vector_store_idx %arg6[%broadcast_in_dim3A, %shift_right_arithmetic3A_744, %add3A_158], %gather3A_698 : memref<2x96x128xf32, #tpu.memory_space<vmem>>[vector<16xi32>, vector<16xi32>, vector<16xi32>], vector<16xf32>,
        %shift_right_arithmetic3A_745 = arith.constant 3 : i32
        %shift_right_arithmetic3A_746 = vector.broadcast %shift_right_arithmetic3A_745 : i32 to vector<16xi32>
        %shift_right_arithmetic3A_747 = arith.shrsi %add3A_699, %shift_right_arithmetic3A_746 : vector<16xi32>
        tpu.vector_store_idx %arg6[%broadcast_in_dim3A, %shift_right_arithmetic3A_747, %add3A_161], %gather3A_700 : memref<2x96x128xf32, #tpu.memory_space<vmem>>[vector<16xi32>, vector<16xi32>, vector<16xi32>], vector<16xf32>,
        %shift_right_arithmetic3A_748 = arith.constant 3 : i32
        %shift_right_arithmetic3A_749 = vector.broadcast %shift_right_arithmetic3A_748 : i32 to vector<16xi32>
        %shift_right_arithmetic3A_750 = arith.shrsi %add3A_701, %shift_right_arithmetic3A_749 : vector<16xi32>
        tpu.vector_store_idx %arg6[%broadcast_in_dim3A, %shift_right_arithmetic3A_750, %add3A_164], %gather3A_702 : memref<2x96x128xf32, #tpu.memory_space<vmem>>[vector<16xi32>, vector<16xi32>, vector<16xi32>], vector<16xf32>,
        %shift_right_arithmetic3A_751 = arith.constant 3 : i32
        %shift_right_arithmetic3A_752 = vector.broadcast %shift_right_arithmetic3A_751 : i32 to vector<16xi32>
        %shift_right_arithmetic3A_753 = arith.shrsi %add3A_703, %shift_right_arithmetic3A_752 : vector<16xi32>
        tpu.vector_store_idx %arg6[%broadcast_in_dim3A, %shift_right_arithmetic3A_753, %add3A_167], %gather3A_704 : memref<2x96x128xf32, #tpu.memory_space<vmem>>[vector<16xi32>, vector<16xi32>, vector<16xi32>], vector<16xf32>,
        %gather3A_754 = tpu.vector_load_idx %arg5[%broadcast_in_dim3A, %iota3A, %add3A_705] : memref<2x16x769xf32, #tpu.memory_space<vmem>>[vector<16xi32>, vector<16xi32>, vector<16xi32>], vector<16xf32>,
        %add3A_755 = arith.addi %add3A_705, %broadcast_in_dim3A_169 : vector<16xi32>
        %gather3A_756 = tpu.vector_load_idx %arg5[%broadcast_in_dim3A, %iota3A, %add3A_755] : memref<2x16x769xf32, #tpu.memory_space<vmem>>[vector<16xi32>, vector<16xi32>, vector<16xi32>], vector<16xf32>,
        %add3A_757 = arith.addi %add3A_755, %broadcast_in_dim3A_169 : vector<16xi32>
        %gather3A_758 = tpu.vector_load_idx %arg5[%broadcast_in_dim3A, %iota3A, %add3A_757] : memref<2x16x769xf32, #tpu.memory_space<vmem>>[vector<16xi32>, vector<16xi32>, vector<16xi32>], vector<16xf32>,
        %add3A_759 = arith.addi %add3A_757, %broadcast_in_dim3A_169 : vector<16xi32>
        %gather3A_760 = tpu.vector_load_idx %arg5[%broadcast_in_dim3A, %iota3A, %add3A_759] : memref<2x16x769xf32, #tpu.memory_space<vmem>>[vector<16xi32>, vector<16xi32>, vector<16xi32>], vector<16xf32>,
        %add3A_761 = arith.addi %add3A_759, %broadcast_in_dim3A_169 : vector<16xi32>
        %gather3A_762 = tpu.vector_load_idx %arg5[%broadcast_in_dim3A, %iota3A, %add3A_761] : memref<2x16x769xf32, #tpu.memory_space<vmem>>[vector<16xi32>, vector<16xi32>, vector<16xi32>], vector<16xf32>,
        %add3A_763 = arith.addi %add3A_761, %broadcast_in_dim3A_169 : vector<16xi32>
        %gather3A_764 = tpu.vector_load_idx %arg5[%broadcast_in_dim3A, %iota3A, %add3A_763] : memref<2x16x769xf32, #tpu.memory_space<vmem>>[vector<16xi32>, vector<16xi32>, vector<16xi32>], vector<16xf32>,
        %add3A_765 = arith.addi %add3A_763, %broadcast_in_dim3A_169 : vector<16xi32>
        %gather3A_766 = tpu.vector_load_idx %arg5[%broadcast_in_dim3A, %iota3A, %add3A_765] : memref<2x16x769xf32, #tpu.memory_space<vmem>>[vector<16xi32>, vector<16xi32>, vector<16xi32>], vector<16xf32>,
        %add3A_767 = arith.addi %add3A_765, %broadcast_in_dim3A_169 : vector<16xi32>
        %gather3A_768 = tpu.vector_load_idx %arg5[%broadcast_in_dim3A, %iota3A, %add3A_767] : memref<2x16x769xf32, #tpu.memory_space<vmem>>[vector<16xi32>, vector<16xi32>, vector<16xi32>], vector<16xf32>,
        %add3A_769 = arith.addi %add3A_767, %broadcast_in_dim3A_169 : vector<16xi32>
        %gather3A_770 = tpu.vector_load_idx %arg5[%broadcast_in_dim3A, %iota3A, %add3A_769] : memref<2x16x769xf32, #tpu.memory_space<vmem>>[vector<16xi32>, vector<16xi32>, vector<16xi32>], vector<16xf32>,
        %add3A_771 = arith.addi %add3A_769, %broadcast_in_dim3A_169 : vector<16xi32>
        %gather3A_772 = tpu.vector_load_idx %arg5[%broadcast_in_dim3A, %iota3A, %add3A_771] : memref<2x16x769xf32, #tpu.memory_space<vmem>>[vector<16xi32>, vector<16xi32>, vector<16xi32>], vector<16xf32>,
        %add3A_773 = arith.addi %add3A_771, %broadcast_in_dim3A_169 : vector<16xi32>
        %gather3A_774 = tpu.vector_load_idx %arg5[%broadcast_in_dim3A, %iota3A, %add3A_773] : memref<2x16x769xf32, #tpu.memory_space<vmem>>[vector<16xi32>, vector<16xi32>, vector<16xi32>], vector<16xf32>,
        %add3A_775 = arith.addi %add3A_773, %broadcast_in_dim3A_169 : vector<16xi32>
        %gather3A_776 = tpu.vector_load_idx %arg5[%broadcast_in_dim3A, %iota3A, %add3A_775] : memref<2x16x769xf32, #tpu.memory_space<vmem>>[vector<16xi32>, vector<16xi32>, vector<16xi32>], vector<16xf32>,
        %add3A_777 = arith.addi %add3A_775, %broadcast_in_dim3A_169 : vector<16xi32>
        %gather3A_778 = tpu.vector_load_idx %arg5[%broadcast_in_dim3A, %iota3A, %add3A_777] : memref<2x16x769xf32, #tpu.memory_space<vmem>>[vector<16xi32>, vector<16xi32>, vector<16xi32>], vector<16xf32>,
        %add3A_779 = arith.addi %add3A_777, %broadcast_in_dim3A_169 : vector<16xi32>
        %gather3A_780 = tpu.vector_load_idx %arg5[%broadcast_in_dim3A, %iota3A, %add3A_779] : memref<2x16x769xf32, #tpu.memory_space<vmem>>[vector<16xi32>, vector<16xi32>, vector<16xi32>], vector<16xf32>,
        %add3A_781 = arith.addi %add3A_779, %broadcast_in_dim3A_169 : vector<16xi32>
        %gather3A_782 = tpu.vector_load_idx %arg5[%broadcast_in_dim3A, %iota3A, %add3A_781] : memref<2x16x769xf32, #tpu.memory_space<vmem>>[vector<16xi32>, vector<16xi32>, vector<16xi32>], vector<16xf32>,
        %add3A_783 = arith.addi %add3A_781, %broadcast_in_dim3A_169 : vector<16xi32>
        %gather3A_784 = tpu.vector_load_idx %arg5[%broadcast_in_dim3A, %iota3A, %add3A_783] : memref<2x16x769xf32, #tpu.memory_space<vmem>>[vector<16xi32>, vector<16xi32>, vector<16xi32>], vector<16xf32>,
        %add3A_785 = arith.addi %add3A_783, %broadcast_in_dim3A_169 : vector<16xi32>
        %shift_right_arithmetic3A_786 = arith.constant 3 : i32
        %shift_right_arithmetic3A_787 = vector.broadcast %shift_right_arithmetic3A_786 : i32 to vector<16xi32>
        %shift_right_arithmetic3A_788 = arith.shrsi %add3A_705, %shift_right_arithmetic3A_787 : vector<16xi32>
        tpu.vector_store_idx %arg6[%broadcast_in_dim3A, %shift_right_arithmetic3A_788, %add3A_146], %gather3A_754 : memref<2x96x128xf32, #tpu.memory_space<vmem>>[vector<16xi32>, vector<16xi32>, vector<16xi32>], vector<16xf32>,
        %shift_right_arithmetic3A_789 = arith.constant 3 : i32
        %shift_right_arithmetic3A_790 = vector.broadcast %shift_right_arithmetic3A_789 : i32 to vector<16xi32>
        %shift_right_arithmetic3A_791 = arith.shrsi %add3A_755, %shift_right_arithmetic3A_790 : vector<16xi32>
        tpu.vector_store_idx %arg6[%broadcast_in_dim3A, %shift_right_arithmetic3A_791, %add3A_149], %gather3A_756 : memref<2x96x128xf32, #tpu.memory_space<vmem>>[vector<16xi32>, vector<16xi32>, vector<16xi32>], vector<16xf32>,
        %shift_right_arithmetic3A_792 = arith.constant 3 : i32
        %shift_right_arithmetic3A_793 = vector.broadcast %shift_right_arithmetic3A_792 : i32 to vector<16xi32>
        %shift_right_arithmetic3A_794 = arith.shrsi %add3A_757, %shift_right_arithmetic3A_793 : vector<16xi32>
        tpu.vector_store_idx %arg6[%broadcast_in_dim3A, %shift_right_arithmetic3A_794, %add3A_152], %gather3A_758 : memref<2x96x128xf32, #tpu.memory_space<vmem>>[vector<16xi32>, vector<16xi32>, vector<16xi32>], vector<16xf32>,
        %shift_right_arithmetic3A_795 = arith.constant 3 : i32
        %shift_right_arithmetic3A_796 = vector.broadcast %shift_right_arithmetic3A_795 : i32 to vector<16xi32>
        %shift_right_arithmetic3A_797 = arith.shrsi %add3A_759, %shift_right_arithmetic3A_796 : vector<16xi32>
        tpu.vector_store_idx %arg6[%broadcast_in_dim3A, %shift_right_arithmetic3A_797, %add3A_155], %gather3A_760 : memref<2x96x128xf32, #tpu.memory_space<vmem>>[vector<16xi32>, vector<16xi32>, vector<16xi32>], vector<16xf32>,
        %shift_right_arithmetic3A_798 = arith.constant 3 : i32
        %shift_right_arithmetic3A_799 = vector.broadcast %shift_right_arithmetic3A_798 : i32 to vector<16xi32>
        %shift_right_arithmetic3A_800 = arith.shrsi %add3A_761, %shift_right_arithmetic3A_799 : vector<16xi32>
        tpu.vector_store_idx %arg6[%broadcast_in_dim3A, %shift_right_arithmetic3A_800, %add3A_158], %gather3A_762 : memref<2x96x128xf32, #tpu.memory_space<vmem>>[vector<16xi32>, vector<16xi32>, vector<16xi32>], vector<16xf32>,
        %shift_right_arithmetic3A_801 = arith.constant 3 : i32
        %shift_right_arithmetic3A_802 = vector.broadcast %shift_right_arithmetic3A_801 : i32 to vector<16xi32>
        %shift_right_arithmetic3A_803 = arith.shrsi %add3A_763, %shift_right_arithmetic3A_802 : vector<16xi32>
        tpu.vector_store_idx %arg6[%broadcast_in_dim3A, %shift_right_arithmetic3A_803, %add3A_161], %gather3A_764 : memref<2x96x128xf32, #tpu.memory_space<vmem>>[vector<16xi32>, vector<16xi32>, vector<16xi32>], vector<16xf32>,
        %shift_right_arithmetic3A_804 = arith.constant 3 : i32
        %shift_right_arithmetic3A_805 = vector.broadcast %shift_right_arithmetic3A_804 : i32 to vector<16xi32>
        %shift_right_arithmetic3A_806 = arith.shrsi %add3A_765, %shift_right_arithmetic3A_805 : vector<16xi32>
        tpu.vector_store_idx %arg6[%broadcast_in_dim3A, %shift_right_arithmetic3A_806, %add3A_164], %gather3A_766 : memref<2x96x128xf32, #tpu.memory_space<vmem>>[vector<16xi32>, vector<16xi32>, vector<16xi32>], vector<16xf32>,
        %shift_right_arithmetic3A_807 = arith.constant 3 : i32
        %shift_right_arithmetic3A_808 = vector.broadcast %shift_right_arithmetic3A_807 : i32 to vector<16xi32>
        %shift_right_arithmetic3A_809 = arith.shrsi %add3A_767, %shift_right_arithmetic3A_808 : vector<16xi32>
        tpu.vector_store_idx %arg6[%broadcast_in_dim3A, %shift_right_arithmetic3A_809, %add3A_167], %gather3A_768 : memref<2x96x128xf32, #tpu.memory_space<vmem>>[vector<16xi32>, vector<16xi32>, vector<16xi32>], vector<16xf32>,
        %shift_right_arithmetic3A_810 = arith.constant 3 : i32
        %shift_right_arithmetic3A_811 = vector.broadcast %shift_right_arithmetic3A_810 : i32 to vector<16xi32>
        %shift_right_arithmetic3A_812 = arith.shrsi %add3A_769, %shift_right_arithmetic3A_811 : vector<16xi32>
        tpu.vector_store_idx %arg6[%broadcast_in_dim3A, %shift_right_arithmetic3A_812, %add3A_146], %gather3A_770 : memref<2x96x128xf32, #tpu.memory_space<vmem>>[vector<16xi32>, vector<16xi32>, vector<16xi32>], vector<16xf32>,
        %shift_right_arithmetic3A_813 = arith.constant 3 : i32
        %shift_right_arithmetic3A_814 = vector.broadcast %shift_right_arithmetic3A_813 : i32 to vector<16xi32>
        %shift_right_arithmetic3A_815 = arith.shrsi %add3A_771, %shift_right_arithmetic3A_814 : vector<16xi32>
        tpu.vector_store_idx %arg6[%broadcast_in_dim3A, %shift_right_arithmetic3A_815, %add3A_149], %gather3A_772 : memref<2x96x128xf32, #tpu.memory_space<vmem>>[vector<16xi32>, vector<16xi32>, vector<16xi32>], vector<16xf32>,
        %shift_right_arithmetic3A_816 = arith.constant 3 : i32
        %shift_right_arithmetic3A_817 = vector.broadcast %shift_right_arithmetic3A_816 : i32 to vector<16xi32>
        %shift_right_arithmetic3A_818 = arith.shrsi %add3A_773, %shift_right_arithmetic3A_817 : vector<16xi32>
        tpu.vector_store_idx %arg6[%broadcast_in_dim3A, %shift_right_arithmetic3A_818, %add3A_152], %gather3A_774 : memref<2x96x128xf32, #tpu.memory_space<vmem>>[vector<16xi32>, vector<16xi32>, vector<16xi32>], vector<16xf32>,
        %shift_right_arithmetic3A_819 = arith.constant 3 : i32
        %shift_right_arithmetic3A_820 = vector.broadcast %shift_right_arithmetic3A_819 : i32 to vector<16xi32>
        %shift_right_arithmetic3A_821 = arith.shrsi %add3A_775, %shift_right_arithmetic3A_820 : vector<16xi32>
        tpu.vector_store_idx %arg6[%broadcast_in_dim3A, %shift_right_arithmetic3A_821, %add3A_155], %gather3A_776 : memref<2x96x128xf32, #tpu.memory_space<vmem>>[vector<16xi32>, vector<16xi32>, vector<16xi32>], vector<16xf32>,
        %shift_right_arithmetic3A_822 = arith.constant 3 : i32
        %shift_right_arithmetic3A_823 = vector.broadcast %shift_right_arithmetic3A_822 : i32 to vector<16xi32>
        %shift_right_arithmetic3A_824 = arith.shrsi %add3A_777, %shift_right_arithmetic3A_823 : vector<16xi32>
        tpu.vector_store_idx %arg6[%broadcast_in_dim3A, %shift_right_arithmetic3A_824, %add3A_158], %gather3A_778 : memref<2x96x128xf32, #tpu.memory_space<vmem>>[vector<16xi32>, vector<16xi32>, vector<16xi32>], vector<16xf32>,
        %shift_right_arithmetic3A_825 = arith.constant 3 : i32
        %shift_right_arithmetic3A_826 = vector.broadcast %shift_right_arithmetic3A_825 : i32 to vector<16xi32>
        %shift_right_arithmetic3A_827 = arith.shrsi %add3A_779, %shift_right_arithmetic3A_826 : vector<16xi32>
        tpu.vector_store_idx %arg6[%broadcast_in_dim3A, %shift_right_arithmetic3A_827, %add3A_161], %gather3A_780 : memref<2x96x128xf32, #tpu.memory_space<vmem>>[vector<16xi32>, vector<16xi32>, vector<16xi32>], vector<16xf32>,
        %shift_right_arithmetic3A_828 = arith.constant 3 : i32
        %shift_right_arithmetic3A_829 = vector.broadcast %shift_right_arithmetic3A_828 : i32 to vector<16xi32>
        %shift_right_arithmetic3A_830 = arith.shrsi %add3A_781, %shift_right_arithmetic3A_829 : vector<16xi32>
        tpu.vector_store_idx %arg6[%broadcast_in_dim3A, %shift_right_arithmetic3A_830, %add3A_164], %gather3A_782 : memref<2x96x128xf32, #tpu.memory_space<vmem>>[vector<16xi32>, vector<16xi32>, vector<16xi32>], vector<16xf32>,
        %shift_right_arithmetic3A_831 = arith.constant 3 : i32
        %shift_right_arithmetic3A_832 = vector.broadcast %shift_right_arithmetic3A_831 : i32 to vector<16xi32>
        %shift_right_arithmetic3A_833 = arith.shrsi %add3A_783, %shift_right_arithmetic3A_832 : vector<16xi32>
        tpu.vector_store_idx %arg6[%broadcast_in_dim3A, %shift_right_arithmetic3A_833, %add3A_167], %gather3A_784 : memref<2x96x128xf32, #tpu.memory_space<vmem>>[vector<16xi32>, vector<16xi32>, vector<16xi32>], vector<16xf32>,
        scf.yield %add3A_785 : vector<16xi32>
      }
      %scan3A_176 = arith.constant 6 : i32
      %add3A_177 = arith.addi %add3A_8, %while3A_101 : i32
      %mul3A_178 = arith.constant 96 : i32
      %mul3A_179 = arith.muli %add3A_177, %mul3A_178 : i32
      %dma_start3A_180 = arith.constant 0 : i32
      %dma_start3A_181 = arith.constant 0 : i32
      %dma_start3A_182 = tpu.memref_slice %arg6[%select_n3A_117, %dma_start3A_180, %dma_start3A_181] : memref<2x96x128xf32, #tpu.memory_space<vmem>> -> memref<1x96x128xf32, #tpu.memory_space<vmem>>
      %dma_start3A_183 = tpu.memref_squeeze %dma_start3A_182 : memref<1x96x128xf32, #tpu.memory_space<vmem>> -> memref<96x128xf32, #tpu.memory_space<vmem>>
      %dma_start3A_184 = arith.constant 0 : i32
      %dma_start3A_185 = tpu.memref_slice %arg4[%mul3A_179, %dma_start3A_184] : memref<125000x128xf32, #tpu.memory_space<hbm>> -> memref<96x128xf32, #tpu.memory_space<hbm>>
      %dma_start3A_186 = tpu.memref_slice %arg8[%select_n3A_117] : memref<2x!tpu.dma_semaphore, #tpu.memory_space<semaphore_mem>> -> memref<1x!tpu.dma_semaphore, #tpu.memory_space<semaphore_mem>>
      %dma_start3A_187 = tpu.memref_squeeze %dma_start3A_186 : memref<1x!tpu.dma_semaphore, #tpu.memory_space<semaphore_mem>> -> memref<!tpu.dma_semaphore, #tpu.memory_space<semaphore_mem>>
      %dma_start3A_188 = arith.constant 0 : i32
      %dma_start3A_189 = tpu.memref_slice %arg4[%mul3A_179, %dma_start3A_188] : memref<125000x128xf32, #tpu.memory_space<hbm>> -> memref<96x128xf32, #tpu.memory_space<hbm>>
      %dma_start3A_190 = arith.constant 0 : i32
      %dma_start3A_191 = arith.constant 0 : i32
      %dma_start3A_192 = tpu.memref_slice %arg6[%select_n3A_117, %dma_start3A_190, %dma_start3A_191] : memref<2x96x128xf32, #tpu.memory_space<vmem>> -> memref<1x96x128xf32, #tpu.memory_space<vmem>>
      %dma_start3A_193 = tpu.memref_squeeze %dma_start3A_192 : memref<1x96x128xf32, #tpu.memory_space<vmem>> -> memref<96x128xf32, #tpu.memory_space<vmem>>
      tpu.enqueue_dma source(%dma_start3A_193 : memref<96x128xf32, #tpu.memory_space<vmem>>) target(%dma_start3A_189 : memref<96x128xf32, #tpu.memory_space<hbm>>) target_semaphore(%dma_start3A_187 : memref<!tpu.dma_semaphore, #tpu.memory_space<semaphore_mem>>)
    }
    %while3A_36 = arith.constant 1 : i32
    scf.for %while3A_101 = %while3A_34 to %while3A_30 step %while3A_36  : i32 {
      %jit3A_102 = arith.constant 2 : i32
      %eq3A_103 = arith.constant 0 : i32
      %eq3A_104 = arith.cmpi eq, %jit3A_102, %eq3A_103 : i32
      %jit3A_105 = arith.constant 1 : i32
      %select_n3A_106 = arith.select %eq3A_104, %jit3A_105, %jit3A_102 : i32
      %rem3A_107 = arith.remsi %while3A_101, %select_n3A_106 : i32
      %ne3A_108 = arith.constant 0 : i32
      %ne3A_109 = arith.cmpi ne, %rem3A_107, %ne3A_108 : i32
      %lt3A_110 = arith.constant 0 : i32
      %lt3A_111 = arith.cmpi slt, %rem3A_107, %lt3A_110 : i32
      %lt3A_112 = arith.constant 0 : i32
      %lt3A_113 = arith.cmpi slt, %select_n3A_106, %lt3A_112 : i32
      %ne3A_114 = arith.xori %lt3A_111, %lt3A_113 : i1
      %and3A_115 = arith.andi %ne3A_114, %ne3A_109 : i1
      %add3A_116 = arith.addi %rem3A_107, %select_n3A_106 : i32
      %select_n3A_117 = arith.select %and3A_115, %add3A_116, %rem3A_107 : i32
      %add3A_118 = arith.constant 1 : i32
      %add3A_119 = arith.addi %while3A_101, %add3A_118 : i32
      %lt3A_120 = arith.cmpi slt, %add3A_119, %add3A_4 : i32
      %convert_element_type3A_121 = arith.extui %lt3A_120 : i1 to i32
      %cond3A_122 = arith.constant 0 : i32
      %cond3A_123 = arith.cmpi ne, %convert_element_type3A_121, %cond3A_122 : i32
      scf.if %cond3A_123 {
        %add3A_194 = arith.constant 1 : i32
        %add3A_195 = arith.addi %while3A_101, %add3A_194 : i32
        %add3A_196 = arith.constant 1 : i32
        %add3A_197 = arith.addi %while3A_101, %add3A_196 : i32
        %jit3A_198 = arith.constant 2 : i32
        %eq3A_199 = arith.constant 0 : i32
        %eq3A_200 = arith.cmpi eq, %jit3A_198, %eq3A_199 : i32
        %jit3A_201 = arith.constant 1 : i32
        %select_n3A_202 = arith.select %eq3A_200, %jit3A_201, %jit3A_198 : i32
        %rem3A_203 = arith.remsi %add3A_197, %select_n3A_202 : i32
        %ne3A_204 = arith.constant 0 : i32
        %ne3A_205 = arith.cmpi ne, %rem3A_203, %ne3A_204 : i32
        %lt3A_206 = arith.constant 0 : i32
        %lt3A_207 = arith.cmpi slt, %rem3A_203, %lt3A_206 : i32
        %lt3A_208 = arith.constant 0 : i32
        %lt3A_209 = arith.cmpi slt, %select_n3A_202, %lt3A_208 : i32
        %ne3A_210 = arith.xori %lt3A_207, %lt3A_209 : i1
        %and3A_211 = arith.andi %ne3A_210, %ne3A_205 : i1
        %add3A_212 = arith.addi %rem3A_203, %select_n3A_202 : i32
        %select_n3A_213 = arith.select %and3A_211, %add3A_212, %rem3A_203 : i32
        %add3A_214 = arith.addi %add3A_8, %add3A_195 : i32
        %mul3A_215 = arith.constant 768 : i32
        %mul3A_216 = arith.muli %add3A_214, %mul3A_215 : i32
        %dma_start3A_217 = arith.constant 0 : i32
        %dma_start3A_218 = arith.constant 0 : i32
        %dma_start3A_219 = tpu.memref_slice %arg5[%select_n3A_213, %dma_start3A_217, %dma_start3A_218] : memref<2x16x769xf32, #tpu.memory_space<vmem>> -> memref<1x16x768xf32, #tpu.memory_space<vmem>>
        %dma_start3A_220 = tpu.memref_squeeze %dma_start3A_219 : memref<1x16x768xf32, #tpu.memory_space<vmem>> -> memref<16x768xf32, #tpu.memory_space<vmem>>
        %dma_start3A_221 = arith.constant 0 : i32
        %dma_start3A_222 = tpu.memref_slice %arg2[%dma_start3A_221, %mul3A_216] : memref<16x1000000xf32, #tpu.memory_space<hbm>> -> memref<16x768xf32, #tpu.memory_space<hbm>>
        %dma_start3A_223 = tpu.memref_slice %arg7[%select_n3A_213] : memref<2x!tpu.dma_semaphore, #tpu.memory_space<semaphore_mem>> -> memref<1x!tpu.dma_semaphore, #tpu.memory_space<semaphore_mem>>
        %dma_start3A_224 = tpu.memref_squeeze %dma_start3A_223 : memref<1x!tpu.dma_semaphore, #tpu.memory_space<semaphore_mem>> -> memref<!tpu.dma_semaphore, #tpu.memory_space<semaphore_mem>>
        %dma_start3A_225 = arith.constant 0 : i32
        %dma_start3A_226 = arith.constant 0 : i32
        %dma_start3A_227 = tpu.memref_slice %arg5[%select_n3A_213, %dma_start3A_225, %dma_start3A_226] : memref<2x16x769xf32, #tpu.memory_space<vmem>> -> memref<1x16x768xf32, #tpu.memory_space<vmem>>
        %dma_start3A_228 = tpu.memref_squeeze %dma_start3A_227 : memref<1x16x768xf32, #tpu.memory_space<vmem>> -> memref<16x768xf32, #tpu.memory_space<vmem>>
        %dma_start3A_229 = arith.constant 0 : i32
        %dma_start3A_230 = tpu.memref_slice %arg2[%dma_start3A_229, %mul3A_216] : memref<16x1000000xf32, #tpu.memory_space<hbm>> -> memref<16x768xf32, #tpu.memory_space<hbm>>
        tpu.enqueue_dma source(%dma_start3A_230 : memref<16x768xf32, #tpu.memory_space<hbm>>) target(%dma_start3A_228 : memref<16x768xf32, #tpu.memory_space<vmem>>) target_semaphore(%dma_start3A_224 : memref<!tpu.dma_semaphore, #tpu.memory_space<semaphore_mem>>)
      } else {
      }
      %dma_wait3A_124 = arith.constant 0 : i32
      %dma_wait3A_125 = arith.constant 0 : i32
      %dma_wait3A_126 = tpu.memref_slice %arg5[%select_n3A_117, %dma_wait3A_124, %dma_wait3A_125] : memref<2x16x769xf32, #tpu.memory_space<vmem>> -> memref<1x16x768xf32, #tpu.memory_space<vmem>>
      %dma_wait3A_127 = tpu.memref_squeeze %dma_wait3A_126 : memref<1x16x768xf32, #tpu.memory_space<vmem>> -> memref<16x768xf32, #tpu.memory_space<vmem>>
      %dma_wait3A_128 = arith.constant 0 : i32
      %dma_wait3A_129 = arith.constant 0 : i32
      %dma_wait3A_130 = tpu.memref_slice %arg2[%dma_wait3A_128, %dma_wait3A_129] : memref<16x1000000xf32, #tpu.memory_space<hbm>> -> memref<16x768xf32, #tpu.memory_space<hbm>>
      %dma_wait3A_131 = tpu.memref_slice %arg7[%select_n3A_117] : memref<2x!tpu.dma_semaphore, #tpu.memory_space<semaphore_mem>> -> memref<1x!tpu.dma_semaphore, #tpu.memory_space<semaphore_mem>>
      %dma_wait3A_132 = tpu.memref_squeeze %dma_wait3A_131 : memref<1x!tpu.dma_semaphore, #tpu.memory_space<semaphore_mem>> -> memref<!tpu.dma_semaphore, #tpu.memory_space<semaphore_mem>>
      %dma_wait3A_133 = arith.constant 0 : i32
      %dma_wait3A_134 = arith.constant 0 : i32
      %dma_wait3A_135 = tpu.memref_slice %arg5[%select_n3A_117, %dma_wait3A_133, %dma_wait3A_134] : memref<2x16x769xf32, #tpu.memory_space<vmem>> -> memref<1x16x768xf32, #tpu.memory_space<vmem>>
      %dma_wait3A_136 = tpu.memref_squeeze %dma_wait3A_135 : memref<1x16x768xf32, #tpu.memory_space<vmem>> -> memref<16x768xf32, #tpu.memory_space<vmem>>
      %dma_wait3A_137 = arith.constant 0 : i32
      %dma_wait3A_138 = arith.constant 0 : i32
      %dma_wait3A_139 = tpu.memref_slice %arg2[%dma_wait3A_137, %dma_wait3A_138] : memref<16x1000000xf32, #tpu.memory_space<hbm>> -> memref<16x768xf32, #tpu.memory_space<hbm>>
      tpu.wait_dma2 semaphore(%dma_wait3A_132 : memref<!tpu.dma_semaphore, #tpu.memory_space<semaphore_mem>>) src(%dma_wait3A_139 : memref<16x768xf32, #tpu.memory_space<hbm>>) dst(%dma_wait3A_136 : memref<16x768xf32, #tpu.memory_space<vmem>>)
      %ge3A = arith.constant 2 : i32
      %ge3A_140 = arith.cmpi sge, %while3A_101, %ge3A : i32
      %convert_element_type3A_141 = arith.extui %ge3A_140 : i1 to i32
      %cond3A_142 = arith.constant 0 : i32
      %cond3A_143 = arith.cmpi ne, %convert_element_type3A_141, %cond3A_142 : i32
      scf.if %cond3A_143 {
        %dma_wait3A_194 = arith.constant 0 : i32
        %dma_wait3A_195 = arith.constant 0 : i32
        %dma_wait3A_196 = tpu.memref_slice %arg6[%select_n3A_117, %dma_wait3A_194, %dma_wait3A_195] : memref<2x96x128xf32, #tpu.memory_space<vmem>> -> memref<1x96x128xf32, #tpu.memory_space<vmem>>
        %dma_wait3A_197 = tpu.memref_squeeze %dma_wait3A_196 : memref<1x96x128xf32, #tpu.memory_space<vmem>> -> memref<96x128xf32, #tpu.memory_space<vmem>>
        %dma_wait3A_198 = arith.constant 0 : i32
        %dma_wait3A_199 = arith.constant 0 : i32
        %dma_wait3A_200 = tpu.memref_slice %arg4[%dma_wait3A_198, %dma_wait3A_199] : memref<125000x128xf32, #tpu.memory_space<hbm>> -> memref<96x128xf32, #tpu.memory_space<hbm>>
        %dma_wait3A_201 = tpu.memref_slice %arg8[%select_n3A_117] : memref<2x!tpu.dma_semaphore, #tpu.memory_space<semaphore_mem>> -> memref<1x!tpu.dma_semaphore, #tpu.memory_space<semaphore_mem>>
        %dma_wait3A_202 = tpu.memref_squeeze %dma_wait3A_201 : memref<1x!tpu.dma_semaphore, #tpu.memory_space<semaphore_mem>> -> memref<!tpu.dma_semaphore, #tpu.memory_space<semaphore_mem>>
        %dma_wait3A_203 = arith.constant 0 : i32
        %dma_wait3A_204 = arith.constant 0 : i32
        %dma_wait3A_205 = tpu.memref_slice %arg4[%dma_wait3A_203, %dma_wait3A_204] : memref<125000x128xf32, #tpu.memory_space<hbm>> -> memref<96x128xf32, #tpu.memory_space<hbm>>
        %dma_wait3A_206 = arith.constant 0 : i32
        %dma_wait3A_207 = arith.constant 0 : i32
        %dma_wait3A_208 = tpu.memref_slice %arg6[%select_n3A_117, %dma_wait3A_206, %dma_wait3A_207] : memref<2x96x128xf32, #tpu.memory_space<vmem>> -> memref<1x96x128xf32, #tpu.memory_space<vmem>>
        %dma_wait3A_209 = tpu.memref_squeeze %dma_wait3A_208 : memref<1x96x128xf32, #tpu.memory_space<vmem>> -> memref<96x128xf32, #tpu.memory_space<vmem>>
        tpu.wait_dma2 semaphore(%dma_wait3A_202 : memref<!tpu.dma_semaphore, #tpu.memory_space<semaphore_mem>>) src(%dma_wait3A_209 : memref<96x128xf32, #tpu.memory_space<vmem>>) dst(%dma_wait3A_205 : memref<96x128xf32, #tpu.memory_space<hbm>>)
      } else {
      }
      %broadcast_in_dim3A = vector.broadcast %select_n3A_117 : i32 to vector<16xi32>
      %add3A_144 = arith.constant 0 : i32
      %add3A_145 = vector.broadcast %add3A_144 : i32 to vector<16xi32>
      %add3A_146 = arith.addi %iota3A, %add3A_145 : vector<16xi32>
      %add3A_147 = arith.constant 16 : i32
      %add3A_148 = vector.broadcast %add3A_147 : i32 to vector<16xi32>
      %add3A_149 = arith.addi %iota3A, %add3A_148 : vector<16xi32>
      %add3A_150 = arith.constant 32 : i32
      %add3A_151 = vector.broadcast %add3A_150 : i32 to vector<16xi32>
      %add3A_152 = arith.addi %iota3A, %add3A_151 : vector<16xi32>
      %add3A_153 = arith.constant 48 : i32
      %add3A_154 = vector.broadcast %add3A_153 : i32 to vector<16xi32>
      %add3A_155 = arith.addi %iota3A, %add3A_154 : vector<16xi32>
      %add3A_156 = arith.constant 64 : i32
      %add3A_157 = vector.broadcast %add3A_156 : i32 to vector<16xi32>
      %add3A_158 = arith.addi %iota3A, %add3A_157 : vector<16xi32>
      %add3A_159 = arith.constant 80 : i32
      %add3A_160 = vector.broadcast %add3A_159 : i32 to vector<16xi32>
      %add3A_161 = arith.addi %iota3A, %add3A_160 : vector<16xi32>
      %add3A_162 = arith.constant 96 : i32
      %add3A_163 = vector.broadcast %add3A_162 : i32 to vector<16xi32>
      %add3A_164 = arith.addi %iota3A, %add3A_163 : vector<16xi32>
      %add3A_165 = arith.constant 112 : i32
      %add3A_166 = vector.broadcast %add3A_165 : i32 to vector<16xi32>
      %add3A_167 = arith.addi %iota3A, %add3A_166 : vector<16xi32>
      %broadcast_in_dim3A_168 = arith.constant 1 : i32
      %broadcast_in_dim3A_169 = vector.broadcast %broadcast_in_dim3A_168 : i32 to vector<16xi32>
      %broadcast_in_dim3A_170 = arith.constant 0 : i32
      %broadcast_in_dim3A_171 = vector.broadcast %broadcast_in_dim3A_170 : i32 to vector<16xi32>
      %scan3A = arith.constant 0 : i32
      %scan3A_172 = arith.constant 6 : i32
      %scan3A_173 = arith.addi %scan3A, %scan3A_172 : i32
      %scan3A_174 = arith.constant 1 : i32
      %scan3A_175 = scf.for %scan3A_194 = %scan3A to %scan3A_173 step %scan3A_174 iter_args(%scan3A_195 = %broadcast_in_dim3A_171) -> (vector<16xi32>)  : i32 {
        %gather3A = tpu.vector_load_idx %arg5[%broadcast_in_dim3A, %iota3A, %scan3A_195] : memref<2x16x769xf32, #tpu.memory_space<vmem>>[vector<16xi32>, vector<16xi32>, vector<16xi32>], vector<16xf32>,
        %add3A_196 = arith.addi %scan3A_195, %broadcast_in_dim3A_169 : vector<16xi32>
        %gather3A_197 = tpu.vector_load_idx %arg5[%broadcast_in_dim3A, %iota3A, %add3A_196] : memref<2x16x769xf32, #tpu.memory_space<vmem>>[vector<16xi32>, vector<16xi32>, vector<16xi32>], vector<16xf32>,
        %add3A_198 = arith.addi %add3A_196, %broadcast_in_dim3A_169 : vector<16xi32>
        %gather3A_199 = tpu.vector_load_idx %arg5[%broadcast_in_dim3A, %iota3A, %add3A_198] : memref<2x16x769xf32, #tpu.memory_space<vmem>>[vector<16xi32>, vector<16xi32>, vector<16xi32>], vector<16xf32>,
        %add3A_200 = arith.addi %add3A_198, %broadcast_in_dim3A_169 : vector<16xi32>
        %gather3A_201 = tpu.vector_load_idx %arg5[%broadcast_in_dim3A, %iota3A, %add3A_200] : memref<2x16x769xf32, #tpu.memory_space<vmem>>[vector<16xi32>, vector<16xi32>, vector<16xi32>], vector<16xf32>,
        %add3A_202 = arith.addi %add3A_200, %broadcast_in_dim3A_169 : vector<16xi32>
        %gather3A_203 = tpu.vector_load_idx %arg5[%broadcast_in_dim3A, %iota3A, %add3A_202] : memref<2x16x769xf32, #tpu.memory_space<vmem>>[vector<16xi32>, vector<16xi32>, vector<16xi32>], vector<16xf32>,
        %add3A_204 = arith.addi %add3A_202, %broadcast_in_dim3A_169 : vector<16xi32>
        %gather3A_205 = tpu.vector_load_idx %arg5[%broadcast_in_dim3A, %iota3A, %add3A_204] : memref<2x16x769xf32, #tpu.memory_space<vmem>>[vector<16xi32>, vector<16xi32>, vector<16xi32>], vector<16xf32>,
        %add3A_206 = arith.addi %add3A_204, %broadcast_in_dim3A_169 : vector<16xi32>
        %gather3A_207 = tpu.vector_load_idx %arg5[%broadcast_in_dim3A, %iota3A, %add3A_206] : memref<2x16x769xf32, #tpu.memory_space<vmem>>[vector<16xi32>, vector<16xi32>, vector<16xi32>], vector<16xf32>,
        %add3A_208 = arith.addi %add3A_206, %broadcast_in_dim3A_169 : vector<16xi32>
        %gather3A_209 = tpu.vector_load_idx %arg5[%broadcast_in_dim3A, %iota3A, %add3A_208] : memref<2x16x769xf32, #tpu.memory_space<vmem>>[vector<16xi32>, vector<16xi32>, vector<16xi32>], vector<16xf32>,
        %add3A_210 = arith.addi %add3A_208, %broadcast_in_dim3A_169 : vector<16xi32>
        %gather3A_211 = tpu.vector_load_idx %arg5[%broadcast_in_dim3A, %iota3A, %add3A_210] : memref<2x16x769xf32, #tpu.memory_space<vmem>>[vector<16xi32>, vector<16xi32>, vector<16xi32>], vector<16xf32>,
        %add3A_212 = arith.addi %add3A_210, %broadcast_in_dim3A_169 : vector<16xi32>
        %gather3A_213 = tpu.vector_load_idx %arg5[%broadcast_in_dim3A, %iota3A, %add3A_212] : memref<2x16x769xf32, #tpu.memory_space<vmem>>[vector<16xi32>, vector<16xi32>, vector<16xi32>], vector<16xf32>,
        %add3A_214 = arith.addi %add3A_212, %broadcast_in_dim3A_169 : vector<16xi32>
        %gather3A_215 = tpu.vector_load_idx %arg5[%broadcast_in_dim3A, %iota3A, %add3A_214] : memref<2x16x769xf32, #tpu.memory_space<vmem>>[vector<16xi32>, vector<16xi32>, vector<16xi32>], vector<16xf32>,
        %add3A_216 = arith.addi %add3A_214, %broadcast_in_dim3A_169 : vector<16xi32>
        %gather3A_217 = tpu.vector_load_idx %arg5[%broadcast_in_dim3A, %iota3A, %add3A_216] : memref<2x16x769xf32, #tpu.memory_space<vmem>>[vector<16xi32>, vector<16xi32>, vector<16xi32>], vector<16xf32>,
        %add3A_218 = arith.addi %add3A_216, %broadcast_in_dim3A_169 : vector<16xi32>
        %gather3A_219 = tpu.vector_load_idx %arg5[%broadcast_in_dim3A, %iota3A, %add3A_218] : memref<2x16x769xf32, #tpu.memory_space<vmem>>[vector<16xi32>, vector<16xi32>, vector<16xi32>], vector<16xf32>,
        %add3A_220 = arith.addi %add3A_218, %broadcast_in_dim3A_169 : vector<16xi32>
        %gather3A_221 = tpu.vector_load_idx %arg5[%broadcast_in_dim3A, %iota3A, %add3A_220] : memref<2x16x769xf32, #tpu.memory_space<vmem>>[vector<16xi32>, vector<16xi32>, vector<16xi32>], vector<16xf32>,
        %add3A_222 = arith.addi %add3A_220, %broadcast_in_dim3A_169 : vector<16xi32>
        %gather3A_223 = tpu.vector_load_idx %arg5[%broadcast_in_dim3A, %iota3A, %add3A_222] : memref<2x16x769xf32, #tpu.memory_space<vmem>>[vector<16xi32>, vector<16xi32>, vector<16xi32>], vector<16xf32>,
        %add3A_224 = arith.addi %add3A_222, %broadcast_in_dim3A_169 : vector<16xi32>
        %gather3A_225 = tpu.vector_load_idx %arg5[%broadcast_in_dim3A, %iota3A, %add3A_224] : memref<2x16x769xf32, #tpu.memory_space<vmem>>[vector<16xi32>, vector<16xi32>, vector<16xi32>], vector<16xf32>,
        %add3A_226 = arith.addi %add3A_224, %broadcast_in_dim3A_169 : vector<16xi32>
        %shift_right_arithmetic3A = arith.constant 3 : i32
        %shift_right_arithmetic3A_227 = vector.broadcast %shift_right_arithmetic3A : i32 to vector<16xi32>
        %shift_right_arithmetic3A_228 = arith.shrsi %scan3A_195, %shift_right_arithmetic3A_227 : vector<16xi32>
        tpu.vector_store_idx %arg6[%broadcast_in_dim3A, %shift_right_arithmetic3A_228, %add3A_146], %gather3A : memref<2x96x128xf32, #tpu.memory_space<vmem>>[vector<16xi32>, vector<16xi32>, vector<16xi32>], vector<16xf32>,
        %shift_right_arithmetic3A_229 = arith.constant 3 : i32
        %shift_right_arithmetic3A_230 = vector.broadcast %shift_right_arithmetic3A_229 : i32 to vector<16xi32>
        %shift_right_arithmetic3A_231 = arith.shrsi %add3A_196, %shift_right_arithmetic3A_230 : vector<16xi32>
        tpu.vector_store_idx %arg6[%broadcast_in_dim3A, %shift_right_arithmetic3A_231, %add3A_149], %gather3A_197 : memref<2x96x128xf32, #tpu.memory_space<vmem>>[vector<16xi32>, vector<16xi32>, vector<16xi32>], vector<16xf32>,
        %shift_right_arithmetic3A_232 = arith.constant 3 : i32
        %shift_right_arithmetic3A_233 = vector.broadcast %shift_right_arithmetic3A_232 : i32 to vector<16xi32>
        %shift_right_arithmetic3A_234 = arith.shrsi %add3A_198, %shift_right_arithmetic3A_233 : vector<16xi32>
        tpu.vector_store_idx %arg6[%broadcast_in_dim3A, %shift_right_arithmetic3A_234, %add3A_152], %gather3A_199 : memref<2x96x128xf32, #tpu.memory_space<vmem>>[vector<16xi32>, vector<16xi32>, vector<16xi32>], vector<16xf32>,
        %shift_right_arithmetic3A_235 = arith.constant 3 : i32
        %shift_right_arithmetic3A_236 = vector.broadcast %shift_right_arithmetic3A_235 : i32 to vector<16xi32>
        %shift_right_arithmetic3A_237 = arith.shrsi %add3A_200, %shift_right_arithmetic3A_236 : vector<16xi32>
        tpu.vector_store_idx %arg6[%broadcast_in_dim3A, %shift_right_arithmetic3A_237, %add3A_155], %gather3A_201 : memref<2x96x128xf32, #tpu.memory_space<vmem>>[vector<16xi32>, vector<16xi32>, vector<16xi32>], vector<16xf32>,
        %shift_right_arithmetic3A_238 = arith.constant 3 : i32
        %shift_right_arithmetic3A_239 = vector.broadcast %shift_right_arithmetic3A_238 : i32 to vector<16xi32>
        %shift_right_arithmetic3A_240 = arith.shrsi %add3A_202, %shift_right_arithmetic3A_239 : vector<16xi32>
        tpu.vector_store_idx %arg6[%broadcast_in_dim3A, %shift_right_arithmetic3A_240, %add3A_158], %gather3A_203 : memref<2x96x128xf32, #tpu.memory_space<vmem>>[vector<16xi32>, vector<16xi32>, vector<16xi32>], vector<16xf32>,
        %shift_right_arithmetic3A_241 = arith.constant 3 : i32
        %shift_right_arithmetic3A_242 = vector.broadcast %shift_right_arithmetic3A_241 : i32 to vector<16xi32>
        %shift_right_arithmetic3A_243 = arith.shrsi %add3A_204, %shift_right_arithmetic3A_242 : vector<16xi32>
        tpu.vector_store_idx %arg6[%broadcast_in_dim3A, %shift_right_arithmetic3A_243, %add3A_161], %gather3A_205 : memref<2x96x128xf32, #tpu.memory_space<vmem>>[vector<16xi32>, vector<16xi32>, vector<16xi32>], vector<16xf32>,
        %shift_right_arithmetic3A_244 = arith.constant 3 : i32
        %shift_right_arithmetic3A_245 = vector.broadcast %shift_right_arithmetic3A_244 : i32 to vector<16xi32>
        %shift_right_arithmetic3A_246 = arith.shrsi %add3A_206, %shift_right_arithmetic3A_245 : vector<16xi32>
        tpu.vector_store_idx %arg6[%broadcast_in_dim3A, %shift_right_arithmetic3A_246, %add3A_164], %gather3A_207 : memref<2x96x128xf32, #tpu.memory_space<vmem>>[vector<16xi32>, vector<16xi32>, vector<16xi32>], vector<16xf32>,
        %shift_right_arithmetic3A_247 = arith.constant 3 : i32
        %shift_right_arithmetic3A_248 = vector.broadcast %shift_right_arithmetic3A_247 : i32 to vector<16xi32>
        %shift_right_arithmetic3A_249 = arith.shrsi %add3A_208, %shift_right_arithmetic3A_248 : vector<16xi32>
        tpu.vector_store_idx %arg6[%broadcast_in_dim3A, %shift_right_arithmetic3A_249, %add3A_167], %gather3A_209 : memref<2x96x128xf32, #tpu.memory_space<vmem>>[vector<16xi32>, vector<16xi32>, vector<16xi32>], vector<16xf32>,
        %shift_right_arithmetic3A_250 = arith.constant 3 : i32
        %shift_right_arithmetic3A_251 = vector.broadcast %shift_right_arithmetic3A_250 : i32 to vector<16xi32>
        %shift_right_arithmetic3A_252 = arith.shrsi %add3A_210, %shift_right_arithmetic3A_251 : vector<16xi32>
        tpu.vector_store_idx %arg6[%broadcast_in_dim3A, %shift_right_arithmetic3A_252, %add3A_146], %gather3A_211 : memref<2x96x128xf32, #tpu.memory_space<vmem>>[vector<16xi32>, vector<16xi32>, vector<16xi32>], vector<16xf32>,
        %shift_right_arithmetic3A_253 = arith.constant 3 : i32
        %shift_right_arithmetic3A_254 = vector.broadcast %shift_right_arithmetic3A_253 : i32 to vector<16xi32>
        %shift_right_arithmetic3A_255 = arith.shrsi %add3A_212, %shift_right_arithmetic3A_254 : vector<16xi32>
        tpu.vector_store_idx %arg6[%broadcast_in_dim3A, %shift_right_arithmetic3A_255, %add3A_149], %gather3A_213 : memref<2x96x128xf32, #tpu.memory_space<vmem>>[vector<16xi32>, vector<16xi32>, vector<16xi32>], vector<16xf32>,
        %shift_right_arithmetic3A_256 = arith.constant 3 : i32
        %shift_right_arithmetic3A_257 = vector.broadcast %shift_right_arithmetic3A_256 : i32 to vector<16xi32>
        %shift_right_arithmetic3A_258 = arith.shrsi %add3A_214, %shift_right_arithmetic3A_257 : vector<16xi32>
        tpu.vector_store_idx %arg6[%broadcast_in_dim3A, %shift_right_arithmetic3A_258, %add3A_152], %gather3A_215 : memref<2x96x128xf32, #tpu.memory_space<vmem>>[vector<16xi32>, vector<16xi32>, vector<16xi32>], vector<16xf32>,
        %shift_right_arithmetic3A_259 = arith.constant 3 : i32
        %shift_right_arithmetic3A_260 = vector.broadcast %shift_right_arithmetic3A_259 : i32 to vector<16xi32>
        %shift_right_arithmetic3A_261 = arith.shrsi %add3A_216, %shift_right_arithmetic3A_260 : vector<16xi32>
        tpu.vector_store_idx %arg6[%broadcast_in_dim3A, %shift_right_arithmetic3A_261, %add3A_155], %gather3A_217 : memref<2x96x128xf32, #tpu.memory_space<vmem>>[vector<16xi32>, vector<16xi32>, vector<16xi32>], vector<16xf32>,
        %shift_right_arithmetic3A_262 = arith.constant 3 : i32
        %shift_right_arithmetic3A_263 = vector.broadcast %shift_right_arithmetic3A_262 : i32 to vector<16xi32>
        %shift_right_arithmetic3A_264 = arith.shrsi %add3A_218, %shift_right_arithmetic3A_263 : vector<16xi32>
        tpu.vector_store_idx %arg6[%broadcast_in_dim3A, %shift_right_arithmetic3A_264, %add3A_158], %gather3A_219 : memref<2x96x128xf32, #tpu.memory_space<vmem>>[vector<16xi32>, vector<16xi32>, vector<16xi32>], vector<16xf32>,
        %shift_right_arithmetic3A_265 = arith.constant 3 : i32
        %shift_right_arithmetic3A_266 = vector.broadcast %shift_right_arithmetic3A_265 : i32 to vector<16xi32>
        %shift_right_arithmetic3A_267 = arith.shrsi %add3A_220, %shift_right_arithmetic3A_266 : vector<16xi32>
        tpu.vector_store_idx %arg6[%broadcast_in_dim3A, %shift_right_arithmetic3A_267, %add3A_161], %gather3A_221 : memref<2x96x128xf32, #tpu.memory_space<vmem>>[vector<16xi32>, vector<16xi32>, vector<16xi32>], vector<16xf32>,
        %shift_right_arithmetic3A_268 = arith.constant 3 : i32
        %shift_right_arithmetic3A_269 = vector.broadcast %shift_right_arithmetic3A_268 : i32 to vector<16xi32>
        %shift_right_arithmetic3A_270 = arith.shrsi %add3A_222, %shift_right_arithmetic3A_269 : vector<16xi32>
        tpu.vector_store_idx %arg6[%broadcast_in_dim3A, %shift_right_arithmetic3A_270, %add3A_164], %gather3A_223 : memref<2x96x128xf32, #tpu.memory_space<vmem>>[vector<16xi32>, vector<16xi32>, vector<16xi32>], vector<16xf32>,
        %shift_right_arithmetic3A_271 = arith.constant 3 : i32
        %shift_right_arithmetic3A_272 = vector.broadcast %shift_right_arithmetic3A_271 : i32 to vector<16xi32>
        %shift_right_arithmetic3A_273 = arith.shrsi %add3A_224, %shift_right_arithmetic3A_272 : vector<16xi32>
        tpu.vector_store_idx %arg6[%broadcast_in_dim3A, %shift_right_arithmetic3A_273, %add3A_167], %gather3A_225 : memref<2x96x128xf32, #tpu.memory_space<vmem>>[vector<16xi32>, vector<16xi32>, vector<16xi32>], vector<16xf32>,
        %gather3A_274 = tpu.vector_load_idx %arg5[%broadcast_in_dim3A, %iota3A, %add3A_226] : memref<2x16x769xf32, #tpu.memory_space<vmem>>[vector<16xi32>, vector<16xi32>, vector<16xi32>], vector<16xf32>,
        %add3A_275 = arith.addi %add3A_226, %broadcast_in_dim3A_169 : vector<16xi32>
        %gather3A_276 = tpu.vector_load_idx %arg5[%broadcast_in_dim3A, %iota3A, %add3A_275] : memref<2x16x769xf32, #tpu.memory_space<vmem>>[vector<16xi32>, vector<16xi32>, vector<16xi32>], vector<16xf32>,
        %add3A_277 = arith.addi %add3A_275, %broadcast_in_dim3A_169 : vector<16xi32>
        %gather3A_278 = tpu.vector_load_idx %arg5[%broadcast_in_dim3A, %iota3A, %add3A_277] : memref<2x16x769xf32, #tpu.memory_space<vmem>>[vector<16xi32>, vector<16xi32>, vector<16xi32>], vector<16xf32>,
        %add3A_279 = arith.addi %add3A_277, %broadcast_in_dim3A_169 : vector<16xi32>
        %gather3A_280 = tpu.vector_load_idx %arg5[%broadcast_in_dim3A, %iota3A, %add3A_279] : memref<2x16x769xf32, #tpu.memory_space<vmem>>[vector<16xi32>, vector<16xi32>, vector<16xi32>], vector<16xf32>,
        %add3A_281 = arith.addi %add3A_279, %broadcast_in_dim3A_169 : vector<16xi32>
        %gather3A_282 = tpu.vector_load_idx %arg5[%broadcast_in_dim3A, %iota3A, %add3A_281] : memref<2x16x769xf32, #tpu.memory_space<vmem>>[vector<16xi32>, vector<16xi32>, vector<16xi32>], vector<16xf32>,
        %add3A_283 = arith.addi %add3A_281, %broadcast_in_dim3A_169 : vector<16xi32>
        %gather3A_284 = tpu.vector_load_idx %arg5[%broadcast_in_dim3A, %iota3A, %add3A_283] : memref<2x16x769xf32, #tpu.memory_space<vmem>>[vector<16xi32>, vector<16xi32>, vector<16xi32>], vector<16xf32>,
        %add3A_285 = arith.addi %add3A_283, %broadcast_in_dim3A_169 : vector<16xi32>
        %gather3A_286 = tpu.vector_load_idx %arg5[%broadcast_in_dim3A, %iota3A, %add3A_285] : memref<2x16x769xf32, #tpu.memory_space<vmem>>[vector<16xi32>, vector<16xi32>, vector<16xi32>], vector<16xf32>,
        %add3A_287 = arith.addi %add3A_285, %broadcast_in_dim3A_169 : vector<16xi32>
        %gather3A_288 = tpu.vector_load_idx %arg5[%broadcast_in_dim3A, %iota3A, %add3A_287] : memref<2x16x769xf32, #tpu.memory_space<vmem>>[vector<16xi32>, vector<16xi32>, vector<16xi32>], vector<16xf32>,
        %add3A_289 = arith.addi %add3A_287, %broadcast_in_dim3A_169 : vector<16xi32>
        %gather3A_290 = tpu.vector_load_idx %arg5[%broadcast_in_dim3A, %iota3A, %add3A_289] : memref<2x16x769xf32, #tpu.memory_space<vmem>>[vector<16xi32>, vector<16xi32>, vector<16xi32>], vector<16xf32>,
        %add3A_291 = arith.addi %add3A_289, %broadcast_in_dim3A_169 : vector<16xi32>
        %gather3A_292 = tpu.vector_load_idx %arg5[%broadcast_in_dim3A, %iota3A, %add3A_291] : memref<2x16x769xf32, #tpu.memory_space<vmem>>[vector<16xi32>, vector<16xi32>, vector<16xi32>], vector<16xf32>,
        %add3A_293 = arith.addi %add3A_291, %broadcast_in_dim3A_169 : vector<16xi32>
        %gather3A_294 = tpu.vector_load_idx %arg5[%broadcast_in_dim3A, %iota3A, %add3A_293] : memref<2x16x769xf32, #tpu.memory_space<vmem>>[vector<16xi32>, vector<16xi32>, vector<16xi32>], vector<16xf32>,
        %add3A_295 = arith.addi %add3A_293, %broadcast_in_dim3A_169 : vector<16xi32>
        %gather3A_296 = tpu.vector_load_idx %arg5[%broadcast_in_dim3A, %iota3A, %add3A_295] : memref<2x16x769xf32, #tpu.memory_space<vmem>>[vector<16xi32>, vector<16xi32>, vector<16xi32>], vector<16xf32>,
        %add3A_297 = arith.addi %add3A_295, %broadcast_in_dim3A_169 : vector<16xi32>
        %gather3A_298 = tpu.vector_load_idx %arg5[%broadcast_in_dim3A, %iota3A, %add3A_297] : memref<2x16x769xf32, #tpu.memory_space<vmem>>[vector<16xi32>, vector<16xi32>, vector<16xi32>], vector<16xf32>,
        %add3A_299 = arith.addi %add3A_297, %broadcast_in_dim3A_169 : vector<16xi32>
        %gather3A_300 = tpu.vector_load_idx %arg5[%broadcast_in_dim3A, %iota3A, %add3A_299] : memref<2x16x769xf32, #tpu.memory_space<vmem>>[vector<16xi32>, vector<16xi32>, vector<16xi32>], vector<16xf32>,
        %add3A_301 = arith.addi %add3A_299, %broadcast_in_dim3A_169 : vector<16xi32>
        %gather3A_302 = tpu.vector_load_idx %arg5[%broadcast_in_dim3A, %iota3A, %add3A_301] : memref<2x16x769xf32, #tpu.memory_space<vmem>>[vector<16xi32>, vector<16xi32>, vector<16xi32>], vector<16xf32>,
        %add3A_303 = arith.addi %add3A_301, %broadcast_in_dim3A_169 : vector<16xi32>
        %gather3A_304 = tpu.vector_load_idx %arg5[%broadcast_in_dim3A, %iota3A, %add3A_303] : memref<2x16x769xf32, #tpu.memory_space<vmem>>[vector<16xi32>, vector<16xi32>, vector<16xi32>], vector<16xf32>,
        %add3A_305 = arith.addi %add3A_303, %broadcast_in_dim3A_169 : vector<16xi32>
        %shift_right_arithmetic3A_306 = arith.constant 3 : i32
        %shift_right_arithmetic3A_307 = vector.broadcast %shift_right_arithmetic3A_306 : i32 to vector<16xi32>
        %shift_right_arithmetic3A_308 = arith.shrsi %add3A_226, %shift_right_arithmetic3A_307 : vector<16xi32>
        tpu.vector_store_idx %arg6[%broadcast_in_dim3A, %shift_right_arithmetic3A_308, %add3A_146], %gather3A_274 : memref<2x96x128xf32, #tpu.memory_space<vmem>>[vector<16xi32>, vector<16xi32>, vector<16xi32>], vector<16xf32>,
        %shift_right_arithmetic3A_309 = arith.constant 3 : i32
        %shift_right_arithmetic3A_310 = vector.broadcast %shift_right_arithmetic3A_309 : i32 to vector<16xi32>
        %shift_right_arithmetic3A_311 = arith.shrsi %add3A_275, %shift_right_arithmetic3A_310 : vector<16xi32>
        tpu.vector_store_idx %arg6[%broadcast_in_dim3A, %shift_right_arithmetic3A_311, %add3A_149], %gather3A_276 : memref<2x96x128xf32, #tpu.memory_space<vmem>>[vector<16xi32>, vector<16xi32>, vector<16xi32>], vector<16xf32>,
        %shift_right_arithmetic3A_312 = arith.constant 3 : i32
        %shift_right_arithmetic3A_313 = vector.broadcast %shift_right_arithmetic3A_312 : i32 to vector<16xi32>
        %shift_right_arithmetic3A_314 = arith.shrsi %add3A_277, %shift_right_arithmetic3A_313 : vector<16xi32>
        tpu.vector_store_idx %arg6[%broadcast_in_dim3A, %shift_right_arithmetic3A_314, %add3A_152], %gather3A_278 : memref<2x96x128xf32, #tpu.memory_space<vmem>>[vector<16xi32>, vector<16xi32>, vector<16xi32>], vector<16xf32>,
        %shift_right_arithmetic3A_315 = arith.constant 3 : i32
        %shift_right_arithmetic3A_316 = vector.broadcast %shift_right_arithmetic3A_315 : i32 to vector<16xi32>
        %shift_right_arithmetic3A_317 = arith.shrsi %add3A_279, %shift_right_arithmetic3A_316 : vector<16xi32>
        tpu.vector_store_idx %arg6[%broadcast_in_dim3A, %shift_right_arithmetic3A_317, %add3A_155], %gather3A_280 : memref<2x96x128xf32, #tpu.memory_space<vmem>>[vector<16xi32>, vector<16xi32>, vector<16xi32>], vector<16xf32>,
        %shift_right_arithmetic3A_318 = arith.constant 3 : i32
        %shift_right_arithmetic3A_319 = vector.broadcast %shift_right_arithmetic3A_318 : i32 to vector<16xi32>
        %shift_right_arithmetic3A_320 = arith.shrsi %add3A_281, %shift_right_arithmetic3A_319 : vector<16xi32>
        tpu.vector_store_idx %arg6[%broadcast_in_dim3A, %shift_right_arithmetic3A_320, %add3A_158], %gather3A_282 : memref<2x96x128xf32, #tpu.memory_space<vmem>>[vector<16xi32>, vector<16xi32>, vector<16xi32>], vector<16xf32>,
        %shift_right_arithmetic3A_321 = arith.constant 3 : i32
        %shift_right_arithmetic3A_322 = vector.broadcast %shift_right_arithmetic3A_321 : i32 to vector<16xi32>
        %shift_right_arithmetic3A_323 = arith.shrsi %add3A_283, %shift_right_arithmetic3A_322 : vector<16xi32>
        tpu.vector_store_idx %arg6[%broadcast_in_dim3A, %shift_right_arithmetic3A_323, %add3A_161], %gather3A_284 : memref<2x96x128xf32, #tpu.memory_space<vmem>>[vector<16xi32>, vector<16xi32>, vector<16xi32>], vector<16xf32>,
        %shift_right_arithmetic3A_324 = arith.constant 3 : i32
        %shift_right_arithmetic3A_325 = vector.broadcast %shift_right_arithmetic3A_324 : i32 to vector<16xi32>
        %shift_right_arithmetic3A_326 = arith.shrsi %add3A_285, %shift_right_arithmetic3A_325 : vector<16xi32>
        tpu.vector_store_idx %arg6[%broadcast_in_dim3A, %shift_right_arithmetic3A_326, %add3A_164], %gather3A_286 : memref<2x96x128xf32, #tpu.memory_space<vmem>>[vector<16xi32>, vector<16xi32>, vector<16xi32>], vector<16xf32>,
        %shift_right_arithmetic3A_327 = arith.constant 3 : i32
        %shift_right_arithmetic3A_328 = vector.broadcast %shift_right_arithmetic3A_327 : i32 to vector<16xi32>
        %shift_right_arithmetic3A_329 = arith.shrsi %add3A_287, %shift_right_arithmetic3A_328 : vector<16xi32>
        tpu.vector_store_idx %arg6[%broadcast_in_dim3A, %shift_right_arithmetic3A_329, %add3A_167], %gather3A_288 : memref<2x96x128xf32, #tpu.memory_space<vmem>>[vector<16xi32>, vector<16xi32>, vector<16xi32>], vector<16xf32>,
        %shift_right_arithmetic3A_330 = arith.constant 3 : i32
        %shift_right_arithmetic3A_331 = vector.broadcast %shift_right_arithmetic3A_330 : i32 to vector<16xi32>
        %shift_right_arithmetic3A_332 = arith.shrsi %add3A_289, %shift_right_arithmetic3A_331 : vector<16xi32>
        tpu.vector_store_idx %arg6[%broadcast_in_dim3A, %shift_right_arithmetic3A_332, %add3A_146], %gather3A_290 : memref<2x96x128xf32, #tpu.memory_space<vmem>>[vector<16xi32>, vector<16xi32>, vector<16xi32>], vector<16xf32>,
        %shift_right_arithmetic3A_333 = arith.constant 3 : i32
        %shift_right_arithmetic3A_334 = vector.broadcast %shift_right_arithmetic3A_333 : i32 to vector<16xi32>
        %shift_right_arithmetic3A_335 = arith.shrsi %add3A_291, %shift_right_arithmetic3A_334 : vector<16xi32>
        tpu.vector_store_idx %arg6[%broadcast_in_dim3A, %shift_right_arithmetic3A_335, %add3A_149], %gather3A_292 : memref<2x96x128xf32, #tpu.memory_space<vmem>>[vector<16xi32>, vector<16xi32>, vector<16xi32>], vector<16xf32>,
        %shift_right_arithmetic3A_336 = arith.constant 3 : i32
        %shift_right_arithmetic3A_337 = vector.broadcast %shift_right_arithmetic3A_336 : i32 to vector<16xi32>
        %shift_right_arithmetic3A_338 = arith.shrsi %add3A_293, %shift_right_arithmetic3A_337 : vector<16xi32>
        tpu.vector_store_idx %arg6[%broadcast_in_dim3A, %shift_right_arithmetic3A_338, %add3A_152], %gather3A_294 : memref<2x96x128xf32, #tpu.memory_space<vmem>>[vector<16xi32>, vector<16xi32>, vector<16xi32>], vector<16xf32>,
        %shift_right_arithmetic3A_339 = arith.constant 3 : i32
        %shift_right_arithmetic3A_340 = vector.broadcast %shift_right_arithmetic3A_339 : i32 to vector<16xi32>
        %shift_right_arithmetic3A_341 = arith.shrsi %add3A_295, %shift_right_arithmetic3A_340 : vector<16xi32>
        tpu.vector_store_idx %arg6[%broadcast_in_dim3A, %shift_right_arithmetic3A_341, %add3A_155], %gather3A_296 : memref<2x96x128xf32, #tpu.memory_space<vmem>>[vector<16xi32>, vector<16xi32>, vector<16xi32>], vector<16xf32>,
        %shift_right_arithmetic3A_342 = arith.constant 3 : i32
        %shift_right_arithmetic3A_343 = vector.broadcast %shift_right_arithmetic3A_342 : i32 to vector<16xi32>
        %shift_right_arithmetic3A_344 = arith.shrsi %add3A_297, %shift_right_arithmetic3A_343 : vector<16xi32>
        tpu.vector_store_idx %arg6[%broadcast_in_dim3A, %shift_right_arithmetic3A_344, %add3A_158], %gather3A_298 : memref<2x96x128xf32, #tpu.memory_space<vmem>>[vector<16xi32>, vector<16xi32>, vector<16xi32>], vector<16xf32>,
        %shift_right_arithmetic3A_345 = arith.constant 3 : i32
        %shift_right_arithmetic3A_346 = vector.broadcast %shift_right_arithmetic3A_345 : i32 to vector<16xi32>
        %shift_right_arithmetic3A_347 = arith.shrsi %add3A_299, %shift_right_arithmetic3A_346 : vector<16xi32>
        tpu.vector_store_idx %arg6[%broadcast_in_dim3A, %shift_right_arithmetic3A_347, %add3A_161], %gather3A_300 : memref<2x96x128xf32, #tpu.memory_space<vmem>>[vector<16xi32>, vector<16xi32>, vector<16xi32>], vector<16xf32>,
        %shift_right_arithmetic3A_348 = arith.constant 3 : i32
        %shift_right_arithmetic3A_349 = vector.broadcast %shift_right_arithmetic3A_348 : i32 to vector<16xi32>
        %shift_right_arithmetic3A_350 = arith.shrsi %add3A_301, %shift_right_arithmetic3A_349 : vector<16xi32>
        tpu.vector_store_idx %arg6[%broadcast_in_dim3A, %shift_right_arithmetic3A_350, %add3A_164], %gather3A_302 : memref<2x96x128xf32, #tpu.memory_space<vmem>>[vector<16xi32>, vector<16xi32>, vector<16xi32>], vector<16xf32>,
        %shift_right_arithmetic3A_351 = arith.constant 3 : i32
        %shift_right_arithmetic3A_352 = vector.broadcast %shift_right_arithmetic3A_351 : i32 to vector<16xi32>
        %shift_right_arithmetic3A_353 = arith.shrsi %add3A_303, %shift_right_arithmetic3A_352 : vector<16xi32>
        tpu.vector_store_idx %arg6[%broadcast_in_dim3A, %shift_right_arithmetic3A_353, %add3A_167], %gather3A_304 : memref<2x96x128xf32, #tpu.memory_space<vmem>>[vector<16xi32>, vector<16xi32>, vector<16xi32>], vector<16xf32>,
        %gather3A_354 = tpu.vector_load_idx %arg5[%broadcast_in_dim3A, %iota3A, %add3A_305] : memref<2x16x769xf32, #tpu.memory_space<vmem>>[vector<16xi32>, vector<16xi32>, vector<16xi32>], vector<16xf32>,
        %add3A_355 = arith.addi %add3A_305, %broadcast_in_dim3A_169 : vector<16xi32>
        %gather3A_356 = tpu.vector_load_idx %arg5[%broadcast_in_dim3A, %iota3A, %add3A_355] : memref<2x16x769xf32, #tpu.memory_space<vmem>>[vector<16xi32>, vector<16xi32>, vector<16xi32>], vector<16xf32>,
        %add3A_357 = arith.addi %add3A_355, %broadcast_in_dim3A_169 : vector<16xi32>
        %gather3A_358 = tpu.vector_load_idx %arg5[%broadcast_in_dim3A, %iota3A, %add3A_357] : memref<2x16x769xf32, #tpu.memory_space<vmem>>[vector<16xi32>, vector<16xi32>, vector<16xi32>], vector<16xf32>,
        %add3A_359 = arith.addi %add3A_357, %broadcast_in_dim3A_169 : vector<16xi32>
        %gather3A_360 = tpu.vector_load_idx %arg5[%broadcast_in_dim3A, %iota3A, %add3A_359] : memref<2x16x769xf32, #tpu.memory_space<vmem>>[vector<16xi32>, vector<16xi32>, vector<16xi32>], vector<16xf32>,
        %add3A_361 = arith.addi %add3A_359, %broadcast_in_dim3A_169 : vector<16xi32>
        %gather3A_362 = tpu.vector_load_idx %arg5[%broadcast_in_dim3A, %iota3A, %add3A_361] : memref<2x16x769xf32, #tpu.memory_space<vmem>>[vector<16xi32>, vector<16xi32>, vector<16xi32>], vector<16xf32>,
        %add3A_363 = arith.addi %add3A_361, %broadcast_in_dim3A_169 : vector<16xi32>
        %gather3A_364 = tpu.vector_load_idx %arg5[%broadcast_in_dim3A, %iota3A, %add3A_363] : memref<2x16x769xf32, #tpu.memory_space<vmem>>[vector<16xi32>, vector<16xi32>, vector<16xi32>], vector<16xf32>,
        %add3A_365 = arith.addi %add3A_363, %broadcast_in_dim3A_169 : vector<16xi32>
        %gather3A_366 = tpu.vector_load_idx %arg5[%broadcast_in_dim3A, %iota3A, %add3A_365] : memref<2x16x769xf32, #tpu.memory_space<vmem>>[vector<16xi32>, vector<16xi32>, vector<16xi32>], vector<16xf32>,
        %add3A_367 = arith.addi %add3A_365, %broadcast_in_dim3A_169 : vector<16xi32>
        %gather3A_368 = tpu.vector_load_idx %arg5[%broadcast_in_dim3A, %iota3A, %add3A_367] : memref<2x16x769xf32, #tpu.memory_space<vmem>>[vector<16xi32>, vector<16xi32>, vector<16xi32>], vector<16xf32>,
        %add3A_369 = arith.addi %add3A_367, %broadcast_in_dim3A_169 : vector<16xi32>
        %gather3A_370 = tpu.vector_load_idx %arg5[%broadcast_in_dim3A, %iota3A, %add3A_369] : memref<2x16x769xf32, #tpu.memory_space<vmem>>[vector<16xi32>, vector<16xi32>, vector<16xi32>], vector<16xf32>,
        %add3A_371 = arith.addi %add3A_369, %broadcast_in_dim3A_169 : vector<16xi32>
        %gather3A_372 = tpu.vector_load_idx %arg5[%broadcast_in_dim3A, %iota3A, %add3A_371] : memref<2x16x769xf32, #tpu.memory_space<vmem>>[vector<16xi32>, vector<16xi32>, vector<16xi32>], vector<16xf32>,
        %add3A_373 = arith.addi %add3A_371, %broadcast_in_dim3A_169 : vector<16xi32>
        %gather3A_374 = tpu.vector_load_idx %arg5[%broadcast_in_dim3A, %iota3A, %add3A_373] : memref<2x16x769xf32, #tpu.memory_space<vmem>>[vector<16xi32>, vector<16xi32>, vector<16xi32>], vector<16xf32>,
        %add3A_375 = arith.addi %add3A_373, %broadcast_in_dim3A_169 : vector<16xi32>
        %gather3A_376 = tpu.vector_load_idx %arg5[%broadcast_in_dim3A, %iota3A, %add3A_375] : memref<2x16x769xf32, #tpu.memory_space<vmem>>[vector<16xi32>, vector<16xi32>, vector<16xi32>], vector<16xf32>,
        %add3A_377 = arith.addi %add3A_375, %broadcast_in_dim3A_169 : vector<16xi32>
        %gather3A_378 = tpu.vector_load_idx %arg5[%broadcast_in_dim3A, %iota3A, %add3A_377] : memref<2x16x769xf32, #tpu.memory_space<vmem>>[vector<16xi32>, vector<16xi32>, vector<16xi32>], vector<16xf32>,
        %add3A_379 = arith.addi %add3A_377, %broadcast_in_dim3A_169 : vector<16xi32>
        %gather3A_380 = tpu.vector_load_idx %arg5[%broadcast_in_dim3A, %iota3A, %add3A_379] : memref<2x16x769xf32, #tpu.memory_space<vmem>>[vector<16xi32>, vector<16xi32>, vector<16xi32>], vector<16xf32>,
        %add3A_381 = arith.addi %add3A_379, %broadcast_in_dim3A_169 : vector<16xi32>
        %gather3A_382 = tpu.vector_load_idx %arg5[%broadcast_in_dim3A, %iota3A, %add3A_381] : memref<2x16x769xf32, #tpu.memory_space<vmem>>[vector<16xi32>, vector<16xi32>, vector<16xi32>], vector<16xf32>,
        %add3A_383 = arith.addi %add3A_381, %broadcast_in_dim3A_169 : vector<16xi32>
        %gather3A_384 = tpu.vector_load_idx %arg5[%broadcast_in_dim3A, %iota3A, %add3A_383] : memref<2x16x769xf32, #tpu.memory_space<vmem>>[vector<16xi32>, vector<16xi32>, vector<16xi32>], vector<16xf32>,
        %add3A_385 = arith.addi %add3A_383, %broadcast_in_dim3A_169 : vector<16xi32>
        %shift_right_arithmetic3A_386 = arith.constant 3 : i32
        %shift_right_arithmetic3A_387 = vector.broadcast %shift_right_arithmetic3A_386 : i32 to vector<16xi32>
        %shift_right_arithmetic3A_388 = arith.shrsi %add3A_305, %shift_right_arithmetic3A_387 : vector<16xi32>
        tpu.vector_store_idx %arg6[%broadcast_in_dim3A, %shift_right_arithmetic3A_388, %add3A_146], %gather3A_354 : memref<2x96x128xf32, #tpu.memory_space<vmem>>[vector<16xi32>, vector<16xi32>, vector<16xi32>], vector<16xf32>,
        %shift_right_arithmetic3A_389 = arith.constant 3 : i32
        %shift_right_arithmetic3A_390 = vector.broadcast %shift_right_arithmetic3A_389 : i32 to vector<16xi32>
        %shift_right_arithmetic3A_391 = arith.shrsi %add3A_355, %shift_right_arithmetic3A_390 : vector<16xi32>
        tpu.vector_store_idx %arg6[%broadcast_in_dim3A, %shift_right_arithmetic3A_391, %add3A_149], %gather3A_356 : memref<2x96x128xf32, #tpu.memory_space<vmem>>[vector<16xi32>, vector<16xi32>, vector<16xi32>], vector<16xf32>,
        %shift_right_arithmetic3A_392 = arith.constant 3 : i32
        %shift_right_arithmetic3A_393 = vector.broadcast %shift_right_arithmetic3A_392 : i32 to vector<16xi32>
        %shift_right_arithmetic3A_394 = arith.shrsi %add3A_357, %shift_right_arithmetic3A_393 : vector<16xi32>
        tpu.vector_store_idx %arg6[%broadcast_in_dim3A, %shift_right_arithmetic3A_394, %add3A_152], %gather3A_358 : memref<2x96x128xf32, #tpu.memory_space<vmem>>[vector<16xi32>, vector<16xi32>, vector<16xi32>], vector<16xf32>,
        %shift_right_arithmetic3A_395 = arith.constant 3 : i32
        %shift_right_arithmetic3A_396 = vector.broadcast %shift_right_arithmetic3A_395 : i32 to vector<16xi32>
        %shift_right_arithmetic3A_397 = arith.shrsi %add3A_359, %shift_right_arithmetic3A_396 : vector<16xi32>
        tpu.vector_store_idx %arg6[%broadcast_in_dim3A, %shift_right_arithmetic3A_397, %add3A_155], %gather3A_360 : memref<2x96x128xf32, #tpu.memory_space<vmem>>[vector<16xi32>, vector<16xi32>, vector<16xi32>], vector<16xf32>,
        %shift_right_arithmetic3A_398 = arith.constant 3 : i32
        %shift_right_arithmetic3A_399 = vector.broadcast %shift_right_arithmetic3A_398 : i32 to vector<16xi32>
        %shift_right_arithmetic3A_400 = arith.shrsi %add3A_361, %shift_right_arithmetic3A_399 : vector<16xi32>
        tpu.vector_store_idx %arg6[%broadcast_in_dim3A, %shift_right_arithmetic3A_400, %add3A_158], %gather3A_362 : memref<2x96x128xf32, #tpu.memory_space<vmem>>[vector<16xi32>, vector<16xi32>, vector<16xi32>], vector<16xf32>,
        %shift_right_arithmetic3A_401 = arith.constant 3 : i32
        %shift_right_arithmetic3A_402 = vector.broadcast %shift_right_arithmetic3A_401 : i32 to vector<16xi32>
        %shift_right_arithmetic3A_403 = arith.shrsi %add3A_363, %shift_right_arithmetic3A_402 : vector<16xi32>
        tpu.vector_store_idx %arg6[%broadcast_in_dim3A, %shift_right_arithmetic3A_403, %add3A_161], %gather3A_364 : memref<2x96x128xf32, #tpu.memory_space<vmem>>[vector<16xi32>, vector<16xi32>, vector<16xi32>], vector<16xf32>,
        %shift_right_arithmetic3A_404 = arith.constant 3 : i32
        %shift_right_arithmetic3A_405 = vector.broadcast %shift_right_arithmetic3A_404 : i32 to vector<16xi32>
        %shift_right_arithmetic3A_406 = arith.shrsi %add3A_365, %shift_right_arithmetic3A_405 : vector<16xi32>
        tpu.vector_store_idx %arg6[%broadcast_in_dim3A, %shift_right_arithmetic3A_406, %add3A_164], %gather3A_366 : memref<2x96x128xf32, #tpu.memory_space<vmem>>[vector<16xi32>, vector<16xi32>, vector<16xi32>], vector<16xf32>,
        %shift_right_arithmetic3A_407 = arith.constant 3 : i32
        %shift_right_arithmetic3A_408 = vector.broadcast %shift_right_arithmetic3A_407 : i32 to vector<16xi32>
        %shift_right_arithmetic3A_409 = arith.shrsi %add3A_367, %shift_right_arithmetic3A_408 : vector<16xi32>
        tpu.vector_store_idx %arg6[%broadcast_in_dim3A, %shift_right_arithmetic3A_409, %add3A_167], %gather3A_368 : memref<2x96x128xf32, #tpu.memory_space<vmem>>[vector<16xi32>, vector<16xi32>, vector<16xi32>], vector<16xf32>,
        %shift_right_arithmetic3A_410 = arith.constant 3 : i32
        %shift_right_arithmetic3A_411 = vector.broadcast %shift_right_arithmetic3A_410 : i32 to vector<16xi32>
        %shift_right_arithmetic3A_412 = arith.shrsi %add3A_369, %shift_right_arithmetic3A_411 : vector<16xi32>
        tpu.vector_store_idx %arg6[%broadcast_in_dim3A, %shift_right_arithmetic3A_412, %add3A_146], %gather3A_370 : memref<2x96x128xf32, #tpu.memory_space<vmem>>[vector<16xi32>, vector<16xi32>, vector<16xi32>], vector<16xf32>,
        %shift_right_arithmetic3A_413 = arith.constant 3 : i32
        %shift_right_arithmetic3A_414 = vector.broadcast %shift_right_arithmetic3A_413 : i32 to vector<16xi32>
        %shift_right_arithmetic3A_415 = arith.shrsi %add3A_371, %shift_right_arithmetic3A_414 : vector<16xi32>
        tpu.vector_store_idx %arg6[%broadcast_in_dim3A, %shift_right_arithmetic3A_415, %add3A_149], %gather3A_372 : memref<2x96x128xf32, #tpu.memory_space<vmem>>[vector<16xi32>, vector<16xi32>, vector<16xi32>], vector<16xf32>,
        %shift_right_arithmetic3A_416 = arith.constant 3 : i32
        %shift_right_arithmetic3A_417 = vector.broadcast %shift_right_arithmetic3A_416 : i32 to vector<16xi32>
        %shift_right_arithmetic3A_418 = arith.shrsi %add3A_373, %shift_right_arithmetic3A_417 : vector<16xi32>
        tpu.vector_store_idx %arg6[%broadcast_in_dim3A, %shift_right_arithmetic3A_418, %add3A_152], %gather3A_374 : memref<2x96x128xf32, #tpu.memory_space<vmem>>[vector<16xi32>, vector<16xi32>, vector<16xi32>], vector<16xf32>,
        %shift_right_arithmetic3A_419 = arith.constant 3 : i32
        %shift_right_arithmetic3A_420 = vector.broadcast %shift_right_arithmetic3A_419 : i32 to vector<16xi32>
        %shift_right_arithmetic3A_421 = arith.shrsi %add3A_375, %shift_right_arithmetic3A_420 : vector<16xi32>
        tpu.vector_store_idx %arg6[%broadcast_in_dim3A, %shift_right_arithmetic3A_421, %add3A_155], %gather3A_376 : memref<2x96x128xf32, #tpu.memory_space<vmem>>[vector<16xi32>, vector<16xi32>, vector<16xi32>], vector<16xf32>,
        %shift_right_arithmetic3A_422 = arith.constant 3 : i32
        %shift_right_arithmetic3A_423 = vector.broadcast %shift_right_arithmetic3A_422 : i32 to vector<16xi32>
        %shift_right_arithmetic3A_424 = arith.shrsi %add3A_377, %shift_right_arithmetic3A_423 : vector<16xi32>
        tpu.vector_store_idx %arg6[%broadcast_in_dim3A, %shift_right_arithmetic3A_424, %add3A_158], %gather3A_378 : memref<2x96x128xf32, #tpu.memory_space<vmem>>[vector<16xi32>, vector<16xi32>, vector<16xi32>], vector<16xf32>,
        %shift_right_arithmetic3A_425 = arith.constant 3 : i32
        %shift_right_arithmetic3A_426 = vector.broadcast %shift_right_arithmetic3A_425 : i32 to vector<16xi32>
        %shift_right_arithmetic3A_427 = arith.shrsi %add3A_379, %shift_right_arithmetic3A_426 : vector<16xi32>
        tpu.vector_store_idx %arg6[%broadcast_in_dim3A, %shift_right_arithmetic3A_427, %add3A_161], %gather3A_380 : memref<2x96x128xf32, #tpu.memory_space<vmem>>[vector<16xi32>, vector<16xi32>, vector<16xi32>], vector<16xf32>,
        %shift_right_arithmetic3A_428 = arith.constant 3 : i32
        %shift_right_arithmetic3A_429 = vector.broadcast %shift_right_arithmetic3A_428 : i32 to vector<16xi32>
        %shift_right_arithmetic3A_430 = arith.shrsi %add3A_381, %shift_right_arithmetic3A_429 : vector<16xi32>
        tpu.vector_store_idx %arg6[%broadcast_in_dim3A, %shift_right_arithmetic3A_430, %add3A_164], %gather3A_382 : memref<2x96x128xf32, #tpu.memory_space<vmem>>[vector<16xi32>, vector<16xi32>, vector<16xi32>], vector<16xf32>,
        %shift_right_arithmetic3A_431 = arith.constant 3 : i32
        %shift_right_arithmetic3A_432 = vector.broadcast %shift_right_arithmetic3A_431 : i32 to vector<16xi32>
        %shift_right_arithmetic3A_433 = arith.shrsi %add3A_383, %shift_right_arithmetic3A_432 : vector<16xi32>
        tpu.vector_store_idx %arg6[%broadcast_in_dim3A, %shift_right_arithmetic3A_433, %add3A_167], %gather3A_384 : memref<2x96x128xf32, #tpu.memory_space<vmem>>[vector<16xi32>, vector<16xi32>, vector<16xi32>], vector<16xf32>,
        %gather3A_434 = tpu.vector_load_idx %arg5[%broadcast_in_dim3A, %iota3A, %add3A_385] : memref<2x16x769xf32, #tpu.memory_space<vmem>>[vector<16xi32>, vector<16xi32>, vector<16xi32>], vector<16xf32>,
        %add3A_435 = arith.addi %add3A_385, %broadcast_in_dim3A_169 : vector<16xi32>
        %gather3A_436 = tpu.vector_load_idx %arg5[%broadcast_in_dim3A, %iota3A, %add3A_435] : memref<2x16x769xf32, #tpu.memory_space<vmem>>[vector<16xi32>, vector<16xi32>, vector<16xi32>], vector<16xf32>,
        %add3A_437 = arith.addi %add3A_435, %broadcast_in_dim3A_169 : vector<16xi32>
        %gather3A_438 = tpu.vector_load_idx %arg5[%broadcast_in_dim3A, %iota3A, %add3A_437] : memref<2x16x769xf32, #tpu.memory_space<vmem>>[vector<16xi32>, vector<16xi32>, vector<16xi32>], vector<16xf32>,
        %add3A_439 = arith.addi %add3A_437, %broadcast_in_dim3A_169 : vector<16xi32>
        %gather3A_440 = tpu.vector_load_idx %arg5[%broadcast_in_dim3A, %iota3A, %add3A_439] : memref<2x16x769xf32, #tpu.memory_space<vmem>>[vector<16xi32>, vector<16xi32>, vector<16xi32>], vector<16xf32>,
        %add3A_441 = arith.addi %add3A_439, %broadcast_in_dim3A_169 : vector<16xi32>
        %gather3A_442 = tpu.vector_load_idx %arg5[%broadcast_in_dim3A, %iota3A, %add3A_441] : memref<2x16x769xf32, #tpu.memory_space<vmem>>[vector<16xi32>, vector<16xi32>, vector<16xi32>], vector<16xf32>,
        %add3A_443 = arith.addi %add3A_441, %broadcast_in_dim3A_169 : vector<16xi32>
        %gather3A_444 = tpu.vector_load_idx %arg5[%broadcast_in_dim3A, %iota3A, %add3A_443] : memref<2x16x769xf32, #tpu.memory_space<vmem>>[vector<16xi32>, vector<16xi32>, vector<16xi32>], vector<16xf32>,
        %add3A_445 = arith.addi %add3A_443, %broadcast_in_dim3A_169 : vector<16xi32>
        %gather3A_446 = tpu.vector_load_idx %arg5[%broadcast_in_dim3A, %iota3A, %add3A_445] : memref<2x16x769xf32, #tpu.memory_space<vmem>>[vector<16xi32>, vector<16xi32>, vector<16xi32>], vector<16xf32>,
        %add3A_447 = arith.addi %add3A_445, %broadcast_in_dim3A_169 : vector<16xi32>
        %gather3A_448 = tpu.vector_load_idx %arg5[%broadcast_in_dim3A, %iota3A, %add3A_447] : memref<2x16x769xf32, #tpu.memory_space<vmem>>[vector<16xi32>, vector<16xi32>, vector<16xi32>], vector<16xf32>,
        %add3A_449 = arith.addi %add3A_447, %broadcast_in_dim3A_169 : vector<16xi32>
        %gather3A_450 = tpu.vector_load_idx %arg5[%broadcast_in_dim3A, %iota3A, %add3A_449] : memref<2x16x769xf32, #tpu.memory_space<vmem>>[vector<16xi32>, vector<16xi32>, vector<16xi32>], vector<16xf32>,
        %add3A_451 = arith.addi %add3A_449, %broadcast_in_dim3A_169 : vector<16xi32>
        %gather3A_452 = tpu.vector_load_idx %arg5[%broadcast_in_dim3A, %iota3A, %add3A_451] : memref<2x16x769xf32, #tpu.memory_space<vmem>>[vector<16xi32>, vector<16xi32>, vector<16xi32>], vector<16xf32>,
        %add3A_453 = arith.addi %add3A_451, %broadcast_in_dim3A_169 : vector<16xi32>
        %gather3A_454 = tpu.vector_load_idx %arg5[%broadcast_in_dim3A, %iota3A, %add3A_453] : memref<2x16x769xf32, #tpu.memory_space<vmem>>[vector<16xi32>, vector<16xi32>, vector<16xi32>], vector<16xf32>,
        %add3A_455 = arith.addi %add3A_453, %broadcast_in_dim3A_169 : vector<16xi32>
        %gather3A_456 = tpu.vector_load_idx %arg5[%broadcast_in_dim3A, %iota3A, %add3A_455] : memref<2x16x769xf32, #tpu.memory_space<vmem>>[vector<16xi32>, vector<16xi32>, vector<16xi32>], vector<16xf32>,
        %add3A_457 = arith.addi %add3A_455, %broadcast_in_dim3A_169 : vector<16xi32>
        %gather3A_458 = tpu.vector_load_idx %arg5[%broadcast_in_dim3A, %iota3A, %add3A_457] : memref<2x16x769xf32, #tpu.memory_space<vmem>>[vector<16xi32>, vector<16xi32>, vector<16xi32>], vector<16xf32>,
        %add3A_459 = arith.addi %add3A_457, %broadcast_in_dim3A_169 : vector<16xi32>
        %gather3A_460 = tpu.vector_load_idx %arg5[%broadcast_in_dim3A, %iota3A, %add3A_459] : memref<2x16x769xf32, #tpu.memory_space<vmem>>[vector<16xi32>, vector<16xi32>, vector<16xi32>], vector<16xf32>,
        %add3A_461 = arith.addi %add3A_459, %broadcast_in_dim3A_169 : vector<16xi32>
        %gather3A_462 = tpu.vector_load_idx %arg5[%broadcast_in_dim3A, %iota3A, %add3A_461] : memref<2x16x769xf32, #tpu.memory_space<vmem>>[vector<16xi32>, vector<16xi32>, vector<16xi32>], vector<16xf32>,
        %add3A_463 = arith.addi %add3A_461, %broadcast_in_dim3A_169 : vector<16xi32>
        %gather3A_464 = tpu.vector_load_idx %arg5[%broadcast_in_dim3A, %iota3A, %add3A_463] : memref<2x16x769xf32, #tpu.memory_space<vmem>>[vector<16xi32>, vector<16xi32>, vector<16xi32>], vector<16xf32>,
        %add3A_465 = arith.addi %add3A_463, %broadcast_in_dim3A_169 : vector<16xi32>
        %shift_right_arithmetic3A_466 = arith.constant 3 : i32
        %shift_right_arithmetic3A_467 = vector.broadcast %shift_right_arithmetic3A_466 : i32 to vector<16xi32>
        %shift_right_arithmetic3A_468 = arith.shrsi %add3A_385, %shift_right_arithmetic3A_467 : vector<16xi32>
        tpu.vector_store_idx %arg6[%broadcast_in_dim3A, %shift_right_arithmetic3A_468, %add3A_146], %gather3A_434 : memref<2x96x128xf32, #tpu.memory_space<vmem>>[vector<16xi32>, vector<16xi32>, vector<16xi32>], vector<16xf32>,
        %shift_right_arithmetic3A_469 = arith.constant 3 : i32
        %shift_right_arithmetic3A_470 = vector.broadcast %shift_right_arithmetic3A_469 : i32 to vector<16xi32>
        %shift_right_arithmetic3A_471 = arith.shrsi %add3A_435, %shift_right_arithmetic3A_470 : vector<16xi32>
        tpu.vector_store_idx %arg6[%broadcast_in_dim3A, %shift_right_arithmetic3A_471, %add3A_149], %gather3A_436 : memref<2x96x128xf32, #tpu.memory_space<vmem>>[vector<16xi32>, vector<16xi32>, vector<16xi32>], vector<16xf32>,
        %shift_right_arithmetic3A_472 = arith.constant 3 : i32
        %shift_right_arithmetic3A_473 = vector.broadcast %shift_right_arithmetic3A_472 : i32 to vector<16xi32>
        %shift_right_arithmetic3A_474 = arith.shrsi %add3A_437, %shift_right_arithmetic3A_473 : vector<16xi32>
        tpu.vector_store_idx %arg6[%broadcast_in_dim3A, %shift_right_arithmetic3A_474, %add3A_152], %gather3A_438 : memref<2x96x128xf32, #tpu.memory_space<vmem>>[vector<16xi32>, vector<16xi32>, vector<16xi32>], vector<16xf32>,
        %shift_right_arithmetic3A_475 = arith.constant 3 : i32
        %shift_right_arithmetic3A_476 = vector.broadcast %shift_right_arithmetic3A_475 : i32 to vector<16xi32>
        %shift_right_arithmetic3A_477 = arith.shrsi %add3A_439, %shift_right_arithmetic3A_476 : vector<16xi32>
        tpu.vector_store_idx %arg6[%broadcast_in_dim3A, %shift_right_arithmetic3A_477, %add3A_155], %gather3A_440 : memref<2x96x128xf32, #tpu.memory_space<vmem>>[vector<16xi32>, vector<16xi32>, vector<16xi32>], vector<16xf32>,
        %shift_right_arithmetic3A_478 = arith.constant 3 : i32
        %shift_right_arithmetic3A_479 = vector.broadcast %shift_right_arithmetic3A_478 : i32 to vector<16xi32>
        %shift_right_arithmetic3A_480 = arith.shrsi %add3A_441, %shift_right_arithmetic3A_479 : vector<16xi32>
        tpu.vector_store_idx %arg6[%broadcast_in_dim3A, %shift_right_arithmetic3A_480, %add3A_158], %gather3A_442 : memref<2x96x128xf32, #tpu.memory_space<vmem>>[vector<16xi32>, vector<16xi32>, vector<16xi32>], vector<16xf32>,
        %shift_right_arithmetic3A_481 = arith.constant 3 : i32
        %shift_right_arithmetic3A_482 = vector.broadcast %shift_right_arithmetic3A_481 : i32 to vector<16xi32>
        %shift_right_arithmetic3A_483 = arith.shrsi %add3A_443, %shift_right_arithmetic3A_482 : vector<16xi32>
        tpu.vector_store_idx %arg6[%broadcast_in_dim3A, %shift_right_arithmetic3A_483, %add3A_161], %gather3A_444 : memref<2x96x128xf32, #tpu.memory_space<vmem>>[vector<16xi32>, vector<16xi32>, vector<16xi32>], vector<16xf32>,
        %shift_right_arithmetic3A_484 = arith.constant 3 : i32
        %shift_right_arithmetic3A_485 = vector.broadcast %shift_right_arithmetic3A_484 : i32 to vector<16xi32>
        %shift_right_arithmetic3A_486 = arith.shrsi %add3A_445, %shift_right_arithmetic3A_485 : vector<16xi32>
        tpu.vector_store_idx %arg6[%broadcast_in_dim3A, %shift_right_arithmetic3A_486, %add3A_164], %gather3A_446 : memref<2x96x128xf32, #tpu.memory_space<vmem>>[vector<16xi32>, vector<16xi32>, vector<16xi32>], vector<16xf32>,
        %shift_right_arithmetic3A_487 = arith.constant 3 : i32
        %shift_right_arithmetic3A_488 = vector.broadcast %shift_right_arithmetic3A_487 : i32 to vector<16xi32>
        %shift_right_arithmetic3A_489 = arith.shrsi %add3A_447, %shift_right_arithmetic3A_488 : vector<16xi32>
        tpu.vector_store_idx %arg6[%broadcast_in_dim3A, %shift_right_arithmetic3A_489, %add3A_167], %gather3A_448 : memref<2x96x128xf32, #tpu.memory_space<vmem>>[vector<16xi32>, vector<16xi32>, vector<16xi32>], vector<16xf32>,
        %shift_right_arithmetic3A_490 = arith.constant 3 : i32
        %shift_right_arithmetic3A_491 = vector.broadcast %shift_right_arithmetic3A_490 : i32 to vector<16xi32>
        %shift_right_arithmetic3A_492 = arith.shrsi %add3A_449, %shift_right_arithmetic3A_491 : vector<16xi32>
        tpu.vector_store_idx %arg6[%broadcast_in_dim3A, %shift_right_arithmetic3A_492, %add3A_146], %gather3A_450 : memref<2x96x128xf32, #tpu.memory_space<vmem>>[vector<16xi32>, vector<16xi32>, vector<16xi32>], vector<16xf32>,
        %shift_right_arithmetic3A_493 = arith.constant 3 : i32
        %shift_right_arithmetic3A_494 = vector.broadcast %shift_right_arithmetic3A_493 : i32 to vector<16xi32>
        %shift_right_arithmetic3A_495 = arith.shrsi %add3A_451, %shift_right_arithmetic3A_494 : vector<16xi32>
        tpu.vector_store_idx %arg6[%broadcast_in_dim3A, %shift_right_arithmetic3A_495, %add3A_149], %gather3A_452 : memref<2x96x128xf32, #tpu.memory_space<vmem>>[vector<16xi32>, vector<16xi32>, vector<16xi32>], vector<16xf32>,
        %shift_right_arithmetic3A_496 = arith.constant 3 : i32
        %shift_right_arithmetic3A_497 = vector.broadcast %shift_right_arithmetic3A_496 : i32 to vector<16xi32>
        %shift_right_arithmetic3A_498 = arith.shrsi %add3A_453, %shift_right_arithmetic3A_497 : vector<16xi32>
        tpu.vector_store_idx %arg6[%broadcast_in_dim3A, %shift_right_arithmetic3A_498, %add3A_152], %gather3A_454 : memref<2x96x128xf32, #tpu.memory_space<vmem>>[vector<16xi32>, vector<16xi32>, vector<16xi32>], vector<16xf32>,
        %shift_right_arithmetic3A_499 = arith.constant 3 : i32
        %shift_right_arithmetic3A_500 = vector.broadcast %shift_right_arithmetic3A_499 : i32 to vector<16xi32>
        %shift_right_arithmetic3A_501 = arith.shrsi %add3A_455, %shift_right_arithmetic3A_500 : vector<16xi32>
        tpu.vector_store_idx %arg6[%broadcast_in_dim3A, %shift_right_arithmetic3A_501, %add3A_155], %gather3A_456 : memref<2x96x128xf32, #tpu.memory_space<vmem>>[vector<16xi32>, vector<16xi32>, vector<16xi32>], vector<16xf32>,
        %shift_right_arithmetic3A_502 = arith.constant 3 : i32
        %shift_right_arithmetic3A_503 = vector.broadcast %shift_right_arithmetic3A_502 : i32 to vector<16xi32>
        %shift_right_arithmetic3A_504 = arith.shrsi %add3A_457, %shift_right_arithmetic3A_503 : vector<16xi32>
        tpu.vector_store_idx %arg6[%broadcast_in_dim3A, %shift_right_arithmetic3A_504, %add3A_158], %gather3A_458 : memref<2x96x128xf32, #tpu.memory_space<vmem>>[vector<16xi32>, vector<16xi32>, vector<16xi32>], vector<16xf32>,
        %shift_right_arithmetic3A_505 = arith.constant 3 : i32
        %shift_right_arithmetic3A_506 = vector.broadcast %shift_right_arithmetic3A_505 : i32 to vector<16xi32>
        %shift_right_arithmetic3A_507 = arith.shrsi %add3A_459, %shift_right_arithmetic3A_506 : vector<16xi32>
        tpu.vector_store_idx %arg6[%broadcast_in_dim3A, %shift_right_arithmetic3A_507, %add3A_161], %gather3A_460 : memref<2x96x128xf32, #tpu.memory_space<vmem>>[vector<16xi32>, vector<16xi32>, vector<16xi32>], vector<16xf32>,
        %shift_right_arithmetic3A_508 = arith.constant 3 : i32
        %shift_right_arithmetic3A_509 = vector.broadcast %shift_right_arithmetic3A_508 : i32 to vector<16xi32>
        %shift_right_arithmetic3A_510 = arith.shrsi %add3A_461, %shift_right_arithmetic3A_509 : vector<16xi32>
        tpu.vector_store_idx %arg6[%broadcast_in_dim3A, %shift_right_arithmetic3A_510, %add3A_164], %gather3A_462 : memref<2x96x128xf32, #tpu.memory_space<vmem>>[vector<16xi32>, vector<16xi32>, vector<16xi32>], vector<16xf32>,
        %shift_right_arithmetic3A_511 = arith.constant 3 : i32
        %shift_right_arithmetic3A_512 = vector.broadcast %shift_right_arithmetic3A_511 : i32 to vector<16xi32>
        %shift_right_arithmetic3A_513 = arith.shrsi %add3A_463, %shift_right_arithmetic3A_512 : vector<16xi32>
        tpu.vector_store_idx %arg6[%broadcast_in_dim3A, %shift_right_arithmetic3A_513, %add3A_167], %gather3A_464 : memref<2x96x128xf32, #tpu.memory_space<vmem>>[vector<16xi32>, vector<16xi32>, vector<16xi32>], vector<16xf32>,
        %gather3A_514 = tpu.vector_load_idx %arg5[%broadcast_in_dim3A, %iota3A, %add3A_465] : memref<2x16x769xf32, #tpu.memory_space<vmem>>[vector<16xi32>, vector<16xi32>, vector<16xi32>], vector<16xf32>,
        %add3A_515 = arith.addi %add3A_465, %broadcast_in_dim3A_169 : vector<16xi32>
        %gather3A_516 = tpu.vector_load_idx %arg5[%broadcast_in_dim3A, %iota3A, %add3A_515] : memref<2x16x769xf32, #tpu.memory_space<vmem>>[vector<16xi32>, vector<16xi32>, vector<16xi32>], vector<16xf32>,
        %add3A_517 = arith.addi %add3A_515, %broadcast_in_dim3A_169 : vector<16xi32>
        %gather3A_518 = tpu.vector_load_idx %arg5[%broadcast_in_dim3A, %iota3A, %add3A_517] : memref<2x16x769xf32, #tpu.memory_space<vmem>>[vector<16xi32>, vector<16xi32>, vector<16xi32>], vector<16xf32>,
        %add3A_519 = arith.addi %add3A_517, %broadcast_in_dim3A_169 : vector<16xi32>
        %gather3A_520 = tpu.vector_load_idx %arg5[%broadcast_in_dim3A, %iota3A, %add3A_519] : memref<2x16x769xf32, #tpu.memory_space<vmem>>[vector<16xi32>, vector<16xi32>, vector<16xi32>], vector<16xf32>,
        %add3A_521 = arith.addi %add3A_519, %broadcast_in_dim3A_169 : vector<16xi32>
        %gather3A_522 = tpu.vector_load_idx %arg5[%broadcast_in_dim3A, %iota3A, %add3A_521] : memref<2x16x769xf32, #tpu.memory_space<vmem>>[vector<16xi32>, vector<16xi32>, vector<16xi32>], vector<16xf32>,
        %add3A_523 = arith.addi %add3A_521, %broadcast_in_dim3A_169 : vector<16xi32>
        %gather3A_524 = tpu.vector_load_idx %arg5[%broadcast_in_dim3A, %iota3A, %add3A_523] : memref<2x16x769xf32, #tpu.memory_space<vmem>>[vector<16xi32>, vector<16xi32>, vector<16xi32>], vector<16xf32>,
        %add3A_525 = arith.addi %add3A_523, %broadcast_in_dim3A_169 : vector<16xi32>
        %gather3A_526 = tpu.vector_load_idx %arg5[%broadcast_in_dim3A, %iota3A, %add3A_525] : memref<2x16x769xf32, #tpu.memory_space<vmem>>[vector<16xi32>, vector<16xi32>, vector<16xi32>], vector<16xf32>,
        %add3A_527 = arith.addi %add3A_525, %broadcast_in_dim3A_169 : vector<16xi32>
        %gather3A_528 = tpu.vector_load_idx %arg5[%broadcast_in_dim3A, %iota3A, %add3A_527] : memref<2x16x769xf32, #tpu.memory_space<vmem>>[vector<16xi32>, vector<16xi32>, vector<16xi32>], vector<16xf32>,
        %add3A_529 = arith.addi %add3A_527, %broadcast_in_dim3A_169 : vector<16xi32>
        %gather3A_530 = tpu.vector_load_idx %arg5[%broadcast_in_dim3A, %iota3A, %add3A_529] : memref<2x16x769xf32, #tpu.memory_space<vmem>>[vector<16xi32>, vector<16xi32>, vector<16xi32>], vector<16xf32>,
        %add3A_531 = arith.addi %add3A_529, %broadcast_in_dim3A_169 : vector<16xi32>
        %gather3A_532 = tpu.vector_load_idx %arg5[%broadcast_in_dim3A, %iota3A, %add3A_531] : memref<2x16x769xf32, #tpu.memory_space<vmem>>[vector<16xi32>, vector<16xi32>, vector<16xi32>], vector<16xf32>,
        %add3A_533 = arith.addi %add3A_531, %broadcast_in_dim3A_169 : vector<16xi32>
        %gather3A_534 = tpu.vector_load_idx %arg5[%broadcast_in_dim3A, %iota3A, %add3A_533] : memref<2x16x769xf32, #tpu.memory_space<vmem>>[vector<16xi32>, vector<16xi32>, vector<16xi32>], vector<16xf32>,
        %add3A_535 = arith.addi %add3A_533, %broadcast_in_dim3A_169 : vector<16xi32>
        %gather3A_536 = tpu.vector_load_idx %arg5[%broadcast_in_dim3A, %iota3A, %add3A_535] : memref<2x16x769xf32, #tpu.memory_space<vmem>>[vector<16xi32>, vector<16xi32>, vector<16xi32>], vector<16xf32>,
        %add3A_537 = arith.addi %add3A_535, %broadcast_in_dim3A_169 : vector<16xi32>
        %gather3A_538 = tpu.vector_load_idx %arg5[%broadcast_in_dim3A, %iota3A, %add3A_537] : memref<2x16x769xf32, #tpu.memory_space<vmem>>[vector<16xi32>, vector<16xi32>, vector<16xi32>], vector<16xf32>,
        %add3A_539 = arith.addi %add3A_537, %broadcast_in_dim3A_169 : vector<16xi32>
        %gather3A_540 = tpu.vector_load_idx %arg5[%broadcast_in_dim3A, %iota3A, %add3A_539] : memref<2x16x769xf32, #tpu.memory_space<vmem>>[vector<16xi32>, vector<16xi32>, vector<16xi32>], vector<16xf32>,
        %add3A_541 = arith.addi %add3A_539, %broadcast_in_dim3A_169 : vector<16xi32>
        %gather3A_542 = tpu.vector_load_idx %arg5[%broadcast_in_dim3A, %iota3A, %add3A_541] : memref<2x16x769xf32, #tpu.memory_space<vmem>>[vector<16xi32>, vector<16xi32>, vector<16xi32>], vector<16xf32>,
        %add3A_543 = arith.addi %add3A_541, %broadcast_in_dim3A_169 : vector<16xi32>
        %gather3A_544 = tpu.vector_load_idx %arg5[%broadcast_in_dim3A, %iota3A, %add3A_543] : memref<2x16x769xf32, #tpu.memory_space<vmem>>[vector<16xi32>, vector<16xi32>, vector<16xi32>], vector<16xf32>,
        %add3A_545 = arith.addi %add3A_543, %broadcast_in_dim3A_169 : vector<16xi32>
        %shift_right_arithmetic3A_546 = arith.constant 3 : i32
        %shift_right_arithmetic3A_547 = vector.broadcast %shift_right_arithmetic3A_546 : i32 to vector<16xi32>
        %shift_right_arithmetic3A_548 = arith.shrsi %add3A_465, %shift_right_arithmetic3A_547 : vector<16xi32>
        tpu.vector_store_idx %arg6[%broadcast_in_dim3A, %shift_right_arithmetic3A_548, %add3A_146], %gather3A_514 : memref<2x96x128xf32, #tpu.memory_space<vmem>>[vector<16xi32>, vector<16xi32>, vector<16xi32>], vector<16xf32>,
        %shift_right_arithmetic3A_549 = arith.constant 3 : i32
        %shift_right_arithmetic3A_550 = vector.broadcast %shift_right_arithmetic3A_549 : i32 to vector<16xi32>
        %shift_right_arithmetic3A_551 = arith.shrsi %add3A_515, %shift_right_arithmetic3A_550 : vector<16xi32>
        tpu.vector_store_idx %arg6[%broadcast_in_dim3A, %shift_right_arithmetic3A_551, %add3A_149], %gather3A_516 : memref<2x96x128xf32, #tpu.memory_space<vmem>>[vector<16xi32>, vector<16xi32>, vector<16xi32>], vector<16xf32>,
        %shift_right_arithmetic3A_552 = arith.constant 3 : i32
        %shift_right_arithmetic3A_553 = vector.broadcast %shift_right_arithmetic3A_552 : i32 to vector<16xi32>
        %shift_right_arithmetic3A_554 = arith.shrsi %add3A_517, %shift_right_arithmetic3A_553 : vector<16xi32>
        tpu.vector_store_idx %arg6[%broadcast_in_dim3A, %shift_right_arithmetic3A_554, %add3A_152], %gather3A_518 : memref<2x96x128xf32, #tpu.memory_space<vmem>>[vector<16xi32>, vector<16xi32>, vector<16xi32>], vector<16xf32>,
        %shift_right_arithmetic3A_555 = arith.constant 3 : i32
        %shift_right_arithmetic3A_556 = vector.broadcast %shift_right_arithmetic3A_555 : i32 to vector<16xi32>
        %shift_right_arithmetic3A_557 = arith.shrsi %add3A_519, %shift_right_arithmetic3A_556 : vector<16xi32>
        tpu.vector_store_idx %arg6[%broadcast_in_dim3A, %shift_right_arithmetic3A_557, %add3A_155], %gather3A_520 : memref<2x96x128xf32, #tpu.memory_space<vmem>>[vector<16xi32>, vector<16xi32>, vector<16xi32>], vector<16xf32>,
        %shift_right_arithmetic3A_558 = arith.constant 3 : i32
        %shift_right_arithmetic3A_559 = vector.broadcast %shift_right_arithmetic3A_558 : i32 to vector<16xi32>
        %shift_right_arithmetic3A_560 = arith.shrsi %add3A_521, %shift_right_arithmetic3A_559 : vector<16xi32>
        tpu.vector_store_idx %arg6[%broadcast_in_dim3A, %shift_right_arithmetic3A_560, %add3A_158], %gather3A_522 : memref<2x96x128xf32, #tpu.memory_space<vmem>>[vector<16xi32>, vector<16xi32>, vector<16xi32>], vector<16xf32>,
        %shift_right_arithmetic3A_561 = arith.constant 3 : i32
        %shift_right_arithmetic3A_562 = vector.broadcast %shift_right_arithmetic3A_561 : i32 to vector<16xi32>
        %shift_right_arithmetic3A_563 = arith.shrsi %add3A_523, %shift_right_arithmetic3A_562 : vector<16xi32>
        tpu.vector_store_idx %arg6[%broadcast_in_dim3A, %shift_right_arithmetic3A_563, %add3A_161], %gather3A_524 : memref<2x96x128xf32, #tpu.memory_space<vmem>>[vector<16xi32>, vector<16xi32>, vector<16xi32>], vector<16xf32>,
        %shift_right_arithmetic3A_564 = arith.constant 3 : i32
        %shift_right_arithmetic3A_565 = vector.broadcast %shift_right_arithmetic3A_564 : i32 to vector<16xi32>
        %shift_right_arithmetic3A_566 = arith.shrsi %add3A_525, %shift_right_arithmetic3A_565 : vector<16xi32>
        tpu.vector_store_idx %arg6[%broadcast_in_dim3A, %shift_right_arithmetic3A_566, %add3A_164], %gather3A_526 : memref<2x96x128xf32, #tpu.memory_space<vmem>>[vector<16xi32>, vector<16xi32>, vector<16xi32>], vector<16xf32>,
        %shift_right_arithmetic3A_567 = arith.constant 3 : i32
        %shift_right_arithmetic3A_568 = vector.broadcast %shift_right_arithmetic3A_567 : i32 to vector<16xi32>
        %shift_right_arithmetic3A_569 = arith.shrsi %add3A_527, %shift_right_arithmetic3A_568 : vector<16xi32>
        tpu.vector_store_idx %arg6[%broadcast_in_dim3A, %shift_right_arithmetic3A_569, %add3A_167], %gather3A_528 : memref<2x96x128xf32, #tpu.memory_space<vmem>>[vector<16xi32>, vector<16xi32>, vector<16xi32>], vector<16xf32>,
        %shift_right_arithmetic3A_570 = arith.constant 3 : i32
        %shift_right_arithmetic3A_571 = vector.broadcast %shift_right_arithmetic3A_570 : i32 to vector<16xi32>
        %shift_right_arithmetic3A_572 = arith.shrsi %add3A_529, %shift_right_arithmetic3A_571 : vector<16xi32>
        tpu.vector_store_idx %arg6[%broadcast_in_dim3A, %shift_right_arithmetic3A_572, %add3A_146], %gather3A_530 : memref<2x96x128xf32, #tpu.memory_space<vmem>>[vector<16xi32>, vector<16xi32>, vector<16xi32>], vector<16xf32>,
        %shift_right_arithmetic3A_573 = arith.constant 3 : i32
        %shift_right_arithmetic3A_574 = vector.broadcast %shift_right_arithmetic3A_573 : i32 to vector<16xi32>
        %shift_right_arithmetic3A_575 = arith.shrsi %add3A_531, %shift_right_arithmetic3A_574 : vector<16xi32>
        tpu.vector_store_idx %arg6[%broadcast_in_dim3A, %shift_right_arithmetic3A_575, %add3A_149], %gather3A_532 : memref<2x96x128xf32, #tpu.memory_space<vmem>>[vector<16xi32>, vector<16xi32>, vector<16xi32>], vector<16xf32>,
        %shift_right_arithmetic3A_576 = arith.constant 3 : i32
        %shift_right_arithmetic3A_577 = vector.broadcast %shift_right_arithmetic3A_576 : i32 to vector<16xi32>
        %shift_right_arithmetic3A_578 = arith.shrsi %add3A_533, %shift_right_arithmetic3A_577 : vector<16xi32>
        tpu.vector_store_idx %arg6[%broadcast_in_dim3A, %shift_right_arithmetic3A_578, %add3A_152], %gather3A_534 : memref<2x96x128xf32, #tpu.memory_space<vmem>>[vector<16xi32>, vector<16xi32>, vector<16xi32>], vector<16xf32>,
        %shift_right_arithmetic3A_579 = arith.constant 3 : i32
        %shift_right_arithmetic3A_580 = vector.broadcast %shift_right_arithmetic3A_579 : i32 to vector<16xi32>
        %shift_right_arithmetic3A_581 = arith.shrsi %add3A_535, %shift_right_arithmetic3A_580 : vector<16xi32>
        tpu.vector_store_idx %arg6[%broadcast_in_dim3A, %shift_right_arithmetic3A_581, %add3A_155], %gather3A_536 : memref<2x96x128xf32, #tpu.memory_space<vmem>>[vector<16xi32>, vector<16xi32>, vector<16xi32>], vector<16xf32>,
        %shift_right_arithmetic3A_582 = arith.constant 3 : i32
        %shift_right_arithmetic3A_583 = vector.broadcast %shift_right_arithmetic3A_582 : i32 to vector<16xi32>
        %shift_right_arithmetic3A_584 = arith.shrsi %add3A_537, %shift_right_arithmetic3A_583 : vector<16xi32>
        tpu.vector_store_idx %arg6[%broadcast_in_dim3A, %shift_right_arithmetic3A_584, %add3A_158], %gather3A_538 : memref<2x96x128xf32, #tpu.memory_space<vmem>>[vector<16xi32>, vector<16xi32>, vector<16xi32>], vector<16xf32>,
        %shift_right_arithmetic3A_585 = arith.constant 3 : i32
        %shift_right_arithmetic3A_586 = vector.broadcast %shift_right_arithmetic3A_585 : i32 to vector<16xi32>
        %shift_right_arithmetic3A_587 = arith.shrsi %add3A_539, %shift_right_arithmetic3A_586 : vector<16xi32>
        tpu.vector_store_idx %arg6[%broadcast_in_dim3A, %shift_right_arithmetic3A_587, %add3A_161], %gather3A_540 : memref<2x96x128xf32, #tpu.memory_space<vmem>>[vector<16xi32>, vector<16xi32>, vector<16xi32>], vector<16xf32>,
        %shift_right_arithmetic3A_588 = arith.constant 3 : i32
        %shift_right_arithmetic3A_589 = vector.broadcast %shift_right_arithmetic3A_588 : i32 to vector<16xi32>
        %shift_right_arithmetic3A_590 = arith.shrsi %add3A_541, %shift_right_arithmetic3A_589 : vector<16xi32>
        tpu.vector_store_idx %arg6[%broadcast_in_dim3A, %shift_right_arithmetic3A_590, %add3A_164], %gather3A_542 : memref<2x96x128xf32, #tpu.memory_space<vmem>>[vector<16xi32>, vector<16xi32>, vector<16xi32>], vector<16xf32>,
        %shift_right_arithmetic3A_591 = arith.constant 3 : i32
        %shift_right_arithmetic3A_592 = vector.broadcast %shift_right_arithmetic3A_591 : i32 to vector<16xi32>
        %shift_right_arithmetic3A_593 = arith.shrsi %add3A_543, %shift_right_arithmetic3A_592 : vector<16xi32>
        tpu.vector_store_idx %arg6[%broadcast_in_dim3A, %shift_right_arithmetic3A_593, %add3A_167], %gather3A_544 : memref<2x96x128xf32, #tpu.memory_space<vmem>>[vector<16xi32>, vector<16xi32>, vector<16xi32>], vector<16xf32>,
        %gather3A_594 = tpu.vector_load_idx %arg5[%broadcast_in_dim3A, %iota3A, %add3A_545] : memref<2x16x769xf32, #tpu.memory_space<vmem>>[vector<16xi32>, vector<16xi32>, vector<16xi32>], vector<16xf32>,
        %add3A_595 = arith.addi %add3A_545, %broadcast_in_dim3A_169 : vector<16xi32>
        %gather3A_596 = tpu.vector_load_idx %arg5[%broadcast_in_dim3A, %iota3A, %add3A_595] : memref<2x16x769xf32, #tpu.memory_space<vmem>>[vector<16xi32>, vector<16xi32>, vector<16xi32>], vector<16xf32>,
        %add3A_597 = arith.addi %add3A_595, %broadcast_in_dim3A_169 : vector<16xi32>
        %gather3A_598 = tpu.vector_load_idx %arg5[%broadcast_in_dim3A, %iota3A, %add3A_597] : memref<2x16x769xf32, #tpu.memory_space<vmem>>[vector<16xi32>, vector<16xi32>, vector<16xi32>], vector<16xf32>,
        %add3A_599 = arith.addi %add3A_597, %broadcast_in_dim3A_169 : vector<16xi32>
        %gather3A_600 = tpu.vector_load_idx %arg5[%broadcast_in_dim3A, %iota3A, %add3A_599] : memref<2x16x769xf32, #tpu.memory_space<vmem>>[vector<16xi32>, vector<16xi32>, vector<16xi32>], vector<16xf32>,
        %add3A_601 = arith.addi %add3A_599, %broadcast_in_dim3A_169 : vector<16xi32>
        %gather3A_602 = tpu.vector_load_idx %arg5[%broadcast_in_dim3A, %iota3A, %add3A_601] : memref<2x16x769xf32, #tpu.memory_space<vmem>>[vector<16xi32>, vector<16xi32>, vector<16xi32>], vector<16xf32>,
        %add3A_603 = arith.addi %add3A_601, %broadcast_in_dim3A_169 : vector<16xi32>
        %gather3A_604 = tpu.vector_load_idx %arg5[%broadcast_in_dim3A, %iota3A, %add3A_603] : memref<2x16x769xf32, #tpu.memory_space<vmem>>[vector<16xi32>, vector<16xi32>, vector<16xi32>], vector<16xf32>,
        %add3A_605 = arith.addi %add3A_603, %broadcast_in_dim3A_169 : vector<16xi32>
        %gather3A_606 = tpu.vector_load_idx %arg5[%broadcast_in_dim3A, %iota3A, %add3A_605] : memref<2x16x769xf32, #tpu.memory_space<vmem>>[vector<16xi32>, vector<16xi32>, vector<16xi32>], vector<16xf32>,
        %add3A_607 = arith.addi %add3A_605, %broadcast_in_dim3A_169 : vector<16xi32>
        %gather3A_608 = tpu.vector_load_idx %arg5[%broadcast_in_dim3A, %iota3A, %add3A_607] : memref<2x16x769xf32, #tpu.memory_space<vmem>>[vector<16xi32>, vector<16xi32>, vector<16xi32>], vector<16xf32>,
        %add3A_609 = arith.addi %add3A_607, %broadcast_in_dim3A_169 : vector<16xi32>
        %gather3A_610 = tpu.vector_load_idx %arg5[%broadcast_in_dim3A, %iota3A, %add3A_609] : memref<2x16x769xf32, #tpu.memory_space<vmem>>[vector<16xi32>, vector<16xi32>, vector<16xi32>], vector<16xf32>,
        %add3A_611 = arith.addi %add3A_609, %broadcast_in_dim3A_169 : vector<16xi32>
        %gather3A_612 = tpu.vector_load_idx %arg5[%broadcast_in_dim3A, %iota3A, %add3A_611] : memref<2x16x769xf32, #tpu.memory_space<vmem>>[vector<16xi32>, vector<16xi32>, vector<16xi32>], vector<16xf32>,
        %add3A_613 = arith.addi %add3A_611, %broadcast_in_dim3A_169 : vector<16xi32>
        %gather3A_614 = tpu.vector_load_idx %arg5[%broadcast_in_dim3A, %iota3A, %add3A_613] : memref<2x16x769xf32, #tpu.memory_space<vmem>>[vector<16xi32>, vector<16xi32>, vector<16xi32>], vector<16xf32>,
        %add3A_615 = arith.addi %add3A_613, %broadcast_in_dim3A_169 : vector<16xi32>
        %gather3A_616 = tpu.vector_load_idx %arg5[%broadcast_in_dim3A, %iota3A, %add3A_615] : memref<2x16x769xf32, #tpu.memory_space<vmem>>[vector<16xi32>, vector<16xi32>, vector<16xi32>], vector<16xf32>,
        %add3A_617 = arith.addi %add3A_615, %broadcast_in_dim3A_169 : vector<16xi32>
        %gather3A_618 = tpu.vector_load_idx %arg5[%broadcast_in_dim3A, %iota3A, %add3A_617] : memref<2x16x769xf32, #tpu.memory_space<vmem>>[vector<16xi32>, vector<16xi32>, vector<16xi32>], vector<16xf32>,
        %add3A_619 = arith.addi %add3A_617, %broadcast_in_dim3A_169 : vector<16xi32>
        %gather3A_620 = tpu.vector_load_idx %arg5[%broadcast_in_dim3A, %iota3A, %add3A_619] : memref<2x16x769xf32, #tpu.memory_space<vmem>>[vector<16xi32>, vector<16xi32>, vector<16xi32>], vector<16xf32>,
        %add3A_621 = arith.addi %add3A_619, %broadcast_in_dim3A_169 : vector<16xi32>
        %gather3A_622 = tpu.vector_load_idx %arg5[%broadcast_in_dim3A, %iota3A, %add3A_621] : memref<2x16x769xf32, #tpu.memory_space<vmem>>[vector<16xi32>, vector<16xi32>, vector<16xi32>], vector<16xf32>,
        %add3A_623 = arith.addi %add3A_621, %broadcast_in_dim3A_169 : vector<16xi32>
        %gather3A_624 = tpu.vector_load_idx %arg5[%broadcast_in_dim3A, %iota3A, %add3A_623] : memref<2x16x769xf32, #tpu.memory_space<vmem>>[vector<16xi32>, vector<16xi32>, vector<16xi32>], vector<16xf32>,
        %add3A_625 = arith.addi %add3A_623, %broadcast_in_dim3A_169 : vector<16xi32>
        %shift_right_arithmetic3A_626 = arith.constant 3 : i32
        %shift_right_arithmetic3A_627 = vector.broadcast %shift_right_arithmetic3A_626 : i32 to vector<16xi32>
        %shift_right_arithmetic3A_628 = arith.shrsi %add3A_545, %shift_right_arithmetic3A_627 : vector<16xi32>
        tpu.vector_store_idx %arg6[%broadcast_in_dim3A, %shift_right_arithmetic3A_628, %add3A_146], %gather3A_594 : memref<2x96x128xf32, #tpu.memory_space<vmem>>[vector<16xi32>, vector<16xi32>, vector<16xi32>], vector<16xf32>,
        %shift_right_arithmetic3A_629 = arith.constant 3 : i32
        %shift_right_arithmetic3A_630 = vector.broadcast %shift_right_arithmetic3A_629 : i32 to vector<16xi32>
        %shift_right_arithmetic3A_631 = arith.shrsi %add3A_595, %shift_right_arithmetic3A_630 : vector<16xi32>
        tpu.vector_store_idx %arg6[%broadcast_in_dim3A, %shift_right_arithmetic3A_631, %add3A_149], %gather3A_596 : memref<2x96x128xf32, #tpu.memory_space<vmem>>[vector<16xi32>, vector<16xi32>, vector<16xi32>], vector<16xf32>,
        %shift_right_arithmetic3A_632 = arith.constant 3 : i32
        %shift_right_arithmetic3A_633 = vector.broadcast %shift_right_arithmetic3A_632 : i32 to vector<16xi32>
        %shift_right_arithmetic3A_634 = arith.shrsi %add3A_597, %shift_right_arithmetic3A_633 : vector<16xi32>
        tpu.vector_store_idx %arg6[%broadcast_in_dim3A, %shift_right_arithmetic3A_634, %add3A_152], %gather3A_598 : memref<2x96x128xf32, #tpu.memory_space<vmem>>[vector<16xi32>, vector<16xi32>, vector<16xi32>], vector<16xf32>,
        %shift_right_arithmetic3A_635 = arith.constant 3 : i32
        %shift_right_arithmetic3A_636 = vector.broadcast %shift_right_arithmetic3A_635 : i32 to vector<16xi32>
        %shift_right_arithmetic3A_637 = arith.shrsi %add3A_599, %shift_right_arithmetic3A_636 : vector<16xi32>
        tpu.vector_store_idx %arg6[%broadcast_in_dim3A, %shift_right_arithmetic3A_637, %add3A_155], %gather3A_600 : memref<2x96x128xf32, #tpu.memory_space<vmem>>[vector<16xi32>, vector<16xi32>, vector<16xi32>], vector<16xf32>,
        %shift_right_arithmetic3A_638 = arith.constant 3 : i32
        %shift_right_arithmetic3A_639 = vector.broadcast %shift_right_arithmetic3A_638 : i32 to vector<16xi32>
        %shift_right_arithmetic3A_640 = arith.shrsi %add3A_601, %shift_right_arithmetic3A_639 : vector<16xi32>
        tpu.vector_store_idx %arg6[%broadcast_in_dim3A, %shift_right_arithmetic3A_640, %add3A_158], %gather3A_602 : memref<2x96x128xf32, #tpu.memory_space<vmem>>[vector<16xi32>, vector<16xi32>, vector<16xi32>], vector<16xf32>,
        %shift_right_arithmetic3A_641 = arith.constant 3 : i32
        %shift_right_arithmetic3A_642 = vector.broadcast %shift_right_arithmetic3A_641 : i32 to vector<16xi32>
        %shift_right_arithmetic3A_643 = arith.shrsi %add3A_603, %shift_right_arithmetic3A_642 : vector<16xi32>
        tpu.vector_store_idx %arg6[%broadcast_in_dim3A, %shift_right_arithmetic3A_643, %add3A_161], %gather3A_604 : memref<2x96x128xf32, #tpu.memory_space<vmem>>[vector<16xi32>, vector<16xi32>, vector<16xi32>], vector<16xf32>,
        %shift_right_arithmetic3A_644 = arith.constant 3 : i32
        %shift_right_arithmetic3A_645 = vector.broadcast %shift_right_arithmetic3A_644 : i32 to vector<16xi32>
        %shift_right_arithmetic3A_646 = arith.shrsi %add3A_605, %shift_right_arithmetic3A_645 : vector<16xi32>
        tpu.vector_store_idx %arg6[%broadcast_in_dim3A, %shift_right_arithmetic3A_646, %add3A_164], %gather3A_606 : memref<2x96x128xf32, #tpu.memory_space<vmem>>[vector<16xi32>, vector<16xi32>, vector<16xi32>], vector<16xf32>,
        %shift_right_arithmetic3A_647 = arith.constant 3 : i32
        %shift_right_arithmetic3A_648 = vector.broadcast %shift_right_arithmetic3A_647 : i32 to vector<16xi32>
        %shift_right_arithmetic3A_649 = arith.shrsi %add3A_607, %shift_right_arithmetic3A_648 : vector<16xi32>
        tpu.vector_store_idx %arg6[%broadcast_in_dim3A, %shift_right_arithmetic3A_649, %add3A_167], %gather3A_608 : memref<2x96x128xf32, #tpu.memory_space<vmem>>[vector<16xi32>, vector<16xi32>, vector<16xi32>], vector<16xf32>,
        %shift_right_arithmetic3A_650 = arith.constant 3 : i32
        %shift_right_arithmetic3A_651 = vector.broadcast %shift_right_arithmetic3A_650 : i32 to vector<16xi32>
        %shift_right_arithmetic3A_652 = arith.shrsi %add3A_609, %shift_right_arithmetic3A_651 : vector<16xi32>
        tpu.vector_store_idx %arg6[%broadcast_in_dim3A, %shift_right_arithmetic3A_652, %add3A_146], %gather3A_610 : memref<2x96x128xf32, #tpu.memory_space<vmem>>[vector<16xi32>, vector<16xi32>, vector<16xi32>], vector<16xf32>,
        %shift_right_arithmetic3A_653 = arith.constant 3 : i32
        %shift_right_arithmetic3A_654 = vector.broadcast %shift_right_arithmetic3A_653 : i32 to vector<16xi32>
        %shift_right_arithmetic3A_655 = arith.shrsi %add3A_611, %shift_right_arithmetic3A_654 : vector<16xi32>
        tpu.vector_store_idx %arg6[%broadcast_in_dim3A, %shift_right_arithmetic3A_655, %add3A_149], %gather3A_612 : memref<2x96x128xf32, #tpu.memory_space<vmem>>[vector<16xi32>, vector<16xi32>, vector<16xi32>], vector<16xf32>,
        %shift_right_arithmetic3A_656 = arith.constant 3 : i32
        %shift_right_arithmetic3A_657 = vector.broadcast %shift_right_arithmetic3A_656 : i32 to vector<16xi32>
        %shift_right_arithmetic3A_658 = arith.shrsi %add3A_613, %shift_right_arithmetic3A_657 : vector<16xi32>
        tpu.vector_store_idx %arg6[%broadcast_in_dim3A, %shift_right_arithmetic3A_658, %add3A_152], %gather3A_614 : memref<2x96x128xf32, #tpu.memory_space<vmem>>[vector<16xi32>, vector<16xi32>, vector<16xi32>], vector<16xf32>,
        %shift_right_arithmetic3A_659 = arith.constant 3 : i32
        %shift_right_arithmetic3A_660 = vector.broadcast %shift_right_arithmetic3A_659 : i32 to vector<16xi32>
        %shift_right_arithmetic3A_661 = arith.shrsi %add3A_615, %shift_right_arithmetic3A_660 : vector<16xi32>
        tpu.vector_store_idx %arg6[%broadcast_in_dim3A, %shift_right_arithmetic3A_661, %add3A_155], %gather3A_616 : memref<2x96x128xf32, #tpu.memory_space<vmem>>[vector<16xi32>, vector<16xi32>, vector<16xi32>], vector<16xf32>,
        %shift_right_arithmetic3A_662 = arith.constant 3 : i32
        %shift_right_arithmetic3A_663 = vector.broadcast %shift_right_arithmetic3A_662 : i32 to vector<16xi32>
        %shift_right_arithmetic3A_664 = arith.shrsi %add3A_617, %shift_right_arithmetic3A_663 : vector<16xi32>
        tpu.vector_store_idx %arg6[%broadcast_in_dim3A, %shift_right_arithmetic3A_664, %add3A_158], %gather3A_618 : memref<2x96x128xf32, #tpu.memory_space<vmem>>[vector<16xi32>, vector<16xi32>, vector<16xi32>], vector<16xf32>,
        %shift_right_arithmetic3A_665 = arith.constant 3 : i32
        %shift_right_arithmetic3A_666 = vector.broadcast %shift_right_arithmetic3A_665 : i32 to vector<16xi32>
        %shift_right_arithmetic3A_667 = arith.shrsi %add3A_619, %shift_right_arithmetic3A_666 : vector<16xi32>
        tpu.vector_store_idx %arg6[%broadcast_in_dim3A, %shift_right_arithmetic3A_667, %add3A_161], %gather3A_620 : memref<2x96x128xf32, #tpu.memory_space<vmem>>[vector<16xi32>, vector<16xi32>, vector<16xi32>], vector<16xf32>,
        %shift_right_arithmetic3A_668 = arith.constant 3 : i32
        %shift_right_arithmetic3A_669 = vector.broadcast %shift_right_arithmetic3A_668 : i32 to vector<16xi32>
        %shift_right_arithmetic3A_670 = arith.shrsi %add3A_621, %shift_right_arithmetic3A_669 : vector<16xi32>
        tpu.vector_store_idx %arg6[%broadcast_in_dim3A, %shift_right_arithmetic3A_670, %add3A_164], %gather3A_622 : memref<2x96x128xf32, #tpu.memory_space<vmem>>[vector<16xi32>, vector<16xi32>, vector<16xi32>], vector<16xf32>,
        %shift_right_arithmetic3A_671 = arith.constant 3 : i32
        %shift_right_arithmetic3A_672 = vector.broadcast %shift_right_arithmetic3A_671 : i32 to vector<16xi32>
        %shift_right_arithmetic3A_673 = arith.shrsi %add3A_623, %shift_right_arithmetic3A_672 : vector<16xi32>
        tpu.vector_store_idx %arg6[%broadcast_in_dim3A, %shift_right_arithmetic3A_673, %add3A_167], %gather3A_624 : memref<2x96x128xf32, #tpu.memory_space<vmem>>[vector<16xi32>, vector<16xi32>, vector<16xi32>], vector<16xf32>,
        %gather3A_674 = tpu.vector_load_idx %arg5[%broadcast_in_dim3A, %iota3A, %add3A_625] : memref<2x16x769xf32, #tpu.memory_space<vmem>>[vector<16xi32>, vector<16xi32>, vector<16xi32>], vector<16xf32>,
        %add3A_675 = arith.addi %add3A_625, %broadcast_in_dim3A_169 : vector<16xi32>
        %gather3A_676 = tpu.vector_load_idx %arg5[%broadcast_in_dim3A, %iota3A, %add3A_675] : memref<2x16x769xf32, #tpu.memory_space<vmem>>[vector<16xi32>, vector<16xi32>, vector<16xi32>], vector<16xf32>,
        %add3A_677 = arith.addi %add3A_675, %broadcast_in_dim3A_169 : vector<16xi32>
        %gather3A_678 = tpu.vector_load_idx %arg5[%broadcast_in_dim3A, %iota3A, %add3A_677] : memref<2x16x769xf32, #tpu.memory_space<vmem>>[vector<16xi32>, vector<16xi32>, vector<16xi32>], vector<16xf32>,
        %add3A_679 = arith.addi %add3A_677, %broadcast_in_dim3A_169 : vector<16xi32>
        %gather3A_680 = tpu.vector_load_idx %arg5[%broadcast_in_dim3A, %iota3A, %add3A_679] : memref<2x16x769xf32, #tpu.memory_space<vmem>>[vector<16xi32>, vector<16xi32>, vector<16xi32>], vector<16xf32>,
        %add3A_681 = arith.addi %add3A_679, %broadcast_in_dim3A_169 : vector<16xi32>
        %gather3A_682 = tpu.vector_load_idx %arg5[%broadcast_in_dim3A, %iota3A, %add3A_681] : memref<2x16x769xf32, #tpu.memory_space<vmem>>[vector<16xi32>, vector<16xi32>, vector<16xi32>], vector<16xf32>,
        %add3A_683 = arith.addi %add3A_681, %broadcast_in_dim3A_169 : vector<16xi32>
        %gather3A_684 = tpu.vector_load_idx %arg5[%broadcast_in_dim3A, %iota3A, %add3A_683] : memref<2x16x769xf32, #tpu.memory_space<vmem>>[vector<16xi32>, vector<16xi32>, vector<16xi32>], vector<16xf32>,
        %add3A_685 = arith.addi %add3A_683, %broadcast_in_dim3A_169 : vector<16xi32>
        %gather3A_686 = tpu.vector_load_idx %arg5[%broadcast_in_dim3A, %iota3A, %add3A_685] : memref<2x16x769xf32, #tpu.memory_space<vmem>>[vector<16xi32>, vector<16xi32>, vector<16xi32>], vector<16xf32>,
        %add3A_687 = arith.addi %add3A_685, %broadcast_in_dim3A_169 : vector<16xi32>
        %gather3A_688 = tpu.vector_load_idx %arg5[%broadcast_in_dim3A, %iota3A, %add3A_687] : memref<2x16x769xf32, #tpu.memory_space<vmem>>[vector<16xi32>, vector<16xi32>, vector<16xi32>], vector<16xf32>,
        %add3A_689 = arith.addi %add3A_687, %broadcast_in_dim3A_169 : vector<16xi32>
        %gather3A_690 = tpu.vector_load_idx %arg5[%broadcast_in_dim3A, %iota3A, %add3A_689] : memref<2x16x769xf32, #tpu.memory_space<vmem>>[vector<16xi32>, vector<16xi32>, vector<16xi32>], vector<16xf32>,
        %add3A_691 = arith.addi %add3A_689, %broadcast_in_dim3A_169 : vector<16xi32>
        %gather3A_692 = tpu.vector_load_idx %arg5[%broadcast_in_dim3A, %iota3A, %add3A_691] : memref<2x16x769xf32, #tpu.memory_space<vmem>>[vector<16xi32>, vector<16xi32>, vector<16xi32>], vector<16xf32>,
        %add3A_693 = arith.addi %add3A_691, %broadcast_in_dim3A_169 : vector<16xi32>
        %gather3A_694 = tpu.vector_load_idx %arg5[%broadcast_in_dim3A, %iota3A, %add3A_693] : memref<2x16x769xf32, #tpu.memory_space<vmem>>[vector<16xi32>, vector<16xi32>, vector<16xi32>], vector<16xf32>,
        %add3A_695 = arith.addi %add3A_693, %broadcast_in_dim3A_169 : vector<16xi32>
        %gather3A_696 = tpu.vector_load_idx %arg5[%broadcast_in_dim3A, %iota3A, %add3A_695] : memref<2x16x769xf32, #tpu.memory_space<vmem>>[vector<16xi32>, vector<16xi32>, vector<16xi32>], vector<16xf32>,
        %add3A_697 = arith.addi %add3A_695, %broadcast_in_dim3A_169 : vector<16xi32>
        %gather3A_698 = tpu.vector_load_idx %arg5[%broadcast_in_dim3A, %iota3A, %add3A_697] : memref<2x16x769xf32, #tpu.memory_space<vmem>>[vector<16xi32>, vector<16xi32>, vector<16xi32>], vector<16xf32>,
        %add3A_699 = arith.addi %add3A_697, %broadcast_in_dim3A_169 : vector<16xi32>
        %gather3A_700 = tpu.vector_load_idx %arg5[%broadcast_in_dim3A, %iota3A, %add3A_699] : memref<2x16x769xf32, #tpu.memory_space<vmem>>[vector<16xi32>, vector<16xi32>, vector<16xi32>], vector<16xf32>,
        %add3A_701 = arith.addi %add3A_699, %broadcast_in_dim3A_169 : vector<16xi32>
        %gather3A_702 = tpu.vector_load_idx %arg5[%broadcast_in_dim3A, %iota3A, %add3A_701] : memref<2x16x769xf32, #tpu.memory_space<vmem>>[vector<16xi32>, vector<16xi32>, vector<16xi32>], vector<16xf32>,
        %add3A_703 = arith.addi %add3A_701, %broadcast_in_dim3A_169 : vector<16xi32>
        %gather3A_704 = tpu.vector_load_idx %arg5[%broadcast_in_dim3A, %iota3A, %add3A_703] : memref<2x16x769xf32, #tpu.memory_space<vmem>>[vector<16xi32>, vector<16xi32>, vector<16xi32>], vector<16xf32>,
        %add3A_705 = arith.addi %add3A_703, %broadcast_in_dim3A_169 : vector<16xi32>
        %shift_right_arithmetic3A_706 = arith.constant 3 : i32
        %shift_right_arithmetic3A_707 = vector.broadcast %shift_right_arithmetic3A_706 : i32 to vector<16xi32>
        %shift_right_arithmetic3A_708 = arith.shrsi %add3A_625, %shift_right_arithmetic3A_707 : vector<16xi32>
        tpu.vector_store_idx %arg6[%broadcast_in_dim3A, %shift_right_arithmetic3A_708, %add3A_146], %gather3A_674 : memref<2x96x128xf32, #tpu.memory_space<vmem>>[vector<16xi32>, vector<16xi32>, vector<16xi32>], vector<16xf32>,
        %shift_right_arithmetic3A_709 = arith.constant 3 : i32
        %shift_right_arithmetic3A_710 = vector.broadcast %shift_right_arithmetic3A_709 : i32 to vector<16xi32>
        %shift_right_arithmetic3A_711 = arith.shrsi %add3A_675, %shift_right_arithmetic3A_710 : vector<16xi32>
        tpu.vector_store_idx %arg6[%broadcast_in_dim3A, %shift_right_arithmetic3A_711, %add3A_149], %gather3A_676 : memref<2x96x128xf32, #tpu.memory_space<vmem>>[vector<16xi32>, vector<16xi32>, vector<16xi32>], vector<16xf32>,
        %shift_right_arithmetic3A_712 = arith.constant 3 : i32
        %shift_right_arithmetic3A_713 = vector.broadcast %shift_right_arithmetic3A_712 : i32 to vector<16xi32>
        %shift_right_arithmetic3A_714 = arith.shrsi %add3A_677, %shift_right_arithmetic3A_713 : vector<16xi32>
        tpu.vector_store_idx %arg6[%broadcast_in_dim3A, %shift_right_arithmetic3A_714, %add3A_152], %gather3A_678 : memref<2x96x128xf32, #tpu.memory_space<vmem>>[vector<16xi32>, vector<16xi32>, vector<16xi32>], vector<16xf32>,
        %shift_right_arithmetic3A_715 = arith.constant 3 : i32
        %shift_right_arithmetic3A_716 = vector.broadcast %shift_right_arithmetic3A_715 : i32 to vector<16xi32>
        %shift_right_arithmetic3A_717 = arith.shrsi %add3A_679, %shift_right_arithmetic3A_716 : vector<16xi32>
        tpu.vector_store_idx %arg6[%broadcast_in_dim3A, %shift_right_arithmetic3A_717, %add3A_155], %gather3A_680 : memref<2x96x128xf32, #tpu.memory_space<vmem>>[vector<16xi32>, vector<16xi32>, vector<16xi32>], vector<16xf32>,
        %shift_right_arithmetic3A_718 = arith.constant 3 : i32
        %shift_right_arithmetic3A_719 = vector.broadcast %shift_right_arithmetic3A_718 : i32 to vector<16xi32>
        %shift_right_arithmetic3A_720 = arith.shrsi %add3A_681, %shift_right_arithmetic3A_719 : vector<16xi32>
        tpu.vector_store_idx %arg6[%broadcast_in_dim3A, %shift_right_arithmetic3A_720, %add3A_158], %gather3A_682 : memref<2x96x128xf32, #tpu.memory_space<vmem>>[vector<16xi32>, vector<16xi32>, vector<16xi32>], vector<16xf32>,
        %shift_right_arithmetic3A_721 = arith.constant 3 : i32
        %shift_right_arithmetic3A_722 = vector.broadcast %shift_right_arithmetic3A_721 : i32 to vector<16xi32>
        %shift_right_arithmetic3A_723 = arith.shrsi %add3A_683, %shift_right_arithmetic3A_722 : vector<16xi32>
        tpu.vector_store_idx %arg6[%broadcast_in_dim3A, %shift_right_arithmetic3A_723, %add3A_161], %gather3A_684 : memref<2x96x128xf32, #tpu.memory_space<vmem>>[vector<16xi32>, vector<16xi32>, vector<16xi32>], vector<16xf32>,
        %shift_right_arithmetic3A_724 = arith.constant 3 : i32
        %shift_right_arithmetic3A_725 = vector.broadcast %shift_right_arithmetic3A_724 : i32 to vector<16xi32>
        %shift_right_arithmetic3A_726 = arith.shrsi %add3A_685, %shift_right_arithmetic3A_725 : vector<16xi32>
        tpu.vector_store_idx %arg6[%broadcast_in_dim3A, %shift_right_arithmetic3A_726, %add3A_164], %gather3A_686 : memref<2x96x128xf32, #tpu.memory_space<vmem>>[vector<16xi32>, vector<16xi32>, vector<16xi32>], vector<16xf32>,
        %shift_right_arithmetic3A_727 = arith.constant 3 : i32
        %shift_right_arithmetic3A_728 = vector.broadcast %shift_right_arithmetic3A_727 : i32 to vector<16xi32>
        %shift_right_arithmetic3A_729 = arith.shrsi %add3A_687, %shift_right_arithmetic3A_728 : vector<16xi32>
        tpu.vector_store_idx %arg6[%broadcast_in_dim3A, %shift_right_arithmetic3A_729, %add3A_167], %gather3A_688 : memref<2x96x128xf32, #tpu.memory_space<vmem>>[vector<16xi32>, vector<16xi32>, vector<16xi32>], vector<16xf32>,
        %shift_right_arithmetic3A_730 = arith.constant 3 : i32
        %shift_right_arithmetic3A_731 = vector.broadcast %shift_right_arithmetic3A_730 : i32 to vector<16xi32>
        %shift_right_arithmetic3A_732 = arith.shrsi %add3A_689, %shift_right_arithmetic3A_731 : vector<16xi32>
        tpu.vector_store_idx %arg6[%broadcast_in_dim3A, %shift_right_arithmetic3A_732, %add3A_146], %gather3A_690 : memref<2x96x128xf32, #tpu.memory_space<vmem>>[vector<16xi32>, vector<16xi32>, vector<16xi32>], vector<16xf32>,
        %shift_right_arithmetic3A_733 = arith.constant 3 : i32
        %shift_right_arithmetic3A_734 = vector.broadcast %shift_right_arithmetic3A_733 : i32 to vector<16xi32>
        %shift_right_arithmetic3A_735 = arith.shrsi %add3A_691, %shift_right_arithmetic3A_734 : vector<16xi32>
        tpu.vector_store_idx %arg6[%broadcast_in_dim3A, %shift_right_arithmetic3A_735, %add3A_149], %gather3A_692 : memref<2x96x128xf32, #tpu.memory_space<vmem>>[vector<16xi32>, vector<16xi32>, vector<16xi32>], vector<16xf32>,
        %shift_right_arithmetic3A_736 = arith.constant 3 : i32
        %shift_right_arithmetic3A_737 = vector.broadcast %shift_right_arithmetic3A_736 : i32 to vector<16xi32>
        %shift_right_arithmetic3A_738 = arith.shrsi %add3A_693, %shift_right_arithmetic3A_737 : vector<16xi32>
        tpu.vector_store_idx %arg6[%broadcast_in_dim3A, %shift_right_arithmetic3A_738, %add3A_152], %gather3A_694 : memref<2x96x128xf32, #tpu.memory_space<vmem>>[vector<16xi32>, vector<16xi32>, vector<16xi32>], vector<16xf32>,
        %shift_right_arithmetic3A_739 = arith.constant 3 : i32
        %shift_right_arithmetic3A_740 = vector.broadcast %shift_right_arithmetic3A_739 : i32 to vector<16xi32>
        %shift_right_arithmetic3A_741 = arith.shrsi %add3A_695, %shift_right_arithmetic3A_740 : vector<16xi32>
        tpu.vector_store_idx %arg6[%broadcast_in_dim3A, %shift_right_arithmetic3A_741, %add3A_155], %gather3A_696 : memref<2x96x128xf32, #tpu.memory_space<vmem>>[vector<16xi32>, vector<16xi32>, vector<16xi32>], vector<16xf32>,
        %shift_right_arithmetic3A_742 = arith.constant 3 : i32
        %shift_right_arithmetic3A_743 = vector.broadcast %shift_right_arithmetic3A_742 : i32 to vector<16xi32>
        %shift_right_arithmetic3A_744 = arith.shrsi %add3A_697, %shift_right_arithmetic3A_743 : vector<16xi32>
        tpu.vector_store_idx %arg6[%broadcast_in_dim3A, %shift_right_arithmetic3A_744, %add3A_158], %gather3A_698 : memref<2x96x128xf32, #tpu.memory_space<vmem>>[vector<16xi32>, vector<16xi32>, vector<16xi32>], vector<16xf32>,
        %shift_right_arithmetic3A_745 = arith.constant 3 : i32
        %shift_right_arithmetic3A_746 = vector.broadcast %shift_right_arithmetic3A_745 : i32 to vector<16xi32>
        %shift_right_arithmetic3A_747 = arith.shrsi %add3A_699, %shift_right_arithmetic3A_746 : vector<16xi32>
        tpu.vector_store_idx %arg6[%broadcast_in_dim3A, %shift_right_arithmetic3A_747, %add3A_161], %gather3A_700 : memref<2x96x128xf32, #tpu.memory_space<vmem>>[vector<16xi32>, vector<16xi32>, vector<16xi32>], vector<16xf32>,
        %shift_right_arithmetic3A_748 = arith.constant 3 : i32
        %shift_right_arithmetic3A_749 = vector.broadcast %shift_right_arithmetic3A_748 : i32 to vector<16xi32>
        %shift_right_arithmetic3A_750 = arith.shrsi %add3A_701, %shift_right_arithmetic3A_749 : vector<16xi32>
        tpu.vector_store_idx %arg6[%broadcast_in_dim3A, %shift_right_arithmetic3A_750, %add3A_164], %gather3A_702 : memref<2x96x128xf32, #tpu.memory_space<vmem>>[vector<16xi32>, vector<16xi32>, vector<16xi32>], vector<16xf32>,
        %shift_right_arithmetic3A_751 = arith.constant 3 : i32
        %shift_right_arithmetic3A_752 = vector.broadcast %shift_right_arithmetic3A_751 : i32 to vector<16xi32>
        %shift_right_arithmetic3A_753 = arith.shrsi %add3A_703, %shift_right_arithmetic3A_752 : vector<16xi32>
        tpu.vector_store_idx %arg6[%broadcast_in_dim3A, %shift_right_arithmetic3A_753, %add3A_167], %gather3A_704 : memref<2x96x128xf32, #tpu.memory_space<vmem>>[vector<16xi32>, vector<16xi32>, vector<16xi32>], vector<16xf32>,
        %gather3A_754 = tpu.vector_load_idx %arg5[%broadcast_in_dim3A, %iota3A, %add3A_705] : memref<2x16x769xf32, #tpu.memory_space<vmem>>[vector<16xi32>, vector<16xi32>, vector<16xi32>], vector<16xf32>,
        %add3A_755 = arith.addi %add3A_705, %broadcast_in_dim3A_169 : vector<16xi32>
        %gather3A_756 = tpu.vector_load_idx %arg5[%broadcast_in_dim3A, %iota3A, %add3A_755] : memref<2x16x769xf32, #tpu.memory_space<vmem>>[vector<16xi32>, vector<16xi32>, vector<16xi32>], vector<16xf32>,
        %add3A_757 = arith.addi %add3A_755, %broadcast_in_dim3A_169 : vector<16xi32>
        %gather3A_758 = tpu.vector_load_idx %arg5[%broadcast_in_dim3A, %iota3A, %add3A_757] : memref<2x16x769xf32, #tpu.memory_space<vmem>>[vector<16xi32>, vector<16xi32>, vector<16xi32>], vector<16xf32>,
        %add3A_759 = arith.addi %add3A_757, %broadcast_in_dim3A_169 : vector<16xi32>
        %gather3A_760 = tpu.vector_load_idx %arg5[%broadcast_in_dim3A, %iota3A, %add3A_759] : memref<2x16x769xf32, #tpu.memory_space<vmem>>[vector<16xi32>, vector<16xi32>, vector<16xi32>], vector<16xf32>,
        %add3A_761 = arith.addi %add3A_759, %broadcast_in_dim3A_169 : vector<16xi32>
        %gather3A_762 = tpu.vector_load_idx %arg5[%broadcast_in_dim3A, %iota3A, %add3A_761] : memref<2x16x769xf32, #tpu.memory_space<vmem>>[vector<16xi32>, vector<16xi32>, vector<16xi32>], vector<16xf32>,
        %add3A_763 = arith.addi %add3A_761, %broadcast_in_dim3A_169 : vector<16xi32>
        %gather3A_764 = tpu.vector_load_idx %arg5[%broadcast_in_dim3A, %iota3A, %add3A_763] : memref<2x16x769xf32, #tpu.memory_space<vmem>>[vector<16xi32>, vector<16xi32>, vector<16xi32>], vector<16xf32>,
        %add3A_765 = arith.addi %add3A_763, %broadcast_in_dim3A_169 : vector<16xi32>
        %gather3A_766 = tpu.vector_load_idx %arg5[%broadcast_in_dim3A, %iota3A, %add3A_765] : memref<2x16x769xf32, #tpu.memory_space<vmem>>[vector<16xi32>, vector<16xi32>, vector<16xi32>], vector<16xf32>,
        %add3A_767 = arith.addi %add3A_765, %broadcast_in_dim3A_169 : vector<16xi32>
        %gather3A_768 = tpu.vector_load_idx %arg5[%broadcast_in_dim3A, %iota3A, %add3A_767] : memref<2x16x769xf32, #tpu.memory_space<vmem>>[vector<16xi32>, vector<16xi32>, vector<16xi32>], vector<16xf32>,
        %add3A_769 = arith.addi %add3A_767, %broadcast_in_dim3A_169 : vector<16xi32>
        %gather3A_770 = tpu.vector_load_idx %arg5[%broadcast_in_dim3A, %iota3A, %add3A_769] : memref<2x16x769xf32, #tpu.memory_space<vmem>>[vector<16xi32>, vector<16xi32>, vector<16xi32>], vector<16xf32>,
        %add3A_771 = arith.addi %add3A_769, %broadcast_in_dim3A_169 : vector<16xi32>
        %gather3A_772 = tpu.vector_load_idx %arg5[%broadcast_in_dim3A, %iota3A, %add3A_771] : memref<2x16x769xf32, #tpu.memory_space<vmem>>[vector<16xi32>, vector<16xi32>, vector<16xi32>], vector<16xf32>,
        %add3A_773 = arith.addi %add3A_771, %broadcast_in_dim3A_169 : vector<16xi32>
        %gather3A_774 = tpu.vector_load_idx %arg5[%broadcast_in_dim3A, %iota3A, %add3A_773] : memref<2x16x769xf32, #tpu.memory_space<vmem>>[vector<16xi32>, vector<16xi32>, vector<16xi32>], vector<16xf32>,
        %add3A_775 = arith.addi %add3A_773, %broadcast_in_dim3A_169 : vector<16xi32>
        %gather3A_776 = tpu.vector_load_idx %arg5[%broadcast_in_dim3A, %iota3A, %add3A_775] : memref<2x16x769xf32, #tpu.memory_space<vmem>>[vector<16xi32>, vector<16xi32>, vector<16xi32>], vector<16xf32>,
        %add3A_777 = arith.addi %add3A_775, %broadcast_in_dim3A_169 : vector<16xi32>
        %gather3A_778 = tpu.vector_load_idx %arg5[%broadcast_in_dim3A, %iota3A, %add3A_777] : memref<2x16x769xf32, #tpu.memory_space<vmem>>[vector<16xi32>, vector<16xi32>, vector<16xi32>], vector<16xf32>,
        %add3A_779 = arith.addi %add3A_777, %broadcast_in_dim3A_169 : vector<16xi32>
        %gather3A_780 = tpu.vector_load_idx %arg5[%broadcast_in_dim3A, %iota3A, %add3A_779] : memref<2x16x769xf32, #tpu.memory_space<vmem>>[vector<16xi32>, vector<16xi32>, vector<16xi32>], vector<16xf32>,
        %add3A_781 = arith.addi %add3A_779, %broadcast_in_dim3A_169 : vector<16xi32>
        %gather3A_782 = tpu.vector_load_idx %arg5[%broadcast_in_dim3A, %iota3A, %add3A_781] : memref<2x16x769xf32, #tpu.memory_space<vmem>>[vector<16xi32>, vector<16xi32>, vector<16xi32>], vector<16xf32>,
        %add3A_783 = arith.addi %add3A_781, %broadcast_in_dim3A_169 : vector<16xi32>
        %gather3A_784 = tpu.vector_load_idx %arg5[%broadcast_in_dim3A, %iota3A, %add3A_783] : memref<2x16x769xf32, #tpu.memory_space<vmem>>[vector<16xi32>, vector<16xi32>, vector<16xi32>], vector<16xf32>,
        %add3A_785 = arith.addi %add3A_783, %broadcast_in_dim3A_169 : vector<16xi32>
        %shift_right_arithmetic3A_786 = arith.constant 3 : i32
        %shift_right_arithmetic3A_787 = vector.broadcast %shift_right_arithmetic3A_786 : i32 to vector<16xi32>
        %shift_right_arithmetic3A_788 = arith.shrsi %add3A_705, %shift_right_arithmetic3A_787 : vector<16xi32>
        tpu.vector_store_idx %arg6[%broadcast_in_dim3A, %shift_right_arithmetic3A_788, %add3A_146], %gather3A_754 : memref<2x96x128xf32, #tpu.memory_space<vmem>>[vector<16xi32>, vector<16xi32>, vector<16xi32>], vector<16xf32>,
        %shift_right_arithmetic3A_789 = arith.constant 3 : i32
        %shift_right_arithmetic3A_790 = vector.broadcast %shift_right_arithmetic3A_789 : i32 to vector<16xi32>
        %shift_right_arithmetic3A_791 = arith.shrsi %add3A_755, %shift_right_arithmetic3A_790 : vector<16xi32>
        tpu.vector_store_idx %arg6[%broadcast_in_dim3A, %shift_right_arithmetic3A_791, %add3A_149], %gather3A_756 : memref<2x96x128xf32, #tpu.memory_space<vmem>>[vector<16xi32>, vector<16xi32>, vector<16xi32>], vector<16xf32>,
        %shift_right_arithmetic3A_792 = arith.constant 3 : i32
        %shift_right_arithmetic3A_793 = vector.broadcast %shift_right_arithmetic3A_792 : i32 to vector<16xi32>
        %shift_right_arithmetic3A_794 = arith.shrsi %add3A_757, %shift_right_arithmetic3A_793 : vector<16xi32>
        tpu.vector_store_idx %arg6[%broadcast_in_dim3A, %shift_right_arithmetic3A_794, %add3A_152], %gather3A_758 : memref<2x96x128xf32, #tpu.memory_space<vmem>>[vector<16xi32>, vector<16xi32>, vector<16xi32>], vector<16xf32>,
        %shift_right_arithmetic3A_795 = arith.constant 3 : i32
        %shift_right_arithmetic3A_796 = vector.broadcast %shift_right_arithmetic3A_795 : i32 to vector<16xi32>
        %shift_right_arithmetic3A_797 = arith.shrsi %add3A_759, %shift_right_arithmetic3A_796 : vector<16xi32>
        tpu.vector_store_idx %arg6[%broadcast_in_dim3A, %shift_right_arithmetic3A_797, %add3A_155], %gather3A_760 : memref<2x96x128xf32, #tpu.memory_space<vmem>>[vector<16xi32>, vector<16xi32>, vector<16xi32>], vector<16xf32>,
        %shift_right_arithmetic3A_798 = arith.constant 3 : i32
        %shift_right_arithmetic3A_799 = vector.broadcast %shift_right_arithmetic3A_798 : i32 to vector<16xi32>
        %shift_right_arithmetic3A_800 = arith.shrsi %add3A_761, %shift_right_arithmetic3A_799 : vector<16xi32>
        tpu.vector_store_idx %arg6[%broadcast_in_dim3A, %shift_right_arithmetic3A_800, %add3A_158], %gather3A_762 : memref<2x96x128xf32, #tpu.memory_space<vmem>>[vector<16xi32>, vector<16xi32>, vector<16xi32>], vector<16xf32>,
        %shift_right_arithmetic3A_801 = arith.constant 3 : i32
        %shift_right_arithmetic3A_802 = vector.broadcast %shift_right_arithmetic3A_801 : i32 to vector<16xi32>
        %shift_right_arithmetic3A_803 = arith.shrsi %add3A_763, %shift_right_arithmetic3A_802 : vector<16xi32>
        tpu.vector_store_idx %arg6[%broadcast_in_dim3A, %shift_right_arithmetic3A_803, %add3A_161], %gather3A_764 : memref<2x96x128xf32, #tpu.memory_space<vmem>>[vector<16xi32>, vector<16xi32>, vector<16xi32>], vector<16xf32>,
        %shift_right_arithmetic3A_804 = arith.constant 3 : i32
        %shift_right_arithmetic3A_805 = vector.broadcast %shift_right_arithmetic3A_804 : i32 to vector<16xi32>
        %shift_right_arithmetic3A_806 = arith.shrsi %add3A_765, %shift_right_arithmetic3A_805 : vector<16xi32>
        tpu.vector_store_idx %arg6[%broadcast_in_dim3A, %shift_right_arithmetic3A_806, %add3A_164], %gather3A_766 : memref<2x96x128xf32, #tpu.memory_space<vmem>>[vector<16xi32>, vector<16xi32>, vector<16xi32>], vector<16xf32>,
        %shift_right_arithmetic3A_807 = arith.constant 3 : i32
        %shift_right_arithmetic3A_808 = vector.broadcast %shift_right_arithmetic3A_807 : i32 to vector<16xi32>
        %shift_right_arithmetic3A_809 = arith.shrsi %add3A_767, %shift_right_arithmetic3A_808 : vector<16xi32>
        tpu.vector_store_idx %arg6[%broadcast_in_dim3A, %shift_right_arithmetic3A_809, %add3A_167], %gather3A_768 : memref<2x96x128xf32, #tpu.memory_space<vmem>>[vector<16xi32>, vector<16xi32>, vector<16xi32>], vector<16xf32>,
        %shift_right_arithmetic3A_810 = arith.constant 3 : i32
        %shift_right_arithmetic3A_811 = vector.broadcast %shift_right_arithmetic3A_810 : i32 to vector<16xi32>
        %shift_right_arithmetic3A_812 = arith.shrsi %add3A_769, %shift_right_arithmetic3A_811 : vector<16xi32>
        tpu.vector_store_idx %arg6[%broadcast_in_dim3A, %shift_right_arithmetic3A_812, %add3A_146], %gather3A_770 : memref<2x96x128xf32, #tpu.memory_space<vmem>>[vector<16xi32>, vector<16xi32>, vector<16xi32>], vector<16xf32>,
        %shift_right_arithmetic3A_813 = arith.constant 3 : i32
        %shift_right_arithmetic3A_814 = vector.broadcast %shift_right_arithmetic3A_813 : i32 to vector<16xi32>
        %shift_right_arithmetic3A_815 = arith.shrsi %add3A_771, %shift_right_arithmetic3A_814 : vector<16xi32>
        tpu.vector_store_idx %arg6[%broadcast_in_dim3A, %shift_right_arithmetic3A_815, %add3A_149], %gather3A_772 : memref<2x96x128xf32, #tpu.memory_space<vmem>>[vector<16xi32>, vector<16xi32>, vector<16xi32>], vector<16xf32>,
        %shift_right_arithmetic3A_816 = arith.constant 3 : i32
        %shift_right_arithmetic3A_817 = vector.broadcast %shift_right_arithmetic3A_816 : i32 to vector<16xi32>
        %shift_right_arithmetic3A_818 = arith.shrsi %add3A_773, %shift_right_arithmetic3A_817 : vector<16xi32>
        tpu.vector_store_idx %arg6[%broadcast_in_dim3A, %shift_right_arithmetic3A_818, %add3A_152], %gather3A_774 : memref<2x96x128xf32, #tpu.memory_space<vmem>>[vector<16xi32>, vector<16xi32>, vector<16xi32>], vector<16xf32>,
        %shift_right_arithmetic3A_819 = arith.constant 3 : i32
        %shift_right_arithmetic3A_820 = vector.broadcast %shift_right_arithmetic3A_819 : i32 to vector<16xi32>
        %shift_right_arithmetic3A_821 = arith.shrsi %add3A_775, %shift_right_arithmetic3A_820 : vector<16xi32>
        tpu.vector_store_idx %arg6[%broadcast_in_dim3A, %shift_right_arithmetic3A_821, %add3A_155], %gather3A_776 : memref<2x96x128xf32, #tpu.memory_space<vmem>>[vector<16xi32>, vector<16xi32>, vector<16xi32>], vector<16xf32>,
        %shift_right_arithmetic3A_822 = arith.constant 3 : i32
        %shift_right_arithmetic3A_823 = vector.broadcast %shift_right_arithmetic3A_822 : i32 to vector<16xi32>
        %shift_right_arithmetic3A_824 = arith.shrsi %add3A_777, %shift_right_arithmetic3A_823 : vector<16xi32>
        tpu.vector_store_idx %arg6[%broadcast_in_dim3A, %shift_right_arithmetic3A_824, %add3A_158], %gather3A_778 : memref<2x96x128xf32, #tpu.memory_space<vmem>>[vector<16xi32>, vector<16xi32>, vector<16xi32>], vector<16xf32>,
        %shift_right_arithmetic3A_825 = arith.constant 3 : i32
        %shift_right_arithmetic3A_826 = vector.broadcast %shift_right_arithmetic3A_825 : i32 to vector<16xi32>
        %shift_right_arithmetic3A_827 = arith.shrsi %add3A_779, %shift_right_arithmetic3A_826 : vector<16xi32>
        tpu.vector_store_idx %arg6[%broadcast_in_dim3A, %shift_right_arithmetic3A_827, %add3A_161], %gather3A_780 : memref<2x96x128xf32, #tpu.memory_space<vmem>>[vector<16xi32>, vector<16xi32>, vector<16xi32>], vector<16xf32>,
        %shift_right_arithmetic3A_828 = arith.constant 3 : i32
        %shift_right_arithmetic3A_829 = vector.broadcast %shift_right_arithmetic3A_828 : i32 to vector<16xi32>
        %shift_right_arithmetic3A_830 = arith.shrsi %add3A_781, %shift_right_arithmetic3A_829 : vector<16xi32>
        tpu.vector_store_idx %arg6[%broadcast_in_dim3A, %shift_right_arithmetic3A_830, %add3A_164], %gather3A_782 : memref<2x96x128xf32, #tpu.memory_space<vmem>>[vector<16xi32>, vector<16xi32>, vector<16xi32>], vector<16xf32>,
        %shift_right_arithmetic3A_831 = arith.constant 3 : i32
        %shift_right_arithmetic3A_832 = vector.broadcast %shift_right_arithmetic3A_831 : i32 to vector<16xi32>
        %shift_right_arithmetic3A_833 = arith.shrsi %add3A_783, %shift_right_arithmetic3A_832 : vector<16xi32>
        tpu.vector_store_idx %arg6[%broadcast_in_dim3A, %shift_right_arithmetic3A_833, %add3A_167], %gather3A_784 : memref<2x96x128xf32, #tpu.memory_space<vmem>>[vector<16xi32>, vector<16xi32>, vector<16xi32>], vector<16xf32>,
        scf.yield %add3A_785 : vector<16xi32>
      }
      %scan3A_176 = arith.constant 6 : i32
      %add3A_177 = arith.addi %add3A_8, %while3A_101 : i32
      %mul3A_178 = arith.constant 96 : i32
      %mul3A_179 = arith.muli %add3A_177, %mul3A_178 : i32
      %dma_start3A_180 = arith.constant 0 : i32
      %dma_start3A_181 = arith.constant 0 : i32
      %dma_start3A_182 = tpu.memref_slice %arg6[%select_n3A_117, %dma_start3A_180, %dma_start3A_181] : memref<2x96x128xf32, #tpu.memory_space<vmem>> -> memref<1x96x128xf32, #tpu.memory_space<vmem>>
      %dma_start3A_183 = tpu.memref_squeeze %dma_start3A_182 : memref<1x96x128xf32, #tpu.memory_space<vmem>> -> memref<96x128xf32, #tpu.memory_space<vmem>>
      %dma_start3A_184 = arith.constant 0 : i32
      %dma_start3A_185 = tpu.memref_slice %arg4[%mul3A_179, %dma_start3A_184] : memref<125000x128xf32, #tpu.memory_space<hbm>> -> memref<96x128xf32, #tpu.memory_space<hbm>>
      %dma_start3A_186 = tpu.memref_slice %arg8[%select_n3A_117] : memref<2x!tpu.dma_semaphore, #tpu.memory_space<semaphore_mem>> -> memref<1x!tpu.dma_semaphore, #tpu.memory_space<semaphore_mem>>
      %dma_start3A_187 = tpu.memref_squeeze %dma_start3A_186 : memref<1x!tpu.dma_semaphore, #tpu.memory_space<semaphore_mem>> -> memref<!tpu.dma_semaphore, #tpu.memory_space<semaphore_mem>>
      %dma_start3A_188 = arith.constant 0 : i32
      %dma_start3A_189 = tpu.memref_slice %arg4[%mul3A_179, %dma_start3A_188] : memref<125000x128xf32, #tpu.memory_space<hbm>> -> memref<96x128xf32, #tpu.memory_space<hbm>>
      %dma_start3A_190 = arith.constant 0 : i32
      %dma_start3A_191 = arith.constant 0 : i32
      %dma_start3A_192 = tpu.memref_slice %arg6[%select_n3A_117, %dma_start3A_190, %dma_start3A_191] : memref<2x96x128xf32, #tpu.memory_space<vmem>> -> memref<1x96x128xf32, #tpu.memory_space<vmem>>
      %dma_start3A_193 = tpu.memref_squeeze %dma_start3A_192 : memref<1x96x128xf32, #tpu.memory_space<vmem>> -> memref<96x128xf32, #tpu.memory_space<vmem>>
      tpu.enqueue_dma source(%dma_start3A_193 : memref<96x128xf32, #tpu.memory_space<vmem>>) target(%dma_start3A_189 : memref<96x128xf32, #tpu.memory_space<hbm>>) target_semaphore(%dma_start3A_187 : memref<!tpu.dma_semaphore, #tpu.memory_space<semaphore_mem>>)
    }
    %jit3A_37 = arith.constant 2 : i32
    %eq3A = arith.constant 0 : i32
    %eq3A_38 = arith.cmpi eq, %jit3A_37, %eq3A : i32
    %jit3A_39 = arith.constant 1 : i32
    %select_n3A_40 = arith.select %eq3A_38, %jit3A_39, %jit3A_37 : i32
    %rem3A = arith.remsi %add3A_4, %select_n3A_40 : i32
    %ne3A = arith.constant 0 : i32
    %ne3A_41 = arith.cmpi ne, %rem3A, %ne3A : i32
    %lt3A_42 = arith.constant 0 : i32
    %lt3A_43 = arith.cmpi slt, %rem3A, %lt3A_42 : i32
    %lt3A_44 = arith.constant 0 : i32
    %lt3A_45 = arith.cmpi slt, %select_n3A_40, %lt3A_44 : i32
    %ne3A_46 = arith.xori %lt3A_43, %lt3A_45 : i1
    %and3A = arith.andi %ne3A_46, %ne3A_41 : i1
    %add3A_47 = arith.addi %rem3A, %select_n3A_40 : i32
    %select_n3A_48 = arith.select %and3A, %add3A_47, %rem3A : i32
    %dma_wait3A = arith.constant 0 : i32
    %dma_wait3A_49 = arith.constant 0 : i32
    %dma_wait3A_50 = tpu.memref_slice %arg6[%select_n3A_48, %dma_wait3A, %dma_wait3A_49] : memref<2x96x128xf32, #tpu.memory_space<vmem>> -> memref<1x96x128xf32, #tpu.memory_space<vmem>>
    %dma_wait3A_51 = tpu.memref_squeeze %dma_wait3A_50 : memref<1x96x128xf32, #tpu.memory_space<vmem>> -> memref<96x128xf32, #tpu.memory_space<vmem>>
    %dma_wait3A_52 = arith.constant 0 : i32
    %dma_wait3A_53 = arith.constant 0 : i32
    %dma_wait3A_54 = tpu.memref_slice %arg4[%dma_wait3A_52, %dma_wait3A_53] : memref<125000x128xf32, #tpu.memory_space<hbm>> -> memref<96x128xf32, #tpu.memory_space<hbm>>
    %dma_wait3A_55 = tpu.memref_slice %arg8[%select_n3A_48] : memref<2x!tpu.dma_semaphore, #tpu.memory_space<semaphore_mem>> -> memref<1x!tpu.dma_semaphore, #tpu.memory_space<semaphore_mem>>
    %dma_wait3A_56 = tpu.memref_squeeze %dma_wait3A_55 : memref<1x!tpu.dma_semaphore, #tpu.memory_space<semaphore_mem>> -> memref<!tpu.dma_semaphore, #tpu.memory_space<semaphore_mem>>
    %dma_wait3A_57 = arith.constant 0 : i32
    %dma_wait3A_58 = arith.constant 0 : i32
    %dma_wait3A_59 = tpu.memref_slice %arg4[%dma_wait3A_57, %dma_wait3A_58] : memref<125000x128xf32, #tpu.memory_space<hbm>> -> memref<96x128xf32, #tpu.memory_space<hbm>>
    %dma_wait3A_60 = arith.constant 0 : i32
    %dma_wait3A_61 = arith.constant 0 : i32
    %dma_wait3A_62 = tpu.memref_slice %arg6[%select_n3A_48, %dma_wait3A_60, %dma_wait3A_61] : memref<2x96x128xf32, #tpu.memory_space<vmem>> -> memref<1x96x128xf32, #tpu.memory_space<vmem>>
    %dma_wait3A_63 = tpu.memref_squeeze %dma_wait3A_62 : memref<1x96x128xf32, #tpu.memory_space<vmem>> -> memref<96x128xf32, #tpu.memory_space<vmem>>
    tpu.wait_dma2 semaphore(%dma_wait3A_56 : memref<!tpu.dma_semaphore, #tpu.memory_space<semaphore_mem>>) src(%dma_wait3A_63 : memref<96x128xf32, #tpu.memory_space<vmem>>) dst(%dma_wait3A_59 : memref<96x128xf32, #tpu.memory_space<hbm>>)
    %add3A_64 = arith.constant 1 : i32
    %add3A_65 = arith.addi %add3A_4, %add3A_64 : i32
    %jit3A_66 = arith.constant 2 : i32
    %eq3A_67 = arith.constant 0 : i32
    %eq3A_68 = arith.cmpi eq, %jit3A_66, %eq3A_67 : i32
    %jit3A_69 = arith.constant 1 : i32
    %select_n3A_70 = arith.select %eq3A_68, %jit3A_69, %jit3A_66 : i32
    %rem3A_71 = arith.remsi %add3A_65, %select_n3A_70 : i32
    %ne3A_72 = arith.constant 0 : i32
    %ne3A_73 = arith.cmpi ne, %rem3A_71, %ne3A_72 : i32
    %lt3A_74 = arith.constant 0 : i32
    %lt3A_75 = arith.cmpi slt, %rem3A_71, %lt3A_74 : i32
    %lt3A_76 = arith.constant 0 : i32
    %lt3A_77 = arith.cmpi slt, %select_n3A_70, %lt3A_76 : i32
    %ne3A_78 = arith.xori %lt3A_75, %lt3A_77 : i1
    %and3A_79 = arith.andi %ne3A_78, %ne3A_73 : i1
    %add3A_80 = arith.addi %rem3A_71, %select_n3A_70 : i32
    %select_n3A_81 = arith.select %and3A_79, %add3A_80, %rem3A_71 : i32
    %dma_wait3A_82 = arith.constant 0 : i32
    %dma_wait3A_83 = arith.constant 0 : i32
    %dma_wait3A_84 = tpu.memref_slice %arg6[%select_n3A_81, %dma_wait3A_82, %dma_wait3A_83] : memref<2x96x128xf32, #tpu.memory_space<vmem>> -> memref<1x96x128xf32, #tpu.memory_space<vmem>>
    %dma_wait3A_85 = tpu.memref_squeeze %dma_wait3A_84 : memref<1x96x128xf32, #tpu.memory_space<vmem>> -> memref<96x128xf32, #tpu.memory_space<vmem>>
    %dma_wait3A_86 = arith.constant 0 : i32
    %dma_wait3A_87 = arith.constant 0 : i32
    %dma_wait3A_88 = tpu.memref_slice %arg4[%dma_wait3A_86, %dma_wait3A_87] : memref<125000x128xf32, #tpu.memory_space<hbm>> -> memref<96x128xf32, #tpu.memory_space<hbm>>
    %dma_wait3A_89 = tpu.memref_slice %arg8[%select_n3A_81] : memref<2x!tpu.dma_semaphore, #tpu.memory_space<semaphore_mem>> -> memref<1x!tpu.dma_semaphore, #tpu.memory_space<semaphore_mem>>
    %dma_wait3A_90 = tpu.memref_squeeze %dma_wait3A_89 : memref<1x!tpu.dma_semaphore, #tpu.memory_space<semaphore_mem>> -> memref<!tpu.dma_semaphore, #tpu.memory_space<semaphore_mem>>
    %dma_wait3A_91 = arith.constant 0 : i32
    %dma_wait3A_92 = arith.constant 0 : i32
    %dma_wait3A_93 = tpu.memref_slice %arg4[%dma_wait3A_91, %dma_wait3A_92] : memref<125000x128xf32, #tpu.memory_space<hbm>> -> memref<96x128xf32, #tpu.memory_space<hbm>>
    %dma_wait3A_94 = arith.constant 0 : i32
    %dma_wait3A_95 = arith.constant 0 : i32
    %dma_wait3A_96 = tpu.memref_slice %arg6[%select_n3A_81, %dma_wait3A_94, %dma_wait3A_95] : memref<2x96x128xf32, #tpu.memory_space<vmem>> -> memref<1x96x128xf32, #tpu.memory_space<vmem>>
    %dma_wait3A_97 = tpu.memref_squeeze %dma_wait3A_96 : memref<1x96x128xf32, #tpu.memory_space<vmem>> -> memref<96x128xf32, #tpu.memory_space<vmem>>
    tpu.wait_dma2 semaphore(%dma_wait3A_90 : memref<!tpu.dma_semaphore, #tpu.memory_space<semaphore_mem>>) src(%dma_wait3A_97 : memref<96x128xf32, #tpu.memory_space<vmem>>) dst(%dma_wait3A_93 : memref<96x128xf32, #tpu.memory_space<hbm>>)
    %eq3A_98 = arith.constant 31 : i32
    %eq3A_99 = arith.cmpi eq, %add3A, %eq3A_98 : i32
    %convert_element_type3A = arith.extui %eq3A_99 : i1 to i32
    %cond3A = arith.constant 0 : i32
    %cond3A_100 = arith.cmpi ne, %convert_element_type3A, %cond3A : i32
    scf.if %cond3A_100 {
      %run_scoped3A = arith.constant 0 : i32
      "tpu.region"() ({
        %run_scoped3A_102 = tpu.sem_alloc : memref<!tpu.dma_semaphore, #tpu.memory_space<semaphore_mem>>
        %dma_start3A_103 = arith.constant 0 : i32
        %dma_start3A_104 = arith.constant 0 : i32
        %dma_start3A_105 = tpu.memref_slice %arg6[%run_scoped3A, %dma_start3A_103, %dma_start3A_104] : memref<2x96x128xf32, #tpu.memory_space<vmem>> -> memref<1x8x128xf32, #tpu.memory_space<vmem>>
        %dma_start3A_106 = tpu.memref_squeeze %dma_start3A_105 : memref<1x8x128xf32, #tpu.memory_space<vmem>> -> memref<8x128xf32, #tpu.memory_space<vmem>>
        %dma_start3A_107 = arith.constant 0 : i32
        %dma_start3A_108 = arith.constant 0 : i32
        %dma_start3A_109 = tpu.memref_slice %arg6[%run_scoped3A, %dma_start3A_107, %dma_start3A_108] : memref<2x96x128xf32, #tpu.memory_space<vmem>> -> memref<1x8x128xf32, #tpu.memory_space<vmem>>
        %dma_start3A_110 = tpu.memref_squeeze %dma_start3A_109 : memref<1x8x128xf32, #tpu.memory_space<vmem>> -> memref<8x128xf32, #tpu.memory_space<vmem>>
        tpu.enqueue_dma source(%arg3 : memref<8x128xf32, #tpu.memory_space<hbm>>) target(%dma_start3A_110 : memref<8x128xf32, #tpu.memory_space<vmem>>) target_semaphore(%run_scoped3A_102 : memref<!tpu.dma_semaphore, #tpu.memory_space<semaphore_mem>>)
        %dma_wait3A_111 = arith.constant 0 : i32
        %dma_wait3A_112 = arith.constant 0 : i32
        %dma_wait3A_113 = tpu.memref_slice %arg6[%run_scoped3A, %dma_wait3A_111, %dma_wait3A_112] : memref<2x96x128xf32, #tpu.memory_space<vmem>> -> memref<1x8x128xf32, #tpu.memory_space<vmem>>
        %dma_wait3A_114 = tpu.memref_squeeze %dma_wait3A_113 : memref<1x8x128xf32, #tpu.memory_space<vmem>> -> memref<8x128xf32, #tpu.memory_space<vmem>>
        %dma_wait3A_115 = arith.constant 0 : i32
        %dma_wait3A_116 = arith.constant 0 : i32
        %dma_wait3A_117 = tpu.memref_slice %arg6[%run_scoped3A, %dma_wait3A_115, %dma_wait3A_116] : memref<2x96x128xf32, #tpu.memory_space<vmem>> -> memref<1x8x128xf32, #tpu.memory_space<vmem>>
        %dma_wait3A_118 = tpu.memref_squeeze %dma_wait3A_117 : memref<1x8x128xf32, #tpu.memory_space<vmem>> -> memref<8x128xf32, #tpu.memory_space<vmem>>
        tpu.wait_dma2 semaphore(%run_scoped3A_102 : memref<!tpu.dma_semaphore, #tpu.memory_space<semaphore_mem>>) src(%arg3 : memref<8x128xf32, #tpu.memory_space<hbm>>) dst(%dma_wait3A_118 : memref<8x128xf32, #tpu.memory_space<vmem>>)
        tpu.yield
      }) : () -> ()
      %run_scoped3A_101 = arith.constant 0 : i32
      "tpu.region"() ({
        %run_scoped3A_102 = tpu.sem_alloc : memref<!tpu.dma_semaphore, #tpu.memory_space<semaphore_mem>>
        %dma_start3A_103 = arith.constant 0 : i32
        %dma_start3A_104 = arith.constant 0 : i32
        %dma_start3A_105 = tpu.memref_slice %arg6[%run_scoped3A_101, %dma_start3A_103, %dma_start3A_104] : memref<2x96x128xf32, #tpu.memory_space<vmem>> -> memref<1x8x128xf32, #tpu.memory_space<vmem>>
        %dma_start3A_106 = tpu.memref_squeeze %dma_start3A_105 : memref<1x8x128xf32, #tpu.memory_space<vmem>> -> memref<8x128xf32, #tpu.memory_space<vmem>>
        %dma_start3A_107 = arith.constant 124992 : i32
        %dma_start3A_108 = arith.constant 0 : i32
        %dma_start3A_109 = tpu.memref_slice %arg4[%dma_start3A_107, %dma_start3A_108] : memref<125000x128xf32, #tpu.memory_space<hbm>> -> memref<8x128xf32, #tpu.memory_space<hbm>>
        %dma_start3A_110 = arith.constant 124992 : i32
        %dma_start3A_111 = arith.constant 0 : i32
        %dma_start3A_112 = tpu.memref_slice %arg4[%dma_start3A_110, %dma_start3A_111] : memref<125000x128xf32, #tpu.memory_space<hbm>> -> memref<8x128xf32, #tpu.memory_space<hbm>>
        %dma_start3A_113 = arith.constant 0 : i32
        %dma_start3A_114 = arith.constant 0 : i32
        %dma_start3A_115 = tpu.memref_slice %arg6[%run_scoped3A_101, %dma_start3A_113, %dma_start3A_114] : memref<2x96x128xf32, #tpu.memory_space<vmem>> -> memref<1x8x128xf32, #tpu.memory_space<vmem>>
        %dma_start3A_116 = tpu.memref_squeeze %dma_start3A_115 : memref<1x8x128xf32, #tpu.memory_space<vmem>> -> memref<8x128xf32, #tpu.memory_space<vmem>>
        tpu.enqueue_dma source(%dma_start3A_116 : memref<8x128xf32, #tpu.memory_space<vmem>>) target(%dma_start3A_112 : memref<8x128xf32, #tpu.memory_space<hbm>>) target_semaphore(%run_scoped3A_102 : memref<!tpu.dma_semaphore, #tpu.memory_space<semaphore_mem>>)
        %dma_wait3A_117 = arith.constant 0 : i32
        %dma_wait3A_118 = arith.constant 0 : i32
        %dma_wait3A_119 = tpu.memref_slice %arg6[%run_scoped3A_101, %dma_wait3A_117, %dma_wait3A_118] : memref<2x96x128xf32, #tpu.memory_space<vmem>> -> memref<1x8x128xf32, #tpu.memory_space<vmem>>
        %dma_wait3A_120 = tpu.memref_squeeze %dma_wait3A_119 : memref<1x8x128xf32, #tpu.memory_space<vmem>> -> memref<8x128xf32, #tpu.memory_space<vmem>>
        %dma_wait3A_121 = arith.constant 124992 : i32
        %dma_wait3A_122 = arith.constant 0 : i32
        %dma_wait3A_123 = tpu.memref_slice %arg4[%dma_wait3A_121, %dma_wait3A_122] : memref<125000x128xf32, #tpu.memory_space<hbm>> -> memref<8x128xf32, #tpu.memory_space<hbm>>
        %dma_wait3A_124 = arith.constant 124992 : i32
        %dma_wait3A_125 = arith.constant 0 : i32
        %dma_wait3A_126 = tpu.memref_slice %arg4[%dma_wait3A_124, %dma_wait3A_125] : memref<125000x128xf32, #tpu.memory_space<hbm>> -> memref<8x128xf32, #tpu.memory_space<hbm>>
        %dma_wait3A_127 = arith.constant 0 : i32
        %dma_wait3A_128 = arith.constant 0 : i32
        %dma_wait3A_129 = tpu.memref_slice %arg6[%run_scoped3A_101, %dma_wait3A_127, %dma_wait3A_128] : memref<2x96x128xf32, #tpu.memory_space<vmem>> -> memref<1x8x128xf32, #tpu.memory_space<vmem>>
        %dma_wait3A_130 = tpu.memref_squeeze %dma_wait3A_129 : memref<1x8x128xf32, #tpu.memory_space<vmem>> -> memref<8x128xf32, #tpu.memory_space<vmem>>
        tpu.wait_dma2 semaphore(%run_scoped3A_102 : memref<!tpu.dma_semaphore, #tpu.memory_space<semaphore_mem>>) src(%dma_wait3A_130 : memref<8x128xf32, #tpu.memory_space<vmem>>) dst(%dma_wait3A_126 : memref<8x128xf32, #tpu.memory_space<hbm>>)
        tpu.yield
      }) : () -> ()
    } else {
    }
    return
  }
}

module attributes {stable_mosaic.version = 14 : i64} {
  func.func @_tc_matmul(%arg0: i32, %arg1: memref<2048x128xf32, #tpu.memory_space<vmem>>, %arg2: memref<8x32x128xf32, #tpu.memory_space<vmem>>, %arg3: memref<1x32x16384xf32, #tpu.memory_space<vmem>>) attributes {dimension_semantics = [#tpu.dimension_semantics<arbitrary>], iteration_bounds = array<i64: 26>, scalar_prefetch = 0 : i64, scratch_operands = 0 : i64, tpu.core_type = #tpu.core_type<tc>, window_params = [{transform_indices = @transform_0, window_bounds = array<i64: 2048, 128>}, {pipeline_mode = #tpu.pipeline_mode<synchronous>, transform_indices = @transform_1, window_bounds = array<i64: 8, 32, 128>}, {transform_indices = @transform_2, window_bounds = array<i64: 1, 32, 16384>}]} {
    %get3A = arith.constant 0 : index
    %get3A_0 = arith.constant 0 : index
    %get3A_1 = arith.constant 0 : index
    %get3A_2 = vector.load %arg2[%get3A, %get3A_0, %get3A_1] : memref<8x32x128xf32, #tpu.memory_space<vmem>>, vector<1x32x128xf32>
    %get3A_3 = vector.shape_cast %get3A_2 : vector<1x32x128xf32> to vector<32x128xf32>
    %get3A_4 = arith.constant 0 : index
    %get3A_5 = arith.constant 0 : index
    %get3A_6 = vector.load %arg1[%get3A_4, %get3A_5] : memref<2048x128xf32, #tpu.memory_space<vmem>>, vector<2048x128xf32>
    %dot_general3A = arith.constant dense<0.000000e+00> : vector<32x2048xf32>
    %dot_general3A_7 = tpu.matmul %get3A_3, %get3A_6, %dot_general3A {dimension_numbers = #tpu.dot_dimension_numbers<[1], [1], [0], [0], [0, 0, 1, 0], [], []>, transpose_lhs_hint = false} : vector<32x128xf32>, vector<2048x128xf32>, vector<32x2048xf32> -> vector<32x2048xf32>
    %swap3A = arith.constant 0 : index
    %swap3A_8 = arith.constant 0 : index
    %swap3A_9 = arith.constant 0 : index
    %swap3A_10 = vector.load %arg3[%swap3A, %swap3A_8, %swap3A_9] : memref<1x32x16384xf32, #tpu.memory_space<vmem>>, vector<1x32x2048xf32>
    %swap3A_11 = vector.shape_cast %swap3A_10 : vector<1x32x2048xf32> to vector<32x2048xf32>
    %swap3A_12 = vector.shape_cast %dot_general3A_7 : vector<32x2048xf32> to vector<1x32x2048xf32>
    tpu.vector_store %arg3[%swap3A, %swap3A_8, %swap3A_9], %swap3A_12 {strides = array<i32>} : memref<1x32x16384xf32, #tpu.memory_space<vmem>>, vector<1x32x2048xf32>,
    %get3A_13 = arith.constant 1 : index
    %get3A_14 = arith.constant 0 : index
    %get3A_15 = arith.constant 0 : index
    %get3A_16 = vector.load %arg2[%get3A_13, %get3A_14, %get3A_15] : memref<8x32x128xf32, #tpu.memory_space<vmem>>, vector<1x32x128xf32>
    %get3A_17 = vector.shape_cast %get3A_16 : vector<1x32x128xf32> to vector<32x128xf32>
    %get3A_18 = arith.constant 0 : index
    %get3A_19 = arith.constant 0 : index
    %get3A_20 = vector.load %arg1[%get3A_18, %get3A_19] : memref<2048x128xf32, #tpu.memory_space<vmem>>, vector<2048x128xf32>
    %dot_general3A_21 = arith.constant dense<0.000000e+00> : vector<32x2048xf32>
    %dot_general3A_22 = tpu.matmul %get3A_17, %get3A_20, %dot_general3A_21 {dimension_numbers = #tpu.dot_dimension_numbers<[1], [1], [0], [0], [0, 0, 1, 0], [], []>, transpose_lhs_hint = false} : vector<32x128xf32>, vector<2048x128xf32>, vector<32x2048xf32> -> vector<32x2048xf32>
    %swap3A_23 = arith.constant 0 : index
    %swap3A_24 = arith.constant 0 : index
    %swap3A_25 = arith.constant 2048 : index
    %swap3A_26 = vector.load %arg3[%swap3A_23, %swap3A_24, %swap3A_25] : memref<1x32x16384xf32, #tpu.memory_space<vmem>>, vector<1x32x2048xf32>
    %swap3A_27 = vector.shape_cast %swap3A_26 : vector<1x32x2048xf32> to vector<32x2048xf32>
    %swap3A_28 = vector.shape_cast %dot_general3A_22 : vector<32x2048xf32> to vector<1x32x2048xf32>
    tpu.vector_store %arg3[%swap3A_23, %swap3A_24, %swap3A_25], %swap3A_28 {strides = array<i32>} : memref<1x32x16384xf32, #tpu.memory_space<vmem>>, vector<1x32x2048xf32>,
    %get3A_29 = arith.constant 2 : index
    %get3A_30 = arith.constant 0 : index
    %get3A_31 = arith.constant 0 : index
    %get3A_32 = vector.load %arg2[%get3A_29, %get3A_30, %get3A_31] : memref<8x32x128xf32, #tpu.memory_space<vmem>>, vector<1x32x128xf32>
    %get3A_33 = vector.shape_cast %get3A_32 : vector<1x32x128xf32> to vector<32x128xf32>
    %get3A_34 = arith.constant 0 : index
    %get3A_35 = arith.constant 0 : index
    %get3A_36 = vector.load %arg1[%get3A_34, %get3A_35] : memref<2048x128xf32, #tpu.memory_space<vmem>>, vector<2048x128xf32>
    %dot_general3A_37 = arith.constant dense<0.000000e+00> : vector<32x2048xf32>
    %dot_general3A_38 = tpu.matmul %get3A_33, %get3A_36, %dot_general3A_37 {dimension_numbers = #tpu.dot_dimension_numbers<[1], [1], [0], [0], [0, 0, 1, 0], [], []>, transpose_lhs_hint = false} : vector<32x128xf32>, vector<2048x128xf32>, vector<32x2048xf32> -> vector<32x2048xf32>
    %swap3A_39 = arith.constant 0 : index
    %swap3A_40 = arith.constant 0 : index
    %swap3A_41 = arith.constant 4096 : index
    %swap3A_42 = vector.load %arg3[%swap3A_39, %swap3A_40, %swap3A_41] : memref<1x32x16384xf32, #tpu.memory_space<vmem>>, vector<1x32x2048xf32>
    %swap3A_43 = vector.shape_cast %swap3A_42 : vector<1x32x2048xf32> to vector<32x2048xf32>
    %swap3A_44 = vector.shape_cast %dot_general3A_38 : vector<32x2048xf32> to vector<1x32x2048xf32>
    tpu.vector_store %arg3[%swap3A_39, %swap3A_40, %swap3A_41], %swap3A_44 {strides = array<i32>} : memref<1x32x16384xf32, #tpu.memory_space<vmem>>, vector<1x32x2048xf32>,
    %get3A_45 = arith.constant 3 : index
    %get3A_46 = arith.constant 0 : index
    %get3A_47 = arith.constant 0 : index
    %get3A_48 = vector.load %arg2[%get3A_45, %get3A_46, %get3A_47] : memref<8x32x128xf32, #tpu.memory_space<vmem>>, vector<1x32x128xf32>
    %get3A_49 = vector.shape_cast %get3A_48 : vector<1x32x128xf32> to vector<32x128xf32>
    %get3A_50 = arith.constant 0 : index
    %get3A_51 = arith.constant 0 : index
    %get3A_52 = vector.load %arg1[%get3A_50, %get3A_51] : memref<2048x128xf32, #tpu.memory_space<vmem>>, vector<2048x128xf32>
    %dot_general3A_53 = arith.constant dense<0.000000e+00> : vector<32x2048xf32>
    %dot_general3A_54 = tpu.matmul %get3A_49, %get3A_52, %dot_general3A_53 {dimension_numbers = #tpu.dot_dimension_numbers<[1], [1], [0], [0], [0, 0, 1, 0], [], []>, transpose_lhs_hint = false} : vector<32x128xf32>, vector<2048x128xf32>, vector<32x2048xf32> -> vector<32x2048xf32>
    %swap3A_55 = arith.constant 0 : index
    %swap3A_56 = arith.constant 0 : index
    %swap3A_57 = arith.constant 6144 : index
    %swap3A_58 = vector.load %arg3[%swap3A_55, %swap3A_56, %swap3A_57] : memref<1x32x16384xf32, #tpu.memory_space<vmem>>, vector<1x32x2048xf32>
    %swap3A_59 = vector.shape_cast %swap3A_58 : vector<1x32x2048xf32> to vector<32x2048xf32>
    %swap3A_60 = vector.shape_cast %dot_general3A_54 : vector<32x2048xf32> to vector<1x32x2048xf32>
    tpu.vector_store %arg3[%swap3A_55, %swap3A_56, %swap3A_57], %swap3A_60 {strides = array<i32>} : memref<1x32x16384xf32, #tpu.memory_space<vmem>>, vector<1x32x2048xf32>,
    %get3A_61 = arith.constant 4 : index
    %get3A_62 = arith.constant 0 : index
    %get3A_63 = arith.constant 0 : index
    %get3A_64 = vector.load %arg2[%get3A_61, %get3A_62, %get3A_63] : memref<8x32x128xf32, #tpu.memory_space<vmem>>, vector<1x32x128xf32>
    %get3A_65 = vector.shape_cast %get3A_64 : vector<1x32x128xf32> to vector<32x128xf32>
    %get3A_66 = arith.constant 0 : index
    %get3A_67 = arith.constant 0 : index
    %get3A_68 = vector.load %arg1[%get3A_66, %get3A_67] : memref<2048x128xf32, #tpu.memory_space<vmem>>, vector<2048x128xf32>
    %dot_general3A_69 = arith.constant dense<0.000000e+00> : vector<32x2048xf32>
    %dot_general3A_70 = tpu.matmul %get3A_65, %get3A_68, %dot_general3A_69 {dimension_numbers = #tpu.dot_dimension_numbers<[1], [1], [0], [0], [0, 0, 1, 0], [], []>, transpose_lhs_hint = false} : vector<32x128xf32>, vector<2048x128xf32>, vector<32x2048xf32> -> vector<32x2048xf32>
    %swap3A_71 = arith.constant 0 : index
    %swap3A_72 = arith.constant 0 : index
    %swap3A_73 = arith.constant 8192 : index
    %swap3A_74 = vector.load %arg3[%swap3A_71, %swap3A_72, %swap3A_73] : memref<1x32x16384xf32, #tpu.memory_space<vmem>>, vector<1x32x2048xf32>
    %swap3A_75 = vector.shape_cast %swap3A_74 : vector<1x32x2048xf32> to vector<32x2048xf32>
    %swap3A_76 = vector.shape_cast %dot_general3A_70 : vector<32x2048xf32> to vector<1x32x2048xf32>
    tpu.vector_store %arg3[%swap3A_71, %swap3A_72, %swap3A_73], %swap3A_76 {strides = array<i32>} : memref<1x32x16384xf32, #tpu.memory_space<vmem>>, vector<1x32x2048xf32>,
    %get3A_77 = arith.constant 5 : index
    %get3A_78 = arith.constant 0 : index
    %get3A_79 = arith.constant 0 : index
    %get3A_80 = vector.load %arg2[%get3A_77, %get3A_78, %get3A_79] : memref<8x32x128xf32, #tpu.memory_space<vmem>>, vector<1x32x128xf32>
    %get3A_81 = vector.shape_cast %get3A_80 : vector<1x32x128xf32> to vector<32x128xf32>
    %get3A_82 = arith.constant 0 : index
    %get3A_83 = arith.constant 0 : index
    %get3A_84 = vector.load %arg1[%get3A_82, %get3A_83] : memref<2048x128xf32, #tpu.memory_space<vmem>>, vector<2048x128xf32>
    %dot_general3A_85 = arith.constant dense<0.000000e+00> : vector<32x2048xf32>
    %dot_general3A_86 = tpu.matmul %get3A_81, %get3A_84, %dot_general3A_85 {dimension_numbers = #tpu.dot_dimension_numbers<[1], [1], [0], [0], [0, 0, 1, 0], [], []>, transpose_lhs_hint = false} : vector<32x128xf32>, vector<2048x128xf32>, vector<32x2048xf32> -> vector<32x2048xf32>
    %swap3A_87 = arith.constant 0 : index
    %swap3A_88 = arith.constant 0 : index
    %swap3A_89 = arith.constant 10240 : index
    %swap3A_90 = vector.load %arg3[%swap3A_87, %swap3A_88, %swap3A_89] : memref<1x32x16384xf32, #tpu.memory_space<vmem>>, vector<1x32x2048xf32>
    %swap3A_91 = vector.shape_cast %swap3A_90 : vector<1x32x2048xf32> to vector<32x2048xf32>
    %swap3A_92 = vector.shape_cast %dot_general3A_86 : vector<32x2048xf32> to vector<1x32x2048xf32>
    tpu.vector_store %arg3[%swap3A_87, %swap3A_88, %swap3A_89], %swap3A_92 {strides = array<i32>} : memref<1x32x16384xf32, #tpu.memory_space<vmem>>, vector<1x32x2048xf32>,
    %get3A_93 = arith.constant 6 : index
    %get3A_94 = arith.constant 0 : index
    %get3A_95 = arith.constant 0 : index
    %get3A_96 = vector.load %arg2[%get3A_93, %get3A_94, %get3A_95] : memref<8x32x128xf32, #tpu.memory_space<vmem>>, vector<1x32x128xf32>
    %get3A_97 = vector.shape_cast %get3A_96 : vector<1x32x128xf32> to vector<32x128xf32>
    %get3A_98 = arith.constant 0 : index
    %get3A_99 = arith.constant 0 : index
    %get3A_100 = vector.load %arg1[%get3A_98, %get3A_99] : memref<2048x128xf32, #tpu.memory_space<vmem>>, vector<2048x128xf32>
    %dot_general3A_101 = arith.constant dense<0.000000e+00> : vector<32x2048xf32>
    %dot_general3A_102 = tpu.matmul %get3A_97, %get3A_100, %dot_general3A_101 {dimension_numbers = #tpu.dot_dimension_numbers<[1], [1], [0], [0], [0, 0, 1, 0], [], []>, transpose_lhs_hint = false} : vector<32x128xf32>, vector<2048x128xf32>, vector<32x2048xf32> -> vector<32x2048xf32>
    %swap3A_103 = arith.constant 0 : index
    %swap3A_104 = arith.constant 0 : index
    %swap3A_105 = arith.constant 12288 : index
    %swap3A_106 = vector.load %arg3[%swap3A_103, %swap3A_104, %swap3A_105] : memref<1x32x16384xf32, #tpu.memory_space<vmem>>, vector<1x32x2048xf32>
    %swap3A_107 = vector.shape_cast %swap3A_106 : vector<1x32x2048xf32> to vector<32x2048xf32>
    %swap3A_108 = vector.shape_cast %dot_general3A_102 : vector<32x2048xf32> to vector<1x32x2048xf32>
    tpu.vector_store %arg3[%swap3A_103, %swap3A_104, %swap3A_105], %swap3A_108 {strides = array<i32>} : memref<1x32x16384xf32, #tpu.memory_space<vmem>>, vector<1x32x2048xf32>,
    %get3A_109 = arith.constant 7 : index
    %get3A_110 = arith.constant 0 : index
    %get3A_111 = arith.constant 0 : index
    %get3A_112 = vector.load %arg2[%get3A_109, %get3A_110, %get3A_111] : memref<8x32x128xf32, #tpu.memory_space<vmem>>, vector<1x32x128xf32>
    %get3A_113 = vector.shape_cast %get3A_112 : vector<1x32x128xf32> to vector<32x128xf32>
    %get3A_114 = arith.constant 0 : index
    %get3A_115 = arith.constant 0 : index
    %get3A_116 = vector.load %arg1[%get3A_114, %get3A_115] : memref<2048x128xf32, #tpu.memory_space<vmem>>, vector<2048x128xf32>
    %dot_general3A_117 = arith.constant dense<0.000000e+00> : vector<32x2048xf32>
    %dot_general3A_118 = tpu.matmul %get3A_113, %get3A_116, %dot_general3A_117 {dimension_numbers = #tpu.dot_dimension_numbers<[1], [1], [0], [0], [0, 0, 1, 0], [], []>, transpose_lhs_hint = false} : vector<32x128xf32>, vector<2048x128xf32>, vector<32x2048xf32> -> vector<32x2048xf32>
    %swap3A_119 = arith.constant 0 : index
    %swap3A_120 = arith.constant 0 : index
    %swap3A_121 = arith.constant 14336 : index
    %swap3A_122 = vector.load %arg3[%swap3A_119, %swap3A_120, %swap3A_121] : memref<1x32x16384xf32, #tpu.memory_space<vmem>>, vector<1x32x2048xf32>
    %swap3A_123 = vector.shape_cast %swap3A_122 : vector<1x32x2048xf32> to vector<32x2048xf32>
    %swap3A_124 = vector.shape_cast %dot_general3A_118 : vector<32x2048xf32> to vector<1x32x2048xf32>
    tpu.vector_store %arg3[%swap3A_119, %swap3A_120, %swap3A_121], %swap3A_124 {strides = array<i32>} : memref<1x32x16384xf32, #tpu.memory_space<vmem>>, vector<1x32x2048xf32>,
    return
  }
  func.func @transform_0(%arg0: i32) -> (i32, i32) {
    %c0_i32 = arith.constant 0 : i32
    %c0_i32_0 = arith.constant 0 : i32
    return %arg0, %c0_i32 : i32, i32
  }
  func.func @transform_1(%arg0: i32) -> (i32, i32, i32) {
    %c0_i32 = arith.constant 0 : i32
    %c0_i32_0 = arith.constant 0 : i32
    %c0_i32_1 = arith.constant 0 : i32
    %c0_i32_2 = arith.constant 0 : i32
    return %c0_i32, %c0_i32_0, %c0_i32_1 : i32, i32, i32
  }
  func.func @transform_2(%arg0: i32) -> (i32, i32, i32) {
    %c0_i32 = arith.constant 0 : i32
    %c0_i32_0 = arith.constant 0 : i32
    %c0_i32_1 = arith.constant 0 : i32
    return %arg0, %c0_i32, %c0_i32_0 : i32, i32, i32
  }
}

</mosaic_0001>

<sc_bundles>
// kernel: kernel.5.cloned.1.call-start
scs
__scs_entry_jumppad:
0x0: {  	(pc) =	sbr.rel $0x88, $3  }
0x1: {  	(tag) =	ssettag $0x0;
	lr =	simm.s32 $0x1  }
0x2: {  	[smem:$0x3F9E] =	sst lr;
	_ =	strace $0xD0000000  }
0x3: {  	_ = 	snop  }
0x4: {  	_ = 	snop  }
0x5: {  	_ = 	snop  }
0x6: {  	_ = 	snop  }
0x7: {  	_ = 	snop  }
__scs_overlays_trampoline_lowered:
0x8: {  	[smem:$0x3FAD] =	sst s0  }
0x9: {  	[smem:$0x3FAE] =	sst s1  }
0xa: {  	[smem:$0x3FAF] =	sst s2  }
0xb: {  	[smem:$0x3FB0] =	sst s3  }
0xc: {  	[smem:$0x3FB1] =	sst s4  }
0xd: {  	[smem:$0x3FB2] =	sst s5  }
0xe: {  	[smem:$0x3FB3] =	sst s6  }
0xf: {  	[smem:$0x3FB4] =	sst s7  }
0x10: {  	[smem:$0x3FB5] =	sst s8  }
0x11: {  	[smem:$0x3FB6] =	sst s9;
	s0 =	simm.s32 @!p0 $0x0  }
0x12: {  	s1 =	sld [smem:$0x3F9C];
	s0 =	simm.s32 @p0 $0x1  }
0x13: {  	[smem:$0x3FB7] =	sst s0;
	s0 =	simm.s32 @!p1 $0x0  }
0x14: {  	s2 =	sld [smem:$0x3F9B];
	s0 =	simm.s32 @p1 $0x1  }
0x15: {  	[smem:$0x3FB8] =	sst s0;
	s0 =	simm.s32 @!p2 $0x0  }
0x16: {  	s3 =	sld [smem:$0x3FDB];
	s0 =	simm.s32 @p2 $0x1  }
0x17: {  	s4 =	simm.s32 $0x1BF5;
	[smem:$0x3FBA] =	sst s0  }
0x18: {  	s0 =	sld [smem:$0x3F9D];
	_ =	swait.ge [sflag:s4], $0x0  }
0x19: {  	s7 =	sld [smem:$0x3F9E]  }
0x1a: {  	s8 =	sadd.s32 $0xFFFFE003, lr  }
0x1b: {  	s9 =	sadd.s32 $0xFFFFFEF7, lr;
	s5 =	simm.s32 $0xFFFFFFFF;
	p2 =	slt.u32 s8, $0xFFFFF086  }
0x1c: {  	p1 =	slt.u32 s9, $0xF7A;
	s5 =	simm.s32 @!p2 $0x0  }
0x1d: {  	s5 =	simm.s32 @p1 $0x1;
	p0 =	seq.s32 s7, s2  }
0x1e: {  	s7 =	smul.u32 @!p0 $0xF7A, s2;
	p2 =	seq.s32 @!p0 s5, $0x0  }
0x1f: {  	s9 =	smul.u32 $0xF7A, s1;
	s8 =	simm.s32 @!p0 $0x1BF5;
	p2 =	por !p2, p0  }
0x20: {  	[sflag:s8] =	ssyncset.s32 @!p0 $0xFFFFF086;
	s6 =	sadd.s32 @!p0 s3, s7;
	s7 =	simm.s32 @!p0 $0x108  }
0x21: {  	s3 =	sadd.s32 s3, s9;
	s6 =	sadd.s32 @!p0 $0x88, s6;
	s7 =	simm.s32 @p2 $0x1082  }
0x22: {  	[simem:s7], [sflag:s8] =	dma.local @!p0 [hbm:s6], $0xF7A  }
0x23: {  	s9 =	sor.u32 $0xD0000000, s2;
	s6 =	simm.s32 $0x108;
	_ =	swait.ge @!p0 [sflag:s8], $0x0  }
0x24: {  	s3 =	sadd.s32 $0x88, s3;
	s6 =	simm.s32 @!p1 $0x1082;
	[sflag:s4] =	ssyncset.s32 $0xFFFFF086  }
0x25: {  	[simem:s6], [sflag:s4] =	dma.local [hbm:s3], $0xF7A  }
0x26: {  	[smem:$0x3F9E] =	sst s1;
	(tag) =	ssettag s2;
	_ =	strace s9  }
0x27: {  	s1 =	sld [smem:$0x3FAE]  }
0x28: {  	s2 =	sld [smem:$0x3FAF]  }
0x29: {  	s4 =	sld [smem:$0x3FB1]  }
0x2a: {  	p0 =	seq.s32 s5, $0x0;
	s5 =	sld [smem:$0x3FB2]  }
0x2b: {  	s6 =	sld [smem:$0x3FB3]  }
0x2c: {  	s7 =	sld [smem:$0x3FB4]  }
0x2d: {  	s3 =	simm.s32 $0x108;
	s8 =	sld [smem:$0x3FB5]  }
0x2e: {  	s3 =	simm.s32 @!p0 $0x1082;
	s9 =	sld [smem:$0x3FB6]  }
0x2f: {  	lr =	sadd.s32 s0, s3;
	s0 =	sld [smem:$0x3FAD]  }
0x30: {  	s3 =	sld [smem:$0x3FB0]  }
0x31: {  	[smem:$0x3FB9] =	sst s10  }
0x32: {  	s10 =	sld [smem:$0x3FB7];
	_ =	sdelay $0x3  }
0x33: {  	p0 =	seq.s32 s10, $0x1;
	s10 =	sld [smem:$0x3FB9];
	_ =	sdelay $0x3  }
0x34: {  	[smem:$0x3FB9] =	sst s10  }
0x35: {  	s10 =	sld [smem:$0x3FB8];
	_ =	sdelay $0x3  }
0x36: {  	p1 =	seq.s32 s10, $0x1;
	s10 =	sld [smem:$0x3FB9];
	_ =	sdelay $0x3  }
0x37: {  	[smem:$0x3FB9] =	sst s10  }
0x38: {  	s10 =	sld [smem:$0x3FBA]  }
0x39: {  	_ = 	snop;
	(pc) =	sbr.ind lr, $3  }
0x3a: {  	_ = 	snop  }
0x3b: {  	_ = 	snop  }
0x3c: {  	p2 =	seq.s32 s10, $0x1;
	s10 =	sld [smem:$0x3FB9]  }
0x3d: {  	_ =	shalt  }
0x3e: {  	_ =	shalt  }
0x3f: {  	_ =	shalt  }
0x40: {  	_ =	shalt  }
0x41: {  	_ =	shalt  }
0x42: {  	_ =	shalt  }
0x43: {  	_ =	shalt  }
0x44: {  	_ =	shalt  }
0x45: {  	_ =	shalt  }
0x46: {  	_ =	shalt  }
0x47: {  	_ =	shalt  }
0x48: {  	_ =	shalt  }
0x49: {  	_ =	shalt  }
0x4a: {  	_ =	shalt  }
0x4b: {  	_ =	shalt  }
0x4c: {  	_ =	shalt  }
0x4d: {  	_ =	shalt  }
0x4e: {  	_ =	shalt  }
0x4f: {  	_ =	shalt  }
0x50: {  	_ =	shalt  }
0x51: {  	_ =	shalt  }
0x52: {  	_ =	shalt  }
0x53: {  	_ =	shalt  }
0x54: {  	_ =	shalt  }
0x55: {  	_ =	shalt  }
0x56: {  	_ =	shalt  }
0x57: {  	_ =	shalt  }
0x58: {  	_ =	shalt  }
0x59: {  	_ =	shalt  }
0x5a: {  	_ =	shalt  }
0x5b: {  	_ =	shalt  }
0x5c: {  	_ =	shalt  }
0x5d: {  	_ =	shalt  }
0x5e: {  	_ =	shalt  }
0x5f: {  	_ =	shalt  }
0x60: {  	_ =	shalt  }
0x61: {  	_ =	shalt  }
0x62: {  	_ =	shalt  }
0x63: {  	_ =	shalt  }
0x64: {  	_ =	shalt  }
0x65: {  	_ =	shalt  }
0x66: {  	_ =	shalt  }
0x67: {  	_ =	shalt  }
0x68: {  	_ =	shalt  }
0x69: {  	_ =	shalt  }
0x6a: {  	_ =	shalt  }
0x6b: {  	_ =	shalt  }
0x6c: {  	_ =	shalt  }
0x6d: {  	_ =	shalt  }
0x6e: {  	_ =	shalt  }
0x6f: {  	_ =	shalt  }
0x70: {  	_ =	shalt  }
0x71: {  	_ =	shalt  }
0x72: {  	_ =	shalt  }
0x73: {  	_ =	shalt  }
0x74: {  	_ =	shalt  }
0x75: {  	_ =	shalt  }
0x76: {  	_ =	shalt  }
0x77: {  	_ =	shalt  }
0x78: {  	_ =	shalt  }
0x79: {  	_ =	shalt  }
0x7a: {  	_ =	shalt  }
0x7b: {  	_ =	shalt  }
0x7c: {  	_ =	shalt  }
0x7d: {  	_ =	shalt  }
0x7e: {  	_ =	shalt  }
0x7f: {  	_ =	shalt  }
0x80: {  	_ =	shalt  }
0x81: {  	_ =	shalt  }
0x82: {  	_ =	shalt  }
0x83: {  	_ =	shalt  }
0x84: {  	_ =	shalt  }
0x85: {  	_ =	shalt  }
0x86: {  	_ =	shalt  }
0x87: {  	_ =	shalt  }
.Lfunc_end0:
.L_simem_size_0:
called_computation_lowered:
.L_overlay_start_0:
0x88: {  	s2 =	sld [smem:$0x3FD9]  }
0x89: {  	s3 =	sld [smem:$0x3FFE];
	_ =	sdelay $0x1  }
0x8a: {  	s1 =	srdreg.scid  }
0x8b: {  	s0 =	sand.u32 $0x1, s1  }
0x8c: {  	s17 =	sshll.u32 s0, $0xA;
	s2 =	sadd.s32 s3, s2  }
0x8d: {  	s2 =	sadd.s32 s2, s17  }
0x8e: {  	[smem:$0x3FC5] =	sst s2  }
0x8f: {  	_ = 	snop  }
0x90: {  	s2 =	sld [smem:$0x3FC8];
	(tm) =	ssettm $0x1  }
0x91: {  	s18 =	sld [smem:$0x3FFB];
	_ =	sdelay $0x3  }
0x92: {  	_ =	strace s18  }
0x93: {  	s3 =	sld [smem:$0x3FFC];
	_ =	sdelay $0x3  }
0x94: {  	_ =	strace s3  }
0x95: {  	s3 =	sld [smem:$0x3FFD];
	_ =	sdelay $0x3  }
0x96: {  	_ =	strace s3  }
0x97: {  	_ =	strace $0x8FFFFFFF  }
0x98: {  	s19 =	sld [smem:$0x3FDB];
	_ =	sdelay $0x1  }
0x99: {  	s4 =	simm.s32 $_scs_section_size  }
0x9a: {  	s5 =	simm.s32 $_size__tile_overlayer_lowered;
	s6 =	simm.s32 $_tile_overlayer_lowered  }
0x9b: {  	s22 =	simm.s32 $0x1BFF;
	s21 =	sshll.u32 s6, $0x1;
	s3 =	sadd.s32 s4, s19  }
0x9c: {  	s7 =	simm.s32 $0x0;
	s20 =	sshll.u32 s5, $0x1;
	s5 =	sadd.s32 s21, s3  }
0x9d: {  	[timem:s7], [sflag:s22] =	dma.local [hbm:s5], s20  }
0x9e: {  	_ =	swait.ge [sflag:s22], s20  }
0x9f: {  	s4 =	ssub.s32 $0x0, s20;
	[sflag:s22] =	ssyncset.done $0x0  }
0xa0: {  	[sflag:s22] =	ssyncadd.s32 s4;
	_ =	sdelay $0x1  }
0xa1: {  	s23 =	simm.s32 $0x1B8B  }
0xa2: {  	_ =	swait.ge [sflag:s23], $0x1  }
0xa3: {  	[sflag:s23] =	ssyncset.done $0x0  }
0xa4: {  	s25 =	simm.s32 $0x1B8E;
	s24 =	sld [smem:$0x3FFE];
	[sflag:s23] =	ssyncadd.s32 $0xFFFFFFFF  }
0xa5: {  	s26 =	simm.s32 $execute0_lowered;
	[smem:$0x3FD2] =	sst s25  }
0xa6: {  	s5 =	sshll.u32 s26, $0x1;
	_ =	strace $0x80000046;
	[dreg:$0x1] =	wrdreg $0xFFFFFFFF  }
0xa7: {  	s28 =	simm.s32 $_size_execute0_lowered;
	s3 =	sadd.s32 s3, s5;
	[dreg:$0x0] =	wrdreg $0x0  }
0xa8: {  	s5 =	sshll.u32 s28, $0x1;
	[dreg:$0x2] =	wrdreg s3  }
0xa9: {  	[dreg:$0x3] =	wrdreg s5  }
0xaa: {  	[dreg:$0x4] =	wrdreg $0xC0  }
0xab: {  	_ =	task [dreg:s7], $0x5FFFF  }
0xac: {  	[dreg:$0x1] =	wrdreg $0xFFFFFFFF  }
0xad: {  	[dreg:$0x0] =	wrdreg $0x60  }
0xae: {  	[dreg:$0x2] =	wrdreg s2  }
0xaf: {  	[dreg:$0x3] =	wrdreg s24  }
0xb0: {  	[dreg:$0x4] =	wrdreg $0x9  }
0xb1: {  	_ =	task.clear_ibuf [dreg:s7], $0x5FFFF;
	_ =	strace $0x90000046  }
0xb2: {  	s29 =	simm.s32 $0x9;
	_ =	strace $0x80000048  }
0xb3: {  	_ =	swait.ge [sflag:s29], $0x1  }
0xb4: {  	[sflag:s29] =	ssyncadd.s32 $0xFFFFFFFF  }
0xb5: {  	_ =	strace $0x90000048  }
0xb6: {  	_ =	sfence  }
0xb7: {  	s30 =	sld [smem:$0x0];
	_ =	sdelay $0x2  }
0xb8: {  	s31 =	sshll.u32 s1, $0xD;
	s1 =	sshrl.u32 s1, $0x2  }
0xb9: {  	s3 =	sand.u32 $0x4000, s31;
	s1 =	sadd.s32 s1, s30  }
0xba: {  	s0 =	sor.u32 s3, s0;
	s1 =	sshll.u32 s1, $0x11  }
0xbb: {  	s0 =	sor.u32 s1, s0  }
0xbc: {  	s0 =	sadd.s32 $0x8F2B, s0  }
0xbd: {  	[sflag:s0] =	ssyncadd.remote.s32 $0x1  }
0xbe: {  	_ =	sfence.sel $0xFFFF  }
0xbf: {  	[dreg:$0x0] =	wrdreg $0xFFFFFFFF;
	(pc) =	sbr.abs _section_cstart, $3  }
0xc0: {  	[dreg:$0x1] =	wrdreg $0xFFFFFFFF  }
0xc1: {  	_ =	task.clear_ibuf [dreg:s7], $0x2FFFF;
	_ =	strace $0x9FFFFFFF  }
0xc2: {  	(tm) =	ssettm $0x7FFFFFFF  }
0xc3: {  	_ =	shalt  }
tec
execute0_lowered:
.L_overlay_start_1:
0x0: {  	(tag) =	ssettag $0x1  }
0x1: {  	v0 =	vlaneseq.u32  }
0x2: {  	v2 =	vshrl.u32 v0, $0x3  }
0x3: {  	s0 =	rddreg [dreg:$0x0];
	v1 =	vand.u32 $0x7, v0;
	v2 =	vmul.u32 $0x1C00, v2  }
0x4: {  	s11 =	rddreg [dreg:$0x1];
	s3 =	simm.s32 $0x0;
	v1 =	vmul.u32 $0x80, v1  }
0x5: {  	[smem:$0x7FF] =	sst s3;
	[tilespmem:$0x1FE90] =	vst v2;
	v2 =	vor.u32 $0x1B0, v0  }
0x6: {  	s1 =	rddreg [dreg:$0x2];
	v5 =	vor.u32 $0x1, v1;
	_ =	strace $0x80000047;
	[tilespmem:$0x1FEA0] =	vst v2  }
0x7: {  	v6 =	vor.u32 $0x2, v1;
	[tilespmem:$0x1FEC0] =	vst v5  }
0x8: {  	v7 =	vor.u32 $0x3, v1;
	[tilespmem:$0x1FED0] =	vst v6  }
0x9: {  	v8 =	vor.u32 $0x4, v1;
	[tilespmem:$0x1FEE0] =	vst v7  }
0xa: {  	v22 =	vor.u32 $0x10, v0;
	v23 =	vor.u32 $0x20, v0;
	v10 =	vor.u32 $0x5, v1;
	[tilespmem:$0x1FEF0] =	vst v8  }
0xb: {  	v24 =	vor.u32 $0x30, v0;
	v25 =	vor.u32 $0x40, v0;
	v11 =	vor.u32 $0x6, v1;
	[tilespmem:$0x1FF00] =	vst v10  }
0xc: {  	v26 =	vor.u32 $0x50, v0;
	v46 =	vor.u32 $0x60, v0;
	v20 =	vor.u32 $0x7, v1;
	[tilespmem:$0x1FF10] =	vst v11  }
0xd: {  	v47 =	vor.u32 $0x70, v0;
	v48 =	vor.u32 $0x80, v0;
	v12 =	vor.u32 $0x8, v1;
	[tilespmem:$0x1FF20] =	vst v20  }
0xe: {  	v49 =	vor.u32 $0x90, v0;
	v50 =	vor.u32 $0xA0, v0;
	v13 =	vor.u32 $0x9, v1;
	[tilespmem:$0x1FF30] =	vst v12  }
0xf: {  	v51 =	vor.u32 $0xB0, v0;
	v52 =	vor.u32 $0xC0, v0;
	v15 =	vor.u32 $0xA, v1;
	[tilespmem:$0x1FF40] =	vst v13  }
0x10: {  	v53 =	vor.u32 $0xD0, v0;
	v54 =	vor.u32 $0xE0, v0;
	v14 =	vor.u32 $0xB, v1;
	[tilespmem:$0x1FF50] =	vst v15  }
0x11: {  	v55 =	vor.u32 $0xF0, v0;
	v35 =	vor.u32 $0x100, v0;
	v16 =	vor.u32 $0xC, v1;
	[tilespmem:$0x1FF60] =	vst v14  }
0x12: {  	s4 =	srdreg.scid;
	s2 =	stileid.u32;
	s13 =	simm.s32 $0x1;
	v36 =	vor.u32 $0x110, v0;
	v37 =	vor.u32 $0x120, v0;
	v17 =	vor.u32 $0xD, v1;
	[tilespmem:$0x1FF70] =	vst v16  }
0x13: {  	s14 =	simm.s32 $0x1C00;
	s5 =	sand.u32 $0x1, s4;
	s30 =	sshll.u32 s2, $0x1;
	v38 =	vor.u32 $0x130, v0;
	v39 =	vor.u32 $0x140, v0;
	v9 =	vor.u32 $0xE, v1;
	[tilespmem:$0x1FF80] =	vst v17  }
0x14: {  	s15 =	simm.s32 $0x7000;
	s4 =	sadd.s32 $0xC00, s11;
	v40 =	vor.u32 $0x150, v0;
	v41 =	vor.u32 $0x160, v0;
	s16 =	sor.u32 s5, s30;
	v21 =	vor.u32 $0xF, v1;
	[tilespmem:$0x1FF90] =	vst v9  }
0x15: {  	p0 =	sgt.u32 s2, $0xA;
	v43 =	vor.u32 $0x170, v0;
	v42 =	vor.u32 $0x180, v0;
	v44 =	vor.u32 $0x190, v0;
	s8 =	ssub.s32 $0x2, s5;
	s6 =	smul.u32 $0x28, s16;
	[tilespmem:$0x1FFA0] =	vst v21  }
0x16: {  	v45 =	vor.u32 $0x1A0, v0;
	s5 =	sadd.s32 $0xE00, s11;
	s13 =	simm.s32 @!p0 $0x0;
	s7 =	smin.u32 s16, $0x16;
	v56 =	vor.u32 $0x10, v1;
	v57 =	vor.u32 $0x11, v1;
	[tilespmem:$0x1FFB0] =	vst v22  }
0x17: {  	s11 =	sadd.s32 $0x1E9200, s11;
	s9 =	sshrl.u32 s8, $0x1;
	v58 =	vor.u32 $0x12, v1;
	v59 =	vor.u32 $0x13, v1;
	v60 =	vor.u32 $0x14, v1;
	s6 =	sadd.s32 s7, s6;
	[tilespmem:$0x1FFC0] =	vst v23  }
0x18: {  	v61 =	vor.u32 $0x15, v1;
	v62 =	vor.u32 $0x16, v1;
	v63 =	vor.u32 $0x17, v1;
	s12 =	ssub.s32 s8, s9;
	s7 =	simm.s32 $0x28;
	[tilespmem:$0x1FFD0] =	vst v24;
	s10 =	smul.u32 $0x300, s6  }
0x19: {  	v27 =	vor.u32 $0x18, v1;
	v28 =	vor.u32 $0x19, v1;
	v29 =	vor.u32 $0x1A, v1;
	s12 =	smax.u32 s12, $0x1;
	[tilespmem:$0x1FFE0] =	vst v25;
	s7 =	simm.s32 @!p0 $0x29;
	p0 =	sne.s32 s16, $0x1F  }
0x1a: {  	v30 =	vor.u32 $0x1B, v1;
	v31 =	vor.u32 $0x1C, v1;
	v2 =	vor.u32 $0x1C0, v0;
	[tilespmem:$0x1FFF0] =	vst v44;
	s16 =	simm.s32 $0x0;
	s31 =	sand.u32 $0x1, s7;
	s8 =	sadd.s32 s0, s10  }
0x1b: {  	v32 =	vor.u32 $0x1D, v1;
	v33 =	vor.u32 $0x1E, v1;
	v34 =	vor.u32 $0x1F, v1;
	[tilespmem:$0x1FEB0] =	vst v2;
	s9 =	sadd.s32 $0x3, s31;
	s10 =	sadd.s32 $0x3, s13;
	s13 =	sadd.s32 $0xF4280, s8  }
.LBB2_1:
0x1c: {  	[tilespmem:s3], [sflag:$0x1] =	stream.linear.gather [hbm4b:s8+s3], $0x1800, $0x38;
	[tilespmem:$0xD000] =	vst v63  }
0x1d: {  	s18 =	simm.s32 $0x0  }
0x1e: {  	[tilespmem:s14], [sflag:$0x1] =	stream.linear.gather [hbm4b:s13+s3], $0x1800, $0x38;
	[tilespmem:$0xD000] =	vst v63  }
.LBB2_2:
0x1f: {  	s17 =	sadd.s32 $0x1, s18  }
0x20: {  	p1 =	sge.u32 s17, s7  }
0x21: {  	s19 =	sand.u32 @!p1 $0x1, s17  }
0x22: {  	s21 =	sadd.s32 @!p1 s6, s17;
	s20 =	smul.u32 @!p1 $0xE000, s19  }
0x23: {  	s21 =	smul.u32 @!p1 $0x300, s21  }
0x24: {  	s23 =	simm.s32 @!p1 $0x0;
	s22 =	sadd.s32 @!p1 $0x1, s19  }
0x25: {  	s19 =	sand.u32 $0x1, s18;
	s20 =	sshrl.u32 @!p1 s20, $0x2;
	s21 =	sadd.s32 @!p1 s0, s21  }
0x26: {  	[tilespmem:s20], [sflag:s22] =	stream.linear.gather @!p1 [hbm4b:s21+s23], $0x1800, $0x38;
	[tilespmem:$0xD000] =	vst v63  }
0x27: {  	s31 =	sadd.s32 $0x1, s19;
	s21 =	sadd.s32 @!p1 $0xF4280, s21;
	s20 =	sadd.s32 @!p1 $0x1C00, s20  }
0x28: {  	[tilespmem:s20], [sflag:s22] =	stream.linear.gather @!p1 [hbm4b:s21+s23], $0x1800, $0x38;
	[tilespmem:$0xD000] =	vst v63  }
0x29: {  	_ =	swait.ge [sflag:s31], $0x3000  }
0x2a: {  	p1 =	slt.u32 s18, $0x2;
	[sflag:s31] =	ssyncset.done $0x0  }
0x2b: {  	s20 =	sadd.s32 @!p1 $0x3, s19;
	[sflag:s31] =	ssyncadd.s32 $0xFFFFD000  }
0x2c: {  	_ =	swait.ge @!p1 [sflag:s20], $0x3000  }
0x2d: {  	v4 =	vld [tilespmem:$0x1FE90];
	_ =	sdelay $0x1  }
0x2e: {  	v2 =	vmov s19  }
0x2f: {  	v3 =	vmul.u32 $0x3800, v2;
	v2 =	vmul.u32 $0x3000, v2;
	_ =	sdelay $0x1  }
0x30: {  	[sflag:s20] =	ssyncset.done @!p1 $0x0;
	[tilespmem:$0x1FE80] =	vst v2;
	v3 =	vadd.s32 v4, v3  }
0x31: {  	v2 =	vimm.s32 $0x0;
	[sflag:s20] =	ssyncadd.s32 @!p1 $0xFFFFD000;
	s20 =	simm.s32 $0x6;
	[tilespmem:$0x1FE70] =	vst v3  }
.LBB2_3:
0x32: {  	v4 =	vld [tilespmem:$0x1FE70];
	_ =	sdelay $0x3  }
0x33: {  	v3 =	vshll.u32 v2, $0x3  }
0x34: {  	v5 =	vld [tilespmem:$0x1FEC0];
	v4 =	vadd.s32 v3, v4  }
0x35: {  	v6 =	vld [tilespmem:$0x1FED0];
	v3 =	vor.u32 v1, v4  }
0x36: {  	v7 =	vld [tilespmem:$0x1FEE0]  }
0x37: {  	v8 =	vld [tilespmem:$0x1FEF0]  }
0x38: {  	v11 =	vld [tilespmem:$0x1FF20]  }
0x39: {  	v12 =	vld [tilespmem:$0x1FF30]  }
0x3a: {  	v9 =	vld.idx.msk [tilespmem:v3+s3+$0x0], $0xffff;
	v3 =	vor.u32 v10, v4  }
0x3b: {  	v13 =	vld [tilespmem:$0x1FF40]  }
0x3c: {  	v16 =	vld [tilespmem:$0x1FF70]  }
0x3d: {  	v17 =	vld [tilespmem:$0x1FF80]  }
0x3e: {  	v18 =	vld [tilespmem:$0x1FF90]  }
0x3f: {  	v14 =	vld.idx.msk [tilespmem:v3+s3+$0x0], $0xffff;
	v3 =	vor.u32 v15, v4  }
0x40: {  	v22 =	vld [tilespmem:$0x1FFB0]  }
0x41: {  	v23 =	vld [tilespmem:$0x1FFC0];
	v5 =	vor.u32 v5, v4  }
0x42: {  	v24 =	vld [tilespmem:$0x1FFD0]  }
0x43: {  	v25 =	vld [tilespmem:$0x1FFE0];
	v6 =	vor.u32 v6, v4  }
0x44: {  	v20 =	vld.idx.msk [tilespmem:v3+s3+$0x0], $0xffff  }
0x45: {  	v3 =	vld [tilespmem:$0x1FFA0]  }
0x46: {  	v7 =	vor.u32 v7, v4;
	v5 =	vld.idx.msk [tilespmem:v5+s3+$0x0], $0xffff  }
0x47: {  	v8 =	vor.u32 v8, v4;
	v10 =	vld [tilespmem:$0x1FF10]  }
0x48: {  	v11 =	vor.u32 v11, v4;
	v6 =	vld.idx.msk [tilespmem:v6+s3+$0x0], $0xffff  }
0x49: {  	v12 =	vor.u32 v12, v4;
	v15 =	vld [tilespmem:$0x1FF60]  }
0x4a: {  	v13 =	vor.u32 v13, v4;
	v21 =	vor.u32 v3, v4;
	v3 =	vld [tilespmem:$0x1FE80]  }
0x4b: {  	v16 =	vor.u32 v16, v4;
	v7 =	vld.idx.msk [tilespmem:v7+s3+$0x0], $0xffff  }
0x4c: {  	v17 =	vor.u32 v17, v4;
	v8 =	vld.idx.msk [tilespmem:v8+s3+$0x0], $0xffff  }
0x4d: {  	v18 =	vor.u32 v18, v4;
	v11 =	vld.idx.msk [tilespmem:v11+s3+$0x0], $0xffff  }
0x4e: {  	v19 =	vshll.u32 v2, $0x4;
	v12 =	vld.idx.msk [tilespmem:v12+s3+$0x0], $0xffff;
	v10 =	vor.u32 v10, v4  }
0x4f: {  	v13 =	vld.idx.msk [tilespmem:v13+s3+$0x0], $0xffff;
	v15 =	vor.u32 v15, v4;
	v3 =	vadd.s32 v3, v19  }
0x50: {  	v16 =	vld.idx.msk [tilespmem:v16+s3+$0x0], $0xffff;
	v19 =	vor.u32 v0, v3  }
0x51: {  	v17 =	vld.idx.msk [tilespmem:v17+s3+$0x0], $0xffff;
	v22 =	vor.u32 v22, v3  }
0x52: {  	v18 =	vld.idx.msk [tilespmem:v18+s3+$0x0], $0xffff;
	v23 =	vor.u32 v23, v3  }
0x53: {  	v10 =	vld.idx.msk [tilespmem:v10+s3+$0x0], $0xffff;
	v24 =	vor.u32 v24, v3  }
0x54: {  	v15 =	vld.idx.msk [tilespmem:v15+s3+$0x0], $0xffff;
	v25 =	vor.u32 v25, v3  }
0x55: {  	v21 =	vld.idx.msk [tilespmem:v21+s3+$0x0], $0xffff;
	[tilespmem:v19+s15+$0x0] =	vst.idx.msk $0xffff, v9;
	v9 =	vor.u32 v26, v3  }
0x56: {  	[tilespmem:v22+s15+$0x0] =	vst.idx.msk $0xffff, v5;
	v5 =	vor.u32 v46, v3  }
0x57: {  	v19 =	vor.u32 v47, v3;
	[tilespmem:v23+s15+$0x0] =	vst.idx.msk $0xffff, v6  }
0x58: {  	v22 =	vadd.s32 v48, v3;
	[tilespmem:v24+s15+$0x0] =	vst.idx.msk $0xffff, v7  }
0x59: {  	[tilespmem:v25+s15+$0x0] =	vst.idx.msk $0xffff, v8;
	v8 =	vadd.s32 v49, v3  }
0x5a: {  	[tilespmem:v9+s15+$0x0] =	vst.idx.msk $0xffff, v14;
	v9 =	vadd.s32 v50, v3  }
0x5b: {  	v23 =	vadd.s32 v51, v3;
	[tilespmem:v5+s15+$0x0] =	vst.idx.msk $0xffff, v10  }
0x5c: {  	[tilespmem:v19+s15+$0x0] =	vst.idx.msk $0xffff, v11;
	v19 =	vadd.s32 v52, v3  }
0x5d: {  	[tilespmem:v22+s15+$0x0] =	vst.idx.msk $0xffff, v12;
	v22 =	vadd.s32 v53, v3  }
0x5e: {  	[tilespmem:v8+s15+$0x0] =	vst.idx.msk $0xffff, v13;
	v8 =	vadd.s32 v54, v3  }
0x5f: {  	[tilespmem:v9+s15+$0x0] =	vst.idx.msk $0xffff, v20;
	v9 =	vadd.s32 v55, v3  }
0x60: {  	[tilespmem:v23+s15+$0x0] =	vst.idx.msk $0xffff, v15;
	v23 =	vor.u32 v56, v4  }
0x61: {  	v20 =	vor.u32 v58, v4;
	[tilespmem:v19+s15+$0x0] =	vst.idx.msk $0xffff, v16  }
0x62: {  	v10 =	vor.u32 v61, v4;
	[tilespmem:v22+s15+$0x0] =	vst.idx.msk $0xffff, v17  }
0x63: {  	v11 =	vor.u32 v62, v4;
	[tilespmem:v8+s15+$0x0] =	vst.idx.msk $0xffff, v18  }
0x64: {  	v12 =	vor.u32 v63, v4;
	[tilespmem:v9+s15+$0x0] =	vst.idx.msk $0xffff, v21  }
0x65: {  	v13 =	vor.u32 v27, v4;
	v5 =	vld.idx.msk [tilespmem:v23+s3+$0x0], $0xffff  }
0x66: {  	v14 =	vor.u32 v28, v4;
	v7 =	vld.idx.msk [tilespmem:v20+s3+$0x0], $0xffff  }
0x67: {  	v15 =	vor.u32 v29, v4;
	v10 =	vld.idx.msk [tilespmem:v10+s3+$0x0], $0xffff  }
0x68: {  	v19 =	vor.u32 v57, v4;
	v11 =	vld.idx.msk [tilespmem:v11+s3+$0x0], $0xffff  }
0x69: {  	v16 =	vor.u32 v30, v4;
	v12 =	vld.idx.msk [tilespmem:v12+s3+$0x0], $0xffff  }
0x6a: {  	v17 =	vor.u32 v31, v4;
	v13 =	vld.idx.msk [tilespmem:v13+s3+$0x0], $0xffff  }
0x6b: {  	v8 =	vor.u32 v59, v4;
	v14 =	vld.idx.msk [tilespmem:v14+s3+$0x0], $0xffff  }
0x6c: {  	v18 =	vor.u32 v32, v4;
	v15 =	vld.idx.msk [tilespmem:v15+s3+$0x0], $0xffff  }
0x6d: {  	v9 =	vor.u32 v60, v4;
	v6 =	vld.idx.msk [tilespmem:v19+s3+$0x0], $0xffff  }
0x6e: {  	v20 =	vor.u32 v34, v4;
	v16 =	vld.idx.msk [tilespmem:v16+s3+$0x0], $0xffff  }
0x6f: {  	v21 =	vadd.s32 v35, v3;
	v19 =	vor.u32 v33, v4;
	v17 =	vld.idx.msk [tilespmem:v17+s3+$0x0], $0xffff  }
0x70: {  	v22 =	vadd.s32 v36, v3;
	v8 =	vld.idx.msk [tilespmem:v8+s3+$0x0], $0xffff  }
0x71: {  	v23 =	vadd.s32 v37, v3;
	v18 =	vld.idx.msk [tilespmem:v18+s3+$0x0], $0xffff  }
0x72: {  	v24 =	vadd.s32 v38, v3;
	v9 =	vld.idx.msk [tilespmem:v9+s3+$0x0], $0xffff  }
0x73: {  	v25 =	vadd.s32 v39, v3;
	v20 =	vld.idx.msk [tilespmem:v20+s3+$0x0], $0xffff  }
0x74: {  	v19 =	vld.idx.msk [tilespmem:v19+s3+$0x0], $0xffff;
	[tilespmem:v21+s15+$0x0] =	vst.idx.msk $0xffff, v5;
	v5 =	vadd.s32 v40, v3  }
0x75: {  	v21 =	vadd.s32 v41, v3;
	[tilespmem:v22+s15+$0x0] =	vst.idx.msk $0xffff, v6  }
0x76: {  	[tilespmem:v23+s15+$0x0] =	vst.idx.msk $0xffff, v7  }
0x77: {  	[tilespmem:v24+s15+$0x0] =	vst.idx.msk $0xffff, v8  }
0x78: {  	[tilespmem:v25+s15+$0x0] =	vst.idx.msk $0xffff, v9  }
0x79: {  	v9 =	vadd.s32 v44, v3;
	v44 =	vld [tilespmem:$0x1FEA0];
	[tilespmem:v5+s15+$0x0] =	vst.idx.msk $0xffff, v10  }
0x7a: {  	v22 =	vadd.s32 v43, v3;
	[tilespmem:v21+s15+$0x0] =	vst.idx.msk $0xffff, v11;
	v21 =	vld [tilespmem:$0x1FEB0]  }
0x7b: {  	v8 =	vadd.s32 v42, v3;
	_ =	sdelay $0x1  }
0x7c: {  	v23 =	vadd.s32 v45, v3  }
0x7d: {  	v6 =	vadd.s32 v44, v3  }
0x7e: {  	v10 =	vor.u32 $0x1D0, v0;
	[tilespmem:v22+s15+$0x0] =	vst.idx.msk $0xffff, v12;
	v7 =	vadd.s32 v21, v3  }
0x7f: {  	[tilespmem:v8+s15+$0x0] =	vst.idx.msk $0xffff, v13;
	v8 =	vadd.s32 v10, v3;
	v10 =	vor.u32 $0x1E0, v0  }
0x80: {  	[tilespmem:v9+s15+$0x0] =	vst.idx.msk $0xffff, v14;
	v9 =	vadd.s32 v10, v3;
	v10 =	vor.u32 $0x1F0, v0  }
0x81: {  	[tilespmem:v23+s15+$0x0] =	vst.idx.msk $0xffff, v15;
	v22 =	vadd.s32 v10, v3;
	v10 =	vor.u32 $0x20, v1  }
0x82: {  	v24 =	vor.u32 $0x230, v0;
	v23 =	vor.u32 v10, v4;
	v10 =	vor.u32 $0x21, v1;
	[tilespmem:v6+s15+$0x0] =	vst.idx.msk $0xffff, v16  }
0x83: {  	v24 =	vadd.s32 v24, v3;
	v44 =	vor.u32 v10, v4;
	v10 =	vor.u32 $0x22, v1;
	[tilespmem:v7+s15+$0x0] =	vst.idx.msk $0xffff, v17  }
0x84: {  	v11 =	vor.u32 $0x26, v1;
	[tilespmem:v8+s15+$0x0] =	vst.idx.msk $0xffff, v18;
	v8 =	vor.u32 v10, v4;
	v10 =	vor.u32 $0x23, v1  }
0x85: {  	v11 =	vor.u32 v11, v4;
	[tilespmem:v9+s15+$0x0] =	vst.idx.msk $0xffff, v19;
	v9 =	vor.u32 v10, v4;
	v10 =	vor.u32 $0x24, v1  }
0x86: {  	v12 =	vor.u32 $0x27, v1;
	v13 =	vor.u32 $0x28, v1;
	v21 =	vor.u32 v10, v4  }
0x87: {  	v12 =	vor.u32 v12, v4;
	v13 =	vor.u32 v13, v4;
	v14 =	vor.u32 $0x29, v1;
	[tilespmem:v22+s15+$0x0] =	vst.idx.msk $0xffff, v20  }
0x88: {  	v14 =	vor.u32 v14, v4;
	v15 =	vor.u32 $0x2A, v1;
	v16 =	vor.u32 $0x2B, v1;
	v6 =	vld.idx.msk [tilespmem:v23+s3+$0x0], $0xffff  }
0x89: {  	v15 =	vor.u32 v15, v4;
	v16 =	vor.u32 v16, v4;
	v7 =	vld.idx.msk [tilespmem:v44+s3+$0x0], $0xffff;
	v44 =	vor.u32 $0x2F, v1  }
0x8a: {  	v17 =	vor.u32 $0x2C, v1;
	v11 =	vld.idx.msk [tilespmem:v11+s3+$0x0], $0xffff;
	v20 =	vor.u32 v44, v4;
	v44 =	vor.u32 $0x200, v0  }
0x8b: {  	v22 =	vor.u32 $0x2D, v1;
	v5 =	vld.idx.msk [tilespmem:v21+s3+$0x0], $0xffff;
	v21 =	vadd.s32 v44, v3;
	v44 =	vor.u32 $0x210, v0  }
0x8c: {  	v12 =	vld.idx.msk [tilespmem:v12+s3+$0x0], $0xffff;
	v18 =	vor.u32 v22, v4;
	v22 =	vadd.s32 v44, v3;
	v44 =	vor.u32 $0x220, v0  }
0x8d: {  	v25 =	vor.u32 $0x240, v0;
	v17 =	vor.u32 v17, v4;
	v10 =	vor.u32 $0x25, v1;
	v13 =	vld.idx.msk [tilespmem:v13+s3+$0x0], $0xffff  }
0x8e: {  	v25 =	vadd.s32 v25, v3;
	v10 =	vor.u32 v10, v4;
	v23 =	vor.u32 $0x2E, v1;
	v14 =	vld.idx.msk [tilespmem:v14+s3+$0x0], $0xffff  }
0x8f: {  	v15 =	vld.idx.msk [tilespmem:v15+s3+$0x0], $0xffff;
	v19 =	vor.u32 v23, v4;
	v23 =	vadd.s32 v44, v3;
	v44 =	vmov v43  }
0x90: {  	v16 =	vld.idx.msk [tilespmem:v16+s3+$0x0], $0xffff;
	v43 =	vmovc v41;
	v41 =	vmovc v40;
	v40 =	vmov v39;
	v39 =	vmov v38;
	v38 =	vmov v37  }
0x91: {  	v8 =	vld.idx.msk [tilespmem:v8+s3+$0x0], $0xffff;
	v37 =	vmovc v36;
	v36 =	vmovc v35;
	v35 =	vmov v34;
	v34 =	vmov v33;
	v33 =	vmov v32  }
0x92: {  	v17 =	vld.idx.msk [tilespmem:v17+s3+$0x0], $0xffff;
	v32 =	vmovc v31;
	v31 =	vmovc v30;
	v30 =	vmov v29;
	v29 =	vmov v28;
	v28 =	vmov v27  }
0x93: {  	v9 =	vld.idx.msk [tilespmem:v9+s3+$0x0], $0xffff;
	v27 =	vmovc v63;
	v63 =	vmovc v62;
	v62 =	vmov v61;
	v61 =	vmov v60;
	v60 =	vmov v59  }
0x94: {  	v10 =	vld.idx.msk [tilespmem:v10+s3+$0x0], $0xffff;
	v59 =	vmovc v58;
	v58 =	vmovc v57;
	v57 =	vmov v56;
	v56 =	vmov v55;
	v55 =	vmov v54  }
0x95: {  	v18 =	vld.idx.msk [tilespmem:v18+s3+$0x0], $0xffff;
	v54 =	vmovc v53;
	v53 =	vmovc v52;
	v52 =	vmov v51;
	v51 =	vmov v50;
	v50 =	vmov v49  }
0x96: {  	v19 =	vld.idx.msk [tilespmem:v19+s3+$0x0], $0xffff;
	v49 =	vmovc v48;
	v48 =	vmovc v47;
	v47 =	vmov v46;
	v46 =	vmov v26;
	v26 =	vor.u32 $0x250, v0  }
0x97: {  	v20 =	vld.idx.msk [tilespmem:v20+s3+$0x0], $0xffff;
	[tilespmem:v21+s15+$0x0] =	vst.idx.msk $0xffff, v6;
	v6 =	vadd.s32 v26, v3;
	v21 =	vor.u32 $0x260, v0  }
0x98: {  	[tilespmem:v22+s15+$0x0] =	vst.idx.msk $0xffff, v7;
	v7 =	vadd.s32 v21, v3;
	v21 =	vor.u32 $0x270, v0  }
0x99: {  	[tilespmem:v23+s15+$0x0] =	vst.idx.msk $0xffff, v8;
	v8 =	vadd.s32 v21, v3;
	v21 =	vor.u32 $0x280, v0  }
0x9a: {  	[tilespmem:v24+s15+$0x0] =	vst.idx.msk $0xffff, v9;
	v9 =	vadd.s32 v21, v3;
	v21 =	vor.u32 $0x290, v0  }
0x9b: {  	[tilespmem:v25+s15+$0x0] =	vst.idx.msk $0xffff, v5;
	v5 =	vadd.s32 v21, v3;
	v21 =	vor.u32 $0x2A0, v0  }
0x9c: {  	[tilespmem:v6+s15+$0x0] =	vst.idx.msk $0xffff, v10;
	v22 =	vadd.s32 v21, v3;
	v10 =	vor.u32 $0x2B0, v0  }
0x9d: {  	[tilespmem:v7+s15+$0x0] =	vst.idx.msk $0xffff, v11;
	v23 =	vadd.s32 v10, v3;
	v10 =	vor.u32 $0x2C0, v0  }
0x9e: {  	[tilespmem:v8+s15+$0x0] =	vst.idx.msk $0xffff, v12;
	v8 =	vadd.s32 v10, v3;
	v10 =	vor.u32 $0x2D0, v0  }
0x9f: {  	[tilespmem:v9+s15+$0x0] =	vst.idx.msk $0xffff, v13;
	v9 =	vadd.s32 v10, v3;
	v10 =	vor.u32 $0x2E0, v0  }
0xa0: {  	[tilespmem:v5+s15+$0x0] =	vst.idx.msk $0xffff, v14;
	v21 =	vadd.s32 v10, v3;
	v10 =	vor.u32 $0x2F0, v0  }
0xa1: {  	[tilespmem:v22+s15+$0x0] =	vst.idx.msk $0xffff, v15;
	v22 =	vadd.s32 v10, v3;
	v10 =	vor.u32 $0x30, v1  }
0xa2: {  	v11 =	vor.u32 $0x36, v1;
	[tilespmem:v23+s15+$0x0] =	vst.idx.msk $0xffff, v16;
	v23 =	vor.u32 v10, v4  }
0xa3: {  	v11 =	vor.u32 v11, v4;
	v12 =	vor.u32 $0x37, v1;
	[tilespmem:v8+s15+$0x0] =	vst.idx.msk $0xffff, v17  }
0xa4: {  	v12 =	vor.u32 v12, v4;
	v13 =	vor.u32 $0x38, v1;
	[tilespmem:v9+s15+$0x0] =	vst.idx.msk $0xffff, v18  }
0xa5: {  	v13 =	vor.u32 v13, v4;
	v14 =	vor.u32 $0x39, v1;
	[tilespmem:v21+s15+$0x0] =	vst.idx.msk $0xffff, v19  }
0xa6: {  	v14 =	vor.u32 v14, v4;
	v15 =	vor.u32 $0x3A, v1;
	[tilespmem:v22+s15+$0x0] =	vst.idx.msk $0xffff, v20  }
0xa7: {  	v10 =	vor.u32 $0x31, v1;
	v15 =	vor.u32 v15, v4;
	v7 =	vld.idx.msk [tilespmem:v23+s3+$0x0], $0xffff  }
0xa8: {  	v16 =	vor.u32 $0x3B, v1;
	v8 =	vor.u32 v10, v4;
	v10 =	vor.u32 $0x32, v1;
	v11 =	vld.idx.msk [tilespmem:v11+s3+$0x0], $0xffff  }
0xa9: {  	v16 =	vor.u32 v16, v4;
	v9 =	vor.u32 v10, v4;
	v10 =	vor.u32 $0x33, v1;
	v12 =	vld.idx.msk [tilespmem:v12+s3+$0x0], $0xffff  }
0xaa: {  	v19 =	vor.u32 v10, v4;
	v10 =	vor.u32 $0x34, v1;
	v13 =	vld.idx.msk [tilespmem:v13+s3+$0x0], $0xffff  }
0xab: {  	v20 =	vor.u32 v10, v4;
	v14 =	vld.idx.msk [tilespmem:v14+s3+$0x0], $0xffff  }
0xac: {  	v17 =	vor.u32 $0x3C, v1;
	v15 =	vld.idx.msk [tilespmem:v15+s3+$0x0], $0xffff  }
0xad: {  	v17 =	vor.u32 v17, v4;
	v21 =	vor.u32 $0x3D, v1;
	v8 =	vld.idx.msk [tilespmem:v8+s3+$0x0], $0xffff  }
0xae: {  	v10 =	vor.u32 $0x35, v1;
	v18 =	vor.u32 v21, v4;
	v16 =	vld.idx.msk [tilespmem:v16+s3+$0x0], $0xffff  }
0xaf: {  	v22 =	vor.u32 $0x3E, v1;
	v10 =	vor.u32 v10, v4;
	v5 =	vld.idx.msk [tilespmem:v19+s3+$0x0], $0xffff  }
0xb0: {  	v21 =	vor.u32 $0x300, v0;
	v19 =	vor.u32 v22, v4;
	v6 =	vld.idx.msk [tilespmem:v20+s3+$0x0], $0xffff;
	v20 =	vor.u32 $0x3F, v1  }
0xb1: {  	v21 =	vadd.s32 v21, v3;
	v9 =	vld.idx.msk [tilespmem:v9+s3+$0x0], $0xffff;
	v22 =	vor.u32 $0x310, v0;
	v20 =	vor.u32 v20, v4  }
0xb2: {  	v23 =	vor.u32 $0x320, v0;
	v17 =	vld.idx.msk [tilespmem:v17+s3+$0x0], $0xffff;
	v22 =	vadd.s32 v22, v3  }
0xb3: {  	v24 =	vor.u32 $0x330, v0;
	v23 =	vadd.s32 v23, v3;
	v18 =	vld.idx.msk [tilespmem:v18+s3+$0x0], $0xffff  }
0xb4: {  	v24 =	vadd.s32 v24, v3;
	v25 =	vor.u32 $0x340, v0;
	v10 =	vld.idx.msk [tilespmem:v10+s3+$0x0], $0xffff  }
0xb5: {  	v26 =	vor.u32 $0x350, v0;
	v25 =	vadd.s32 v25, v3;
	v19 =	vld.idx.msk [tilespmem:v19+s3+$0x0], $0xffff  }
0xb6: {  	v20 =	vld.idx.msk [tilespmem:v20+s3+$0x0], $0xffff;
	[tilespmem:v21+s15+$0x0] =	vst.idx.msk $0xffff, v7;
	v7 =	vadd.s32 v26, v3;
	v21 =	vor.u32 $0x360, v0  }
0xb7: {  	[tilespmem:v22+s15+$0x0] =	vst.idx.msk $0xffff, v8;
	v8 =	vadd.s32 v21, v3;
	v21 =	vor.u32 $0x370, v0  }
0xb8: {  	[tilespmem:v23+s15+$0x0] =	vst.idx.msk $0xffff, v9;
	v9 =	vadd.s32 v21, v3;
	v21 =	vor.u32 $0x380, v0  }
0xb9: {  	[tilespmem:v24+s15+$0x0] =	vst.idx.msk $0xffff, v5;
	v5 =	vadd.s32 v21, v3;
	v21 =	vor.u32 $0x390, v0  }
0xba: {  	[tilespmem:v25+s15+$0x0] =	vst.idx.msk $0xffff, v6;
	v6 =	vadd.s32 v21, v3;
	v21 =	vor.u32 $0x3A0, v0  }
0xbb: {  	[tilespmem:v7+s15+$0x0] =	vst.idx.msk $0xffff, v10;
	v23 =	vadd.s32 v21, v3;
	v10 =	vor.u32 $0x3B0, v0  }
0xbc: {  	[tilespmem:v8+s15+$0x0] =	vst.idx.msk $0xffff, v11;
	v8 =	vadd.s32 v10, v3;
	v10 =	vor.u32 $0x3C0, v0  }
0xbd: {  	[tilespmem:v9+s15+$0x0] =	vst.idx.msk $0xffff, v12;
	v9 =	vadd.s32 v10, v3;
	v10 =	vor.u32 $0x3D0, v0  }
0xbe: {  	[tilespmem:v5+s15+$0x0] =	vst.idx.msk $0xffff, v13;
	v21 =	vadd.s32 v10, v3;
	v10 =	vor.u32 $0x3E0, v0  }
0xbf: {  	[tilespmem:v6+s15+$0x0] =	vst.idx.msk $0xffff, v14;
	v22 =	vadd.s32 v10, v3;
	v10 =	vor.u32 $0x3F0, v0  }
0xc0: {  	[tilespmem:v23+s15+$0x0] =	vst.idx.msk $0xffff, v15;
	v23 =	vadd.s32 v10, v3;
	v10 =	vor.u32 $0x40, v1  }
0xc1: {  	v11 =	vor.u32 $0x46, v1;
	[tilespmem:v8+s15+$0x0] =	vst.idx.msk $0xffff, v16;
	v8 =	vor.u32 v10, v4  }
0xc2: {  	v11 =	vor.u32 v11, v4;
	v12 =	vor.u32 $0x47, v1;
	[tilespmem:v9+s15+$0x0] =	vst.idx.msk $0xffff, v17  }
0xc3: {  	v12 =	vor.u32 v12, v4;
	v13 =	vor.u32 $0x48, v1;
	[tilespmem:v21+s15+$0x0] =	vst.idx.msk $0xffff, v18  }
0xc4: {  	v13 =	vor.u32 v13, v4;
	v14 =	vor.u32 $0x49, v1;
	[tilespmem:v22+s15+$0x0] =	vst.idx.msk $0xffff, v19  }
0xc5: {  	v14 =	vor.u32 v14, v4;
	v15 =	vor.u32 $0x4A, v1;
	[tilespmem:v23+s15+$0x0] =	vst.idx.msk $0xffff, v20  }
0xc6: {  	v10 =	vor.u32 $0x41, v1;
	v15 =	vor.u32 v15, v4;
	v8 =	vld.idx.msk [tilespmem:v8+s3+$0x0], $0xffff  }
0xc7: {  	v9 =	vor.u32 v10, v4;
	v10 =	vor.u32 $0x42, v1;
	v11 =	vld.idx.msk [tilespmem:v11+s3+$0x0], $0xffff  }
0xc8: {  	v18 =	vor.u32 v10, v4;
	v10 =	vor.u32 $0x43, v1;
	v12 =	vld.idx.msk [tilespmem:v12+s3+$0x0], $0xffff  }
0xc9: {  	v19 =	vor.u32 v10, v4;
	v10 =	vor.u32 $0x44, v1;
	v13 =	vld.idx.msk [tilespmem:v13+s3+$0x0], $0xffff  }
0xca: {  	v16 =	vor.u32 $0x4B, v1;
	v20 =	vor.u32 v10, v4;
	v14 =	vld.idx.msk [tilespmem:v14+s3+$0x0], $0xffff  }
0xcb: {  	v16 =	vor.u32 v16, v4;
	v17 =	vor.u32 $0x4C, v1;
	v15 =	vld.idx.msk [tilespmem:v15+s3+$0x0], $0xffff  }
0xcc: {  	v17 =	vor.u32 v17, v4;
	v10 =	vor.u32 $0x45, v1;
	v9 =	vld.idx.msk [tilespmem:v9+s3+$0x0], $0xffff  }
0xcd: {  	v21 =	vor.u32 $0x4D, v1;
	v10 =	vor.u32 v10, v4;
	v5 =	vld.idx.msk [tilespmem:v18+s3+$0x0], $0xffff  }
0xce: {  	v22 =	vor.u32 $0x4E, v1;
	v18 =	vor.u32 v21, v4;
	v6 =	vld.idx.msk [tilespmem:v19+s3+$0x0], $0xffff  }
0xcf: {  	v21 =	vor.u32 $0x400, v0;
	v19 =	vor.u32 v22, v4;
	v7 =	vld.idx.msk [tilespmem:v20+s3+$0x0], $0xffff;
	v20 =	vor.u32 $0x4F, v1  }
0xd0: {  	v16 =	vld.idx.msk [tilespmem:v16+s3+$0x0], $0xffff;
	v21 =	vadd.s32 v21, v3;
	v22 =	vor.u32 $0x410, v0;
	v20 =	vor.u32 v20, v4  }
0xd1: {  	v23 =	vor.u32 $0x420, v0;
	v17 =	vld.idx.msk [tilespmem:v17+s3+$0x0], $0xffff;
	v22 =	vadd.s32 v22, v3  }
0xd2: {  	v24 =	vor.u32 $0x430, v0;
	v23 =	vadd.s32 v23, v3;
	v10 =	vld.idx.msk [tilespmem:v10+s3+$0x0], $0xffff  }
0xd3: {  	v24 =	vadd.s32 v24, v3;
	v25 =	vor.u32 $0x440, v0;
	v18 =	vld.idx.msk [tilespmem:v18+s3+$0x0], $0xffff  }
0xd4: {  	v26 =	vor.u32 $0x450, v0;
	v25 =	vadd.s32 v25, v3;
	v19 =	vld.idx.msk [tilespmem:v19+s3+$0x0], $0xffff  }
0xd5: {  	v20 =	vld.idx.msk [tilespmem:v20+s3+$0x0], $0xffff;
	[tilespmem:v21+s15+$0x0] =	vst.idx.msk $0xffff, v8;
	v8 =	vadd.s32 v26, v3;
	v21 =	vor.u32 $0x460, v0  }
0xd6: {  	[tilespmem:v22+s15+$0x0] =	vst.idx.msk $0xffff, v9;
	v9 =	vadd.s32 v21, v3;
	v21 =	vor.u32 $0x470, v0  }
0xd7: {  	[tilespmem:v23+s15+$0x0] =	vst.idx.msk $0xffff, v5;
	v5 =	vadd.s32 v21, v3;
	v21 =	vor.u32 $0x480, v0  }
0xd8: {  	[tilespmem:v24+s15+$0x0] =	vst.idx.msk $0xffff, v6;
	v6 =	vadd.s32 v21, v3;
	v21 =	vor.u32 $0x490, v0  }
0xd9: {  	[tilespmem:v25+s15+$0x0] =	vst.idx.msk $0xffff, v7;
	v7 =	vadd.s32 v21, v3;
	v21 =	vor.u32 $0x4A0, v0  }
0xda: {  	[tilespmem:v8+s15+$0x0] =	vst.idx.msk $0xffff, v10;
	v8 =	vadd.s32 v21, v3;
	v10 =	vor.u32 $0x4B0, v0  }
0xdb: {  	[tilespmem:v9+s15+$0x0] =	vst.idx.msk $0xffff, v11;
	v9 =	vadd.s32 v10, v3;
	v10 =	vor.u32 $0x4C0, v0  }
0xdc: {  	[tilespmem:v5+s15+$0x0] =	vst.idx.msk $0xffff, v12;
	v23 =	vadd.s32 v10, v3;
	v10 =	vor.u32 $0x4D0, v0  }
0xdd: {  	[tilespmem:v6+s15+$0x0] =	vst.idx.msk $0xffff, v13;
	v21 =	vadd.s32 v10, v3;
	v10 =	vor.u32 $0x4E0, v0  }
0xde: {  	[tilespmem:v7+s15+$0x0] =	vst.idx.msk $0xffff, v14;
	v22 =	vadd.s32 v10, v3;
	v10 =	vor.u32 $0x4F0, v0  }
0xdf: {  	[tilespmem:v8+s15+$0x0] =	vst.idx.msk $0xffff, v15;
	v8 =	vadd.s32 v10, v3;
	v10 =	vor.u32 $0x50, v1  }
0xe0: {  	v11 =	vor.u32 $0x56, v1;
	[tilespmem:v9+s15+$0x0] =	vst.idx.msk $0xffff, v16;
	v9 =	vor.u32 v10, v4  }
0xe1: {  	v11 =	vor.u32 v11, v4;
	v12 =	vor.u32 $0x57, v1;
	[tilespmem:v23+s15+$0x0] =	vst.idx.msk $0xffff, v17  }
0xe2: {  	v12 =	vor.u32 v12, v4;
	v13 =	vor.u32 $0x58, v1;
	[tilespmem:v21+s15+$0x0] =	vst.idx.msk $0xffff, v18  }
0xe3: {  	v13 =	vor.u32 v13, v4;
	v14 =	vor.u32 $0x59, v1;
	[tilespmem:v22+s15+$0x0] =	vst.idx.msk $0xffff, v19  }
0xe4: {  	v14 =	vor.u32 v14, v4;
	v15 =	vor.u32 $0x5A, v1;
	[tilespmem:v8+s15+$0x0] =	vst.idx.msk $0xffff, v20  }
0xe5: {  	v10 =	vor.u32 $0x51, v1;
	v15 =	vor.u32 v15, v4;
	v9 =	vld.idx.msk [tilespmem:v9+s3+$0x0], $0xffff  }
0xe6: {  	v16 =	vor.u32 $0x5B, v1;
	v23 =	vor.u32 v10, v4;
	v11 =	vld.idx.msk [tilespmem:v11+s3+$0x0], $0xffff  }
0xe7: {  	v10 =	vor.u32 $0x52, v1;
	v16 =	vor.u32 v16, v4;
	v12 =	vld.idx.msk [tilespmem:v12+s3+$0x0], $0xffff  }
0xe8: {  	v17 =	vor.u32 $0x5C, v1;
	v21 =	vor.u32 v10, v4;
	v13 =	vld.idx.msk [tilespmem:v13+s3+$0x0], $0xffff  }
0xe9: {  	v10 =	vor.u32 $0x53, v1;
	v17 =	vor.u32 v17, v4;
	v14 =	vld.idx.msk [tilespmem:v14+s3+$0x0], $0xffff  }
0xea: {  	v22 =	vor.u32 v10, v4;
	v10 =	vor.u32 $0x54, v1;
	v15 =	vld.idx.msk [tilespmem:v15+s3+$0x0], $0xffff  }
0xeb: {  	v8 =	vor.u32 v10, v4;
	v10 =	vor.u32 $0x55, v1;
	v5 =	vld.idx.msk [tilespmem:v23+s3+$0x0], $0xffff  }
0xec: {  	v20 =	vor.u32 $0x5F, v1;
	v10 =	vor.u32 v10, v4;
	v16 =	vld.idx.msk [tilespmem:v16+s3+$0x0], $0xffff  }
0xed: {  	v20 =	vor.u32 v20, v4;
	v23 =	vor.u32 $0x5D, v1;
	v6 =	vld.idx.msk [tilespmem:v21+s3+$0x0], $0xffff;
	v21 =	vor.u32 $0x5E, v1  }
0xee: {  	v18 =	vor.u32 v23, v4;
	v17 =	vld.idx.msk [tilespmem:v17+s3+$0x0], $0xffff;
	v19 =	vor.u32 v21, v4;
	v21 =	vor.u32 $0x500, v0  }
0xef: {  	v7 =	vld.idx.msk [tilespmem:v22+s3+$0x0], $0xffff;
	v22 =	vor.u32 $0x510, v0;
	v21 =	vadd.s32 v21, v3  }
0xf0: {  	v23 =	vor.u32 $0x520, v0;
	v8 =	vld.idx.msk [tilespmem:v8+s3+$0x0], $0xffff;
	v22 =	vadd.s32 v22, v3  }
0xf1: {  	v24 =	vor.u32 $0x530, v0;
	v23 =	vadd.s32 v23, v3;
	v10 =	vld.idx.msk [tilespmem:v10+s3+$0x0], $0xffff  }
0xf2: {  	v24 =	vadd.s32 v24, v3;
	v25 =	vor.u32 $0x540, v0;
	v20 =	vld.idx.msk [tilespmem:v20+s3+$0x0], $0xffff  }
0xf3: {  	v26 =	vor.u32 $0x550, v0;
	v25 =	vadd.s32 v25, v3;
	v18 =	vld.idx.msk [tilespmem:v18+s3+$0x0], $0xffff  }
0xf4: {  	v19 =	vld.idx.msk [tilespmem:v19+s3+$0x0], $0xffff;
	[tilespmem:v21+s15+$0x0] =	vst.idx.msk $0xffff, v9;
	v9 =	vadd.s32 v26, v3;
	v21 =	vor.u32 $0x560, v0  }
0xf5: {  	[tilespmem:v22+s15+$0x0] =	vst.idx.msk $0xffff, v5;
	v5 =	vadd.s32 v21, v3;
	v21 =	vor.u32 $0x570, v0  }
0xf6: {  	[tilespmem:v23+s15+$0x0] =	vst.idx.msk $0xffff, v6;
	v6 =	vadd.s32 v21, v3;
	v21 =	vor.u32 $0x580, v0  }
0xf7: {  	[tilespmem:v24+s15+$0x0] =	vst.idx.msk $0xffff, v7;
	v7 =	vadd.s32 v21, v3;
	v21 =	vor.u32 $0x590, v0  }
0xf8: {  	[tilespmem:v25+s15+$0x0] =	vst.idx.msk $0xffff, v8;
	v8 =	vadd.s32 v21, v3;
	v21 =	vor.u32 $0x5A0, v0  }
0xf9: {  	[tilespmem:v9+s15+$0x0] =	vst.idx.msk $0xffff, v10;
	v9 =	vadd.s32 v21, v3;
	v10 =	vor.u32 $0x5B0, v0  }
0xfa: {  	[tilespmem:v5+s15+$0x0] =	vst.idx.msk $0xffff, v11;
	v22 =	vadd.s32 v10, v3;
	v10 =	vor.u32 $0x5C0, v0  }
0xfb: {  	[tilespmem:v6+s15+$0x0] =	vst.idx.msk $0xffff, v12;
	v23 =	vadd.s32 v10, v3;
	v10 =	vor.u32 $0x5D0, v0  }
0xfc: {  	[tilespmem:v7+s15+$0x0] =	vst.idx.msk $0xffff, v13;
	v21 =	vadd.s32 v10, v3;
	v10 =	vor.u32 $0x5E0, v0  }
0xfd: {  	[tilespmem:v8+s15+$0x0] =	vst.idx.msk $0xffff, v14;
	v8 =	vadd.s32 v10, v3;
	v10 =	vor.u32 $0x5F0, v0  }
0xfe: {  	[tilespmem:v9+s15+$0x0] =	vst.idx.msk $0xffff, v15;
	v9 =	vadd.s32 v10, v3;
	v10 =	vor.u32 $0x60, v1  }
0xff: {  	v11 =	vor.u32 $0x66, v1;
	[tilespmem:v22+s15+$0x0] =	vst.idx.msk $0xffff, v16;
	v22 =	vor.u32 v10, v4  }
0x100: {  	v11 =	vor.u32 v11, v4;
	v12 =	vor.u32 $0x67, v1;
	[tilespmem:v23+s15+$0x0] =	vst.idx.msk $0xffff, v17  }
0x101: {  	v12 =	vor.u32 v12, v4;
	v13 =	vor.u32 $0x68, v1;
	[tilespmem:v21+s15+$0x0] =	vst.idx.msk $0xffff, v18  }
0x102: {  	v13 =	vor.u32 v13, v4;
	v14 =	vor.u32 $0x69, v1;
	[tilespmem:v8+s15+$0x0] =	vst.idx.msk $0xffff, v19  }
0x103: {  	v14 =	vor.u32 v14, v4;
	v15 =	vor.u32 $0x6A, v1;
	[tilespmem:v9+s15+$0x0] =	vst.idx.msk $0xffff, v20  }
0x104: {  	v10 =	vor.u32 $0x61, v1;
	v15 =	vor.u32 v15, v4;
	v5 =	vld.idx.msk [tilespmem:v22+s3+$0x0], $0xffff  }
0x105: {  	v16 =	vor.u32 $0x6B, v1;
	v23 =	vor.u32 v10, v4;
	v11 =	vld.idx.msk [tilespmem:v11+s3+$0x0], $0xffff  }
0x106: {  	v10 =	vor.u32 $0x62, v1;
	v16 =	vor.u32 v16, v4;
	v12 =	vld.idx.msk [tilespmem:v12+s3+$0x0], $0xffff  }
0x107: {  	v17 =	vor.u32 $0x6C, v1;
	v21 =	vor.u32 v10, v4;
	v13 =	vld.idx.msk [tilespmem:v13+s3+$0x0], $0xffff  }
0x108: {  	v10 =	vor.u32 $0x63, v1;
	v17 =	vor.u32 v17, v4;
	v14 =	vld.idx.msk [tilespmem:v14+s3+$0x0], $0xffff  }
0x109: {  	v8 =	vor.u32 v10, v4;
	v10 =	vor.u32 $0x64, v1;
	v15 =	vld.idx.msk [tilespmem:v15+s3+$0x0], $0xffff  }
0x10a: {  	v9 =	vor.u32 v10, v4;
	v10 =	vor.u32 $0x65, v1;
	v6 =	vld.idx.msk [tilespmem:v23+s3+$0x0], $0xffff  }
0x10b: {  	v20 =	vor.u32 $0x6F, v1;
	v10 =	vor.u32 v10, v4;
	v16 =	vld.idx.msk [tilespmem:v16+s3+$0x0], $0xffff  }
0x10c: {  	v22 =	vor.u32 $0x6D, v1;
	v20 =	vor.u32 v20, v4;
	v7 =	vld.idx.msk [tilespmem:v21+s3+$0x0], $0xffff  }
0x10d: {  	v18 =	vor.u32 v22, v4;
	v23 =	vor.u32 $0x6E, v1;
	v21 =	vor.u32 $0x600, v0;
	v17 =	vld.idx.msk [tilespmem:v17+s3+$0x0], $0xffff  }
0x10e: {  	v22 =	vor.u32 $0x610, v0;
	v19 =	vor.u32 v23, v4;
	v8 =	vld.idx.msk [tilespmem:v8+s3+$0x0], $0xffff;
	v21 =	vadd.s32 v21, v3  }
0x10f: {  	v22 =	vadd.s32 v22, v3;
	v23 =	vor.u32 $0x620, v0;
	v9 =	vld.idx.msk [tilespmem:v9+s3+$0x0], $0xffff  }
0x110: {  	v24 =	vor.u32 $0x630, v0;
	v23 =	vadd.s32 v23, v3;
	v10 =	vld.idx.msk [tilespmem:v10+s3+$0x0], $0xffff  }
0x111: {  	v24 =	vadd.s32 v24, v3;
	v25 =	vor.u32 $0x640, v0;
	v20 =	vld.idx.msk [tilespmem:v20+s3+$0x0], $0xffff  }
0x112: {  	v26 =	vor.u32 $0x650, v0;
	v25 =	vadd.s32 v25, v3;
	v18 =	vld.idx.msk [tilespmem:v18+s3+$0x0], $0xffff  }
0x113: {  	v19 =	vld.idx.msk [tilespmem:v19+s3+$0x0], $0xffff;
	[tilespmem:v21+s15+$0x0] =	vst.idx.msk $0xffff, v5;
	v5 =	vadd.s32 v26, v3;
	v21 =	vor.u32 $0x660, v0  }
0x114: {  	[tilespmem:v22+s15+$0x0] =	vst.idx.msk $0xffff, v6;
	v6 =	vadd.s32 v21, v3;
	v21 =	vor.u32 $0x670, v0  }
0x115: {  	[tilespmem:v23+s15+$0x0] =	vst.idx.msk $0xffff, v7;
	v7 =	vadd.s32 v21, v3;
	v21 =	vor.u32 $0x680, v0  }
0x116: {  	[tilespmem:v24+s15+$0x0] =	vst.idx.msk $0xffff, v8;
	v8 =	vadd.s32 v21, v3;
	v21 =	vor.u32 $0x690, v0  }
0x117: {  	[tilespmem:v25+s15+$0x0] =	vst.idx.msk $0xffff, v9;
	v9 =	vadd.s32 v21, v3;
	v21 =	vor.u32 $0x6A0, v0  }
0x118: {  	[tilespmem:v5+s15+$0x0] =	vst.idx.msk $0xffff, v10;
	v21 =	vadd.s32 v21, v3;
	v10 =	vor.u32 $0x6B0, v0  }
0x119: {  	[tilespmem:v6+s15+$0x0] =	vst.idx.msk $0xffff, v11;
	v22 =	vadd.s32 v10, v3;
	v10 =	vor.u32 $0x6C0, v0  }
0x11a: {  	[tilespmem:v7+s15+$0x0] =	vst.idx.msk $0xffff, v12;
	v23 =	vadd.s32 v10, v3;
	v10 =	vor.u32 $0x6D0, v0  }
0x11b: {  	[tilespmem:v8+s15+$0x0] =	vst.idx.msk $0xffff, v13;
	v8 =	vadd.s32 v10, v3;
	v10 =	vor.u32 $0x6E0, v0  }
0x11c: {  	[tilespmem:v9+s15+$0x0] =	vst.idx.msk $0xffff, v14;
	v9 =	vadd.s32 v10, v3;
	v10 =	vor.u32 $0x6F0, v0  }
0x11d: {  	[tilespmem:v21+s15+$0x0] =	vst.idx.msk $0xffff, v15;
	v21 =	vadd.s32 v10, v3;
	v10 =	vor.u32 $0x70, v1  }
0x11e: {  	v11 =	vor.u32 $0x76, v1;
	[tilespmem:v22+s15+$0x0] =	vst.idx.msk $0xffff, v16;
	v22 =	vor.u32 v10, v4  }
0x11f: {  	v11 =	vor.u32 v11, v4;
	v12 =	vor.u32 $0x77, v1;
	[tilespmem:v23+s15+$0x0] =	vst.idx.msk $0xffff, v17  }
0x120: {  	v12 =	vor.u32 v12, v4;
	v13 =	vor.u32 $0x78, v1;
	[tilespmem:v8+s15+$0x0] =	vst.idx.msk $0xffff, v18  }
0x121: {  	v13 =	vor.u32 v13, v4;
	v14 =	vor.u32 $0x79, v1;
	[tilespmem:v9+s15+$0x0] =	vst.idx.msk $0xffff, v19  }
0x122: {  	v14 =	vor.u32 v14, v4;
	v15 =	vor.u32 $0x7A, v1;
	[tilespmem:v21+s15+$0x0] =	vst.idx.msk $0xffff, v20  }
0x123: {  	v10 =	vor.u32 $0x71, v1;
	v15 =	vor.u32 v15, v4;
	v6 =	vld.idx.msk [tilespmem:v22+s3+$0x0], $0xffff  }
0x124: {  	v16 =	vor.u32 $0x7B, v1;
	v23 =	vor.u32 v10, v4;
	v11 =	vld.idx.msk [tilespmem:v11+s3+$0x0], $0xffff  }
0x125: {  	v10 =	vor.u32 $0x72, v1;
	v16 =	vor.u32 v16, v4;
	v12 =	vld.idx.msk [tilespmem:v12+s3+$0x0], $0xffff  }
0x126: {  	v17 =	vor.u32 $0x7C, v1;
	v8 =	vor.u32 v10, v4;
	v10 =	vor.u32 $0x73, v1;
	v13 =	vld.idx.msk [tilespmem:v13+s3+$0x0], $0xffff  }
0x127: {  	v17 =	vor.u32 v17, v4;
	v9 =	vor.u32 v10, v4;
	v10 =	vor.u32 $0x74, v1;
	v14 =	vld.idx.msk [tilespmem:v14+s3+$0x0], $0xffff  }
0x128: {  	v21 =	vor.u32 v10, v4;
	v15 =	vld.idx.msk [tilespmem:v15+s3+$0x0], $0xffff  }
0x129: {  	v10 =	vor.u32 $0x75, v1;
	v7 =	vld.idx.msk [tilespmem:v23+s3+$0x0], $0xffff  }
0x12a: {  	v10 =	vor.u32 v10, v4;
	v22 =	vor.u32 $0x7D, v1;
	v16 =	vld.idx.msk [tilespmem:v16+s3+$0x0], $0xffff  }
0x12b: {  	v20 =	vor.u32 $0x7F, v1;
	v18 =	vor.u32 v22, v4;
	v23 =	vor.u32 $0x7E, v1;
	v8 =	vld.idx.msk [tilespmem:v8+s3+$0x0], $0xffff  }
0x12c: {  	v19 =	vor.u32 v23, v4;
	v4 =	vor.u32 v20, v4;
	v20 =	vor.u32 $0x700, v0;
	v17 =	vld.idx.msk [tilespmem:v17+s3+$0x0], $0xffff  }
0x12d: {  	v20 =	vadd.s32 v20, v3;
	v5 =	vld.idx.msk [tilespmem:v21+s3+$0x0], $0xffff;
	v21 =	vor.u32 $0x710, v0  }
0x12e: {  	v22 =	vor.u32 $0x720, v0;
	v9 =	vld.idx.msk [tilespmem:v9+s3+$0x0], $0xffff;
	v21 =	vadd.s32 v21, v3  }
0x12f: {  	v22 =	vadd.s32 v22, v3;
	v23 =	vor.u32 $0x730, v0;
	v10 =	vld.idx.msk [tilespmem:v10+s3+$0x0], $0xffff  }
0x130: {  	v24 =	vor.u32 $0x740, v0;
	v23 =	vadd.s32 v23, v3;
	v18 =	vld.idx.msk [tilespmem:v18+s3+$0x0], $0xffff  }
0x131: {  	v24 =	vadd.s32 v24, v3;
	v25 =	vor.u32 $0x750, v0;
	v19 =	vld.idx.msk [tilespmem:v19+s3+$0x0], $0xffff  }
0x132: {  	v4 =	vld.idx.msk [tilespmem:v4+s3+$0x0], $0xffff;
	[tilespmem:v20+s15+$0x0] =	vst.idx.msk $0xffff, v6;
	v6 =	vadd.s32 v25, v3;
	v20 =	vor.u32 $0x760, v0  }
0x133: {  	v26 =	vmov v46;
	[tilespmem:v21+s15+$0x0] =	vst.idx.msk $0xffff, v7;
	v7 =	vadd.s32 v20, v3;
	v20 =	vor.u32 $0x770, v0  }
0x134: {  	v46 =	vmovc v47;
	v47 =	vmov v48;
	[tilespmem:v22+s15+$0x0] =	vst.idx.msk $0xffff, v8;
	v8 =	vadd.s32 v20, v3;
	v20 =	vor.u32 $0x780, v0  }
0x135: {  	v48 =	vmovc v49;
	v49 =	vmov v50;
	[tilespmem:v23+s15+$0x0] =	vst.idx.msk $0xffff, v9;
	v9 =	vadd.s32 v20, v3;
	v20 =	vor.u32 $0x790, v0  }
0x136: {  	v50 =	vmovc v51;
	v51 =	vmov v52;
	[tilespmem:v24+s15+$0x0] =	vst.idx.msk $0xffff, v5;
	v5 =	vadd.s32 v20, v3;
	v20 =	vor.u32 $0x7A0, v0  }
0x137: {  	v52 =	vmovc v53;
	v53 =	vmov v54;
	[tilespmem:v6+s15+$0x0] =	vst.idx.msk $0xffff, v10;
	v21 =	vadd.s32 v20, v3;
	v10 =	vor.u32 $0x7B0, v0  }
0x138: {  	v54 =	vmovc v55;
	v55 =	vmov v56;
	[tilespmem:v7+s15+$0x0] =	vst.idx.msk $0xffff, v11;
	v22 =	vadd.s32 v10, v3;
	v10 =	vor.u32 $0x7C0, v0  }
0x139: {  	v56 =	vmovc v57;
	v57 =	vmov v58;
	[tilespmem:v8+s15+$0x0] =	vst.idx.msk $0xffff, v12;
	v8 =	vadd.s32 v10, v3;
	v10 =	vor.u32 $0x7D0, v0  }
0x13a: {  	v58 =	vmovc v59;
	v59 =	vmov v60;
	[tilespmem:v9+s15+$0x0] =	vst.idx.msk $0xffff, v13;
	v9 =	vadd.s32 v10, v3;
	v10 =	vor.u32 $0x7E0, v0  }
0x13b: {  	v60 =	vmovc v61;
	v61 =	vmov v62;
	[tilespmem:v5+s15+$0x0] =	vst.idx.msk $0xffff, v14;
	v23 =	vadd.s32 v10, v3;
	v10 =	vor.u32 $0x7F0, v0  }
0x13c: {  	p1 =	sne.s32 s20, $0x1;
	v62 =	vmovc v63;
	v63 =	vmov v27;
	v27 =	vmov v28;
	[tilespmem:v21+s15+$0x0] =	vst.idx.msk $0xffff, v15;
	v3 =	vadd.s32 v10, v3  }
.Ltmp0:
0x13d: {  	v28 =	vmovc v29;
	v29 =	vmovc v30;
	v30 =	vmov v31;
	v31 =	vmov v32;
	v32 =	vmov v33;
	[tilespmem:v22+s15+$0x0] =	vst.idx.msk $0xffff, v16;
	(pc) =	sbr.rel @p1 .LBB2_3-.Ltmp0, $4  }
0x13e: {  	v33 =	vmovc v34;
	v34 =	vmovc v35;
	v35 =	vmov v36;
	v36 =	vmov v37;
	v37 =	vmov v38;
	[tilespmem:v8+s15+$0x0] =	vst.idx.msk $0xffff, v17  }
0x13f: {  	v38 =	vmovc v39;
	v39 =	vmovc v40;
	v40 =	vmov v41;
	v41 =	vmov v43;
	v43 =	vmov v44;
	v44 =	vld [tilespmem:$0x1FFF0];
	[tilespmem:v9+s15+$0x0] =	vst.idx.msk $0xffff, v18  }
0x140: {  	v15 =	vld [tilespmem:$0x1FF50];
	[tilespmem:v23+s15+$0x0] =	vst.idx.msk $0xffff, v19  }
0x141: {  	v2 =	vadd.s32 $0x80, v2;
	s20 =	sadd.s32 $0xFFFFFFFF, s20;
	v10 =	vld [tilespmem:$0x1FF00];
	[tilespmem:v3+s15+$0x0] =	vst.idx.msk $0xffff, v4  }
0x142: {  	s20 =	smul.u32 $0xC000, s19;
	s18 =	sadd.s32 s6, s18  }
0x143: {  	p1 =	sne.s32 s17, s7;
	s18 =	smul.u32 $0x600, s18  }
.Ltmp1:
0x144: {  	_ = 	snop;
	(pc) =	sbr.rel @p1 .LBB2_2-.Ltmp1, $4  }
0x145: {  	s20 =	sshrl.u32 s20, $0x2  }
0x146: {  	s31 =	sadd.s32 $0x3, s19;
	s20 =	sadd.s32 $0x7000, s20;
	s18 =	sadd.s32 s5, s18  }
0x147: {  	[hbm4b:s18+s3] =	stream.linear.scatter [tilespmem:s20], [sflag:s31], $0x3000, $0x38;
	[tilespmem:$0xD000] =	vst v63  }
0x148: {  	s18 =	smov.u32 s17  }
0x149: {  	_ =	swait.ge [sflag:s9], $0x3000  }
0x14a: {  	[sflag:s9] =	ssyncset.done $0x0  }
0x14b: {  	[sflag:s9] =	ssyncadd.s32 $0xFFFFD000  }
0x14c: {  	_ =	swait.ge [sflag:s10], $0x3000  }
0x14d: {  	s17 =	simm.s32 @!p0 $0x0;
	[sflag:s10] =	ssyncset.done $0x0  }
0x14e: {  	s18 =	simm.s32 @!p0 $0x7000;
	s19 =	simm.s32 @!p0 $0x5;
	[sflag:s10] =	ssyncadd.s32 $0xFFFFD000  }
0x14f: {  	[tilespmem:s18], [sflag:$0x5] =	stream.linear.gather @!p0 [hbm4b:s4+s17], $0x400, $0x38;
	[tilespmem:$0xD000] =	vst v63  }
0x150: {  	s16 =	sadd.s32 $0x1, s16;
	_ =	swait.ge @!p0 [sflag:s19], $0x400  }
0x151: {  	p1 =	sne.s32 s16, s12;
	[sflag:s19] =	ssyncset.done @!p0 $0x0  }
.Ltmp2:
0x152: {  	[sflag:s19] =	ssyncadd.s32 @!p0 $0xFFFFFC00;
	(pc) =	sbr.rel @p1 .LBB2_1-.Ltmp2, $4  }
0x153: {  	[hbm4b:s11+s17] =	stream.linear.scatter @!p0 [tilespmem:s18], [sflag:$0x5], $0x400, $0x38;
	[tilespmem:$0xD000] =	vst v63  }
0x154: {  	_ =	swait.ge @!p0 [sflag:s19], $0x400  }
0x155: {  	[sflag:s19] =	ssyncset.done @!p0 $0x0  }
0x156: {  	[sflag:s19] =	ssyncadd.s32 @!p0 $0xFFFFFC00  }
0x157: {  	_ =	sfence.sel $0x180000  }
0x158: {  	[bflag:$0x0] =	sbarrier.arrive $0xFFFF  }
0x159: {  	p0 =	sne.s32 s2, $0x0;
	_ =	strace $0x90000047  }
0x15a: {  	s0 =	sadd.s32 @!p0 $0x100000, s1;
	[bflag:$0x2] =	sbarrier.arrive $0xFFFF  }
0x15b: {  	[sflag:s0] =	ssyncadd.tile.s32 @!p0 $0x1;
	_ =	shalt  }
.Lfunc_end2:
_tile_overlayer_lowered:
.L_overlay_start_2:
0x15c: {  	(tag) =	ssettag $0x2  }
0x15d: {  	s0 =	rddreg [dreg:$0x0];
	s2 =	stileid.u32  }
0x15e: {  	s1 =	rddreg [dreg:$0x1];
	p0 =	sne.s32 s2, $0x0  }
0x15f: {  	s3 =	rddreg [dreg:$0x2];
	[bflag:$0x3] =	sbarrier.arrive $0xFFFF;
	s2 =	simm.s32 @!p0 $0x1C05  }
0x160: {  	[timem:s3], [sflag:s2] =	dma.local @!p0 [hbm:s0], s1  }
0x161: {  	s0 =	simm.s32 @!p0 $0x5  }
0x162: {  	_ =	swait.ge @!p0 [sflag:s0], s1  }
0x163: {  	s1 =	ssub.s32 @!p0 $0x0, s1;
	[sflag:s0] =	ssyncset.done @!p0 $0x0  }
0x164: {  	[sflag:s0] =	ssyncadd.s32 @!p0 s1  }
0x165: {  	[bflag:$0x3] =	sbarrier.arrive $0xFFFF  }
0x166: {  	_ =	shalt  }

// kernel: kernel.8.cloned.1.call-start
scs
__scs_entry_jumppad:
0x0: {  	(pc) =	sbr.rel $0x88, $3  }
0x1: {  	(tag) =	ssettag $0x0;
	lr =	simm.s32 $0x1  }
0x2: {  	[smem:$0x3F9E] =	sst lr;
	_ =	strace $0xD0000000  }
0x3: {  	_ = 	snop  }
0x4: {  	_ = 	snop  }
0x5: {  	_ = 	snop  }
0x6: {  	_ = 	snop  }
0x7: {  	_ = 	snop  }
__scs_overlays_trampoline_lowered:
0x8: {  	[smem:$0x3FAD] =	sst s0  }
0x9: {  	[smem:$0x3FAE] =	sst s1  }
0xa: {  	[smem:$0x3FAF] =	sst s2  }
0xb: {  	[smem:$0x3FB0] =	sst s3  }
0xc: {  	[smem:$0x3FB1] =	sst s4  }
0xd: {  	[smem:$0x3FB2] =	sst s5  }
0xe: {  	[smem:$0x3FB3] =	sst s6  }
0xf: {  	[smem:$0x3FB4] =	sst s7  }
0x10: {  	[smem:$0x3FB5] =	sst s8  }
0x11: {  	[smem:$0x3FB6] =	sst s9;
	s0 =	simm.s32 @!p0 $0x0  }
0x12: {  	s1 =	sld [smem:$0x3F9C];
	s0 =	simm.s32 @p0 $0x1  }
0x13: {  	[smem:$0x3FB7] =	sst s0;
	s0 =	simm.s32 @!p1 $0x0  }
0x14: {  	s2 =	sld [smem:$0x3F9B];
	s0 =	simm.s32 @p1 $0x1  }
0x15: {  	[smem:$0x3FB8] =	sst s0;
	s0 =	simm.s32 @!p2 $0x0  }
0x16: {  	s3 =	sld [smem:$0x3FDB];
	s0 =	simm.s32 @p2 $0x1  }
0x17: {  	s4 =	simm.s32 $0x1BF5;
	[smem:$0x3FBA] =	sst s0  }
0x18: {  	s0 =	sld [smem:$0x3F9D];
	_ =	swait.ge [sflag:s4], $0x0  }
0x19: {  	s7 =	sld [smem:$0x3F9E]  }
0x1a: {  	s8 =	sadd.s32 $0xFFFFE003, lr  }
0x1b: {  	s9 =	sadd.s32 $0xFFFFFEF7, lr;
	s5 =	simm.s32 $0xFFFFFFFF;
	p2 =	slt.u32 s8, $0xFFFFF086  }
0x1c: {  	p1 =	slt.u32 s9, $0xF7A;
	s5 =	simm.s32 @!p2 $0x0  }
0x1d: {  	s5 =	simm.s32 @p1 $0x1;
	p0 =	seq.s32 s7, s2  }
0x1e: {  	s7 =	smul.u32 @!p0 $0xF7A, s2;
	p2 =	seq.s32 @!p0 s5, $0x0  }
0x1f: {  	s9 =	smul.u32 $0xF7A, s1;
	s8 =	simm.s32 @!p0 $0x1BF5;
	p2 =	por !p2, p0  }
0x20: {  	[sflag:s8] =	ssyncset.s32 @!p0 $0xFFFFF086;
	s6 =	sadd.s32 @!p0 s3, s7;
	s7 =	simm.s32 @!p0 $0x108  }
0x21: {  	s3 =	sadd.s32 s3, s9;
	s6 =	sadd.s32 @!p0 $0x88, s6;
	s7 =	simm.s32 @p2 $0x1082  }
0x22: {  	[simem:s7], [sflag:s8] =	dma.local @!p0 [hbm:s6], $0xF7A  }
0x23: {  	s9 =	sor.u32 $0xD0000000, s2;
	s6 =	simm.s32 $0x108;
	_ =	swait.ge @!p0 [sflag:s8], $0x0  }
0x24: {  	s3 =	sadd.s32 $0x88, s3;
	s6 =	simm.s32 @!p1 $0x1082;
	[sflag:s4] =	ssyncset.s32 $0xFFFFF086  }
0x25: {  	[simem:s6], [sflag:s4] =	dma.local [hbm:s3], $0xF7A  }
0x26: {  	[smem:$0x3F9E] =	sst s1;
	(tag) =	ssettag s2;
	_ =	strace s9  }
0x27: {  	s1 =	sld [smem:$0x3FAE]  }
0x28: {  	s2 =	sld [smem:$0x3FAF]  }
0x29: {  	s4 =	sld [smem:$0x3FB1]  }
0x2a: {  	p0 =	seq.s32 s5, $0x0;
	s5 =	sld [smem:$0x3FB2]  }
0x2b: {  	s6 =	sld [smem:$0x3FB3]  }
0x2c: {  	s7 =	sld [smem:$0x3FB4]  }
0x2d: {  	s3 =	simm.s32 $0x108;
	s8 =	sld [smem:$0x3FB5]  }
0x2e: {  	s3 =	simm.s32 @!p0 $0x1082;
	s9 =	sld [smem:$0x3FB6]  }
0x2f: {  	lr =	sadd.s32 s0, s3;
	s0 =	sld [smem:$0x3FAD]  }
0x30: {  	s3 =	sld [smem:$0x3FB0]  }
0x31: {  	[smem:$0x3FB9] =	sst s10  }
0x32: {  	s10 =	sld [smem:$0x3FB7];
	_ =	sdelay $0x3  }
0x33: {  	p0 =	seq.s32 s10, $0x1;
	s10 =	sld [smem:$0x3FB9];
	_ =	sdelay $0x3  }
0x34: {  	[smem:$0x3FB9] =	sst s10  }
0x35: {  	s10 =	sld [smem:$0x3FB8];
	_ =	sdelay $0x3  }
0x36: {  	p1 =	seq.s32 s10, $0x1;
	s10 =	sld [smem:$0x3FB9];
	_ =	sdelay $0x3  }
0x37: {  	[smem:$0x3FB9] =	sst s10  }
0x38: {  	s10 =	sld [smem:$0x3FBA]  }
0x39: {  	_ = 	snop;
	(pc) =	sbr.ind lr, $3  }
0x3a: {  	_ = 	snop  }
0x3b: {  	_ = 	snop  }
0x3c: {  	p2 =	seq.s32 s10, $0x1;
	s10 =	sld [smem:$0x3FB9]  }
0x3d: {  	_ =	shalt  }
0x3e: {  	_ =	shalt  }
0x3f: {  	_ =	shalt  }
0x40: {  	_ =	shalt  }
0x41: {  	_ =	shalt  }
0x42: {  	_ =	shalt  }
0x43: {  	_ =	shalt  }
0x44: {  	_ =	shalt  }
0x45: {  	_ =	shalt  }
0x46: {  	_ =	shalt  }
0x47: {  	_ =	shalt  }
0x48: {  	_ =	shalt  }
0x49: {  	_ =	shalt  }
0x4a: {  	_ =	shalt  }
0x4b: {  	_ =	shalt  }
0x4c: {  	_ =	shalt  }
0x4d: {  	_ =	shalt  }
0x4e: {  	_ =	shalt  }
0x4f: {  	_ =	shalt  }
0x50: {  	_ =	shalt  }
0x51: {  	_ =	shalt  }
0x52: {  	_ =	shalt  }
0x53: {  	_ =	shalt  }
0x54: {  	_ =	shalt  }
0x55: {  	_ =	shalt  }
0x56: {  	_ =	shalt  }
0x57: {  	_ =	shalt  }
0x58: {  	_ =	shalt  }
0x59: {  	_ =	shalt  }
0x5a: {  	_ =	shalt  }
0x5b: {  	_ =	shalt  }
0x5c: {  	_ =	shalt  }
0x5d: {  	_ =	shalt  }
0x5e: {  	_ =	shalt  }
0x5f: {  	_ =	shalt  }
0x60: {  	_ =	shalt  }
0x61: {  	_ =	shalt  }
0x62: {  	_ =	shalt  }
0x63: {  	_ =	shalt  }
0x64: {  	_ =	shalt  }
0x65: {  	_ =	shalt  }
0x66: {  	_ =	shalt  }
0x67: {  	_ =	shalt  }
0x68: {  	_ =	shalt  }
0x69: {  	_ =	shalt  }
0x6a: {  	_ =	shalt  }
0x6b: {  	_ =	shalt  }
0x6c: {  	_ =	shalt  }
0x6d: {  	_ =	shalt  }
0x6e: {  	_ =	shalt  }
0x6f: {  	_ =	shalt  }
0x70: {  	_ =	shalt  }
0x71: {  	_ =	shalt  }
0x72: {  	_ =	shalt  }
0x73: {  	_ =	shalt  }
0x74: {  	_ =	shalt  }
0x75: {  	_ =	shalt  }
0x76: {  	_ =	shalt  }
0x77: {  	_ =	shalt  }
0x78: {  	_ =	shalt  }
0x79: {  	_ =	shalt  }
0x7a: {  	_ =	shalt  }
0x7b: {  	_ =	shalt  }
0x7c: {  	_ =	shalt  }
0x7d: {  	_ =	shalt  }
0x7e: {  	_ =	shalt  }
0x7f: {  	_ =	shalt  }
0x80: {  	_ =	shalt  }
0x81: {  	_ =	shalt  }
0x82: {  	_ =	shalt  }
0x83: {  	_ =	shalt  }
0x84: {  	_ =	shalt  }
0x85: {  	_ =	shalt  }
0x86: {  	_ =	shalt  }
0x87: {  	_ =	shalt  }
.Lfunc_end0:
.L_simem_size_0:
called_computation.1_lowered:
.L_overlay_start_0:
0x88: {  	s2 =	sld [smem:$0x3FD9]  }
0x89: {  	s3 =	sld [smem:$0x3FFE];
	_ =	sdelay $0x1  }
0x8a: {  	s1 =	srdreg.scid  }
0x8b: {  	s0 =	sand.u32 $0x1, s1  }
0x8c: {  	s17 =	sshll.u32 s0, $0xA;
	s2 =	sadd.s32 s3, s2  }
0x8d: {  	s2 =	sadd.s32 s2, s17  }
0x8e: {  	[smem:$0x3FC5] =	sst s2  }
0x8f: {  	_ = 	snop  }
0x90: {  	s2 =	sld [smem:$0x3FD0];
	(tm) =	ssettm $0x1  }
0x91: {  	s18 =	sld [smem:$0x3FFB];
	_ =	sdelay $0x3  }
0x92: {  	_ =	strace s18  }
0x93: {  	s3 =	sld [smem:$0x3FFC];
	_ =	sdelay $0x3  }
0x94: {  	_ =	strace s3  }
0x95: {  	s3 =	sld [smem:$0x3FFD];
	_ =	sdelay $0x3  }
0x96: {  	_ =	strace s3  }
0x97: {  	_ =	strace $0x8FFFFFFF  }
0x98: {  	s19 =	sld [smem:$0x3FDB];
	_ =	sdelay $0x1  }
0x99: {  	s4 =	simm.s32 $_scs_section_size  }
0x9a: {  	s5 =	simm.s32 $_size__tile_overlayer_lowered;
	s6 =	simm.s32 $_tile_overlayer_lowered  }
0x9b: {  	s22 =	simm.s32 $0x1BFF;
	s21 =	sshll.u32 s6, $0x1;
	s3 =	sadd.s32 s4, s19  }
0x9c: {  	s7 =	simm.s32 $0x0;
	s20 =	sshll.u32 s5, $0x1;
	s5 =	sadd.s32 s21, s3  }
0x9d: {  	[timem:s7], [sflag:s22] =	dma.local [hbm:s5], s20  }
0x9e: {  	_ =	swait.ge [sflag:s22], s20  }
0x9f: {  	s4 =	ssub.s32 $0x0, s20;
	[sflag:s22] =	ssyncset.done $0x0  }
0xa0: {  	[sflag:s22] =	ssyncadd.s32 s4;
	_ =	sdelay $0x1  }
0xa1: {  	s23 =	simm.s32 $0x1B8B  }
0xa2: {  	_ =	swait.ge [sflag:s23], $0x1  }
0xa3: {  	[sflag:s23] =	ssyncset.done $0x0  }
0xa4: {  	s25 =	simm.s32 $0x1B8E;
	s24 =	sld [smem:$0x3FFE];
	[sflag:s23] =	ssyncadd.s32 $0xFFFFFFFF  }
0xa5: {  	s26 =	simm.s32 $execute0_lowered;
	[smem:$0x3FD2] =	sst s25  }
0xa6: {  	s5 =	sshll.u32 s26, $0x1;
	_ =	strace $0x80000049;
	[dreg:$0x1] =	wrdreg $0xFFFFFFFF  }
0xa7: {  	s28 =	simm.s32 $_size_execute0_lowered;
	s3 =	sadd.s32 s3, s5;
	[dreg:$0x0] =	wrdreg $0x0  }
0xa8: {  	s5 =	sshll.u32 s28, $0x1;
	[dreg:$0x2] =	wrdreg s3  }
0xa9: {  	[dreg:$0x3] =	wrdreg s5  }
0xaa: {  	[dreg:$0x4] =	wrdreg $0xC0  }
0xab: {  	_ =	task [dreg:s7], $0x5FFFF  }
0xac: {  	[dreg:$0x1] =	wrdreg $0xFFFFFFFF  }
0xad: {  	[dreg:$0x0] =	wrdreg $0x60  }
0xae: {  	[dreg:$0x2] =	wrdreg s2  }
0xaf: {  	[dreg:$0x3] =	wrdreg s24  }
0xb0: {  	[dreg:$0x4] =	wrdreg $0x9  }
0xb1: {  	_ =	task.clear_ibuf [dreg:s7], $0x5FFFF;
	_ =	strace $0x90000049  }
0xb2: {  	s29 =	simm.s32 $0x9;
	_ =	strace $0x8000004B  }
0xb3: {  	_ =	swait.ge [sflag:s29], $0x1  }
0xb4: {  	[sflag:s29] =	ssyncadd.s32 $0xFFFFFFFF  }
0xb5: {  	_ =	strace $0x9000004B  }
0xb6: {  	_ =	sfence  }
0xb7: {  	s30 =	sld [smem:$0x0];
	_ =	sdelay $0x2  }
0xb8: {  	s31 =	sshll.u32 s1, $0xD;
	s1 =	sshrl.u32 s1, $0x2  }
0xb9: {  	s3 =	sand.u32 $0x4000, s31;
	s1 =	sadd.s32 s1, s30  }
0xba: {  	s0 =	sor.u32 s3, s0;
	s1 =	sshll.u32 s1, $0x11  }
0xbb: {  	s0 =	sor.u32 s1, s0  }
0xbc: {  	s0 =	sadd.s32 $0x8F2B, s0  }
0xbd: {  	[sflag:s0] =	ssyncadd.remote.s32 $0x1  }
0xbe: {  	_ =	sfence.sel $0xFFFF  }
0xbf: {  	[dreg:$0x0] =	wrdreg $0xFFFFFFFF;
	(pc) =	sbr.abs _section_cstart, $3  }
0xc0: {  	[dreg:$0x1] =	wrdreg $0xFFFFFFFF  }
0xc1: {  	_ =	task.clear_ibuf [dreg:s7], $0x2FFFF;
	_ =	strace $0x9FFFFFFF  }
0xc2: {  	(tm) =	ssettm $0x7FFFFFFF  }
0xc3: {  	_ =	shalt  }
tec
execute0_lowered:
.L_overlay_start_1:
0x0: {  	(tag) =	ssettag $0x1  }
0x1: {  	s4 =	rddreg [dreg:$0x0]  }
0x2: {  	s5 =	rddreg [dreg:$0x1]  }
0x3: {  	s0 =	rddreg [dreg:$0x2]  }
0x4: {  	s3 =	srdreg.scid;
	s1 =	stileid.u32;
	s2 =	simm.s32 $0x0  }
0x5: {  	s10 =	simm.s32 $0x3C00;
	s11 =	simm.s32 $0x4400;
	s12 =	simm.s32 $0x4C00  }
0x6: {  	s13 =	simm.s32 $0x5400;
	s14 =	simm.s32 $0x5C00;
	s15 =	simm.s32 $0x6400  }
0x7: {  	s16 =	simm.s32 $0x6C00;
	s17 =	simm.s32 $0x1;
	s18 =	simm.s32 $0x0  }
0x8: {  	s3 =	sand.u32 $0x1, s3;
	s6 =	smul.u32 $0x68000, s1;
	[smem:$0x7FF] =	sst s2  }
0x9: {  	s8 =	sshll.u32 s1, $0x1;
	s7 =	smul.u32 $0x34000, s3;
	_ =	strace $0x8000004A  }
0xa: {  	s29 =	ssub.s32 $0x2, s3;
	s3 =	sor.u32 s3, s8;
	s8 =	simm.s32 $0x80  }
0xb: {  	s30 =	sshrl.u32 s29, $0x1;
	s9 =	smul.u32 $0x680, s3;
	s6 =	sadd.s32 s7, s6  }
0xc: {  	s3 =	sadd.s32 $0xE00, s5;
	s31 =	ssub.s32 s29, s30;
	s6 =	sshrl.u32 s6, $0x3  }
0xd: {  	s7 =	simm.s32 $0x2;
	s4 =	sadd.s32 s4, s9;
	s6 =	sadd.s32 s6, s5  }
0xe: {  	s9 =	simm.s32 $0x3400;
	s5 =	smax.u32 s31, $0x1;
	s6 =	sadd.s32 $0x1E9400, s6  }
.LBB2_1:
0xf: {  	[tilespmem:s2], [sflag:$0x2] =	stream.linear.gather [hbm4b:s4+s2], $0x3400, $0x38;
	[tilespmem:$0x7400] =	vst v63  }
0x10: {  	_ =	swait.ge [sflag:s7], $0x3400  }
0x11: {  	[sflag:s7] =	ssyncset.done $0x0  }
0x12: {  	s19 =	simm.s32 $0x0;
	[sflag:s7] =	ssyncadd.s32 $0xFFFFCC00  }
0x13: {  	[tilespmem:s9], [sflag:$0x1] =	stream.indirect.gather [hbm4b:s3+s8], $0x10, s19, s8, $0xb8;
	[tilespmem:$0x7400] =	vst v63  }
0x14: {  	s24 =	simm.s32 $0x80  }
0x15: {  	[tilespmem:s10], [sflag:$0x1] =	stream.indirect.gather [hbm4b:s3+s8], $0x10, s24, s8, $0xb8;
	[tilespmem:$0x7400] =	vst v63  }
0x16: {  	s25 =	simm.s32 $0x100  }
0x17: {  	[tilespmem:s11], [sflag:$0x1] =	stream.indirect.gather [hbm4b:s3+s8], $0x10, s25, s8, $0xb8;
	[tilespmem:$0x7400] =	vst v63  }
0x18: {  	s26 =	simm.s32 $0x180  }
0x19: {  	[tilespmem:s12], [sflag:$0x1] =	stream.indirect.gather [hbm4b:s3+s8], $0x10, s26, s8, $0xb8;
	[tilespmem:$0x7400] =	vst v63  }
0x1a: {  	s28 =	simm.s32 $0x200  }
0x1b: {  	[tilespmem:s13], [sflag:$0x1] =	stream.indirect.gather [hbm4b:s3+s8], $0x10, s28, s8, $0xb8;
	[tilespmem:$0x7400] =	vst v63  }
0x1c: {  	s29 =	simm.s32 $0x280  }
0x1d: {  	[tilespmem:s14], [sflag:$0x1] =	stream.indirect.gather [hbm4b:s3+s8], $0x10, s29, s8, $0xb8;
	[tilespmem:$0x7400] =	vst v63  }
0x1e: {  	s30 =	simm.s32 $0x300  }
0x1f: {  	[tilespmem:s15], [sflag:$0x1] =	stream.indirect.gather [hbm4b:s3+s8], $0x10, s30, s8, $0xb8;
	[tilespmem:$0x7400] =	vst v63  }
0x20: {  	s31 =	simm.s32 $0x380  }
0x21: {  	[tilespmem:s16], [sflag:$0x1] =	stream.indirect.gather [hbm4b:s3+s8], $0x10, s31, s8, $0xb8;
	[tilespmem:$0x7400] =	vst v63  }
0x22: {  	_ =	swait.ge [sflag:s17], $0x800  }
0x23: {  	[sflag:s17] =	ssyncset.done $0x0  }
0x24: {  	[sflag:s17] =	ssyncadd.s32 $0xFFFFF800  }
0x25: {  	_ =	swait.ge [sflag:s17], $0x800  }
0x26: {  	[sflag:s17] =	ssyncset.done $0x0  }
0x27: {  	[sflag:s17] =	ssyncadd.s32 $0xFFFFF800  }
0x28: {  	_ =	swait.ge [sflag:s17], $0x800  }
0x29: {  	[sflag:s17] =	ssyncset.done $0x0  }
0x2a: {  	[sflag:s17] =	ssyncadd.s32 $0xFFFFF800  }
0x2b: {  	_ =	swait.ge [sflag:s17], $0x800  }
0x2c: {  	[sflag:s17] =	ssyncset.done $0x0  }
0x2d: {  	[sflag:s17] =	ssyncadd.s32 $0xFFFFF800  }
0x2e: {  	_ =	swait.ge [sflag:s17], $0x800  }
0x2f: {  	[sflag:s17] =	ssyncset.done $0x0  }
0x30: {  	[sflag:s17] =	ssyncadd.s32 $0xFFFFF800  }
0x31: {  	_ =	swait.ge [sflag:s17], $0x800  }
0x32: {  	[sflag:s17] =	ssyncset.done $0x0  }
0x33: {  	[sflag:s17] =	ssyncadd.s32 $0xFFFFF800  }
0x34: {  	_ =	swait.ge [sflag:s17], $0x800  }
0x35: {  	[sflag:s17] =	ssyncset.done $0x0  }
0x36: {  	[sflag:s17] =	ssyncadd.s32 $0xFFFFF800  }
0x37: {  	_ =	swait.ge [sflag:s17], $0x800  }
0x38: {  	[sflag:s17] =	ssyncset.done $0x0  }
0x39: {  	[sflag:s17] =	ssyncadd.s32 $0xFFFFF800  }
0x3a: {  	[hbm4b:s6+s2] =	stream.linear.scatter [tilespmem:s9], [sflag:$0x2], $0x4000, $0x38;
	[tilespmem:$0x7400] =	vst v63  }
0x3b: {  	s20 =	simm.s32 $0x1000;
	_ =	swait.ge [sflag:s7], $0x4000  }
0x3c: {  	s22 =	simm.s32 $0x2000;
	s19 =	sadd.s32 $0x800, s6;
	[sflag:s7] =	ssyncset.done $0x0  }
.LBB2_2:
0x3d: {  	s23 =	sshra.s32 s20, $0x2  }
0x3e: {  	[sflag:s7] =	ssyncadd.s32 $0xFFFFC000;
	s20 =	smov.u32 s22;
	s21 =	sadd.s32 $0x1000, s22  }
0x3f: {  	[tilespmem:s9], [sflag:$0x1] =	stream.indirect.gather [hbm4b:s3+s8], $0x10, s23, s8, $0xb8;
	[tilespmem:$0x7400] =	vst v63  }
0x40: {  	p0 =	sne.s32 s22, $0xC000;
	s22 =	sadd.s32 $0x80, s23  }
0x41: {  	[tilespmem:s10], [sflag:$0x1] =	stream.indirect.gather [hbm4b:s3+s8], $0x10, s22, s8, $0xb8;
	[tilespmem:$0x7400] =	vst v63  }
0x42: {  	s22 =	sadd.s32 $0x100, s23  }
0x43: {  	[tilespmem:s11], [sflag:$0x1] =	stream.indirect.gather [hbm4b:s3+s8], $0x10, s22, s8, $0xb8;
	[tilespmem:$0x7400] =	vst v63  }
0x44: {  	s22 =	sadd.s32 $0x180, s23  }
0x45: {  	[tilespmem:s12], [sflag:$0x1] =	stream.indirect.gather [hbm4b:s3+s8], $0x10, s22, s8, $0xb8;
	[tilespmem:$0x7400] =	vst v63  }
0x46: {  	s22 =	sadd.s32 $0x200, s23  }
0x47: {  	[tilespmem:s13], [sflag:$0x1] =	stream.indirect.gather [hbm4b:s3+s8], $0x10, s22, s8, $0xb8;
	[tilespmem:$0x7400] =	vst v63  }
0x48: {  	s22 =	sadd.s32 $0x280, s23  }
0x49: {  	[tilespmem:s14], [sflag:$0x1] =	stream.indirect.gather [hbm4b:s3+s8], $0x10, s22, s8, $0xb8;
	[tilespmem:$0x7400] =	vst v63  }
0x4a: {  	s22 =	sadd.s32 $0x300, s23  }
0x4b: {  	[tilespmem:s15], [sflag:$0x1] =	stream.indirect.gather [hbm4b:s3+s8], $0x10, s22, s8, $0xb8;
	[tilespmem:$0x7400] =	vst v63  }
0x4c: {  	s22 =	sadd.s32 $0x380, s23  }
0x4d: {  	[tilespmem:s16], [sflag:$0x1] =	stream.indirect.gather [hbm4b:s3+s8], $0x10, s22, s8, $0xb8;
	[tilespmem:$0x7400] =	vst v63  }
0x4e: {  	_ =	swait.ge [sflag:s17], $0x800  }
0x4f: {  	[sflag:s17] =	ssyncset.done $0x0  }
0x50: {  	[sflag:s17] =	ssyncadd.s32 $0xFFFFF800  }
0x51: {  	_ =	swait.ge [sflag:s17], $0x800  }
0x52: {  	[sflag:s17] =	ssyncset.done $0x0  }
0x53: {  	[sflag:s17] =	ssyncadd.s32 $0xFFFFF800  }
0x54: {  	_ =	swait.ge [sflag:s17], $0x800  }
0x55: {  	[sflag:s17] =	ssyncset.done $0x0  }
0x56: {  	[sflag:s17] =	ssyncadd.s32 $0xFFFFF800  }
0x57: {  	_ =	swait.ge [sflag:s17], $0x800  }
0x58: {  	[sflag:s17] =	ssyncset.done $0x0  }
0x59: {  	[sflag:s17] =	ssyncadd.s32 $0xFFFFF800  }
0x5a: {  	_ =	swait.ge [sflag:s17], $0x800  }
0x5b: {  	[sflag:s17] =	ssyncset.done $0x0  }
0x5c: {  	[sflag:s17] =	ssyncadd.s32 $0xFFFFF800  }
0x5d: {  	_ =	swait.ge [sflag:s17], $0x800  }
0x5e: {  	[sflag:s17] =	ssyncset.done $0x0  }
0x5f: {  	[sflag:s17] =	ssyncadd.s32 $0xFFFFF800  }
0x60: {  	_ =	swait.ge [sflag:s17], $0x800  }
0x61: {  	[sflag:s17] =	ssyncset.done $0x0  }
0x62: {  	[sflag:s17] =	ssyncadd.s32 $0xFFFFF800  }
0x63: {  	_ =	swait.ge [sflag:s17], $0x800  }
.Ltmp0:
0x64: {  	[sflag:s17] =	ssyncset.done $0x0;
	(pc) =	sbr.rel @p0 .LBB2_2-.Ltmp0, $4  }
0x65: {  	[sflag:s17] =	ssyncadd.s32 $0xFFFFF800  }
0x66: {  	[hbm4b:s19+s2] =	stream.linear.scatter [tilespmem:s9], [sflag:$0x2], $0x4000, $0x38;
	[tilespmem:$0x7400] =	vst v63  }
0x67: {  	_ =	swait.ge [sflag:s7], $0x4000  }
0x68: {  	s22 =	smov.u32 s21;
	s19 =	sadd.s32 $0x800, s19;
	[sflag:s7] =	ssyncset.done $0x0  }
0x69: {  	s20 =	sshra.s32 s20, $0x2;
	[sflag:s7] =	ssyncadd.s32 $0xFFFFC000  }
0x6a: {  	[tilespmem:s9], [sflag:$0x1] =	stream.indirect.gather [hbm4b:s3+s8], $0x10, s20, s8, $0xb8;
	[tilespmem:$0x7400] =	vst v63  }
0x6b: {  	s21 =	sadd.s32 $0x80, s20  }
0x6c: {  	[tilespmem:s10], [sflag:$0x1] =	stream.indirect.gather [hbm4b:s3+s8], $0x10, s21, s8, $0xb8;
	[tilespmem:$0x7400] =	vst v63  }
0x6d: {  	s26 =	sadd.s32 $0x100, s20  }
0x6e: {  	[tilespmem:s11], [sflag:$0x1] =	stream.indirect.gather [hbm4b:s3+s8], $0x10, s26, s8, $0xb8;
	[tilespmem:$0x7400] =	vst v63  }
0x6f: {  	s28 =	sadd.s32 $0x180, s20  }
0x70: {  	[tilespmem:s12], [sflag:$0x1] =	stream.indirect.gather [hbm4b:s3+s8], $0x10, s28, s8, $0xb8;
	[tilespmem:$0x7400] =	vst v63  }
0x71: {  	s29 =	sadd.s32 $0x200, s20  }
0x72: {  	[tilespmem:s13], [sflag:$0x1] =	stream.indirect.gather [hbm4b:s3+s8], $0x10, s29, s8, $0xb8;
	[tilespmem:$0x7400] =	vst v63  }
0x73: {  	s30 =	sadd.s32 $0x280, s20  }
0x74: {  	[tilespmem:s14], [sflag:$0x1] =	stream.indirect.gather [hbm4b:s3+s8], $0x10, s30, s8, $0xb8;
	[tilespmem:$0x7400] =	vst v63  }
0x75: {  	s31 =	sadd.s32 $0x300, s20  }
0x76: {  	[tilespmem:s15], [sflag:$0x1] =	stream.indirect.gather [hbm4b:s3+s8], $0x10, s31, s8, $0xb8;
	[tilespmem:$0x7400] =	vst v63  }
0x77: {  	s20 =	sadd.s32 $0x380, s20  }
0x78: {  	[tilespmem:s16], [sflag:$0x1] =	stream.indirect.gather [hbm4b:s3+s8], $0x10, s20, s8, $0xb8;
	[tilespmem:$0x7400] =	vst v63  }
0x79: {  	_ =	swait.ge [sflag:s17], $0x800  }
0x7a: {  	[sflag:s17] =	ssyncset.done $0x0  }
0x7b: {  	[sflag:s17] =	ssyncadd.s32 $0xFFFFF800  }
0x7c: {  	_ =	swait.ge [sflag:s17], $0x800  }
0x7d: {  	[sflag:s17] =	ssyncset.done $0x0  }
0x7e: {  	[sflag:s17] =	ssyncadd.s32 $0xFFFFF800  }
0x7f: {  	_ =	swait.ge [sflag:s17], $0x800  }
0x80: {  	[sflag:s17] =	ssyncset.done $0x0  }
0x81: {  	[sflag:s17] =	ssyncadd.s32 $0xFFFFF800  }
0x82: {  	_ =	swait.ge [sflag:s17], $0x800  }
0x83: {  	[sflag:s17] =	ssyncset.done $0x0  }
0x84: {  	[sflag:s17] =	ssyncadd.s32 $0xFFFFF800  }
0x85: {  	_ =	swait.ge [sflag:s17], $0x800  }
0x86: {  	[sflag:s17] =	ssyncset.done $0x0  }
0x87: {  	[sflag:s17] =	ssyncadd.s32 $0xFFFFF800  }
0x88: {  	_ =	swait.ge [sflag:s17], $0x800  }
0x89: {  	[sflag:s17] =	ssyncset.done $0x0  }
0x8a: {  	[sflag:s17] =	ssyncadd.s32 $0xFFFFF800  }
0x8b: {  	_ =	swait.ge [sflag:s17], $0x800  }
0x8c: {  	[sflag:s17] =	ssyncset.done $0x0  }
0x8d: {  	[sflag:s17] =	ssyncadd.s32 $0xFFFFF800  }
0x8e: {  	s18 =	sadd.s32 $0x1, s18;
	_ =	swait.ge [sflag:s17], $0x800  }
0x8f: {  	p0 =	sne.s32 s18, s5;
	[sflag:s17] =	ssyncset.done $0x0  }
.Ltmp1:
0x90: {  	[sflag:s17] =	ssyncadd.s32 $0xFFFFF800;
	(pc) =	sbr.rel @p0 .LBB2_1-.Ltmp1, $4  }
0x91: {  	[hbm4b:s19+s2] =	stream.linear.scatter [tilespmem:s9], [sflag:$0x2], $0x4000, $0x38;
	[tilespmem:$0x7400] =	vst v63  }
0x92: {  	_ =	swait.ge [sflag:s7], $0x4000  }
0x93: {  	[sflag:s7] =	ssyncset.done $0x0  }
0x94: {  	[sflag:s7] =	ssyncadd.s32 $0xFFFFC000  }
0x95: {  	_ =	sfence.sel $0x180000  }
0x96: {  	[bflag:$0x0] =	sbarrier.arrive $0xFFFF  }
0x97: {  	p0 =	sne.s32 s1, $0x0;
	_ =	strace $0x9000004A  }
0x98: {  	s0 =	sadd.s32 @!p0 $0x100000, s0;
	[bflag:$0x2] =	sbarrier.arrive $0xFFFF  }
0x99: {  	[sflag:s0] =	ssyncadd.tile.s32 @!p0 $0x1;
	_ =	shalt  }
.Lfunc_end2:
_tile_overlayer_lowered:
.L_overlay_start_2:
0x9a: {  	(tag) =	ssettag $0x2  }
0x9b: {  	s0 =	rddreg [dreg:$0x0];
	s2 =	stileid.u32  }
0x9c: {  	s1 =	rddreg [dreg:$0x1];
	p0 =	sne.s32 s2, $0x0  }
0x9d: {  	s3 =	rddreg [dreg:$0x2];
	[bflag:$0x3] =	sbarrier.arrive $0xFFFF;
	s2 =	simm.s32 @!p0 $0x1C02  }
0x9e: {  	[timem:s3], [sflag:s2] =	dma.local @!p0 [hbm:s0], s1  }
0x9f: {  	s0 =	simm.s32 @!p0 $0x2  }
0xa0: {  	_ =	swait.ge @!p0 [sflag:s0], s1  }
0xa1: {  	s1 =	ssub.s32 @!p0 $0x0, s1;
	[sflag:s0] =	ssyncset.done @!p0 $0x0  }
0xa2: {  	[sflag:s0] =	ssyncadd.s32 @!p0 s1  }
0xa3: {  	[bflag:$0x3] =	sbarrier.arrive $0xFFFF  }
0xa4: {  	_ =	shalt  }

</sc_bundles>
